<compile_context>
chip_gen: v7x
topology: tpu7x:2x2x1
jax: 0.10.2.dev20260603
libtpu: 0.0.44.dev20260713+nightly
codegen_flags: <defaults>
</compile_context>

<pallas_src>
import functools

import jax
import jax.numpy as jnp
from jax import lax
from jax.experimental import pallas as pl
from jax.experimental.pallas import tpu as pltpu
from jax.experimental.pallas import tpu_sc as plsc

I_T = 10000
J_W = 1000
K_C = 32
N_L = 10000

NC = 2
NS = 16

HALF = I_T // NC
IC_PAD = 5120
LBL_OWN = N_L // NS
LBL_W = 640
CH = 64
NCH = LBL_W // CH
ROWS = 320
ZW = K_C * IC_PAD // NS
LN2 = 0.6931471805599453


def _ad_body(s_ref, a_ref, d_ref):
    s = s_ref[...]
    sig = jax.nn.sigmoid(s)
    noi = jax.nn.sigmoid(-s)
    tot = sig + noi
    a = jnp.log(noi / (K_C * tot))
    b = jnp.log((sig + noi / K_C) / tot)
    a_ref[...] = a
    d_ref[...] = b - a


def _log_f32(x):
    bits = plsc.bitcast(x, jnp.int32)
    e = (bits >> 23) - 127
    m = plsc.bitcast((bits & 0x7FFFFF) | 0x3F800000, jnp.float32)
    s = (m - 1.0) / (m + 1.0)
    s2 = s * s
    p = 1.0 + s2 * (0.3333333333 + s2 * (0.2 + s2 * (0.14285714 + s2 * 0.11111111)))
    return e.astype(jnp.float32) * LN2 + 2.0 * s * p


def _vq_body(ii_hbm, jj_hbm, y_hbm, a_hbm, d_hbm, zer_hbm,
             qz_out, vq_out,
             ii_v, jj_v, y_v, a_v, d_v, idx_b, val_b, iib_b, av_b,
             colb, qzb, bb, vqb,
             scat_sh, base_sh, sem, ssem):
    c = lax.axis_index("c")
    s = lax.axis_index("s")
    own_lo = s * LBL_OWN
    l0 = jnp.minimum(own_lo & ~7, N_L - LBL_W)
    l0 = pl.multiple_of(l0, 8)
    c_lo = c * HALF

    cps = [
        pltpu.async_copy(ii_hbm.at[pl.ds(l0, LBL_W)], ii_v, sem),
        pltpu.async_copy(jj_hbm.at[pl.ds(l0, LBL_W)], jj_v, sem),
        pltpu.async_copy(y_hbm.at[pl.ds(l0, LBL_W)], y_v, sem),
        pltpu.async_copy(a_hbm, a_v, sem),
        pltpu.async_copy(d_hbm, d_v, sem),
        pltpu.async_copy(zer_hbm, scat_sh.at[pl.ds(s * ZW, ZW)], sem),
        pltpu.async_copy(zer_hbm.at[pl.ds(0, 640)],
                         base_sh.at[pl.ds((s % 8) * 640, 640)], sem),
    ]
    for cp in cps:
        cp.wait()
    plsc.subcore_barrier()

    zero = jnp.zeros((16,), jnp.float32)
    scatter_cps = []
    for chunk in range(NCH):
        for v in range(CH // 16):
            off = chunk * CH + v * 16
            iiv = ii_v[pl.ds(off, 16)]
            jjv = jj_v[pl.ds(off, 16)]
            yv = y_v[pl.ds(off, 16)]
            av = plsc.load_gather(a_v, [jjv])
            dv = plsc.load_gather(d_v, [jjv])
            g = l0 + off + lax.iota(jnp.int32, 16)
            col = iiv - c_lo
            ok = (g >= own_lo) & (g < own_lo + LBL_OWN) \
                & (col >= 0) & (col < HALF)
            colc = jnp.where(ok, col, 0)
            neg1 = jnp.full((16,), -1, jnp.int32)
            idx_b[chunk, pl.ds(v * 16, 16)] = jnp.where(
                ok, yv * IC_PAD + colc, neg1)
            val_b[chunk, pl.ds(v * 16, 16)] = jnp.where(ok, dv, zero)
            iib_b[chunk, pl.ds(v * 16, 16)] = jnp.where(ok, colc, neg1)
            av_b[chunk, pl.ds(v * 16, 16)] = jnp.where(ok, av, zero)
        scatter_cps.append(
            pltpu.async_copy(
                val_b.at[chunk],
                scat_sh.at[plsc.Indices(idx_b.at[chunk], ignored_value=-1)],
                ssem, add=True))
        scatter_cps.append(
            pltpu.async_copy(
                av_b.at[chunk],
                base_sh.at[plsc.Indices(iib_b.at[chunk], ignored_value=-1)],
                ssem, add=True))
    for cp in scatter_cps:
        cp.wait()
    plsc.subcore_barrier()

    r0l = jnp.minimum(s * 313, HALF - ROWS) & ~7
    r0l = pl.multiple_of(r0l, 8)
    col_cps = [
        pltpu.async_copy(scat_sh.at[pl.ds(k * IC_PAD + r0l, ROWS)],
                         colb.at[pl.ds(k * ROWS, ROWS)], sem)
        for k in range(K_C)
    ]
    col_cps.append(pltpu.async_copy(base_sh.at[pl.ds(r0l, ROWS)], bb, sem))
    for cp in col_cps:
        cp.wait()

    def _tree(xs, op):
        while len(xs) > 1:
            xs = [op(xs[i], xs[i + 1]) for i in range(0, len(xs) - 1, 2)] + (
                [xs[-1]] if len(xs) % 2 else [])
        return xs[0]

    def group(g, carry):
        vs = [colb[pl.ds(k * ROWS + g * 16, 16)] for k in range(K_C)]
        m = _tree(vs, jnp.maximum)
        es = [jnp.exp(v - m) for v in vs]
        z = _tree(es, lambda a, b: a + b)
        r = 1.0 / z
        rows = g * 16 + lax.iota(jnp.int32, 16)
        for k in range(K_C):
            plsc.store_scatter(qzb, [rows, jnp.full((16,), k, jnp.int32)],
                               es[k] * r)
        vqb[pl.ds(g * 16, 16)] = bb[pl.ds(g * 16, 16)] + m + _log_f32(z)
        return carry

    lax.fori_loop(0, ROWS // 16, group, 0)

    g0 = pl.multiple_of(c_lo + r0l, 8)
    pltpu.sync_copy(qzb, qz_out.at[pl.ds(g0, ROWS), :])
    pltpu.sync_copy(vqb, vq_out.at[pl.ds(g0, ROWS)])


_vq_kernel = functools.partial(
    pl.kernel,
    mesh=plsc.VectorSubcoreMesh(core_axis_name="c", subcore_axis_name="s"),
    compiler_params=pltpu.CompilerParams(needs_layout_passes=False),
    out_type=[
        jax.ShapeDtypeStruct((I_T, K_C), jnp.float32),
        jax.ShapeDtypeStruct((I_T,), jnp.float32),
    ],
    scratch_types=[
        pltpu.VMEM((LBL_W,), jnp.int32),
        pltpu.VMEM((LBL_W,), jnp.int32),
        pltpu.VMEM((LBL_W,), jnp.int32),
        pltpu.VMEM((J_W,), jnp.float32),
        pltpu.VMEM((J_W,), jnp.float32),
        pltpu.VMEM((NCH, CH), jnp.int32),
        pltpu.VMEM((NCH, CH), jnp.float32),
        pltpu.VMEM((NCH, CH), jnp.int32),
        pltpu.VMEM((NCH, CH), jnp.float32),
        pltpu.VMEM((K_C * ROWS,), jnp.float32),
        pltpu.VMEM((ROWS, K_C), jnp.float32),
        pltpu.VMEM((ROWS,), jnp.float32),
        pltpu.VMEM((ROWS,), jnp.float32),
        pltpu.VMEM_SHARED((K_C * IC_PAD,), jnp.float32),
        pltpu.VMEM_SHARED((IC_PAD,), jnp.float32),
        pltpu.SemaphoreType.DMA,
        pltpu.SemaphoreType.DMA,
    ],
)(_vq_body)


def kernel(ii, jj, y, snr_logit):
    ii = ii.astype(jnp.int32)
    jj = jj.astype(jnp.int32)
    y = y.astype(jnp.int32)

    a_p, d_p = pl.pallas_call(
        _ad_body,
        out_shape=[jax.ShapeDtypeStruct((J_W,), jnp.float32)] * 2,
    )(snr_logit)

    zer = jnp.zeros((ZW,), jnp.float32)
    qz, vq = _vq_kernel(ii, jj, y, a_p, d_p, zer)
    return qz, vq

# --- scband reference (transcript-rebuilt; emitter-appended) ---
"""Pipeline reference for scband-vq-net-70025146794193 (READ-ONLY COPY).

The authoritative reference and input builder live on the scoring server;
editing this copy changes nothing except your own understanding.
"""

import jax, jax.numpy as jnp
import numpy as np

I_TASKS = 10000
J_WORKERS = 1000
K_CLASSES = 32
N_LABELS = 10000


def setup_inputs(seed: int = 0) -> dict:
    key = jax.random.key(seed)
    k1, k2, k3, k4 = jax.random.split(key, 4)
    ii = jnp.sort(jax.random.randint(k1, (N_LABELS,), 0, I_TASKS)).astype(jnp.int64) if jax.config.jax_enable_x64 else jnp.sort(jax.random.randint(k1, (N_LABELS,), 0, I_TASKS))
    jj = jax.random.randint(k2, (N_LABELS,), 0, J_WORKERS)
    y = jax.random.randint(k3, (N_LABELS,), 0, K_CLASSES)
    snr_logit = jax.random.uniform(k4, (J_WORKERS,), minval=-0.07, maxval=0.07, dtype=jnp.float32)
    return {"ii": ii, "jj": jj, "y": y, "snr_logit": snr_logit}


def reference(ii, jj, y, snr_logit):
    K = K_CLASSES
    signal_const = jnp.eye(K, dtype=jnp.float32)[None]  # (1, K, K)
    noise_const = (jnp.ones((K, K), dtype=jnp.float32) / K)[None]  # (1, K, K)
    sig = jax.nn.sigmoid(snr_logit).reshape(-1, 1, 1)
    noi = jax.nn.sigmoid(-snr_logit).reshape(-1, 1, 1)
    theta = (sig * signal_const + noi * noise_const) / 2.0  # (J, K, K)
    log_theta = jnp.log(theta / jnp.sum(theta, axis=-1, keepdims=True))
    lt = jnp.swapaxes(log_theta, -2, -1)  # (J, K, K)
    gathered = lt[jj, y]  # (N, K) -- gather rows per (worker, observed label)
    # F.one_hot(ii, I).float().T @ gathered == segment_sum over task ids (identical math)
    complete_log_lik = jax.ops.segment_sum(gathered, ii, num_segments=I_TASKS)  # (I, K)
    qz = jax.lax.stop_gradient(jax.nn.softmax(complete_log_lik, axis=-1))
    Vq = jnp.sum(qz * complete_log_lik, axis=-1) - jnp.sum(qz * jnp.log(qz), axis=-1)
    return (qz, Vq)

if __name__ == "__main__":
    import jax
    _d = setup_inputs()
    print(jax.jit(kernel)(*tuple(_d.values())))

</pallas_src>

<mosaic_0001>
#map = affine_map<(d0, d1) -> (0)>
#map1 = affine_map<(d0, d1) -> (0, 0)>
module attributes {stable_mosaic.version = 14 : i64} {
  func.func @_vq_body(%arg0: i32, %arg1: i32, %arg2: memref<10000xi32, #tpu.memory_space<hbm>>, %arg3: memref<10000xi32, #tpu.memory_space<hbm>>, %arg4: memref<10000xi32, #tpu.memory_space<hbm>>, %arg5: memref<1000xf32, #tpu.memory_space<hbm>>, %arg6: memref<1000xf32, #tpu.memory_space<hbm>>, %arg7: memref<10240xf32, #tpu.memory_space<hbm>>, %arg8: memref<10000x32xf32, #tpu.memory_space<hbm>>, %arg9: memref<10000xf32, #tpu.memory_space<hbm>>, %arg10: memref<640xi32, #tpu.memory_space<vmem>>, %arg11: memref<640xi32, #tpu.memory_space<vmem>>, %arg12: memref<640xi32, #tpu.memory_space<vmem>>, %arg13: memref<1000xf32, #tpu.memory_space<vmem>>, %arg14: memref<1000xf32, #tpu.memory_space<vmem>>, %arg15: memref<10x64xi32, #tpu.memory_space<vmem>>, %arg16: memref<10x64xf32, #tpu.memory_space<vmem>>, %arg17: memref<10x64xi32, #tpu.memory_space<vmem>>, %arg18: memref<10x64xf32, #tpu.memory_space<vmem>>, %arg19: memref<10240xf32, #tpu.memory_space<vmem>>, %arg20: memref<320x32xf32, #tpu.memory_space<vmem>>, %arg21: memref<320xf32, #tpu.memory_space<vmem>>, %arg22: memref<320xf32, #tpu.memory_space<vmem>>, %arg23: memref<163840xf32, #tpu.memory_space<vmem_shared>>, %arg24: memref<5120xf32, #tpu.memory_space<vmem_shared>>, %arg25: memref<!tpu.dma_semaphore, #tpu.memory_space<semaphore_mem>>, %arg26: memref<!tpu.dma_semaphore, #tpu.memory_space<semaphore_mem>>) attributes {dimension_semantics = [#tpu.dimension_semantics<core_parallel>, #tpu.dimension_semantics<subcore_parallel>], iteration_bounds = array<i64: 2, 16>, scalar_prefetch = 0 : i64, scratch_operands = 17 : i64, tpu.core_type = #tpu.core_type<sc_vector_subcore>, window_params = [{transform_indices = #map}, {transform_indices = #map}, {transform_indices = #map}, {transform_indices = #map}, {transform_indices = #map}, {transform_indices = #map}, {transform_indices = #map1}, {transform_indices = #map}]} {
    %mul3A = arith.constant 625 : i32
    %mul3A_0 = arith.muli %arg1, %mul3A : i32
    %and3A = arith.constant -8 : i32
    %and3A_1 = arith.andi %mul3A_0, %and3A : i32
    %min3A = arith.constant 9360 : i32
    %min3A_2 = arith.minsi %and3A_1, %min3A : i32
    %multiple_of3A = tpu.assume_multiple %min3A_2, 8 : i32
    %mul3A_3 = arith.constant 5000 : i32
    %mul3A_4 = arith.muli %arg0, %mul3A_3 : i32
    %dma_start3A = tpu.memref_slice %arg2[%multiple_of3A] : memref<10000xi32, #tpu.memory_space<hbm>> -> memref<640xi32, #tpu.memory_space<hbm>>
    %dma_start3A_5 = tpu.memref_slice %arg2[%multiple_of3A] : memref<10000xi32, #tpu.memory_space<hbm>> -> memref<640xi32, #tpu.memory_space<hbm>>
    tpu.enqueue_dma source(%dma_start3A_5 : memref<640xi32, #tpu.memory_space<hbm>>) target(%arg10 : memref<640xi32, #tpu.memory_space<vmem>>) target_semaphore(%arg25 : memref<!tpu.dma_semaphore, #tpu.memory_space<semaphore_mem>>)
    %dma_start3A_6 = tpu.memref_slice %arg3[%multiple_of3A] : memref<10000xi32, #tpu.memory_space<hbm>> -> memref<640xi32, #tpu.memory_space<hbm>>
    %dma_start3A_7 = tpu.memref_slice %arg3[%multiple_of3A] : memref<10000xi32, #tpu.memory_space<hbm>> -> memref<640xi32, #tpu.memory_space<hbm>>
    tpu.enqueue_dma source(%dma_start3A_7 : memref<640xi32, #tpu.memory_space<hbm>>) target(%arg11 : memref<640xi32, #tpu.memory_space<vmem>>) target_semaphore(%arg25 : memref<!tpu.dma_semaphore, #tpu.memory_space<semaphore_mem>>)
    %dma_start3A_8 = tpu.memref_slice %arg4[%multiple_of3A] : memref<10000xi32, #tpu.memory_space<hbm>> -> memref<640xi32, #tpu.memory_space<hbm>>
    %dma_start3A_9 = tpu.memref_slice %arg4[%multiple_of3A] : memref<10000xi32, #tpu.memory_space<hbm>> -> memref<640xi32, #tpu.memory_space<hbm>>
    tpu.enqueue_dma source(%dma_start3A_9 : memref<640xi32, #tpu.memory_space<hbm>>) target(%arg12 : memref<640xi32, #tpu.memory_space<vmem>>) target_semaphore(%arg25 : memref<!tpu.dma_semaphore, #tpu.memory_space<semaphore_mem>>)
    tpu.enqueue_dma source(%arg5 : memref<1000xf32, #tpu.memory_space<hbm>>) target(%arg13 : memref<1000xf32, #tpu.memory_space<vmem>>) target_semaphore(%arg25 : memref<!tpu.dma_semaphore, #tpu.memory_space<semaphore_mem>>)
    tpu.enqueue_dma source(%arg6 : memref<1000xf32, #tpu.memory_space<hbm>>) target(%arg14 : memref<1000xf32, #tpu.memory_space<vmem>>) target_semaphore(%arg25 : memref<!tpu.dma_semaphore, #tpu.memory_space<semaphore_mem>>)
    %mul3A_10 = arith.constant 10240 : i32
    %mul3A_11 = arith.muli %arg1, %mul3A_10 : i32
    %dma_start3A_12 = tpu.memref_slice %arg23[%mul3A_11] : memref<163840xf32, #tpu.memory_space<vmem_shared>> -> memref<10240xf32, #tpu.memory_space<vmem_shared>>
    tpu.enqueue_dma source(%arg7 : memref<10240xf32, #tpu.memory_space<hbm>>) target(%dma_start3A_12 : memref<10240xf32, #tpu.memory_space<vmem_shared>>) target_semaphore(%arg25 : memref<!tpu.dma_semaphore, #tpu.memory_space<semaphore_mem>>)
    %jit3A = arith.constant 8 : i32
    %eq3A = arith.constant 0 : i32
    %eq3A_13 = arith.cmpi eq, %jit3A, %eq3A : i32
    %jit3A_14 = arith.constant 1 : i32
    %select_n3A = arith.select %eq3A_13, %jit3A_14, %jit3A : i32
    %rem3A = arith.remsi %arg1, %select_n3A : i32
    %ne3A = arith.constant 0 : i32
    %ne3A_15 = arith.cmpi ne, %rem3A, %ne3A : i32
    %lt3A = arith.constant 0 : i32
    %lt3A_16 = arith.cmpi slt, %rem3A, %lt3A : i32
    %lt3A_17 = arith.constant 0 : i32
    %lt3A_18 = arith.cmpi slt, %select_n3A, %lt3A_17 : i32
    %ne3A_19 = arith.xori %lt3A_16, %lt3A_18 : i1
    %and3A_20 = arith.andi %ne3A_19, %ne3A_15 : i1
    %add3A = arith.addi %rem3A, %select_n3A : i32
    %select_n3A_21 = arith.select %and3A_20, %add3A, %rem3A : i32
    %mul3A_22 = arith.constant 640 : i32
    %mul3A_23 = arith.muli %select_n3A_21, %mul3A_22 : i32
    %dma_start3A_24 = tpu.memref_slice %arg24[%mul3A_23] : memref<5120xf32, #tpu.memory_space<vmem_shared>> -> memref<640xf32, #tpu.memory_space<vmem_shared>>
    %dma_start3A_25 = arith.constant 0 : i32
    %dma_start3A_26 = tpu.memref_slice %arg7[%dma_start3A_25] : memref<10240xf32, #tpu.memory_space<hbm>> -> memref<640xf32, #tpu.memory_space<hbm>>
    tpu.enqueue_dma source(%dma_start3A_26 : memref<640xf32, #tpu.memory_space<hbm>>) target(%dma_start3A_24 : memref<640xf32, #tpu.memory_space<vmem_shared>>) target_semaphore(%arg25 : memref<!tpu.dma_semaphore, #tpu.memory_space<semaphore_mem>>)
    %dma_wait3A = tpu.memref_slice %arg2[%multiple_of3A] : memref<10000xi32, #tpu.memory_space<hbm>> -> memref<640xi32, #tpu.memory_space<hbm>>
    %dma_wait3A_27 = tpu.memref_slice %arg2[%multiple_of3A] : memref<10000xi32, #tpu.memory_space<hbm>> -> memref<640xi32, #tpu.memory_space<hbm>>
    tpu.wait_dma2 semaphore(%arg25 : memref<!tpu.dma_semaphore, #tpu.memory_space<semaphore_mem>>) src(%dma_wait3A_27 : memref<640xi32, #tpu.memory_space<hbm>>) dst(%arg10 : memref<640xi32, #tpu.memory_space<vmem>>)
    %dma_wait3A_28 = tpu.memref_slice %arg3[%multiple_of3A] : memref<10000xi32, #tpu.memory_space<hbm>> -> memref<640xi32, #tpu.memory_space<hbm>>
    %dma_wait3A_29 = tpu.memref_slice %arg3[%multiple_of3A] : memref<10000xi32, #tpu.memory_space<hbm>> -> memref<640xi32, #tpu.memory_space<hbm>>
    tpu.wait_dma2 semaphore(%arg25 : memref<!tpu.dma_semaphore, #tpu.memory_space<semaphore_mem>>) src(%dma_wait3A_29 : memref<640xi32, #tpu.memory_space<hbm>>) dst(%arg11 : memref<640xi32, #tpu.memory_space<vmem>>)
    %dma_wait3A_30 = tpu.memref_slice %arg4[%multiple_of3A] : memref<10000xi32, #tpu.memory_space<hbm>> -> memref<640xi32, #tpu.memory_space<hbm>>
    %dma_wait3A_31 = tpu.memref_slice %arg4[%multiple_of3A] : memref<10000xi32, #tpu.memory_space<hbm>> -> memref<640xi32, #tpu.memory_space<hbm>>
    tpu.wait_dma2 semaphore(%arg25 : memref<!tpu.dma_semaphore, #tpu.memory_space<semaphore_mem>>) src(%dma_wait3A_31 : memref<640xi32, #tpu.memory_space<hbm>>) dst(%arg12 : memref<640xi32, #tpu.memory_space<vmem>>)
    tpu.wait_dma2 semaphore(%arg25 : memref<!tpu.dma_semaphore, #tpu.memory_space<semaphore_mem>>) src(%arg5 : memref<1000xf32, #tpu.memory_space<hbm>>) dst(%arg13 : memref<1000xf32, #tpu.memory_space<vmem>>)
    tpu.wait_dma2 semaphore(%arg25 : memref<!tpu.dma_semaphore, #tpu.memory_space<semaphore_mem>>) src(%arg6 : memref<1000xf32, #tpu.memory_space<hbm>>) dst(%arg14 : memref<1000xf32, #tpu.memory_space<vmem>>)
    %dma_wait3A_32 = tpu.memref_slice %arg23[%mul3A_11] : memref<163840xf32, #tpu.memory_space<vmem_shared>> -> memref<10240xf32, #tpu.memory_space<vmem_shared>>
    tpu.wait_dma2 semaphore(%arg25 : memref<!tpu.dma_semaphore, #tpu.memory_space<semaphore_mem>>) src(%arg7 : memref<10240xf32, #tpu.memory_space<hbm>>) dst(%dma_wait3A_32 : memref<10240xf32, #tpu.memory_space<vmem_shared>>)
    %dma_wait3A_33 = tpu.memref_slice %arg24[%mul3A_23] : memref<5120xf32, #tpu.memory_space<vmem_shared>> -> memref<640xf32, #tpu.memory_space<vmem_shared>>
    %dma_wait3A_34 = arith.constant 0 : i32
    %dma_wait3A_35 = tpu.memref_slice %arg7[%dma_wait3A_34] : memref<10240xf32, #tpu.memory_space<hbm>> -> memref<640xf32, #tpu.memory_space<hbm>>
    tpu.wait_dma2 semaphore(%arg25 : memref<!tpu.dma_semaphore, #tpu.memory_space<semaphore_mem>>) src(%dma_wait3A_35 : memref<640xf32, #tpu.memory_space<hbm>>) dst(%dma_wait3A_33 : memref<640xf32, #tpu.memory_space<vmem_shared>>)
    %barrier3A = arith.constant 0 : index
    tpu.barrier barrier_id(%barrier3A)
    %broadcast_in_dim3A = arith.constant 0.000000e+00 : f32
    %broadcast_in_dim3A_36 = vector.broadcast %broadcast_in_dim3A : f32 to vector<16xf32>
    %get3A = arith.constant 0 : index
    %get3A_37 = tpu.vector_load %arg10[%get3A] {strides = array<i32>} : memref<640xi32, #tpu.memory_space<vmem>>, vector<16xi32>,
    %get3A_38 = arith.constant 0 : index
    %get3A_39 = tpu.vector_load %arg11[%get3A_38] {strides = array<i32>} : memref<640xi32, #tpu.memory_space<vmem>>, vector<16xi32>,
    %get3A_40 = arith.constant 0 : index
    %get3A_41 = tpu.vector_load %arg12[%get3A_40] {strides = array<i32>} : memref<640xi32, #tpu.memory_space<vmem>>, vector<16xi32>,
    %gather3A = tpu.vector_load_idx %arg13[%get3A_39] : memref<1000xf32, #tpu.memory_space<vmem>>[vector<16xi32>], vector<16xf32>,
    %gather3A_42 = tpu.vector_load_idx %arg14[%get3A_39] : memref<1000xf32, #tpu.memory_space<vmem>>[vector<16xi32>], vector<16xf32>,
    %add3A_43 = arith.constant 0 : i32
    %add3A_44 = arith.addi %multiple_of3A, %add3A_43 : i32
    %iota3A = tpu.iota {dimensions = array<i32: 0>} : vector<16xi32>
    %add3A_45 = vector.broadcast %add3A_44 : i32 to vector<16xi32>
    %add3A_46 = arith.addi %add3A_45, %iota3A : vector<16xi32>
    %sub3A = vector.broadcast %mul3A_4 : i32 to vector<16xi32>
    %sub3A_47 = arith.subi %get3A_37, %sub3A : vector<16xi32>
    %ge3A = vector.broadcast %mul3A_0 : i32 to vector<16xi32>
    %ge3A_48 = arith.cmpi sge, %add3A_46, %ge3A : vector<16xi32>
    %add3A_49 = arith.constant 625 : i32
    %add3A_50 = arith.addi %mul3A_0, %add3A_49 : i32
    %lt3A_51 = vector.broadcast %add3A_50 : i32 to vector<16xi32>
    %lt3A_52 = arith.cmpi slt, %add3A_46, %lt3A_51 : vector<16xi32>
    %and3A_53 = arith.andi %ge3A_48, %lt3A_52 : vector<16xi1>
    %ge3A_54 = arith.constant 0 : i32
    %ge3A_55 = vector.broadcast %ge3A_54 : i32 to vector<16xi32>
    %ge3A_56 = arith.cmpi sge, %sub3A_47, %ge3A_55 : vector<16xi32>
    %and3A_57 = arith.andi %and3A_53, %ge3A_56 : vector<16xi1>
    %lt3A_58 = arith.constant 5000 : i32
    %lt3A_59 = vector.broadcast %lt3A_58 : i32 to vector<16xi32>
    %lt3A_60 = arith.cmpi slt, %sub3A_47, %lt3A_59 : vector<16xi32>
    %and3A_61 = arith.andi %and3A_57, %lt3A_60 : vector<16xi1>
    %jit3A_62 = arith.constant 0 : i32
    %broadcast_in_dim3A_63 = vector.broadcast %jit3A_62 : i32 to vector<16xi32>
    %select_n3A_64 = arith.select %and3A_61, %sub3A_47, %broadcast_in_dim3A_63 : vector<16xi1>, vector<16xi32>
    %broadcast_in_dim3A_65 = arith.constant -1 : i32
    %broadcast_in_dim3A_66 = vector.broadcast %broadcast_in_dim3A_65 : i32 to vector<16xi32>
    %mul3A_67 = arith.constant 5120 : i32
    %mul3A_68 = vector.broadcast %mul3A_67 : i32 to vector<16xi32>
    %mul3A_69 = arith.muli %get3A_41, %mul3A_68 : vector<16xi32>
    %add3A_70 = arith.addi %mul3A_69, %select_n3A_64 : vector<16xi32>
    %select_n3A_71 = arith.select %and3A_61, %add3A_70, %broadcast_in_dim3A_66 : vector<16xi1>, vector<16xi32>
    %swap3A = arith.constant 0 : i32
    %swap3A_72 = arith.index_cast %swap3A : i32 to index
    %swap3A_73 = arith.constant 0 : index
    %swap3A_74 = tpu.vector_load %arg15[%swap3A_72, %swap3A_73] {strides = array<i32>} : memref<10x64xi32, #tpu.memory_space<vmem>>, vector<16xi32>,
    tpu.vector_store %arg15[%swap3A_72, %swap3A_73], %select_n3A_71 {strides = array<i32>} : memref<10x64xi32, #tpu.memory_space<vmem>>, vector<16xi32>,
    %select_n3A_75 = arith.select %and3A_61, %gather3A_42, %broadcast_in_dim3A_36 : vector<16xi1>, vector<16xf32>
    %swap3A_76 = arith.constant 0 : i32
    %swap3A_77 = arith.index_cast %swap3A_76 : i32 to index
    %swap3A_78 = arith.constant 0 : index
    %swap3A_79 = tpu.vector_load %arg16[%swap3A_77, %swap3A_78] {strides = array<i32>} : memref<10x64xf32, #tpu.memory_space<vmem>>, vector<16xf32>,
    tpu.vector_store %arg16[%swap3A_77, %swap3A_78], %select_n3A_75 {strides = array<i32>} : memref<10x64xf32, #tpu.memory_space<vmem>>, vector<16xf32>,
    %select_n3A_80 = arith.select %and3A_61, %select_n3A_64, %broadcast_in_dim3A_66 : vector<16xi1>, vector<16xi32>
    %swap3A_81 = arith.constant 0 : i32
    %swap3A_82 = arith.index_cast %swap3A_81 : i32 to index
    %swap3A_83 = arith.constant 0 : index
    %swap3A_84 = tpu.vector_load %arg17[%swap3A_82, %swap3A_83] {strides = array<i32>} : memref<10x64xi32, #tpu.memory_space<vmem>>, vector<16xi32>,
    tpu.vector_store %arg17[%swap3A_82, %swap3A_83], %select_n3A_80 {strides = array<i32>} : memref<10x64xi32, #tpu.memory_space<vmem>>, vector<16xi32>,
    %select_n3A_85 = arith.select %and3A_61, %gather3A, %broadcast_in_dim3A_36 : vector<16xi1>, vector<16xf32>
    %swap3A_86 = arith.constant 0 : i32
    %swap3A_87 = arith.index_cast %swap3A_86 : i32 to index
    %swap3A_88 = arith.constant 0 : index
    %swap3A_89 = tpu.vector_load %arg18[%swap3A_87, %swap3A_88] {strides = array<i32>} : memref<10x64xf32, #tpu.memory_space<vmem>>, vector<16xf32>,
    tpu.vector_store %arg18[%swap3A_87, %swap3A_88], %select_n3A_85 {strides = array<i32>} : memref<10x64xf32, #tpu.memory_space<vmem>>, vector<16xf32>,
    %get3A_90 = arith.constant 16 : index
    %get3A_91 = tpu.vector_load %arg10[%get3A_90] {strides = array<i32>} : memref<640xi32, #tpu.memory_space<vmem>>, vector<16xi32>,
    %get3A_92 = arith.constant 16 : index
    %get3A_93 = tpu.vector_load %arg11[%get3A_92] {strides = array<i32>} : memref<640xi32, #tpu.memory_space<vmem>>, vector<16xi32>,
    %get3A_94 = arith.constant 16 : index
    %get3A_95 = tpu.vector_load %arg12[%get3A_94] {strides = array<i32>} : memref<640xi32, #tpu.memory_space<vmem>>, vector<16xi32>,
    %gather3A_96 = tpu.vector_load_idx %arg13[%get3A_93] : memref<1000xf32, #tpu.memory_space<vmem>>[vector<16xi32>], vector<16xf32>,
    %gather3A_97 = tpu.vector_load_idx %arg14[%get3A_93] : memref<1000xf32, #tpu.memory_space<vmem>>[vector<16xi32>], vector<16xf32>,
    %add3A_98 = arith.constant 16 : i32
    %add3A_99 = arith.addi %multiple_of3A, %add3A_98 : i32
    %iota3A_100 = tpu.iota {dimensions = array<i32: 0>} : vector<16xi32>
    %add3A_101 = vector.broadcast %add3A_99 : i32 to vector<16xi32>
    %add3A_102 = arith.addi %add3A_101, %iota3A_100 : vector<16xi32>
    %sub3A_103 = vector.broadcast %mul3A_4 : i32 to vector<16xi32>
    %sub3A_104 = arith.subi %get3A_91, %sub3A_103 : vector<16xi32>
    %ge3A_105 = vector.broadcast %mul3A_0 : i32 to vector<16xi32>
    %ge3A_106 = arith.cmpi sge, %add3A_102, %ge3A_105 : vector<16xi32>
    %add3A_107 = arith.constant 625 : i32
    %add3A_108 = arith.addi %mul3A_0, %add3A_107 : i32
    %lt3A_109 = vector.broadcast %add3A_108 : i32 to vector<16xi32>
    %lt3A_110 = arith.cmpi slt, %add3A_102, %lt3A_109 : vector<16xi32>
    %and3A_111 = arith.andi %ge3A_106, %lt3A_110 : vector<16xi1>
    %ge3A_112 = arith.constant 0 : i32
    %ge3A_113 = vector.broadcast %ge3A_112 : i32 to vector<16xi32>
    %ge3A_114 = arith.cmpi sge, %sub3A_104, %ge3A_113 : vector<16xi32>
    %and3A_115 = arith.andi %and3A_111, %ge3A_114 : vector<16xi1>
    %lt3A_116 = arith.constant 5000 : i32
    %lt3A_117 = vector.broadcast %lt3A_116 : i32 to vector<16xi32>
    %lt3A_118 = arith.cmpi slt, %sub3A_104, %lt3A_117 : vector<16xi32>
    %and3A_119 = arith.andi %and3A_115, %lt3A_118 : vector<16xi1>
    %jit3A_120 = arith.constant 0 : i32
    %broadcast_in_dim3A_121 = vector.broadcast %jit3A_120 : i32 to vector<16xi32>
    %select_n3A_122 = arith.select %and3A_119, %sub3A_104, %broadcast_in_dim3A_121 : vector<16xi1>, vector<16xi32>
    %broadcast_in_dim3A_123 = arith.constant -1 : i32
    %broadcast_in_dim3A_124 = vector.broadcast %broadcast_in_dim3A_123 : i32 to vector<16xi32>
    %mul3A_125 = arith.constant 5120 : i32
    %mul3A_126 = vector.broadcast %mul3A_125 : i32 to vector<16xi32>
    %mul3A_127 = arith.muli %get3A_95, %mul3A_126 : vector<16xi32>
    %add3A_128 = arith.addi %mul3A_127, %select_n3A_122 : vector<16xi32>
    %select_n3A_129 = arith.select %and3A_119, %add3A_128, %broadcast_in_dim3A_124 : vector<16xi1>, vector<16xi32>
    %swap3A_130 = arith.constant 0 : i32
    %swap3A_131 = arith.index_cast %swap3A_130 : i32 to index
    %swap3A_132 = arith.constant 16 : index
    %swap3A_133 = tpu.vector_load %arg15[%swap3A_131, %swap3A_132] {strides = array<i32>} : memref<10x64xi32, #tpu.memory_space<vmem>>, vector<16xi32>,
    tpu.vector_store %arg15[%swap3A_131, %swap3A_132], %select_n3A_129 {strides = array<i32>} : memref<10x64xi32, #tpu.memory_space<vmem>>, vector<16xi32>,
    %select_n3A_134 = arith.select %and3A_119, %gather3A_97, %broadcast_in_dim3A_36 : vector<16xi1>, vector<16xf32>
    %swap3A_135 = arith.constant 0 : i32
    %swap3A_136 = arith.index_cast %swap3A_135 : i32 to index
    %swap3A_137 = arith.constant 16 : index
    %swap3A_138 = tpu.vector_load %arg16[%swap3A_136, %swap3A_137] {strides = array<i32>} : memref<10x64xf32, #tpu.memory_space<vmem>>, vector<16xf32>,
    tpu.vector_store %arg16[%swap3A_136, %swap3A_137], %select_n3A_134 {strides = array<i32>} : memref<10x64xf32, #tpu.memory_space<vmem>>, vector<16xf32>,
    %select_n3A_139 = arith.select %and3A_119, %select_n3A_122, %broadcast_in_dim3A_124 : vector<16xi1>, vector<16xi32>
    %swap3A_140 = arith.constant 0 : i32
    %swap3A_141 = arith.index_cast %swap3A_140 : i32 to index
    %swap3A_142 = arith.constant 16 : index
    %swap3A_143 = tpu.vector_load %arg17[%swap3A_141, %swap3A_142] {strides = array<i32>} : memref<10x64xi32, #tpu.memory_space<vmem>>, vector<16xi32>,
    tpu.vector_store %arg17[%swap3A_141, %swap3A_142], %select_n3A_139 {strides = array<i32>} : memref<10x64xi32, #tpu.memory_space<vmem>>, vector<16xi32>,
    %select_n3A_144 = arith.select %and3A_119, %gather3A_96, %broadcast_in_dim3A_36 : vector<16xi1>, vector<16xf32>
    %swap3A_145 = arith.constant 0 : i32
    %swap3A_146 = arith.index_cast %swap3A_145 : i32 to index
    %swap3A_147 = arith.constant 16 : index
    %swap3A_148 = tpu.vector_load %arg18[%swap3A_146, %swap3A_147] {strides = array<i32>} : memref<10x64xf32, #tpu.memory_space<vmem>>, vector<16xf32>,
    tpu.vector_store %arg18[%swap3A_146, %swap3A_147], %select_n3A_144 {strides = array<i32>} : memref<10x64xf32, #tpu.memory_space<vmem>>, vector<16xf32>,
    %get3A_149 = arith.constant 32 : index
    %get3A_150 = tpu.vector_load %arg10[%get3A_149] {strides = array<i32>} : memref<640xi32, #tpu.memory_space<vmem>>, vector<16xi32>,
    %get3A_151 = arith.constant 32 : index
    %get3A_152 = tpu.vector_load %arg11[%get3A_151] {strides = array<i32>} : memref<640xi32, #tpu.memory_space<vmem>>, vector<16xi32>,
    %get3A_153 = arith.constant 32 : index
    %get3A_154 = tpu.vector_load %arg12[%get3A_153] {strides = array<i32>} : memref<640xi32, #tpu.memory_space<vmem>>, vector<16xi32>,
    %gather3A_155 = tpu.vector_load_idx %arg13[%get3A_152] : memref<1000xf32, #tpu.memory_space<vmem>>[vector<16xi32>], vector<16xf32>,
    %gather3A_156 = tpu.vector_load_idx %arg14[%get3A_152] : memref<1000xf32, #tpu.memory_space<vmem>>[vector<16xi32>], vector<16xf32>,
    %add3A_157 = arith.constant 32 : i32
    %add3A_158 = arith.addi %multiple_of3A, %add3A_157 : i32
    %iota3A_159 = tpu.iota {dimensions = array<i32: 0>} : vector<16xi32>
    %add3A_160 = vector.broadcast %add3A_158 : i32 to vector<16xi32>
    %add3A_161 = arith.addi %add3A_160, %iota3A_159 : vector<16xi32>
    %sub3A_162 = vector.broadcast %mul3A_4 : i32 to vector<16xi32>
    %sub3A_163 = arith.subi %get3A_150, %sub3A_162 : vector<16xi32>
    %ge3A_164 = vector.broadcast %mul3A_0 : i32 to vector<16xi32>
    %ge3A_165 = arith.cmpi sge, %add3A_161, %ge3A_164 : vector<16xi32>
    %add3A_166 = arith.constant 625 : i32
    %add3A_167 = arith.addi %mul3A_0, %add3A_166 : i32
    %lt3A_168 = vector.broadcast %add3A_167 : i32 to vector<16xi32>
    %lt3A_169 = arith.cmpi slt, %add3A_161, %lt3A_168 : vector<16xi32>
    %and3A_170 = arith.andi %ge3A_165, %lt3A_169 : vector<16xi1>
    %ge3A_171 = arith.constant 0 : i32
    %ge3A_172 = vector.broadcast %ge3A_171 : i32 to vector<16xi32>
    %ge3A_173 = arith.cmpi sge, %sub3A_163, %ge3A_172 : vector<16xi32>
    %and3A_174 = arith.andi %and3A_170, %ge3A_173 : vector<16xi1>
    %lt3A_175 = arith.constant 5000 : i32
    %lt3A_176 = vector.broadcast %lt3A_175 : i32 to vector<16xi32>
    %lt3A_177 = arith.cmpi slt, %sub3A_163, %lt3A_176 : vector<16xi32>
    %and3A_178 = arith.andi %and3A_174, %lt3A_177 : vector<16xi1>
    %jit3A_179 = arith.constant 0 : i32
    %broadcast_in_dim3A_180 = vector.broadcast %jit3A_179 : i32 to vector<16xi32>
    %select_n3A_181 = arith.select %and3A_178, %sub3A_163, %broadcast_in_dim3A_180 : vector<16xi1>, vector<16xi32>
    %broadcast_in_dim3A_182 = arith.constant -1 : i32
    %broadcast_in_dim3A_183 = vector.broadcast %broadcast_in_dim3A_182 : i32 to vector<16xi32>
    %mul3A_184 = arith.constant 5120 : i32
    %mul3A_185 = vector.broadcast %mul3A_184 : i32 to vector<16xi32>
    %mul3A_186 = arith.muli %get3A_154, %mul3A_185 : vector<16xi32>
    %add3A_187 = arith.addi %mul3A_186, %select_n3A_181 : vector<16xi32>
    %select_n3A_188 = arith.select %and3A_178, %add3A_187, %broadcast_in_dim3A_183 : vector<16xi1>, vector<16xi32>
    %swap3A_189 = arith.constant 0 : i32
    %swap3A_190 = arith.index_cast %swap3A_189 : i32 to index
    %swap3A_191 = arith.constant 32 : index
    %swap3A_192 = tpu.vector_load %arg15[%swap3A_190, %swap3A_191] {strides = array<i32>} : memref<10x64xi32, #tpu.memory_space<vmem>>, vector<16xi32>,
    tpu.vector_store %arg15[%swap3A_190, %swap3A_191], %select_n3A_188 {strides = array<i32>} : memref<10x64xi32, #tpu.memory_space<vmem>>, vector<16xi32>,
    %select_n3A_193 = arith.select %and3A_178, %gather3A_156, %broadcast_in_dim3A_36 : vector<16xi1>, vector<16xf32>
    %swap3A_194 = arith.constant 0 : i32
    %swap3A_195 = arith.index_cast %swap3A_194 : i32 to index
    %swap3A_196 = arith.constant 32 : index
    %swap3A_197 = tpu.vector_load %arg16[%swap3A_195, %swap3A_196] {strides = array<i32>} : memref<10x64xf32, #tpu.memory_space<vmem>>, vector<16xf32>,
    tpu.vector_store %arg16[%swap3A_195, %swap3A_196], %select_n3A_193 {strides = array<i32>} : memref<10x64xf32, #tpu.memory_space<vmem>>, vector<16xf32>,
    %select_n3A_198 = arith.select %and3A_178, %select_n3A_181, %broadcast_in_dim3A_183 : vector<16xi1>, vector<16xi32>
    %swap3A_199 = arith.constant 0 : i32
    %swap3A_200 = arith.index_cast %swap3A_199 : i32 to index
    %swap3A_201 = arith.constant 32 : index
    %swap3A_202 = tpu.vector_load %arg17[%swap3A_200, %swap3A_201] {strides = array<i32>} : memref<10x64xi32, #tpu.memory_space<vmem>>, vector<16xi32>,
    tpu.vector_store %arg17[%swap3A_200, %swap3A_201], %select_n3A_198 {strides = array<i32>} : memref<10x64xi32, #tpu.memory_space<vmem>>, vector<16xi32>,
    %select_n3A_203 = arith.select %and3A_178, %gather3A_155, %broadcast_in_dim3A_36 : vector<16xi1>, vector<16xf32>
    %swap3A_204 = arith.constant 0 : i32
    %swap3A_205 = arith.index_cast %swap3A_204 : i32 to index
    %swap3A_206 = arith.constant 32 : index
    %swap3A_207 = tpu.vector_load %arg18[%swap3A_205, %swap3A_206] {strides = array<i32>} : memref<10x64xf32, #tpu.memory_space<vmem>>, vector<16xf32>,
    tpu.vector_store %arg18[%swap3A_205, %swap3A_206], %select_n3A_203 {strides = array<i32>} : memref<10x64xf32, #tpu.memory_space<vmem>>, vector<16xf32>,
    %get3A_208 = arith.constant 48 : index
    %get3A_209 = tpu.vector_load %arg10[%get3A_208] {strides = array<i32>} : memref<640xi32, #tpu.memory_space<vmem>>, vector<16xi32>,
    %get3A_210 = arith.constant 48 : index
    %get3A_211 = tpu.vector_load %arg11[%get3A_210] {strides = array<i32>} : memref<640xi32, #tpu.memory_space<vmem>>, vector<16xi32>,
    %get3A_212 = arith.constant 48 : index
    %get3A_213 = tpu.vector_load %arg12[%get3A_212] {strides = array<i32>} : memref<640xi32, #tpu.memory_space<vmem>>, vector<16xi32>,
    %gather3A_214 = tpu.vector_load_idx %arg13[%get3A_211] : memref<1000xf32, #tpu.memory_space<vmem>>[vector<16xi32>], vector<16xf32>,
    %gather3A_215 = tpu.vector_load_idx %arg14[%get3A_211] : memref<1000xf32, #tpu.memory_space<vmem>>[vector<16xi32>], vector<16xf32>,
    %add3A_216 = arith.constant 48 : i32
    %add3A_217 = arith.addi %multiple_of3A, %add3A_216 : i32
    %iota3A_218 = tpu.iota {dimensions = array<i32: 0>} : vector<16xi32>
    %add3A_219 = vector.broadcast %add3A_217 : i32 to vector<16xi32>
    %add3A_220 = arith.addi %add3A_219, %iota3A_218 : vector<16xi32>
    %sub3A_221 = vector.broadcast %mul3A_4 : i32 to vector<16xi32>
    %sub3A_222 = arith.subi %get3A_209, %sub3A_221 : vector<16xi32>
    %ge3A_223 = vector.broadcast %mul3A_0 : i32 to vector<16xi32>
    %ge3A_224 = arith.cmpi sge, %add3A_220, %ge3A_223 : vector<16xi32>
    %add3A_225 = arith.constant 625 : i32
    %add3A_226 = arith.addi %mul3A_0, %add3A_225 : i32
    %lt3A_227 = vector.broadcast %add3A_226 : i32 to vector<16xi32>
    %lt3A_228 = arith.cmpi slt, %add3A_220, %lt3A_227 : vector<16xi32>
    %and3A_229 = arith.andi %ge3A_224, %lt3A_228 : vector<16xi1>
    %ge3A_230 = arith.constant 0 : i32
    %ge3A_231 = vector.broadcast %ge3A_230 : i32 to vector<16xi32>
    %ge3A_232 = arith.cmpi sge, %sub3A_222, %ge3A_231 : vector<16xi32>
    %and3A_233 = arith.andi %and3A_229, %ge3A_232 : vector<16xi1>
    %lt3A_234 = arith.constant 5000 : i32
    %lt3A_235 = vector.broadcast %lt3A_234 : i32 to vector<16xi32>
    %lt3A_236 = arith.cmpi slt, %sub3A_222, %lt3A_235 : vector<16xi32>
    %and3A_237 = arith.andi %and3A_233, %lt3A_236 : vector<16xi1>
    %jit3A_238 = arith.constant 0 : i32
    %broadcast_in_dim3A_239 = vector.broadcast %jit3A_238 : i32 to vector<16xi32>
    %select_n3A_240 = arith.select %and3A_237, %sub3A_222, %broadcast_in_dim3A_239 : vector<16xi1>, vector<16xi32>
    %broadcast_in_dim3A_241 = arith.constant -1 : i32
    %broadcast_in_dim3A_242 = vector.broadcast %broadcast_in_dim3A_241 : i32 to vector<16xi32>
    %mul3A_243 = arith.constant 5120 : i32
    %mul3A_244 = vector.broadcast %mul3A_243 : i32 to vector<16xi32>
    %mul3A_245 = arith.muli %get3A_213, %mul3A_244 : vector<16xi32>
    %add3A_246 = arith.addi %mul3A_245, %select_n3A_240 : vector<16xi32>
    %select_n3A_247 = arith.select %and3A_237, %add3A_246, %broadcast_in_dim3A_242 : vector<16xi1>, vector<16xi32>
    %swap3A_248 = arith.constant 0 : i32
    %swap3A_249 = arith.index_cast %swap3A_248 : i32 to index
    %swap3A_250 = arith.constant 48 : index
    %swap3A_251 = tpu.vector_load %arg15[%swap3A_249, %swap3A_250] {strides = array<i32>} : memref<10x64xi32, #tpu.memory_space<vmem>>, vector<16xi32>,
    tpu.vector_store %arg15[%swap3A_249, %swap3A_250], %select_n3A_247 {strides = array<i32>} : memref<10x64xi32, #tpu.memory_space<vmem>>, vector<16xi32>,
    %select_n3A_252 = arith.select %and3A_237, %gather3A_215, %broadcast_in_dim3A_36 : vector<16xi1>, vector<16xf32>
    %swap3A_253 = arith.constant 0 : i32
    %swap3A_254 = arith.index_cast %swap3A_253 : i32 to index
    %swap3A_255 = arith.constant 48 : index
    %swap3A_256 = tpu.vector_load %arg16[%swap3A_254, %swap3A_255] {strides = array<i32>} : memref<10x64xf32, #tpu.memory_space<vmem>>, vector<16xf32>,
    tpu.vector_store %arg16[%swap3A_254, %swap3A_255], %select_n3A_252 {strides = array<i32>} : memref<10x64xf32, #tpu.memory_space<vmem>>, vector<16xf32>,
    %select_n3A_257 = arith.select %and3A_237, %select_n3A_240, %broadcast_in_dim3A_242 : vector<16xi1>, vector<16xi32>
    %swap3A_258 = arith.constant 0 : i32
    %swap3A_259 = arith.index_cast %swap3A_258 : i32 to index
    %swap3A_260 = arith.constant 48 : index
    %swap3A_261 = tpu.vector_load %arg17[%swap3A_259, %swap3A_260] {strides = array<i32>} : memref<10x64xi32, #tpu.memory_space<vmem>>, vector<16xi32>,
    tpu.vector_store %arg17[%swap3A_259, %swap3A_260], %select_n3A_257 {strides = array<i32>} : memref<10x64xi32, #tpu.memory_space<vmem>>, vector<16xi32>,
    %select_n3A_262 = arith.select %and3A_237, %gather3A_214, %broadcast_in_dim3A_36 : vector<16xi1>, vector<16xf32>
    %swap3A_263 = arith.constant 0 : i32
    %swap3A_264 = arith.index_cast %swap3A_263 : i32 to index
    %swap3A_265 = arith.constant 48 : index
    %swap3A_266 = tpu.vector_load %arg18[%swap3A_264, %swap3A_265] {strides = array<i32>} : memref<10x64xf32, #tpu.memory_space<vmem>>, vector<16xf32>,
    tpu.vector_store %arg18[%swap3A_264, %swap3A_265], %select_n3A_262 {strides = array<i32>} : memref<10x64xf32, #tpu.memory_space<vmem>>, vector<16xf32>,
    %dma_start3A_267 = arith.constant 0 : i32
    %dma_start3A_268 = arith.constant 0 : i32
    %dma_start3A_269 = arith.constant 0 : i32
    %dma_start3A_270 = tpu.memref_slice %arg16[%dma_start3A_267, %dma_start3A_269] : memref<10x64xf32, #tpu.memory_space<vmem>> -> memref<1x64xf32, #tpu.memory_space<vmem>>
    %dma_start3A_271 = tpu.memref_squeeze %dma_start3A_270 : memref<1x64xf32, #tpu.memory_space<vmem>> -> memref<64xf32, #tpu.memory_space<vmem>>
    %dma_start3A_272 = arith.constant 0 : i32
    %dma_start3A_273 = tpu.memref_slice %arg15[%dma_start3A_268, %dma_start3A_272] : memref<10x64xi32, #tpu.memory_space<vmem>> -> memref<1x64xi32, #tpu.memory_space<vmem>>
    %dma_start3A_274 = tpu.memref_squeeze %dma_start3A_273 : memref<1x64xi32, #tpu.memory_space<vmem>> -> memref<64xi32, #tpu.memory_space<vmem>>
    %dma_start3A_275 = arith.constant 0 : i32
    %dma_start3A_276 = tpu.memref_slice %arg23[%dma_start3A_275] : memref<163840xf32, #tpu.memory_space<vmem_shared>> -> memref<163840xf32, #tpu.memory_space<vmem_shared>>
    %dma_start3A_277 = arith.constant -1 : i32
    tpu.enqueue_indirect_dma source(%dma_start3A_271 : memref<64xf32, #tpu.memory_space<vmem>>) target(%dma_start3A_276 : memref<163840xf32, #tpu.memory_space<vmem_shared>>) offsets(%dma_start3A_274 : memref<64xi32, #tpu.memory_space<vmem>>) offset_filter(%dma_start3A_277) semaphore(%arg26 : memref<!tpu.dma_semaphore, #tpu.memory_space<semaphore_mem>>) {add = true}
    %dma_start3A_278 = arith.constant 0 : i32
    %dma_start3A_279 = arith.constant 0 : i32
    %dma_start3A_280 = arith.constant 0 : i32
    %dma_start3A_281 = tpu.memref_slice %arg18[%dma_start3A_278, %dma_start3A_280] : memref<10x64xf32, #tpu.memory_space<vmem>> -> memref<1x64xf32, #tpu.memory_space<vmem>>
    %dma_start3A_282 = tpu.memref_squeeze %dma_start3A_281 : memref<1x64xf32, #tpu.memory_space<vmem>> -> memref<64xf32, #tpu.memory_space<vmem>>
    %dma_start3A_283 = arith.constant 0 : i32
    %dma_start3A_284 = tpu.memref_slice %arg17[%dma_start3A_279, %dma_start3A_283] : memref<10x64xi32, #tpu.memory_space<vmem>> -> memref<1x64xi32, #tpu.memory_space<vmem>>
    %dma_start3A_285 = tpu.memref_squeeze %dma_start3A_284 : memref<1x64xi32, #tpu.memory_space<vmem>> -> memref<64xi32, #tpu.memory_space<vmem>>
    %dma_start3A_286 = arith.constant 0 : i32
    %dma_start3A_287 = tpu.memref_slice %arg24[%dma_start3A_286] : memref<5120xf32, #tpu.memory_space<vmem_shared>> -> memref<5120xf32, #tpu.memory_space<vmem_shared>>
    %dma_start3A_288 = arith.constant -1 : i32
    tpu.enqueue_indirect_dma source(%dma_start3A_282 : memref<64xf32, #tpu.memory_space<vmem>>) target(%dma_start3A_287 : memref<5120xf32, #tpu.memory_space<vmem_shared>>) offsets(%dma_start3A_285 : memref<64xi32, #tpu.memory_space<vmem>>) offset_filter(%dma_start3A_288) semaphore(%arg26 : memref<!tpu.dma_semaphore, #tpu.memory_space<semaphore_mem>>) {add = true}
    %get3A_289 = arith.constant 64 : index
    %get3A_290 = tpu.vector_load %arg10[%get3A_289] {strides = array<i32>} : memref<640xi32, #tpu.memory_space<vmem>>, vector<16xi32>,
    %get3A_291 = arith.constant 64 : index
    %get3A_292 = tpu.vector_load %arg11[%get3A_291] {strides = array<i32>} : memref<640xi32, #tpu.memory_space<vmem>>, vector<16xi32>,
    %get3A_293 = arith.constant 64 : index
    %get3A_294 = tpu.vector_load %arg12[%get3A_293] {strides = array<i32>} : memref<640xi32, #tpu.memory_space<vmem>>, vector<16xi32>,
    %gather3A_295 = tpu.vector_load_idx %arg13[%get3A_292] : memref<1000xf32, #tpu.memory_space<vmem>>[vector<16xi32>], vector<16xf32>,
    %gather3A_296 = tpu.vector_load_idx %arg14[%get3A_292] : memref<1000xf32, #tpu.memory_space<vmem>>[vector<16xi32>], vector<16xf32>,
    %add3A_297 = arith.constant 64 : i32
    %add3A_298 = arith.addi %multiple_of3A, %add3A_297 : i32
    %iota3A_299 = tpu.iota {dimensions = array<i32: 0>} : vector<16xi32>
    %add3A_300 = vector.broadcast %add3A_298 : i32 to vector<16xi32>
    %add3A_301 = arith.addi %add3A_300, %iota3A_299 : vector<16xi32>
    %sub3A_302 = vector.broadcast %mul3A_4 : i32 to vector<16xi32>
    %sub3A_303 = arith.subi %get3A_290, %sub3A_302 : vector<16xi32>
    %ge3A_304 = vector.broadcast %mul3A_0 : i32 to vector<16xi32>
    %ge3A_305 = arith.cmpi sge, %add3A_301, %ge3A_304 : vector<16xi32>
    %add3A_306 = arith.constant 625 : i32
    %add3A_307 = arith.addi %mul3A_0, %add3A_306 : i32
    %lt3A_308 = vector.broadcast %add3A_307 : i32 to vector<16xi32>
    %lt3A_309 = arith.cmpi slt, %add3A_301, %lt3A_308 : vector<16xi32>
    %and3A_310 = arith.andi %ge3A_305, %lt3A_309 : vector<16xi1>
    %ge3A_311 = arith.constant 0 : i32
    %ge3A_312 = vector.broadcast %ge3A_311 : i32 to vector<16xi32>
    %ge3A_313 = arith.cmpi sge, %sub3A_303, %ge3A_312 : vector<16xi32>
    %and3A_314 = arith.andi %and3A_310, %ge3A_313 : vector<16xi1>
    %lt3A_315 = arith.constant 5000 : i32
    %lt3A_316 = vector.broadcast %lt3A_315 : i32 to vector<16xi32>
    %lt3A_317 = arith.cmpi slt, %sub3A_303, %lt3A_316 : vector<16xi32>
    %and3A_318 = arith.andi %and3A_314, %lt3A_317 : vector<16xi1>
    %jit3A_319 = arith.constant 0 : i32
    %broadcast_in_dim3A_320 = vector.broadcast %jit3A_319 : i32 to vector<16xi32>
    %select_n3A_321 = arith.select %and3A_318, %sub3A_303, %broadcast_in_dim3A_320 : vector<16xi1>, vector<16xi32>
    %broadcast_in_dim3A_322 = arith.constant -1 : i32
    %broadcast_in_dim3A_323 = vector.broadcast %broadcast_in_dim3A_322 : i32 to vector<16xi32>
    %mul3A_324 = arith.constant 5120 : i32
    %mul3A_325 = vector.broadcast %mul3A_324 : i32 to vector<16xi32>
    %mul3A_326 = arith.muli %get3A_294, %mul3A_325 : vector<16xi32>
    %add3A_327 = arith.addi %mul3A_326, %select_n3A_321 : vector<16xi32>
    %select_n3A_328 = arith.select %and3A_318, %add3A_327, %broadcast_in_dim3A_323 : vector<16xi1>, vector<16xi32>
    %swap3A_329 = arith.constant 1 : i32
    %swap3A_330 = arith.index_cast %swap3A_329 : i32 to index
    %swap3A_331 = arith.constant 0 : index
    %swap3A_332 = tpu.vector_load %arg15[%swap3A_330, %swap3A_331] {strides = array<i32>} : memref<10x64xi32, #tpu.memory_space<vmem>>, vector<16xi32>,
    tpu.vector_store %arg15[%swap3A_330, %swap3A_331], %select_n3A_328 {strides = array<i32>} : memref<10x64xi32, #tpu.memory_space<vmem>>, vector<16xi32>,
    %select_n3A_333 = arith.select %and3A_318, %gather3A_296, %broadcast_in_dim3A_36 : vector<16xi1>, vector<16xf32>
    %swap3A_334 = arith.constant 1 : i32
    %swap3A_335 = arith.index_cast %swap3A_334 : i32 to index
    %swap3A_336 = arith.constant 0 : index
    %swap3A_337 = tpu.vector_load %arg16[%swap3A_335, %swap3A_336] {strides = array<i32>} : memref<10x64xf32, #tpu.memory_space<vmem>>, vector<16xf32>,
    tpu.vector_store %arg16[%swap3A_335, %swap3A_336], %select_n3A_333 {strides = array<i32>} : memref<10x64xf32, #tpu.memory_space<vmem>>, vector<16xf32>,
    %select_n3A_338 = arith.select %and3A_318, %select_n3A_321, %broadcast_in_dim3A_323 : vector<16xi1>, vector<16xi32>
    %swap3A_339 = arith.constant 1 : i32
    %swap3A_340 = arith.index_cast %swap3A_339 : i32 to index
    %swap3A_341 = arith.constant 0 : index
    %swap3A_342 = tpu.vector_load %arg17[%swap3A_340, %swap3A_341] {strides = array<i32>} : memref<10x64xi32, #tpu.memory_space<vmem>>, vector<16xi32>,
    tpu.vector_store %arg17[%swap3A_340, %swap3A_341], %select_n3A_338 {strides = array<i32>} : memref<10x64xi32, #tpu.memory_space<vmem>>, vector<16xi32>,
    %select_n3A_343 = arith.select %and3A_318, %gather3A_295, %broadcast_in_dim3A_36 : vector<16xi1>, vector<16xf32>
    %swap3A_344 = arith.constant 1 : i32
    %swap3A_345 = arith.index_cast %swap3A_344 : i32 to index
    %swap3A_346 = arith.constant 0 : index
    %swap3A_347 = tpu.vector_load %arg18[%swap3A_345, %swap3A_346] {strides = array<i32>} : memref<10x64xf32, #tpu.memory_space<vmem>>, vector<16xf32>,
    tpu.vector_store %arg18[%swap3A_345, %swap3A_346], %select_n3A_343 {strides = array<i32>} : memref<10x64xf32, #tpu.memory_space<vmem>>, vector<16xf32>,
    %get3A_348 = arith.constant 80 : index
    %get3A_349 = tpu.vector_load %arg10[%get3A_348] {strides = array<i32>} : memref<640xi32, #tpu.memory_space<vmem>>, vector<16xi32>,
    %get3A_350 = arith.constant 80 : index
    %get3A_351 = tpu.vector_load %arg11[%get3A_350] {strides = array<i32>} : memref<640xi32, #tpu.memory_space<vmem>>, vector<16xi32>,
    %get3A_352 = arith.constant 80 : index
    %get3A_353 = tpu.vector_load %arg12[%get3A_352] {strides = array<i32>} : memref<640xi32, #tpu.memory_space<vmem>>, vector<16xi32>,
    %gather3A_354 = tpu.vector_load_idx %arg13[%get3A_351] : memref<1000xf32, #tpu.memory_space<vmem>>[vector<16xi32>], vector<16xf32>,
    %gather3A_355 = tpu.vector_load_idx %arg14[%get3A_351] : memref<1000xf32, #tpu.memory_space<vmem>>[vector<16xi32>], vector<16xf32>,
    %add3A_356 = arith.constant 80 : i32
    %add3A_357 = arith.addi %multiple_of3A, %add3A_356 : i32
    %iota3A_358 = tpu.iota {dimensions = array<i32: 0>} : vector<16xi32>
    %add3A_359 = vector.broadcast %add3A_357 : i32 to vector<16xi32>
    %add3A_360 = arith.addi %add3A_359, %iota3A_358 : vector<16xi32>
    %sub3A_361 = vector.broadcast %mul3A_4 : i32 to vector<16xi32>
    %sub3A_362 = arith.subi %get3A_349, %sub3A_361 : vector<16xi32>
    %ge3A_363 = vector.broadcast %mul3A_0 : i32 to vector<16xi32>
    %ge3A_364 = arith.cmpi sge, %add3A_360, %ge3A_363 : vector<16xi32>
    %add3A_365 = arith.constant 625 : i32
    %add3A_366 = arith.addi %mul3A_0, %add3A_365 : i32
    %lt3A_367 = vector.broadcast %add3A_366 : i32 to vector<16xi32>
    %lt3A_368 = arith.cmpi slt, %add3A_360, %lt3A_367 : vector<16xi32>
    %and3A_369 = arith.andi %ge3A_364, %lt3A_368 : vector<16xi1>
    %ge3A_370 = arith.constant 0 : i32
    %ge3A_371 = vector.broadcast %ge3A_370 : i32 to vector<16xi32>
    %ge3A_372 = arith.cmpi sge, %sub3A_362, %ge3A_371 : vector<16xi32>
    %and3A_373 = arith.andi %and3A_369, %ge3A_372 : vector<16xi1>
    %lt3A_374 = arith.constant 5000 : i32
    %lt3A_375 = vector.broadcast %lt3A_374 : i32 to vector<16xi32>
    %lt3A_376 = arith.cmpi slt, %sub3A_362, %lt3A_375 : vector<16xi32>
    %and3A_377 = arith.andi %and3A_373, %lt3A_376 : vector<16xi1>
    %jit3A_378 = arith.constant 0 : i32
    %broadcast_in_dim3A_379 = vector.broadcast %jit3A_378 : i32 to vector<16xi32>
    %select_n3A_380 = arith.select %and3A_377, %sub3A_362, %broadcast_in_dim3A_379 : vector<16xi1>, vector<16xi32>
    %broadcast_in_dim3A_381 = arith.constant -1 : i32
    %broadcast_in_dim3A_382 = vector.broadcast %broadcast_in_dim3A_381 : i32 to vector<16xi32>
    %mul3A_383 = arith.constant 5120 : i32
    %mul3A_384 = vector.broadcast %mul3A_383 : i32 to vector<16xi32>
    %mul3A_385 = arith.muli %get3A_353, %mul3A_384 : vector<16xi32>
    %add3A_386 = arith.addi %mul3A_385, %select_n3A_380 : vector<16xi32>
    %select_n3A_387 = arith.select %and3A_377, %add3A_386, %broadcast_in_dim3A_382 : vector<16xi1>, vector<16xi32>
    %swap3A_388 = arith.constant 1 : i32
    %swap3A_389 = arith.index_cast %swap3A_388 : i32 to index
    %swap3A_390 = arith.constant 16 : index
    %swap3A_391 = tpu.vector_load %arg15[%swap3A_389, %swap3A_390] {strides = array<i32>} : memref<10x64xi32, #tpu.memory_space<vmem>>, vector<16xi32>,
    tpu.vector_store %arg15[%swap3A_389, %swap3A_390], %select_n3A_387 {strides = array<i32>} : memref<10x64xi32, #tpu.memory_space<vmem>>, vector<16xi32>,
    %select_n3A_392 = arith.select %and3A_377, %gather3A_355, %broadcast_in_dim3A_36 : vector<16xi1>, vector<16xf32>
    %swap3A_393 = arith.constant 1 : i32
    %swap3A_394 = arith.index_cast %swap3A_393 : i32 to index
    %swap3A_395 = arith.constant 16 : index
    %swap3A_396 = tpu.vector_load %arg16[%swap3A_394, %swap3A_395] {strides = array<i32>} : memref<10x64xf32, #tpu.memory_space<vmem>>, vector<16xf32>,
    tpu.vector_store %arg16[%swap3A_394, %swap3A_395], %select_n3A_392 {strides = array<i32>} : memref<10x64xf32, #tpu.memory_space<vmem>>, vector<16xf32>,
    %select_n3A_397 = arith.select %and3A_377, %select_n3A_380, %broadcast_in_dim3A_382 : vector<16xi1>, vector<16xi32>
    %swap3A_398 = arith.constant 1 : i32
    %swap3A_399 = arith.index_cast %swap3A_398 : i32 to index
    %swap3A_400 = arith.constant 16 : index
    %swap3A_401 = tpu.vector_load %arg17[%swap3A_399, %swap3A_400] {strides = array<i32>} : memref<10x64xi32, #tpu.memory_space<vmem>>, vector<16xi32>,
    tpu.vector_store %arg17[%swap3A_399, %swap3A_400], %select_n3A_397 {strides = array<i32>} : memref<10x64xi32, #tpu.memory_space<vmem>>, vector<16xi32>,
    %select_n3A_402 = arith.select %and3A_377, %gather3A_354, %broadcast_in_dim3A_36 : vector<16xi1>, vector<16xf32>
    %swap3A_403 = arith.constant 1 : i32
    %swap3A_404 = arith.index_cast %swap3A_403 : i32 to index
    %swap3A_405 = arith.constant 16 : index
    %swap3A_406 = tpu.vector_load %arg18[%swap3A_404, %swap3A_405] {strides = array<i32>} : memref<10x64xf32, #tpu.memory_space<vmem>>, vector<16xf32>,
    tpu.vector_store %arg18[%swap3A_404, %swap3A_405], %select_n3A_402 {strides = array<i32>} : memref<10x64xf32, #tpu.memory_space<vmem>>, vector<16xf32>,
    %get3A_407 = arith.constant 96 : index
    %get3A_408 = tpu.vector_load %arg10[%get3A_407] {strides = array<i32>} : memref<640xi32, #tpu.memory_space<vmem>>, vector<16xi32>,
    %get3A_409 = arith.constant 96 : index
    %get3A_410 = tpu.vector_load %arg11[%get3A_409] {strides = array<i32>} : memref<640xi32, #tpu.memory_space<vmem>>, vector<16xi32>,
    %get3A_411 = arith.constant 96 : index
    %get3A_412 = tpu.vector_load %arg12[%get3A_411] {strides = array<i32>} : memref<640xi32, #tpu.memory_space<vmem>>, vector<16xi32>,
    %gather3A_413 = tpu.vector_load_idx %arg13[%get3A_410] : memref<1000xf32, #tpu.memory_space<vmem>>[vector<16xi32>], vector<16xf32>,
    %gather3A_414 = tpu.vector_load_idx %arg14[%get3A_410] : memref<1000xf32, #tpu.memory_space<vmem>>[vector<16xi32>], vector<16xf32>,
    %add3A_415 = arith.constant 96 : i32
    %add3A_416 = arith.addi %multiple_of3A, %add3A_415 : i32
    %iota3A_417 = tpu.iota {dimensions = array<i32: 0>} : vector<16xi32>
    %add3A_418 = vector.broadcast %add3A_416 : i32 to vector<16xi32>
    %add3A_419 = arith.addi %add3A_418, %iota3A_417 : vector<16xi32>
    %sub3A_420 = vector.broadcast %mul3A_4 : i32 to vector<16xi32>
    %sub3A_421 = arith.subi %get3A_408, %sub3A_420 : vector<16xi32>
    %ge3A_422 = vector.broadcast %mul3A_0 : i32 to vector<16xi32>
    %ge3A_423 = arith.cmpi sge, %add3A_419, %ge3A_422 : vector<16xi32>
    %add3A_424 = arith.constant 625 : i32
    %add3A_425 = arith.addi %mul3A_0, %add3A_424 : i32
    %lt3A_426 = vector.broadcast %add3A_425 : i32 to vector<16xi32>
    %lt3A_427 = arith.cmpi slt, %add3A_419, %lt3A_426 : vector<16xi32>
    %and3A_428 = arith.andi %ge3A_423, %lt3A_427 : vector<16xi1>
    %ge3A_429 = arith.constant 0 : i32
    %ge3A_430 = vector.broadcast %ge3A_429 : i32 to vector<16xi32>
    %ge3A_431 = arith.cmpi sge, %sub3A_421, %ge3A_430 : vector<16xi32>
    %and3A_432 = arith.andi %and3A_428, %ge3A_431 : vector<16xi1>
    %lt3A_433 = arith.constant 5000 : i32
    %lt3A_434 = vector.broadcast %lt3A_433 : i32 to vector<16xi32>
    %lt3A_435 = arith.cmpi slt, %sub3A_421, %lt3A_434 : vector<16xi32>
    %and3A_436 = arith.andi %and3A_432, %lt3A_435 : vector<16xi1>
    %jit3A_437 = arith.constant 0 : i32
    %broadcast_in_dim3A_438 = vector.broadcast %jit3A_437 : i32 to vector<16xi32>
    %select_n3A_439 = arith.select %and3A_436, %sub3A_421, %broadcast_in_dim3A_438 : vector<16xi1>, vector<16xi32>
    %broadcast_in_dim3A_440 = arith.constant -1 : i32
    %broadcast_in_dim3A_441 = vector.broadcast %broadcast_in_dim3A_440 : i32 to vector<16xi32>
    %mul3A_442 = arith.constant 5120 : i32
    %mul3A_443 = vector.broadcast %mul3A_442 : i32 to vector<16xi32>
    %mul3A_444 = arith.muli %get3A_412, %mul3A_443 : vector<16xi32>
    %add3A_445 = arith.addi %mul3A_444, %select_n3A_439 : vector<16xi32>
    %select_n3A_446 = arith.select %and3A_436, %add3A_445, %broadcast_in_dim3A_441 : vector<16xi1>, vector<16xi32>
    %swap3A_447 = arith.constant 1 : i32
    %swap3A_448 = arith.index_cast %swap3A_447 : i32 to index
    %swap3A_449 = arith.constant 32 : index
    %swap3A_450 = tpu.vector_load %arg15[%swap3A_448, %swap3A_449] {strides = array<i32>} : memref<10x64xi32, #tpu.memory_space<vmem>>, vector<16xi32>,
    tpu.vector_store %arg15[%swap3A_448, %swap3A_449], %select_n3A_446 {strides = array<i32>} : memref<10x64xi32, #tpu.memory_space<vmem>>, vector<16xi32>,
    %select_n3A_451 = arith.select %and3A_436, %gather3A_414, %broadcast_in_dim3A_36 : vector<16xi1>, vector<16xf32>
    %swap3A_452 = arith.constant 1 : i32
    %swap3A_453 = arith.index_cast %swap3A_452 : i32 to index
    %swap3A_454 = arith.constant 32 : index
    %swap3A_455 = tpu.vector_load %arg16[%swap3A_453, %swap3A_454] {strides = array<i32>} : memref<10x64xf32, #tpu.memory_space<vmem>>, vector<16xf32>,
    tpu.vector_store %arg16[%swap3A_453, %swap3A_454], %select_n3A_451 {strides = array<i32>} : memref<10x64xf32, #tpu.memory_space<vmem>>, vector<16xf32>,
    %select_n3A_456 = arith.select %and3A_436, %select_n3A_439, %broadcast_in_dim3A_441 : vector<16xi1>, vector<16xi32>
    %swap3A_457 = arith.constant 1 : i32
    %swap3A_458 = arith.index_cast %swap3A_457 : i32 to index
    %swap3A_459 = arith.constant 32 : index
    %swap3A_460 = tpu.vector_load %arg17[%swap3A_458, %swap3A_459] {strides = array<i32>} : memref<10x64xi32, #tpu.memory_space<vmem>>, vector<16xi32>,
    tpu.vector_store %arg17[%swap3A_458, %swap3A_459], %select_n3A_456 {strides = array<i32>} : memref<10x64xi32, #tpu.memory_space<vmem>>, vector<16xi32>,
    %select_n3A_461 = arith.select %and3A_436, %gather3A_413, %broadcast_in_dim3A_36 : vector<16xi1>, vector<16xf32>
    %swap3A_462 = arith.constant 1 : i32
    %swap3A_463 = arith.index_cast %swap3A_462 : i32 to index
    %swap3A_464 = arith.constant 32 : index
    %swap3A_465 = tpu.vector_load %arg18[%swap3A_463, %swap3A_464] {strides = array<i32>} : memref<10x64xf32, #tpu.memory_space<vmem>>, vector<16xf32>,
    tpu.vector_store %arg18[%swap3A_463, %swap3A_464], %select_n3A_461 {strides = array<i32>} : memref<10x64xf32, #tpu.memory_space<vmem>>, vector<16xf32>,
    %get3A_466 = arith.constant 112 : index
    %get3A_467 = tpu.vector_load %arg10[%get3A_466] {strides = array<i32>} : memref<640xi32, #tpu.memory_space<vmem>>, vector<16xi32>,
    %get3A_468 = arith.constant 112 : index
    %get3A_469 = tpu.vector_load %arg11[%get3A_468] {strides = array<i32>} : memref<640xi32, #tpu.memory_space<vmem>>, vector<16xi32>,
    %get3A_470 = arith.constant 112 : index
    %get3A_471 = tpu.vector_load %arg12[%get3A_470] {strides = array<i32>} : memref<640xi32, #tpu.memory_space<vmem>>, vector<16xi32>,
    %gather3A_472 = tpu.vector_load_idx %arg13[%get3A_469] : memref<1000xf32, #tpu.memory_space<vmem>>[vector<16xi32>], vector<16xf32>,
    %gather3A_473 = tpu.vector_load_idx %arg14[%get3A_469] : memref<1000xf32, #tpu.memory_space<vmem>>[vector<16xi32>], vector<16xf32>,
    %add3A_474 = arith.constant 112 : i32
    %add3A_475 = arith.addi %multiple_of3A, %add3A_474 : i32
    %iota3A_476 = tpu.iota {dimensions = array<i32: 0>} : vector<16xi32>
    %add3A_477 = vector.broadcast %add3A_475 : i32 to vector<16xi32>
    %add3A_478 = arith.addi %add3A_477, %iota3A_476 : vector<16xi32>
    %sub3A_479 = vector.broadcast %mul3A_4 : i32 to vector<16xi32>
    %sub3A_480 = arith.subi %get3A_467, %sub3A_479 : vector<16xi32>
    %ge3A_481 = vector.broadcast %mul3A_0 : i32 to vector<16xi32>
    %ge3A_482 = arith.cmpi sge, %add3A_478, %ge3A_481 : vector<16xi32>
    %add3A_483 = arith.constant 625 : i32
    %add3A_484 = arith.addi %mul3A_0, %add3A_483 : i32
    %lt3A_485 = vector.broadcast %add3A_484 : i32 to vector<16xi32>
    %lt3A_486 = arith.cmpi slt, %add3A_478, %lt3A_485 : vector<16xi32>
    %and3A_487 = arith.andi %ge3A_482, %lt3A_486 : vector<16xi1>
    %ge3A_488 = arith.constant 0 : i32
    %ge3A_489 = vector.broadcast %ge3A_488 : i32 to vector<16xi32>
    %ge3A_490 = arith.cmpi sge, %sub3A_480, %ge3A_489 : vector<16xi32>
    %and3A_491 = arith.andi %and3A_487, %ge3A_490 : vector<16xi1>
    %lt3A_492 = arith.constant 5000 : i32
    %lt3A_493 = vector.broadcast %lt3A_492 : i32 to vector<16xi32>
    %lt3A_494 = arith.cmpi slt, %sub3A_480, %lt3A_493 : vector<16xi32>
    %and3A_495 = arith.andi %and3A_491, %lt3A_494 : vector<16xi1>
    %jit3A_496 = arith.constant 0 : i32
    %broadcast_in_dim3A_497 = vector.broadcast %jit3A_496 : i32 to vector<16xi32>
    %select_n3A_498 = arith.select %and3A_495, %sub3A_480, %broadcast_in_dim3A_497 : vector<16xi1>, vector<16xi32>
    %broadcast_in_dim3A_499 = arith.constant -1 : i32
    %broadcast_in_dim3A_500 = vector.broadcast %broadcast_in_dim3A_499 : i32 to vector<16xi32>
    %mul3A_501 = arith.constant 5120 : i32
    %mul3A_502 = vector.broadcast %mul3A_501 : i32 to vector<16xi32>
    %mul3A_503 = arith.muli %get3A_471, %mul3A_502 : vector<16xi32>
    %add3A_504 = arith.addi %mul3A_503, %select_n3A_498 : vector<16xi32>
    %select_n3A_505 = arith.select %and3A_495, %add3A_504, %broadcast_in_dim3A_500 : vector<16xi1>, vector<16xi32>
    %swap3A_506 = arith.constant 1 : i32
    %swap3A_507 = arith.index_cast %swap3A_506 : i32 to index
    %swap3A_508 = arith.constant 48 : index
    %swap3A_509 = tpu.vector_load %arg15[%swap3A_507, %swap3A_508] {strides = array<i32>} : memref<10x64xi32, #tpu.memory_space<vmem>>, vector<16xi32>,
    tpu.vector_store %arg15[%swap3A_507, %swap3A_508], %select_n3A_505 {strides = array<i32>} : memref<10x64xi32, #tpu.memory_space<vmem>>, vector<16xi32>,
    %select_n3A_510 = arith.select %and3A_495, %gather3A_473, %broadcast_in_dim3A_36 : vector<16xi1>, vector<16xf32>
    %swap3A_511 = arith.constant 1 : i32
    %swap3A_512 = arith.index_cast %swap3A_511 : i32 to index
    %swap3A_513 = arith.constant 48 : index
    %swap3A_514 = tpu.vector_load %arg16[%swap3A_512, %swap3A_513] {strides = array<i32>} : memref<10x64xf32, #tpu.memory_space<vmem>>, vector<16xf32>,
    tpu.vector_store %arg16[%swap3A_512, %swap3A_513], %select_n3A_510 {strides = array<i32>} : memref<10x64xf32, #tpu.memory_space<vmem>>, vector<16xf32>,
    %select_n3A_515 = arith.select %and3A_495, %select_n3A_498, %broadcast_in_dim3A_500 : vector<16xi1>, vector<16xi32>
    %swap3A_516 = arith.constant 1 : i32
    %swap3A_517 = arith.index_cast %swap3A_516 : i32 to index
    %swap3A_518 = arith.constant 48 : index
    %swap3A_519 = tpu.vector_load %arg17[%swap3A_517, %swap3A_518] {strides = array<i32>} : memref<10x64xi32, #tpu.memory_space<vmem>>, vector<16xi32>,
    tpu.vector_store %arg17[%swap3A_517, %swap3A_518], %select_n3A_515 {strides = array<i32>} : memref<10x64xi32, #tpu.memory_space<vmem>>, vector<16xi32>,
    %select_n3A_520 = arith.select %and3A_495, %gather3A_472, %broadcast_in_dim3A_36 : vector<16xi1>, vector<16xf32>
    %swap3A_521 = arith.constant 1 : i32
    %swap3A_522 = arith.index_cast %swap3A_521 : i32 to index
    %swap3A_523 = arith.constant 48 : index
    %swap3A_524 = tpu.vector_load %arg18[%swap3A_522, %swap3A_523] {strides = array<i32>} : memref<10x64xf32, #tpu.memory_space<vmem>>, vector<16xf32>,
    tpu.vector_store %arg18[%swap3A_522, %swap3A_523], %select_n3A_520 {strides = array<i32>} : memref<10x64xf32, #tpu.memory_space<vmem>>, vector<16xf32>,
    %dma_start3A_525 = arith.constant 1 : i32
    %dma_start3A_526 = arith.constant 1 : i32
    %dma_start3A_527 = arith.constant 0 : i32
    %dma_start3A_528 = tpu.memref_slice %arg16[%dma_start3A_525, %dma_start3A_527] : memref<10x64xf32, #tpu.memory_space<vmem>> -> memref<1x64xf32, #tpu.memory_space<vmem>>
    %dma_start3A_529 = tpu.memref_squeeze %dma_start3A_528 : memref<1x64xf32, #tpu.memory_space<vmem>> -> memref<64xf32, #tpu.memory_space<vmem>>
    %dma_start3A_530 = arith.constant 0 : i32
    %dma_start3A_531 = tpu.memref_slice %arg15[%dma_start3A_526, %dma_start3A_530] : memref<10x64xi32, #tpu.memory_space<vmem>> -> memref<1x64xi32, #tpu.memory_space<vmem>>
    %dma_start3A_532 = tpu.memref_squeeze %dma_start3A_531 : memref<1x64xi32, #tpu.memory_space<vmem>> -> memref<64xi32, #tpu.memory_space<vmem>>
    %dma_start3A_533 = arith.constant 0 : i32
    %dma_start3A_534 = tpu.memref_slice %arg23[%dma_start3A_533] : memref<163840xf32, #tpu.memory_space<vmem_shared>> -> memref<163840xf32, #tpu.memory_space<vmem_shared>>
    %dma_start3A_535 = arith.constant -1 : i32
    tpu.enqueue_indirect_dma source(%dma_start3A_529 : memref<64xf32, #tpu.memory_space<vmem>>) target(%dma_start3A_534 : memref<163840xf32, #tpu.memory_space<vmem_shared>>) offsets(%dma_start3A_532 : memref<64xi32, #tpu.memory_space<vmem>>) offset_filter(%dma_start3A_535) semaphore(%arg26 : memref<!tpu.dma_semaphore, #tpu.memory_space<semaphore_mem>>) {add = true}
    %dma_start3A_536 = arith.constant 1 : i32
    %dma_start3A_537 = arith.constant 1 : i32
    %dma_start3A_538 = arith.constant 0 : i32
    %dma_start3A_539 = tpu.memref_slice %arg18[%dma_start3A_536, %dma_start3A_538] : memref<10x64xf32, #tpu.memory_space<vmem>> -> memref<1x64xf32, #tpu.memory_space<vmem>>
    %dma_start3A_540 = tpu.memref_squeeze %dma_start3A_539 : memref<1x64xf32, #tpu.memory_space<vmem>> -> memref<64xf32, #tpu.memory_space<vmem>>
    %dma_start3A_541 = arith.constant 0 : i32
    %dma_start3A_542 = tpu.memref_slice %arg17[%dma_start3A_537, %dma_start3A_541] : memref<10x64xi32, #tpu.memory_space<vmem>> -> memref<1x64xi32, #tpu.memory_space<vmem>>
    %dma_start3A_543 = tpu.memref_squeeze %dma_start3A_542 : memref<1x64xi32, #tpu.memory_space<vmem>> -> memref<64xi32, #tpu.memory_space<vmem>>
    %dma_start3A_544 = arith.constant 0 : i32
    %dma_start3A_545 = tpu.memref_slice %arg24[%dma_start3A_544] : memref<5120xf32, #tpu.memory_space<vmem_shared>> -> memref<5120xf32, #tpu.memory_space<vmem_shared>>
    %dma_start3A_546 = arith.constant -1 : i32
    tpu.enqueue_indirect_dma source(%dma_start3A_540 : memref<64xf32, #tpu.memory_space<vmem>>) target(%dma_start3A_545 : memref<5120xf32, #tpu.memory_space<vmem_shared>>) offsets(%dma_start3A_543 : memref<64xi32, #tpu.memory_space<vmem>>) offset_filter(%dma_start3A_546) semaphore(%arg26 : memref<!tpu.dma_semaphore, #tpu.memory_space<semaphore_mem>>) {add = true}
    %get3A_547 = arith.constant 128 : index
    %get3A_548 = tpu.vector_load %arg10[%get3A_547] {strides = array<i32>} : memref<640xi32, #tpu.memory_space<vmem>>, vector<16xi32>,
    %get3A_549 = arith.constant 128 : index
    %get3A_550 = tpu.vector_load %arg11[%get3A_549] {strides = array<i32>} : memref<640xi32, #tpu.memory_space<vmem>>, vector<16xi32>,
    %get3A_551 = arith.constant 128 : index
    %get3A_552 = tpu.vector_load %arg12[%get3A_551] {strides = array<i32>} : memref<640xi32, #tpu.memory_space<vmem>>, vector<16xi32>,
    %gather3A_553 = tpu.vector_load_idx %arg13[%get3A_550] : memref<1000xf32, #tpu.memory_space<vmem>>[vector<16xi32>], vector<16xf32>,
    %gather3A_554 = tpu.vector_load_idx %arg14[%get3A_550] : memref<1000xf32, #tpu.memory_space<vmem>>[vector<16xi32>], vector<16xf32>,
    %add3A_555 = arith.constant 128 : i32
    %add3A_556 = arith.addi %multiple_of3A, %add3A_555 : i32
    %iota3A_557 = tpu.iota {dimensions = array<i32: 0>} : vector<16xi32>
    %add3A_558 = vector.broadcast %add3A_556 : i32 to vector<16xi32>
    %add3A_559 = arith.addi %add3A_558, %iota3A_557 : vector<16xi32>
    %sub3A_560 = vector.broadcast %mul3A_4 : i32 to vector<16xi32>
    %sub3A_561 = arith.subi %get3A_548, %sub3A_560 : vector<16xi32>
    %ge3A_562 = vector.broadcast %mul3A_0 : i32 to vector<16xi32>
    %ge3A_563 = arith.cmpi sge, %add3A_559, %ge3A_562 : vector<16xi32>
    %add3A_564 = arith.constant 625 : i32
    %add3A_565 = arith.addi %mul3A_0, %add3A_564 : i32
    %lt3A_566 = vector.broadcast %add3A_565 : i32 to vector<16xi32>
    %lt3A_567 = arith.cmpi slt, %add3A_559, %lt3A_566 : vector<16xi32>
    %and3A_568 = arith.andi %ge3A_563, %lt3A_567 : vector<16xi1>
    %ge3A_569 = arith.constant 0 : i32
    %ge3A_570 = vector.broadcast %ge3A_569 : i32 to vector<16xi32>
    %ge3A_571 = arith.cmpi sge, %sub3A_561, %ge3A_570 : vector<16xi32>
    %and3A_572 = arith.andi %and3A_568, %ge3A_571 : vector<16xi1>
    %lt3A_573 = arith.constant 5000 : i32
    %lt3A_574 = vector.broadcast %lt3A_573 : i32 to vector<16xi32>
    %lt3A_575 = arith.cmpi slt, %sub3A_561, %lt3A_574 : vector<16xi32>
    %and3A_576 = arith.andi %and3A_572, %lt3A_575 : vector<16xi1>
    %jit3A_577 = arith.constant 0 : i32
    %broadcast_in_dim3A_578 = vector.broadcast %jit3A_577 : i32 to vector<16xi32>
    %select_n3A_579 = arith.select %and3A_576, %sub3A_561, %broadcast_in_dim3A_578 : vector<16xi1>, vector<16xi32>
    %broadcast_in_dim3A_580 = arith.constant -1 : i32
    %broadcast_in_dim3A_581 = vector.broadcast %broadcast_in_dim3A_580 : i32 to vector<16xi32>
    %mul3A_582 = arith.constant 5120 : i32
    %mul3A_583 = vector.broadcast %mul3A_582 : i32 to vector<16xi32>
    %mul3A_584 = arith.muli %get3A_552, %mul3A_583 : vector<16xi32>
    %add3A_585 = arith.addi %mul3A_584, %select_n3A_579 : vector<16xi32>
    %select_n3A_586 = arith.select %and3A_576, %add3A_585, %broadcast_in_dim3A_581 : vector<16xi1>, vector<16xi32>
    %swap3A_587 = arith.constant 2 : i32
    %swap3A_588 = arith.index_cast %swap3A_587 : i32 to index
    %swap3A_589 = arith.constant 0 : index
    %swap3A_590 = tpu.vector_load %arg15[%swap3A_588, %swap3A_589] {strides = array<i32>} : memref<10x64xi32, #tpu.memory_space<vmem>>, vector<16xi32>,
    tpu.vector_store %arg15[%swap3A_588, %swap3A_589], %select_n3A_586 {strides = array<i32>} : memref<10x64xi32, #tpu.memory_space<vmem>>, vector<16xi32>,
    %select_n3A_591 = arith.select %and3A_576, %gather3A_554, %broadcast_in_dim3A_36 : vector<16xi1>, vector<16xf32>
    %swap3A_592 = arith.constant 2 : i32
    %swap3A_593 = arith.index_cast %swap3A_592 : i32 to index
    %swap3A_594 = arith.constant 0 : index
    %swap3A_595 = tpu.vector_load %arg16[%swap3A_593, %swap3A_594] {strides = array<i32>} : memref<10x64xf32, #tpu.memory_space<vmem>>, vector<16xf32>,
    tpu.vector_store %arg16[%swap3A_593, %swap3A_594], %select_n3A_591 {strides = array<i32>} : memref<10x64xf32, #tpu.memory_space<vmem>>, vector<16xf32>,
    %select_n3A_596 = arith.select %and3A_576, %select_n3A_579, %broadcast_in_dim3A_581 : vector<16xi1>, vector<16xi32>
    %swap3A_597 = arith.constant 2 : i32
    %swap3A_598 = arith.index_cast %swap3A_597 : i32 to index
    %swap3A_599 = arith.constant 0 : index
    %swap3A_600 = tpu.vector_load %arg17[%swap3A_598, %swap3A_599] {strides = array<i32>} : memref<10x64xi32, #tpu.memory_space<vmem>>, vector<16xi32>,
    tpu.vector_store %arg17[%swap3A_598, %swap3A_599], %select_n3A_596 {strides = array<i32>} : memref<10x64xi32, #tpu.memory_space<vmem>>, vector<16xi32>,
    %select_n3A_601 = arith.select %and3A_576, %gather3A_553, %broadcast_in_dim3A_36 : vector<16xi1>, vector<16xf32>
    %swap3A_602 = arith.constant 2 : i32
    %swap3A_603 = arith.index_cast %swap3A_602 : i32 to index
    %swap3A_604 = arith.constant 0 : index
    %swap3A_605 = tpu.vector_load %arg18[%swap3A_603, %swap3A_604] {strides = array<i32>} : memref<10x64xf32, #tpu.memory_space<vmem>>, vector<16xf32>,
    tpu.vector_store %arg18[%swap3A_603, %swap3A_604], %select_n3A_601 {strides = array<i32>} : memref<10x64xf32, #tpu.memory_space<vmem>>, vector<16xf32>,
    %get3A_606 = arith.constant 144 : index
    %get3A_607 = tpu.vector_load %arg10[%get3A_606] {strides = array<i32>} : memref<640xi32, #tpu.memory_space<vmem>>, vector<16xi32>,
    %get3A_608 = arith.constant 144 : index
    %get3A_609 = tpu.vector_load %arg11[%get3A_608] {strides = array<i32>} : memref<640xi32, #tpu.memory_space<vmem>>, vector<16xi32>,
    %get3A_610 = arith.constant 144 : index
    %get3A_611 = tpu.vector_load %arg12[%get3A_610] {strides = array<i32>} : memref<640xi32, #tpu.memory_space<vmem>>, vector<16xi32>,
    %gather3A_612 = tpu.vector_load_idx %arg13[%get3A_609] : memref<1000xf32, #tpu.memory_space<vmem>>[vector<16xi32>], vector<16xf32>,
    %gather3A_613 = tpu.vector_load_idx %arg14[%get3A_609] : memref<1000xf32, #tpu.memory_space<vmem>>[vector<16xi32>], vector<16xf32>,
    %add3A_614 = arith.constant 144 : i32
    %add3A_615 = arith.addi %multiple_of3A, %add3A_614 : i32
    %iota3A_616 = tpu.iota {dimensions = array<i32: 0>} : vector<16xi32>
    %add3A_617 = vector.broadcast %add3A_615 : i32 to vector<16xi32>
    %add3A_618 = arith.addi %add3A_617, %iota3A_616 : vector<16xi32>
    %sub3A_619 = vector.broadcast %mul3A_4 : i32 to vector<16xi32>
    %sub3A_620 = arith.subi %get3A_607, %sub3A_619 : vector<16xi32>
    %ge3A_621 = vector.broadcast %mul3A_0 : i32 to vector<16xi32>
    %ge3A_622 = arith.cmpi sge, %add3A_618, %ge3A_621 : vector<16xi32>
    %add3A_623 = arith.constant 625 : i32
    %add3A_624 = arith.addi %mul3A_0, %add3A_623 : i32
    %lt3A_625 = vector.broadcast %add3A_624 : i32 to vector<16xi32>
    %lt3A_626 = arith.cmpi slt, %add3A_618, %lt3A_625 : vector<16xi32>
    %and3A_627 = arith.andi %ge3A_622, %lt3A_626 : vector<16xi1>
    %ge3A_628 = arith.constant 0 : i32
    %ge3A_629 = vector.broadcast %ge3A_628 : i32 to vector<16xi32>
    %ge3A_630 = arith.cmpi sge, %sub3A_620, %ge3A_629 : vector<16xi32>
    %and3A_631 = arith.andi %and3A_627, %ge3A_630 : vector<16xi1>
    %lt3A_632 = arith.constant 5000 : i32
    %lt3A_633 = vector.broadcast %lt3A_632 : i32 to vector<16xi32>
    %lt3A_634 = arith.cmpi slt, %sub3A_620, %lt3A_633 : vector<16xi32>
    %and3A_635 = arith.andi %and3A_631, %lt3A_634 : vector<16xi1>
    %jit3A_636 = arith.constant 0 : i32
    %broadcast_in_dim3A_637 = vector.broadcast %jit3A_636 : i32 to vector<16xi32>
    %select_n3A_638 = arith.select %and3A_635, %sub3A_620, %broadcast_in_dim3A_637 : vector<16xi1>, vector<16xi32>
    %broadcast_in_dim3A_639 = arith.constant -1 : i32
    %broadcast_in_dim3A_640 = vector.broadcast %broadcast_in_dim3A_639 : i32 to vector<16xi32>
    %mul3A_641 = arith.constant 5120 : i32
    %mul3A_642 = vector.broadcast %mul3A_641 : i32 to vector<16xi32>
    %mul3A_643 = arith.muli %get3A_611, %mul3A_642 : vector<16xi32>
    %add3A_644 = arith.addi %mul3A_643, %select_n3A_638 : vector<16xi32>
    %select_n3A_645 = arith.select %and3A_635, %add3A_644, %broadcast_in_dim3A_640 : vector<16xi1>, vector<16xi32>
    %swap3A_646 = arith.constant 2 : i32
    %swap3A_647 = arith.index_cast %swap3A_646 : i32 to index
    %swap3A_648 = arith.constant 16 : index
    %swap3A_649 = tpu.vector_load %arg15[%swap3A_647, %swap3A_648] {strides = array<i32>} : memref<10x64xi32, #tpu.memory_space<vmem>>, vector<16xi32>,
    tpu.vector_store %arg15[%swap3A_647, %swap3A_648], %select_n3A_645 {strides = array<i32>} : memref<10x64xi32, #tpu.memory_space<vmem>>, vector<16xi32>,
    %select_n3A_650 = arith.select %and3A_635, %gather3A_613, %broadcast_in_dim3A_36 : vector<16xi1>, vector<16xf32>
    %swap3A_651 = arith.constant 2 : i32
    %swap3A_652 = arith.index_cast %swap3A_651 : i32 to index
    %swap3A_653 = arith.constant 16 : index
    %swap3A_654 = tpu.vector_load %arg16[%swap3A_652, %swap3A_653] {strides = array<i32>} : memref<10x64xf32, #tpu.memory_space<vmem>>, vector<16xf32>,
    tpu.vector_store %arg16[%swap3A_652, %swap3A_653], %select_n3A_650 {strides = array<i32>} : memref<10x64xf32, #tpu.memory_space<vmem>>, vector<16xf32>,
    %select_n3A_655 = arith.select %and3A_635, %select_n3A_638, %broadcast_in_dim3A_640 : vector<16xi1>, vector<16xi32>
    %swap3A_656 = arith.constant 2 : i32
    %swap3A_657 = arith.index_cast %swap3A_656 : i32 to index
    %swap3A_658 = arith.constant 16 : index
    %swap3A_659 = tpu.vector_load %arg17[%swap3A_657, %swap3A_658] {strides = array<i32>} : memref<10x64xi32, #tpu.memory_space<vmem>>, vector<16xi32>,
    tpu.vector_store %arg17[%swap3A_657, %swap3A_658], %select_n3A_655 {strides = array<i32>} : memref<10x64xi32, #tpu.memory_space<vmem>>, vector<16xi32>,
    %select_n3A_660 = arith.select %and3A_635, %gather3A_612, %broadcast_in_dim3A_36 : vector<16xi1>, vector<16xf32>
    %swap3A_661 = arith.constant 2 : i32
    %swap3A_662 = arith.index_cast %swap3A_661 : i32 to index
    %swap3A_663 = arith.constant 16 : index
    %swap3A_664 = tpu.vector_load %arg18[%swap3A_662, %swap3A_663] {strides = array<i32>} : memref<10x64xf32, #tpu.memory_space<vmem>>, vector<16xf32>,
    tpu.vector_store %arg18[%swap3A_662, %swap3A_663], %select_n3A_660 {strides = array<i32>} : memref<10x64xf32, #tpu.memory_space<vmem>>, vector<16xf32>,
    %get3A_665 = arith.constant 160 : index
    %get3A_666 = tpu.vector_load %arg10[%get3A_665] {strides = array<i32>} : memref<640xi32, #tpu.memory_space<vmem>>, vector<16xi32>,
    %get3A_667 = arith.constant 160 : index
    %get3A_668 = tpu.vector_load %arg11[%get3A_667] {strides = array<i32>} : memref<640xi32, #tpu.memory_space<vmem>>, vector<16xi32>,
    %get3A_669 = arith.constant 160 : index
    %get3A_670 = tpu.vector_load %arg12[%get3A_669] {strides = array<i32>} : memref<640xi32, #tpu.memory_space<vmem>>, vector<16xi32>,
    %gather3A_671 = tpu.vector_load_idx %arg13[%get3A_668] : memref<1000xf32, #tpu.memory_space<vmem>>[vector<16xi32>], vector<16xf32>,
    %gather3A_672 = tpu.vector_load_idx %arg14[%get3A_668] : memref<1000xf32, #tpu.memory_space<vmem>>[vector<16xi32>], vector<16xf32>,
    %add3A_673 = arith.constant 160 : i32
    %add3A_674 = arith.addi %multiple_of3A, %add3A_673 : i32
    %iota3A_675 = tpu.iota {dimensions = array<i32: 0>} : vector<16xi32>
    %add3A_676 = vector.broadcast %add3A_674 : i32 to vector<16xi32>
    %add3A_677 = arith.addi %add3A_676, %iota3A_675 : vector<16xi32>
    %sub3A_678 = vector.broadcast %mul3A_4 : i32 to vector<16xi32>
    %sub3A_679 = arith.subi %get3A_666, %sub3A_678 : vector<16xi32>
    %ge3A_680 = vector.broadcast %mul3A_0 : i32 to vector<16xi32>
    %ge3A_681 = arith.cmpi sge, %add3A_677, %ge3A_680 : vector<16xi32>
    %add3A_682 = arith.constant 625 : i32
    %add3A_683 = arith.addi %mul3A_0, %add3A_682 : i32
    %lt3A_684 = vector.broadcast %add3A_683 : i32 to vector<16xi32>
    %lt3A_685 = arith.cmpi slt, %add3A_677, %lt3A_684 : vector<16xi32>
    %and3A_686 = arith.andi %ge3A_681, %lt3A_685 : vector<16xi1>
    %ge3A_687 = arith.constant 0 : i32
    %ge3A_688 = vector.broadcast %ge3A_687 : i32 to vector<16xi32>
    %ge3A_689 = arith.cmpi sge, %sub3A_679, %ge3A_688 : vector<16xi32>
    %and3A_690 = arith.andi %and3A_686, %ge3A_689 : vector<16xi1>
    %lt3A_691 = arith.constant 5000 : i32
    %lt3A_692 = vector.broadcast %lt3A_691 : i32 to vector<16xi32>
    %lt3A_693 = arith.cmpi slt, %sub3A_679, %lt3A_692 : vector<16xi32>
    %and3A_694 = arith.andi %and3A_690, %lt3A_693 : vector<16xi1>
    %jit3A_695 = arith.constant 0 : i32
    %broadcast_in_dim3A_696 = vector.broadcast %jit3A_695 : i32 to vector<16xi32>
    %select_n3A_697 = arith.select %and3A_694, %sub3A_679, %broadcast_in_dim3A_696 : vector<16xi1>, vector<16xi32>
    %broadcast_in_dim3A_698 = arith.constant -1 : i32
    %broadcast_in_dim3A_699 = vector.broadcast %broadcast_in_dim3A_698 : i32 to vector<16xi32>
    %mul3A_700 = arith.constant 5120 : i32
    %mul3A_701 = vector.broadcast %mul3A_700 : i32 to vector<16xi32>
    %mul3A_702 = arith.muli %get3A_670, %mul3A_701 : vector<16xi32>
    %add3A_703 = arith.addi %mul3A_702, %select_n3A_697 : vector<16xi32>
    %select_n3A_704 = arith.select %and3A_694, %add3A_703, %broadcast_in_dim3A_699 : vector<16xi1>, vector<16xi32>
    %swap3A_705 = arith.constant 2 : i32
    %swap3A_706 = arith.index_cast %swap3A_705 : i32 to index
    %swap3A_707 = arith.constant 32 : index
    %swap3A_708 = tpu.vector_load %arg15[%swap3A_706, %swap3A_707] {strides = array<i32>} : memref<10x64xi32, #tpu.memory_space<vmem>>, vector<16xi32>,
    tpu.vector_store %arg15[%swap3A_706, %swap3A_707], %select_n3A_704 {strides = array<i32>} : memref<10x64xi32, #tpu.memory_space<vmem>>, vector<16xi32>,
    %select_n3A_709 = arith.select %and3A_694, %gather3A_672, %broadcast_in_dim3A_36 : vector<16xi1>, vector<16xf32>
    %swap3A_710 = arith.constant 2 : i32
    %swap3A_711 = arith.index_cast %swap3A_710 : i32 to index
    %swap3A_712 = arith.constant 32 : index
    %swap3A_713 = tpu.vector_load %arg16[%swap3A_711, %swap3A_712] {strides = array<i32>} : memref<10x64xf32, #tpu.memory_space<vmem>>, vector<16xf32>,
    tpu.vector_store %arg16[%swap3A_711, %swap3A_712], %select_n3A_709 {strides = array<i32>} : memref<10x64xf32, #tpu.memory_space<vmem>>, vector<16xf32>,
    %select_n3A_714 = arith.select %and3A_694, %select_n3A_697, %broadcast_in_dim3A_699 : vector<16xi1>, vector<16xi32>
    %swap3A_715 = arith.constant 2 : i32
    %swap3A_716 = arith.index_cast %swap3A_715 : i32 to index
    %swap3A_717 = arith.constant 32 : index
    %swap3A_718 = tpu.vector_load %arg17[%swap3A_716, %swap3A_717] {strides = array<i32>} : memref<10x64xi32, #tpu.memory_space<vmem>>, vector<16xi32>,
    tpu.vector_store %arg17[%swap3A_716, %swap3A_717], %select_n3A_714 {strides = array<i32>} : memref<10x64xi32, #tpu.memory_space<vmem>>, vector<16xi32>,
    %select_n3A_719 = arith.select %and3A_694, %gather3A_671, %broadcast_in_dim3A_36 : vector<16xi1>, vector<16xf32>
    %swap3A_720 = arith.constant 2 : i32
    %swap3A_721 = arith.index_cast %swap3A_720 : i32 to index
    %swap3A_722 = arith.constant 32 : index
    %swap3A_723 = tpu.vector_load %arg18[%swap3A_721, %swap3A_722] {strides = array<i32>} : memref<10x64xf32, #tpu.memory_space<vmem>>, vector<16xf32>,
    tpu.vector_store %arg18[%swap3A_721, %swap3A_722], %select_n3A_719 {strides = array<i32>} : memref<10x64xf32, #tpu.memory_space<vmem>>, vector<16xf32>,
    %get3A_724 = arith.constant 176 : index
    %get3A_725 = tpu.vector_load %arg10[%get3A_724] {strides = array<i32>} : memref<640xi32, #tpu.memory_space<vmem>>, vector<16xi32>,
    %get3A_726 = arith.constant 176 : index
    %get3A_727 = tpu.vector_load %arg11[%get3A_726] {strides = array<i32>} : memref<640xi32, #tpu.memory_space<vmem>>, vector<16xi32>,
    %get3A_728 = arith.constant 176 : index
    %get3A_729 = tpu.vector_load %arg12[%get3A_728] {strides = array<i32>} : memref<640xi32, #tpu.memory_space<vmem>>, vector<16xi32>,
    %gather3A_730 = tpu.vector_load_idx %arg13[%get3A_727] : memref<1000xf32, #tpu.memory_space<vmem>>[vector<16xi32>], vector<16xf32>,
    %gather3A_731 = tpu.vector_load_idx %arg14[%get3A_727] : memref<1000xf32, #tpu.memory_space<vmem>>[vector<16xi32>], vector<16xf32>,
    %add3A_732 = arith.constant 176 : i32
    %add3A_733 = arith.addi %multiple_of3A, %add3A_732 : i32
    %iota3A_734 = tpu.iota {dimensions = array<i32: 0>} : vector<16xi32>
    %add3A_735 = vector.broadcast %add3A_733 : i32 to vector<16xi32>
    %add3A_736 = arith.addi %add3A_735, %iota3A_734 : vector<16xi32>
    %sub3A_737 = vector.broadcast %mul3A_4 : i32 to vector<16xi32>
    %sub3A_738 = arith.subi %get3A_725, %sub3A_737 : vector<16xi32>
    %ge3A_739 = vector.broadcast %mul3A_0 : i32 to vector<16xi32>
    %ge3A_740 = arith.cmpi sge, %add3A_736, %ge3A_739 : vector<16xi32>
    %add3A_741 = arith.constant 625 : i32
    %add3A_742 = arith.addi %mul3A_0, %add3A_741 : i32
    %lt3A_743 = vector.broadcast %add3A_742 : i32 to vector<16xi32>
    %lt3A_744 = arith.cmpi slt, %add3A_736, %lt3A_743 : vector<16xi32>
    %and3A_745 = arith.andi %ge3A_740, %lt3A_744 : vector<16xi1>
    %ge3A_746 = arith.constant 0 : i32
    %ge3A_747 = vector.broadcast %ge3A_746 : i32 to vector<16xi32>
    %ge3A_748 = arith.cmpi sge, %sub3A_738, %ge3A_747 : vector<16xi32>
    %and3A_749 = arith.andi %and3A_745, %ge3A_748 : vector<16xi1>
    %lt3A_750 = arith.constant 5000 : i32
    %lt3A_751 = vector.broadcast %lt3A_750 : i32 to vector<16xi32>
    %lt3A_752 = arith.cmpi slt, %sub3A_738, %lt3A_751 : vector<16xi32>
    %and3A_753 = arith.andi %and3A_749, %lt3A_752 : vector<16xi1>
    %jit3A_754 = arith.constant 0 : i32
    %broadcast_in_dim3A_755 = vector.broadcast %jit3A_754 : i32 to vector<16xi32>
    %select_n3A_756 = arith.select %and3A_753, %sub3A_738, %broadcast_in_dim3A_755 : vector<16xi1>, vector<16xi32>
    %broadcast_in_dim3A_757 = arith.constant -1 : i32
    %broadcast_in_dim3A_758 = vector.broadcast %broadcast_in_dim3A_757 : i32 to vector<16xi32>
    %mul3A_759 = arith.constant 5120 : i32
    %mul3A_760 = vector.broadcast %mul3A_759 : i32 to vector<16xi32>
    %mul3A_761 = arith.muli %get3A_729, %mul3A_760 : vector<16xi32>
    %add3A_762 = arith.addi %mul3A_761, %select_n3A_756 : vector<16xi32>
    %select_n3A_763 = arith.select %and3A_753, %add3A_762, %broadcast_in_dim3A_758 : vector<16xi1>, vector<16xi32>
    %swap3A_764 = arith.constant 2 : i32
    %swap3A_765 = arith.index_cast %swap3A_764 : i32 to index
    %swap3A_766 = arith.constant 48 : index
    %swap3A_767 = tpu.vector_load %arg15[%swap3A_765, %swap3A_766] {strides = array<i32>} : memref<10x64xi32, #tpu.memory_space<vmem>>, vector<16xi32>,
    tpu.vector_store %arg15[%swap3A_765, %swap3A_766], %select_n3A_763 {strides = array<i32>} : memref<10x64xi32, #tpu.memory_space<vmem>>, vector<16xi32>,
    %select_n3A_768 = arith.select %and3A_753, %gather3A_731, %broadcast_in_dim3A_36 : vector<16xi1>, vector<16xf32>
    %swap3A_769 = arith.constant 2 : i32
    %swap3A_770 = arith.index_cast %swap3A_769 : i32 to index
    %swap3A_771 = arith.constant 48 : index
    %swap3A_772 = tpu.vector_load %arg16[%swap3A_770, %swap3A_771] {strides = array<i32>} : memref<10x64xf32, #tpu.memory_space<vmem>>, vector<16xf32>,
    tpu.vector_store %arg16[%swap3A_770, %swap3A_771], %select_n3A_768 {strides = array<i32>} : memref<10x64xf32, #tpu.memory_space<vmem>>, vector<16xf32>,
    %select_n3A_773 = arith.select %and3A_753, %select_n3A_756, %broadcast_in_dim3A_758 : vector<16xi1>, vector<16xi32>
    %swap3A_774 = arith.constant 2 : i32
    %swap3A_775 = arith.index_cast %swap3A_774 : i32 to index
    %swap3A_776 = arith.constant 48 : index
    %swap3A_777 = tpu.vector_load %arg17[%swap3A_775, %swap3A_776] {strides = array<i32>} : memref<10x64xi32, #tpu.memory_space<vmem>>, vector<16xi32>,
    tpu.vector_store %arg17[%swap3A_775, %swap3A_776], %select_n3A_773 {strides = array<i32>} : memref<10x64xi32, #tpu.memory_space<vmem>>, vector<16xi32>,
    %select_n3A_778 = arith.select %and3A_753, %gather3A_730, %broadcast_in_dim3A_36 : vector<16xi1>, vector<16xf32>
    %swap3A_779 = arith.constant 2 : i32
    %swap3A_780 = arith.index_cast %swap3A_779 : i32 to index
    %swap3A_781 = arith.constant 48 : index
    %swap3A_782 = tpu.vector_load %arg18[%swap3A_780, %swap3A_781] {strides = array<i32>} : memref<10x64xf32, #tpu.memory_space<vmem>>, vector<16xf32>,
    tpu.vector_store %arg18[%swap3A_780, %swap3A_781], %select_n3A_778 {strides = array<i32>} : memref<10x64xf32, #tpu.memory_space<vmem>>, vector<16xf32>,
    %dma_start3A_783 = arith.constant 2 : i32
    %dma_start3A_784 = arith.constant 2 : i32
    %dma_start3A_785 = arith.constant 0 : i32
    %dma_start3A_786 = tpu.memref_slice %arg16[%dma_start3A_783, %dma_start3A_785] : memref<10x64xf32, #tpu.memory_space<vmem>> -> memref<1x64xf32, #tpu.memory_space<vmem>>
    %dma_start3A_787 = tpu.memref_squeeze %dma_start3A_786 : memref<1x64xf32, #tpu.memory_space<vmem>> -> memref<64xf32, #tpu.memory_space<vmem>>
    %dma_start3A_788 = arith.constant 0 : i32
    %dma_start3A_789 = tpu.memref_slice %arg15[%dma_start3A_784, %dma_start3A_788] : memref<10x64xi32, #tpu.memory_space<vmem>> -> memref<1x64xi32, #tpu.memory_space<vmem>>
    %dma_start3A_790 = tpu.memref_squeeze %dma_start3A_789 : memref<1x64xi32, #tpu.memory_space<vmem>> -> memref<64xi32, #tpu.memory_space<vmem>>
    %dma_start3A_791 = arith.constant 0 : i32
    %dma_start3A_792 = tpu.memref_slice %arg23[%dma_start3A_791] : memref<163840xf32, #tpu.memory_space<vmem_shared>> -> memref<163840xf32, #tpu.memory_space<vmem_shared>>
    %dma_start3A_793 = arith.constant -1 : i32
    tpu.enqueue_indirect_dma source(%dma_start3A_787 : memref<64xf32, #tpu.memory_space<vmem>>) target(%dma_start3A_792 : memref<163840xf32, #tpu.memory_space<vmem_shared>>) offsets(%dma_start3A_790 : memref<64xi32, #tpu.memory_space<vmem>>) offset_filter(%dma_start3A_793) semaphore(%arg26 : memref<!tpu.dma_semaphore, #tpu.memory_space<semaphore_mem>>) {add = true}
    %dma_start3A_794 = arith.constant 2 : i32
    %dma_start3A_795 = arith.constant 2 : i32
    %dma_start3A_796 = arith.constant 0 : i32
    %dma_start3A_797 = tpu.memref_slice %arg18[%dma_start3A_794, %dma_start3A_796] : memref<10x64xf32, #tpu.memory_space<vmem>> -> memref<1x64xf32, #tpu.memory_space<vmem>>
    %dma_start3A_798 = tpu.memref_squeeze %dma_start3A_797 : memref<1x64xf32, #tpu.memory_space<vmem>> -> memref<64xf32, #tpu.memory_space<vmem>>
    %dma_start3A_799 = arith.constant 0 : i32
    %dma_start3A_800 = tpu.memref_slice %arg17[%dma_start3A_795, %dma_start3A_799] : memref<10x64xi32, #tpu.memory_space<vmem>> -> memref<1x64xi32, #tpu.memory_space<vmem>>
    %dma_start3A_801 = tpu.memref_squeeze %dma_start3A_800 : memref<1x64xi32, #tpu.memory_space<vmem>> -> memref<64xi32, #tpu.memory_space<vmem>>
    %dma_start3A_802 = arith.constant 0 : i32
    %dma_start3A_803 = tpu.memref_slice %arg24[%dma_start3A_802] : memref<5120xf32, #tpu.memory_space<vmem_shared>> -> memref<5120xf32, #tpu.memory_space<vmem_shared>>
    %dma_start3A_804 = arith.constant -1 : i32
    tpu.enqueue_indirect_dma source(%dma_start3A_798 : memref<64xf32, #tpu.memory_space<vmem>>) target(%dma_start3A_803 : memref<5120xf32, #tpu.memory_space<vmem_shared>>) offsets(%dma_start3A_801 : memref<64xi32, #tpu.memory_space<vmem>>) offset_filter(%dma_start3A_804) semaphore(%arg26 : memref<!tpu.dma_semaphore, #tpu.memory_space<semaphore_mem>>) {add = true}
    %get3A_805 = arith.constant 192 : index
    %get3A_806 = tpu.vector_load %arg10[%get3A_805] {strides = array<i32>} : memref<640xi32, #tpu.memory_space<vmem>>, vector<16xi32>,
    %get3A_807 = arith.constant 192 : index
    %get3A_808 = tpu.vector_load %arg11[%get3A_807] {strides = array<i32>} : memref<640xi32, #tpu.memory_space<vmem>>, vector<16xi32>,
    %get3A_809 = arith.constant 192 : index
    %get3A_810 = tpu.vector_load %arg12[%get3A_809] {strides = array<i32>} : memref<640xi32, #tpu.memory_space<vmem>>, vector<16xi32>,
    %gather3A_811 = tpu.vector_load_idx %arg13[%get3A_808] : memref<1000xf32, #tpu.memory_space<vmem>>[vector<16xi32>], vector<16xf32>,
    %gather3A_812 = tpu.vector_load_idx %arg14[%get3A_808] : memref<1000xf32, #tpu.memory_space<vmem>>[vector<16xi32>], vector<16xf32>,
    %add3A_813 = arith.constant 192 : i32
    %add3A_814 = arith.addi %multiple_of3A, %add3A_813 : i32
    %iota3A_815 = tpu.iota {dimensions = array<i32: 0>} : vector<16xi32>
    %add3A_816 = vector.broadcast %add3A_814 : i32 to vector<16xi32>
    %add3A_817 = arith.addi %add3A_816, %iota3A_815 : vector<16xi32>
    %sub3A_818 = vector.broadcast %mul3A_4 : i32 to vector<16xi32>
    %sub3A_819 = arith.subi %get3A_806, %sub3A_818 : vector<16xi32>
    %ge3A_820 = vector.broadcast %mul3A_0 : i32 to vector<16xi32>
    %ge3A_821 = arith.cmpi sge, %add3A_817, %ge3A_820 : vector<16xi32>
    %add3A_822 = arith.constant 625 : i32
    %add3A_823 = arith.addi %mul3A_0, %add3A_822 : i32
    %lt3A_824 = vector.broadcast %add3A_823 : i32 to vector<16xi32>
    %lt3A_825 = arith.cmpi slt, %add3A_817, %lt3A_824 : vector<16xi32>
    %and3A_826 = arith.andi %ge3A_821, %lt3A_825 : vector<16xi1>
    %ge3A_827 = arith.constant 0 : i32
    %ge3A_828 = vector.broadcast %ge3A_827 : i32 to vector<16xi32>
    %ge3A_829 = arith.cmpi sge, %sub3A_819, %ge3A_828 : vector<16xi32>
    %and3A_830 = arith.andi %and3A_826, %ge3A_829 : vector<16xi1>
    %lt3A_831 = arith.constant 5000 : i32
    %lt3A_832 = vector.broadcast %lt3A_831 : i32 to vector<16xi32>
    %lt3A_833 = arith.cmpi slt, %sub3A_819, %lt3A_832 : vector<16xi32>
    %and3A_834 = arith.andi %and3A_830, %lt3A_833 : vector<16xi1>
    %jit3A_835 = arith.constant 0 : i32
    %broadcast_in_dim3A_836 = vector.broadcast %jit3A_835 : i32 to vector<16xi32>
    %select_n3A_837 = arith.select %and3A_834, %sub3A_819, %broadcast_in_dim3A_836 : vector<16xi1>, vector<16xi32>
    %broadcast_in_dim3A_838 = arith.constant -1 : i32
    %broadcast_in_dim3A_839 = vector.broadcast %broadcast_in_dim3A_838 : i32 to vector<16xi32>
    %mul3A_840 = arith.constant 5120 : i32
    %mul3A_841 = vector.broadcast %mul3A_840 : i32 to vector<16xi32>
    %mul3A_842 = arith.muli %get3A_810, %mul3A_841 : vector<16xi32>
    %add3A_843 = arith.addi %mul3A_842, %select_n3A_837 : vector<16xi32>
    %select_n3A_844 = arith.select %and3A_834, %add3A_843, %broadcast_in_dim3A_839 : vector<16xi1>, vector<16xi32>
    %swap3A_845 = arith.constant 3 : i32
    %swap3A_846 = arith.index_cast %swap3A_845 : i32 to index
    %swap3A_847 = arith.constant 0 : index
    %swap3A_848 = tpu.vector_load %arg15[%swap3A_846, %swap3A_847] {strides = array<i32>} : memref<10x64xi32, #tpu.memory_space<vmem>>, vector<16xi32>,
    tpu.vector_store %arg15[%swap3A_846, %swap3A_847], %select_n3A_844 {strides = array<i32>} : memref<10x64xi32, #tpu.memory_space<vmem>>, vector<16xi32>,
    %select_n3A_849 = arith.select %and3A_834, %gather3A_812, %broadcast_in_dim3A_36 : vector<16xi1>, vector<16xf32>
    %swap3A_850 = arith.constant 3 : i32
    %swap3A_851 = arith.index_cast %swap3A_850 : i32 to index
    %swap3A_852 = arith.constant 0 : index
    %swap3A_853 = tpu.vector_load %arg16[%swap3A_851, %swap3A_852] {strides = array<i32>} : memref<10x64xf32, #tpu.memory_space<vmem>>, vector<16xf32>,
    tpu.vector_store %arg16[%swap3A_851, %swap3A_852], %select_n3A_849 {strides = array<i32>} : memref<10x64xf32, #tpu.memory_space<vmem>>, vector<16xf32>,
    %select_n3A_854 = arith.select %and3A_834, %select_n3A_837, %broadcast_in_dim3A_839 : vector<16xi1>, vector<16xi32>
    %swap3A_855 = arith.constant 3 : i32
    %swap3A_856 = arith.index_cast %swap3A_855 : i32 to index
    %swap3A_857 = arith.constant 0 : index
    %swap3A_858 = tpu.vector_load %arg17[%swap3A_856, %swap3A_857] {strides = array<i32>} : memref<10x64xi32, #tpu.memory_space<vmem>>, vector<16xi32>,
    tpu.vector_store %arg17[%swap3A_856, %swap3A_857], %select_n3A_854 {strides = array<i32>} : memref<10x64xi32, #tpu.memory_space<vmem>>, vector<16xi32>,
    %select_n3A_859 = arith.select %and3A_834, %gather3A_811, %broadcast_in_dim3A_36 : vector<16xi1>, vector<16xf32>
    %swap3A_860 = arith.constant 3 : i32
    %swap3A_861 = arith.index_cast %swap3A_860 : i32 to index
    %swap3A_862 = arith.constant 0 : index
    %swap3A_863 = tpu.vector_load %arg18[%swap3A_861, %swap3A_862] {strides = array<i32>} : memref<10x64xf32, #tpu.memory_space<vmem>>, vector<16xf32>,
    tpu.vector_store %arg18[%swap3A_861, %swap3A_862], %select_n3A_859 {strides = array<i32>} : memref<10x64xf32, #tpu.memory_space<vmem>>, vector<16xf32>,
    %get3A_864 = arith.constant 208 : index
    %get3A_865 = tpu.vector_load %arg10[%get3A_864] {strides = array<i32>} : memref<640xi32, #tpu.memory_space<vmem>>, vector<16xi32>,
    %get3A_866 = arith.constant 208 : index
    %get3A_867 = tpu.vector_load %arg11[%get3A_866] {strides = array<i32>} : memref<640xi32, #tpu.memory_space<vmem>>, vector<16xi32>,
    %get3A_868 = arith.constant 208 : index
    %get3A_869 = tpu.vector_load %arg12[%get3A_868] {strides = array<i32>} : memref<640xi32, #tpu.memory_space<vmem>>, vector<16xi32>,
    %gather3A_870 = tpu.vector_load_idx %arg13[%get3A_867] : memref<1000xf32, #tpu.memory_space<vmem>>[vector<16xi32>], vector<16xf32>,
    %gather3A_871 = tpu.vector_load_idx %arg14[%get3A_867] : memref<1000xf32, #tpu.memory_space<vmem>>[vector<16xi32>], vector<16xf32>,
    %add3A_872 = arith.constant 208 : i32
    %add3A_873 = arith.addi %multiple_of3A, %add3A_872 : i32
    %iota3A_874 = tpu.iota {dimensions = array<i32: 0>} : vector<16xi32>
    %add3A_875 = vector.broadcast %add3A_873 : i32 to vector<16xi32>
    %add3A_876 = arith.addi %add3A_875, %iota3A_874 : vector<16xi32>
    %sub3A_877 = vector.broadcast %mul3A_4 : i32 to vector<16xi32>
    %sub3A_878 = arith.subi %get3A_865, %sub3A_877 : vector<16xi32>
    %ge3A_879 = vector.broadcast %mul3A_0 : i32 to vector<16xi32>
    %ge3A_880 = arith.cmpi sge, %add3A_876, %ge3A_879 : vector<16xi32>
    %add3A_881 = arith.constant 625 : i32
    %add3A_882 = arith.addi %mul3A_0, %add3A_881 : i32
    %lt3A_883 = vector.broadcast %add3A_882 : i32 to vector<16xi32>
    %lt3A_884 = arith.cmpi slt, %add3A_876, %lt3A_883 : vector<16xi32>
    %and3A_885 = arith.andi %ge3A_880, %lt3A_884 : vector<16xi1>
    %ge3A_886 = arith.constant 0 : i32
    %ge3A_887 = vector.broadcast %ge3A_886 : i32 to vector<16xi32>
    %ge3A_888 = arith.cmpi sge, %sub3A_878, %ge3A_887 : vector<16xi32>
    %and3A_889 = arith.andi %and3A_885, %ge3A_888 : vector<16xi1>
    %lt3A_890 = arith.constant 5000 : i32
    %lt3A_891 = vector.broadcast %lt3A_890 : i32 to vector<16xi32>
    %lt3A_892 = arith.cmpi slt, %sub3A_878, %lt3A_891 : vector<16xi32>
    %and3A_893 = arith.andi %and3A_889, %lt3A_892 : vector<16xi1>
    %jit3A_894 = arith.constant 0 : i32
    %broadcast_in_dim3A_895 = vector.broadcast %jit3A_894 : i32 to vector<16xi32>
    %select_n3A_896 = arith.select %and3A_893, %sub3A_878, %broadcast_in_dim3A_895 : vector<16xi1>, vector<16xi32>
    %broadcast_in_dim3A_897 = arith.constant -1 : i32
    %broadcast_in_dim3A_898 = vector.broadcast %broadcast_in_dim3A_897 : i32 to vector<16xi32>
    %mul3A_899 = arith.constant 5120 : i32
    %mul3A_900 = vector.broadcast %mul3A_899 : i32 to vector<16xi32>
    %mul3A_901 = arith.muli %get3A_869, %mul3A_900 : vector<16xi32>
    %add3A_902 = arith.addi %mul3A_901, %select_n3A_896 : vector<16xi32>
    %select_n3A_903 = arith.select %and3A_893, %add3A_902, %broadcast_in_dim3A_898 : vector<16xi1>, vector<16xi32>
    %swap3A_904 = arith.constant 3 : i32
    %swap3A_905 = arith.index_cast %swap3A_904 : i32 to index
    %swap3A_906 = arith.constant 16 : index
    %swap3A_907 = tpu.vector_load %arg15[%swap3A_905, %swap3A_906] {strides = array<i32>} : memref<10x64xi32, #tpu.memory_space<vmem>>, vector<16xi32>,
    tpu.vector_store %arg15[%swap3A_905, %swap3A_906], %select_n3A_903 {strides = array<i32>} : memref<10x64xi32, #tpu.memory_space<vmem>>, vector<16xi32>,
    %select_n3A_908 = arith.select %and3A_893, %gather3A_871, %broadcast_in_dim3A_36 : vector<16xi1>, vector<16xf32>
    %swap3A_909 = arith.constant 3 : i32
    %swap3A_910 = arith.index_cast %swap3A_909 : i32 to index
    %swap3A_911 = arith.constant 16 : index
    %swap3A_912 = tpu.vector_load %arg16[%swap3A_910, %swap3A_911] {strides = array<i32>} : memref<10x64xf32, #tpu.memory_space<vmem>>, vector<16xf32>,
    tpu.vector_store %arg16[%swap3A_910, %swap3A_911], %select_n3A_908 {strides = array<i32>} : memref<10x64xf32, #tpu.memory_space<vmem>>, vector<16xf32>,
    %select_n3A_913 = arith.select %and3A_893, %select_n3A_896, %broadcast_in_dim3A_898 : vector<16xi1>, vector<16xi32>
    %swap3A_914 = arith.constant 3 : i32
    %swap3A_915 = arith.index_cast %swap3A_914 : i32 to index
    %swap3A_916 = arith.constant 16 : index
    %swap3A_917 = tpu.vector_load %arg17[%swap3A_915, %swap3A_916] {strides = array<i32>} : memref<10x64xi32, #tpu.memory_space<vmem>>, vector<16xi32>,
    tpu.vector_store %arg17[%swap3A_915, %swap3A_916], %select_n3A_913 {strides = array<i32>} : memref<10x64xi32, #tpu.memory_space<vmem>>, vector<16xi32>,
    %select_n3A_918 = arith.select %and3A_893, %gather3A_870, %broadcast_in_dim3A_36 : vector<16xi1>, vector<16xf32>
    %swap3A_919 = arith.constant 3 : i32
    %swap3A_920 = arith.index_cast %swap3A_919 : i32 to index
    %swap3A_921 = arith.constant 16 : index
    %swap3A_922 = tpu.vector_load %arg18[%swap3A_920, %swap3A_921] {strides = array<i32>} : memref<10x64xf32, #tpu.memory_space<vmem>>, vector<16xf32>,
    tpu.vector_store %arg18[%swap3A_920, %swap3A_921], %select_n3A_918 {strides = array<i32>} : memref<10x64xf32, #tpu.memory_space<vmem>>, vector<16xf32>,
    %get3A_923 = arith.constant 224 : index
    %get3A_924 = tpu.vector_load %arg10[%get3A_923] {strides = array<i32>} : memref<640xi32, #tpu.memory_space<vmem>>, vector<16xi32>,
    %get3A_925 = arith.constant 224 : index
    %get3A_926 = tpu.vector_load %arg11[%get3A_925] {strides = array<i32>} : memref<640xi32, #tpu.memory_space<vmem>>, vector<16xi32>,
    %get3A_927 = arith.constant 224 : index
    %get3A_928 = tpu.vector_load %arg12[%get3A_927] {strides = array<i32>} : memref<640xi32, #tpu.memory_space<vmem>>, vector<16xi32>,
    %gather3A_929 = tpu.vector_load_idx %arg13[%get3A_926] : memref<1000xf32, #tpu.memory_space<vmem>>[vector<16xi32>], vector<16xf32>,
    %gather3A_930 = tpu.vector_load_idx %arg14[%get3A_926] : memref<1000xf32, #tpu.memory_space<vmem>>[vector<16xi32>], vector<16xf32>,
    %add3A_931 = arith.constant 224 : i32
    %add3A_932 = arith.addi %multiple_of3A, %add3A_931 : i32
    %iota3A_933 = tpu.iota {dimensions = array<i32: 0>} : vector<16xi32>
    %add3A_934 = vector.broadcast %add3A_932 : i32 to vector<16xi32>
    %add3A_935 = arith.addi %add3A_934, %iota3A_933 : vector<16xi32>
    %sub3A_936 = vector.broadcast %mul3A_4 : i32 to vector<16xi32>
    %sub3A_937 = arith.subi %get3A_924, %sub3A_936 : vector<16xi32>
    %ge3A_938 = vector.broadcast %mul3A_0 : i32 to vector<16xi32>
    %ge3A_939 = arith.cmpi sge, %add3A_935, %ge3A_938 : vector<16xi32>
    %add3A_940 = arith.constant 625 : i32
    %add3A_941 = arith.addi %mul3A_0, %add3A_940 : i32
    %lt3A_942 = vector.broadcast %add3A_941 : i32 to vector<16xi32>
    %lt3A_943 = arith.cmpi slt, %add3A_935, %lt3A_942 : vector<16xi32>
    %and3A_944 = arith.andi %ge3A_939, %lt3A_943 : vector<16xi1>
    %ge3A_945 = arith.constant 0 : i32
    %ge3A_946 = vector.broadcast %ge3A_945 : i32 to vector<16xi32>
    %ge3A_947 = arith.cmpi sge, %sub3A_937, %ge3A_946 : vector<16xi32>
    %and3A_948 = arith.andi %and3A_944, %ge3A_947 : vector<16xi1>
    %lt3A_949 = arith.constant 5000 : i32
    %lt3A_950 = vector.broadcast %lt3A_949 : i32 to vector<16xi32>
    %lt3A_951 = arith.cmpi slt, %sub3A_937, %lt3A_950 : vector<16xi32>
    %and3A_952 = arith.andi %and3A_948, %lt3A_951 : vector<16xi1>
    %jit3A_953 = arith.constant 0 : i32
    %broadcast_in_dim3A_954 = vector.broadcast %jit3A_953 : i32 to vector<16xi32>
    %select_n3A_955 = arith.select %and3A_952, %sub3A_937, %broadcast_in_dim3A_954 : vector<16xi1>, vector<16xi32>
    %broadcast_in_dim3A_956 = arith.constant -1 : i32
    %broadcast_in_dim3A_957 = vector.broadcast %broadcast_in_dim3A_956 : i32 to vector<16xi32>
    %mul3A_958 = arith.constant 5120 : i32
    %mul3A_959 = vector.broadcast %mul3A_958 : i32 to vector<16xi32>
    %mul3A_960 = arith.muli %get3A_928, %mul3A_959 : vector<16xi32>
    %add3A_961 = arith.addi %mul3A_960, %select_n3A_955 : vector<16xi32>
    %select_n3A_962 = arith.select %and3A_952, %add3A_961, %broadcast_in_dim3A_957 : vector<16xi1>, vector<16xi32>
    %swap3A_963 = arith.constant 3 : i32
    %swap3A_964 = arith.index_cast %swap3A_963 : i32 to index
    %swap3A_965 = arith.constant 32 : index
    %swap3A_966 = tpu.vector_load %arg15[%swap3A_964, %swap3A_965] {strides = array<i32>} : memref<10x64xi32, #tpu.memory_space<vmem>>, vector<16xi32>,
    tpu.vector_store %arg15[%swap3A_964, %swap3A_965], %select_n3A_962 {strides = array<i32>} : memref<10x64xi32, #tpu.memory_space<vmem>>, vector<16xi32>,
    %select_n3A_967 = arith.select %and3A_952, %gather3A_930, %broadcast_in_dim3A_36 : vector<16xi1>, vector<16xf32>
    %swap3A_968 = arith.constant 3 : i32
    %swap3A_969 = arith.index_cast %swap3A_968 : i32 to index
    %swap3A_970 = arith.constant 32 : index
    %swap3A_971 = tpu.vector_load %arg16[%swap3A_969, %swap3A_970] {strides = array<i32>} : memref<10x64xf32, #tpu.memory_space<vmem>>, vector<16xf32>,
    tpu.vector_store %arg16[%swap3A_969, %swap3A_970], %select_n3A_967 {strides = array<i32>} : memref<10x64xf32, #tpu.memory_space<vmem>>, vector<16xf32>,
    %select_n3A_972 = arith.select %and3A_952, %select_n3A_955, %broadcast_in_dim3A_957 : vector<16xi1>, vector<16xi32>
    %swap3A_973 = arith.constant 3 : i32
    %swap3A_974 = arith.index_cast %swap3A_973 : i32 to index
    %swap3A_975 = arith.constant 32 : index
    %swap3A_976 = tpu.vector_load %arg17[%swap3A_974, %swap3A_975] {strides = array<i32>} : memref<10x64xi32, #tpu.memory_space<vmem>>, vector<16xi32>,
    tpu.vector_store %arg17[%swap3A_974, %swap3A_975], %select_n3A_972 {strides = array<i32>} : memref<10x64xi32, #tpu.memory_space<vmem>>, vector<16xi32>,
    %select_n3A_977 = arith.select %and3A_952, %gather3A_929, %broadcast_in_dim3A_36 : vector<16xi1>, vector<16xf32>
    %swap3A_978 = arith.constant 3 : i32
    %swap3A_979 = arith.index_cast %swap3A_978 : i32 to index
    %swap3A_980 = arith.constant 32 : index
    %swap3A_981 = tpu.vector_load %arg18[%swap3A_979, %swap3A_980] {strides = array<i32>} : memref<10x64xf32, #tpu.memory_space<vmem>>, vector<16xf32>,
    tpu.vector_store %arg18[%swap3A_979, %swap3A_980], %select_n3A_977 {strides = array<i32>} : memref<10x64xf32, #tpu.memory_space<vmem>>, vector<16xf32>,
    %get3A_982 = arith.constant 240 : index
    %get3A_983 = tpu.vector_load %arg10[%get3A_982] {strides = array<i32>} : memref<640xi32, #tpu.memory_space<vmem>>, vector<16xi32>,
    %get3A_984 = arith.constant 240 : index
    %get3A_985 = tpu.vector_load %arg11[%get3A_984] {strides = array<i32>} : memref<640xi32, #tpu.memory_space<vmem>>, vector<16xi32>,
    %get3A_986 = arith.constant 240 : index
    %get3A_987 = tpu.vector_load %arg12[%get3A_986] {strides = array<i32>} : memref<640xi32, #tpu.memory_space<vmem>>, vector<16xi32>,
    %gather3A_988 = tpu.vector_load_idx %arg13[%get3A_985] : memref<1000xf32, #tpu.memory_space<vmem>>[vector<16xi32>], vector<16xf32>,
    %gather3A_989 = tpu.vector_load_idx %arg14[%get3A_985] : memref<1000xf32, #tpu.memory_space<vmem>>[vector<16xi32>], vector<16xf32>,
    %add3A_990 = arith.constant 240 : i32
    %add3A_991 = arith.addi %multiple_of3A, %add3A_990 : i32
    %iota3A_992 = tpu.iota {dimensions = array<i32: 0>} : vector<16xi32>
    %add3A_993 = vector.broadcast %add3A_991 : i32 to vector<16xi32>
    %add3A_994 = arith.addi %add3A_993, %iota3A_992 : vector<16xi32>
    %sub3A_995 = vector.broadcast %mul3A_4 : i32 to vector<16xi32>
    %sub3A_996 = arith.subi %get3A_983, %sub3A_995 : vector<16xi32>
    %ge3A_997 = vector.broadcast %mul3A_0 : i32 to vector<16xi32>
    %ge3A_998 = arith.cmpi sge, %add3A_994, %ge3A_997 : vector<16xi32>
    %add3A_999 = arith.constant 625 : i32
    %add3A_1000 = arith.addi %mul3A_0, %add3A_999 : i32
    %lt3A_1001 = vector.broadcast %add3A_1000 : i32 to vector<16xi32>
    %lt3A_1002 = arith.cmpi slt, %add3A_994, %lt3A_1001 : vector<16xi32>
    %and3A_1003 = arith.andi %ge3A_998, %lt3A_1002 : vector<16xi1>
    %ge3A_1004 = arith.constant 0 : i32
    %ge3A_1005 = vector.broadcast %ge3A_1004 : i32 to vector<16xi32>
    %ge3A_1006 = arith.cmpi sge, %sub3A_996, %ge3A_1005 : vector<16xi32>
    %and3A_1007 = arith.andi %and3A_1003, %ge3A_1006 : vector<16xi1>
    %lt3A_1008 = arith.constant 5000 : i32
    %lt3A_1009 = vector.broadcast %lt3A_1008 : i32 to vector<16xi32>
    %lt3A_1010 = arith.cmpi slt, %sub3A_996, %lt3A_1009 : vector<16xi32>
    %and3A_1011 = arith.andi %and3A_1007, %lt3A_1010 : vector<16xi1>
    %jit3A_1012 = arith.constant 0 : i32
    %broadcast_in_dim3A_1013 = vector.broadcast %jit3A_1012 : i32 to vector<16xi32>
    %select_n3A_1014 = arith.select %and3A_1011, %sub3A_996, %broadcast_in_dim3A_1013 : vector<16xi1>, vector<16xi32>
    %broadcast_in_dim3A_1015 = arith.constant -1 : i32
    %broadcast_in_dim3A_1016 = vector.broadcast %broadcast_in_dim3A_1015 : i32 to vector<16xi32>
    %mul3A_1017 = arith.constant 5120 : i32
    %mul3A_1018 = vector.broadcast %mul3A_1017 : i32 to vector<16xi32>
    %mul3A_1019 = arith.muli %get3A_987, %mul3A_1018 : vector<16xi32>
    %add3A_1020 = arith.addi %mul3A_1019, %select_n3A_1014 : vector<16xi32>
    %select_n3A_1021 = arith.select %and3A_1011, %add3A_1020, %broadcast_in_dim3A_1016 : vector<16xi1>, vector<16xi32>
    %swap3A_1022 = arith.constant 3 : i32
    %swap3A_1023 = arith.index_cast %swap3A_1022 : i32 to index
    %swap3A_1024 = arith.constant 48 : index
    %swap3A_1025 = tpu.vector_load %arg15[%swap3A_1023, %swap3A_1024] {strides = array<i32>} : memref<10x64xi32, #tpu.memory_space<vmem>>, vector<16xi32>,
    tpu.vector_store %arg15[%swap3A_1023, %swap3A_1024], %select_n3A_1021 {strides = array<i32>} : memref<10x64xi32, #tpu.memory_space<vmem>>, vector<16xi32>,
    %select_n3A_1026 = arith.select %and3A_1011, %gather3A_989, %broadcast_in_dim3A_36 : vector<16xi1>, vector<16xf32>
    %swap3A_1027 = arith.constant 3 : i32
    %swap3A_1028 = arith.index_cast %swap3A_1027 : i32 to index
    %swap3A_1029 = arith.constant 48 : index
    %swap3A_1030 = tpu.vector_load %arg16[%swap3A_1028, %swap3A_1029] {strides = array<i32>} : memref<10x64xf32, #tpu.memory_space<vmem>>, vector<16xf32>,
    tpu.vector_store %arg16[%swap3A_1028, %swap3A_1029], %select_n3A_1026 {strides = array<i32>} : memref<10x64xf32, #tpu.memory_space<vmem>>, vector<16xf32>,
    %select_n3A_1031 = arith.select %and3A_1011, %select_n3A_1014, %broadcast_in_dim3A_1016 : vector<16xi1>, vector<16xi32>
    %swap3A_1032 = arith.constant 3 : i32
    %swap3A_1033 = arith.index_cast %swap3A_1032 : i32 to index
    %swap3A_1034 = arith.constant 48 : index
    %swap3A_1035 = tpu.vector_load %arg17[%swap3A_1033, %swap3A_1034] {strides = array<i32>} : memref<10x64xi32, #tpu.memory_space<vmem>>, vector<16xi32>,
    tpu.vector_store %arg17[%swap3A_1033, %swap3A_1034], %select_n3A_1031 {strides = array<i32>} : memref<10x64xi32, #tpu.memory_space<vmem>>, vector<16xi32>,
    %select_n3A_1036 = arith.select %and3A_1011, %gather3A_988, %broadcast_in_dim3A_36 : vector<16xi1>, vector<16xf32>
    %swap3A_1037 = arith.constant 3 : i32
    %swap3A_1038 = arith.index_cast %swap3A_1037 : i32 to index
    %swap3A_1039 = arith.constant 48 : index
    %swap3A_1040 = tpu.vector_load %arg18[%swap3A_1038, %swap3A_1039] {strides = array<i32>} : memref<10x64xf32, #tpu.memory_space<vmem>>, vector<16xf32>,
    tpu.vector_store %arg18[%swap3A_1038, %swap3A_1039], %select_n3A_1036 {strides = array<i32>} : memref<10x64xf32, #tpu.memory_space<vmem>>, vector<16xf32>,
    %dma_start3A_1041 = arith.constant 3 : i32
    %dma_start3A_1042 = arith.constant 3 : i32
    %dma_start3A_1043 = arith.constant 0 : i32
    %dma_start3A_1044 = tpu.memref_slice %arg16[%dma_start3A_1041, %dma_start3A_1043] : memref<10x64xf32, #tpu.memory_space<vmem>> -> memref<1x64xf32, #tpu.memory_space<vmem>>
    %dma_start3A_1045 = tpu.memref_squeeze %dma_start3A_1044 : memref<1x64xf32, #tpu.memory_space<vmem>> -> memref<64xf32, #tpu.memory_space<vmem>>
    %dma_start3A_1046 = arith.constant 0 : i32
    %dma_start3A_1047 = tpu.memref_slice %arg15[%dma_start3A_1042, %dma_start3A_1046] : memref<10x64xi32, #tpu.memory_space<vmem>> -> memref<1x64xi32, #tpu.memory_space<vmem>>
    %dma_start3A_1048 = tpu.memref_squeeze %dma_start3A_1047 : memref<1x64xi32, #tpu.memory_space<vmem>> -> memref<64xi32, #tpu.memory_space<vmem>>
    %dma_start3A_1049 = arith.constant 0 : i32
    %dma_start3A_1050 = tpu.memref_slice %arg23[%dma_start3A_1049] : memref<163840xf32, #tpu.memory_space<vmem_shared>> -> memref<163840xf32, #tpu.memory_space<vmem_shared>>
    %dma_start3A_1051 = arith.constant -1 : i32
    tpu.enqueue_indirect_dma source(%dma_start3A_1045 : memref<64xf32, #tpu.memory_space<vmem>>) target(%dma_start3A_1050 : memref<163840xf32, #tpu.memory_space<vmem_shared>>) offsets(%dma_start3A_1048 : memref<64xi32, #tpu.memory_space<vmem>>) offset_filter(%dma_start3A_1051) semaphore(%arg26 : memref<!tpu.dma_semaphore, #tpu.memory_space<semaphore_mem>>) {add = true}
    %dma_start3A_1052 = arith.constant 3 : i32
    %dma_start3A_1053 = arith.constant 3 : i32
    %dma_start3A_1054 = arith.constant 0 : i32
    %dma_start3A_1055 = tpu.memref_slice %arg18[%dma_start3A_1052, %dma_start3A_1054] : memref<10x64xf32, #tpu.memory_space<vmem>> -> memref<1x64xf32, #tpu.memory_space<vmem>>
    %dma_start3A_1056 = tpu.memref_squeeze %dma_start3A_1055 : memref<1x64xf32, #tpu.memory_space<vmem>> -> memref<64xf32, #tpu.memory_space<vmem>>
    %dma_start3A_1057 = arith.constant 0 : i32
    %dma_start3A_1058 = tpu.memref_slice %arg17[%dma_start3A_1053, %dma_start3A_1057] : memref<10x64xi32, #tpu.memory_space<vmem>> -> memref<1x64xi32, #tpu.memory_space<vmem>>
    %dma_start3A_1059 = tpu.memref_squeeze %dma_start3A_1058 : memref<1x64xi32, #tpu.memory_space<vmem>> -> memref<64xi32, #tpu.memory_space<vmem>>
    %dma_start3A_1060 = arith.constant 0 : i32
    %dma_start3A_1061 = tpu.memref_slice %arg24[%dma_start3A_1060] : memref<5120xf32, #tpu.memory_space<vmem_shared>> -> memref<5120xf32, #tpu.memory_space<vmem_shared>>
    %dma_start3A_1062 = arith.constant -1 : i32
    tpu.enqueue_indirect_dma source(%dma_start3A_1056 : memref<64xf32, #tpu.memory_space<vmem>>) target(%dma_start3A_1061 : memref<5120xf32, #tpu.memory_space<vmem_shared>>) offsets(%dma_start3A_1059 : memref<64xi32, #tpu.memory_space<vmem>>) offset_filter(%dma_start3A_1062) semaphore(%arg26 : memref<!tpu.dma_semaphore, #tpu.memory_space<semaphore_mem>>) {add = true}
    %get3A_1063 = arith.constant 256 : index
    %get3A_1064 = tpu.vector_load %arg10[%get3A_1063] {strides = array<i32>} : memref<640xi32, #tpu.memory_space<vmem>>, vector<16xi32>,
    %get3A_1065 = arith.constant 256 : index
    %get3A_1066 = tpu.vector_load %arg11[%get3A_1065] {strides = array<i32>} : memref<640xi32, #tpu.memory_space<vmem>>, vector<16xi32>,
    %get3A_1067 = arith.constant 256 : index
    %get3A_1068 = tpu.vector_load %arg12[%get3A_1067] {strides = array<i32>} : memref<640xi32, #tpu.memory_space<vmem>>, vector<16xi32>,
    %gather3A_1069 = tpu.vector_load_idx %arg13[%get3A_1066] : memref<1000xf32, #tpu.memory_space<vmem>>[vector<16xi32>], vector<16xf32>,
    %gather3A_1070 = tpu.vector_load_idx %arg14[%get3A_1066] : memref<1000xf32, #tpu.memory_space<vmem>>[vector<16xi32>], vector<16xf32>,
    %add3A_1071 = arith.constant 256 : i32
    %add3A_1072 = arith.addi %multiple_of3A, %add3A_1071 : i32
    %iota3A_1073 = tpu.iota {dimensions = array<i32: 0>} : vector<16xi32>
    %add3A_1074 = vector.broadcast %add3A_1072 : i32 to vector<16xi32>
    %add3A_1075 = arith.addi %add3A_1074, %iota3A_1073 : vector<16xi32>
    %sub3A_1076 = vector.broadcast %mul3A_4 : i32 to vector<16xi32>
    %sub3A_1077 = arith.subi %get3A_1064, %sub3A_1076 : vector<16xi32>
    %ge3A_1078 = vector.broadcast %mul3A_0 : i32 to vector<16xi32>
    %ge3A_1079 = arith.cmpi sge, %add3A_1075, %ge3A_1078 : vector<16xi32>
    %add3A_1080 = arith.constant 625 : i32
    %add3A_1081 = arith.addi %mul3A_0, %add3A_1080 : i32
    %lt3A_1082 = vector.broadcast %add3A_1081 : i32 to vector<16xi32>
    %lt3A_1083 = arith.cmpi slt, %add3A_1075, %lt3A_1082 : vector<16xi32>
    %and3A_1084 = arith.andi %ge3A_1079, %lt3A_1083 : vector<16xi1>
    %ge3A_1085 = arith.constant 0 : i32
    %ge3A_1086 = vector.broadcast %ge3A_1085 : i32 to vector<16xi32>
    %ge3A_1087 = arith.cmpi sge, %sub3A_1077, %ge3A_1086 : vector<16xi32>
    %and3A_1088 = arith.andi %and3A_1084, %ge3A_1087 : vector<16xi1>
    %lt3A_1089 = arith.constant 5000 : i32
    %lt3A_1090 = vector.broadcast %lt3A_1089 : i32 to vector<16xi32>
    %lt3A_1091 = arith.cmpi slt, %sub3A_1077, %lt3A_1090 : vector<16xi32>
    %and3A_1092 = arith.andi %and3A_1088, %lt3A_1091 : vector<16xi1>
    %jit3A_1093 = arith.constant 0 : i32
    %broadcast_in_dim3A_1094 = vector.broadcast %jit3A_1093 : i32 to vector<16xi32>
    %select_n3A_1095 = arith.select %and3A_1092, %sub3A_1077, %broadcast_in_dim3A_1094 : vector<16xi1>, vector<16xi32>
    %broadcast_in_dim3A_1096 = arith.constant -1 : i32
    %broadcast_in_dim3A_1097 = vector.broadcast %broadcast_in_dim3A_1096 : i32 to vector<16xi32>
    %mul3A_1098 = arith.constant 5120 : i32
    %mul3A_1099 = vector.broadcast %mul3A_1098 : i32 to vector<16xi32>
    %mul3A_1100 = arith.muli %get3A_1068, %mul3A_1099 : vector<16xi32>
    %add3A_1101 = arith.addi %mul3A_1100, %select_n3A_1095 : vector<16xi32>
    %select_n3A_1102 = arith.select %and3A_1092, %add3A_1101, %broadcast_in_dim3A_1097 : vector<16xi1>, vector<16xi32>
    %swap3A_1103 = arith.constant 4 : i32
    %swap3A_1104 = arith.index_cast %swap3A_1103 : i32 to index
    %swap3A_1105 = arith.constant 0 : index
    %swap3A_1106 = tpu.vector_load %arg15[%swap3A_1104, %swap3A_1105] {strides = array<i32>} : memref<10x64xi32, #tpu.memory_space<vmem>>, vector<16xi32>,
    tpu.vector_store %arg15[%swap3A_1104, %swap3A_1105], %select_n3A_1102 {strides = array<i32>} : memref<10x64xi32, #tpu.memory_space<vmem>>, vector<16xi32>,
    %select_n3A_1107 = arith.select %and3A_1092, %gather3A_1070, %broadcast_in_dim3A_36 : vector<16xi1>, vector<16xf32>
    %swap3A_1108 = arith.constant 4 : i32
    %swap3A_1109 = arith.index_cast %swap3A_1108 : i32 to index
    %swap3A_1110 = arith.constant 0 : index
    %swap3A_1111 = tpu.vector_load %arg16[%swap3A_1109, %swap3A_1110] {strides = array<i32>} : memref<10x64xf32, #tpu.memory_space<vmem>>, vector<16xf32>,
    tpu.vector_store %arg16[%swap3A_1109, %swap3A_1110], %select_n3A_1107 {strides = array<i32>} : memref<10x64xf32, #tpu.memory_space<vmem>>, vector<16xf32>,
    %select_n3A_1112 = arith.select %and3A_1092, %select_n3A_1095, %broadcast_in_dim3A_1097 : vector<16xi1>, vector<16xi32>
    %swap3A_1113 = arith.constant 4 : i32
    %swap3A_1114 = arith.index_cast %swap3A_1113 : i32 to index
    %swap3A_1115 = arith.constant 0 : index
    %swap3A_1116 = tpu.vector_load %arg17[%swap3A_1114, %swap3A_1115] {strides = array<i32>} : memref<10x64xi32, #tpu.memory_space<vmem>>, vector<16xi32>,
    tpu.vector_store %arg17[%swap3A_1114, %swap3A_1115], %select_n3A_1112 {strides = array<i32>} : memref<10x64xi32, #tpu.memory_space<vmem>>, vector<16xi32>,
    %select_n3A_1117 = arith.select %and3A_1092, %gather3A_1069, %broadcast_in_dim3A_36 : vector<16xi1>, vector<16xf32>
    %swap3A_1118 = arith.constant 4 : i32
    %swap3A_1119 = arith.index_cast %swap3A_1118 : i32 to index
    %swap3A_1120 = arith.constant 0 : index
    %swap3A_1121 = tpu.vector_load %arg18[%swap3A_1119, %swap3A_1120] {strides = array<i32>} : memref<10x64xf32, #tpu.memory_space<vmem>>, vector<16xf32>,
    tpu.vector_store %arg18[%swap3A_1119, %swap3A_1120], %select_n3A_1117 {strides = array<i32>} : memref<10x64xf32, #tpu.memory_space<vmem>>, vector<16xf32>,
    %get3A_1122 = arith.constant 272 : index
    %get3A_1123 = tpu.vector_load %arg10[%get3A_1122] {strides = array<i32>} : memref<640xi32, #tpu.memory_space<vmem>>, vector<16xi32>,
    %get3A_1124 = arith.constant 272 : index
    %get3A_1125 = tpu.vector_load %arg11[%get3A_1124] {strides = array<i32>} : memref<640xi32, #tpu.memory_space<vmem>>, vector<16xi32>,
    %get3A_1126 = arith.constant 272 : index
    %get3A_1127 = tpu.vector_load %arg12[%get3A_1126] {strides = array<i32>} : memref<640xi32, #tpu.memory_space<vmem>>, vector<16xi32>,
    %gather3A_1128 = tpu.vector_load_idx %arg13[%get3A_1125] : memref<1000xf32, #tpu.memory_space<vmem>>[vector<16xi32>], vector<16xf32>,
    %gather3A_1129 = tpu.vector_load_idx %arg14[%get3A_1125] : memref<1000xf32, #tpu.memory_space<vmem>>[vector<16xi32>], vector<16xf32>,
    %add3A_1130 = arith.constant 272 : i32
    %add3A_1131 = arith.addi %multiple_of3A, %add3A_1130 : i32
    %iota3A_1132 = tpu.iota {dimensions = array<i32: 0>} : vector<16xi32>
    %add3A_1133 = vector.broadcast %add3A_1131 : i32 to vector<16xi32>
    %add3A_1134 = arith.addi %add3A_1133, %iota3A_1132 : vector<16xi32>
    %sub3A_1135 = vector.broadcast %mul3A_4 : i32 to vector<16xi32>
    %sub3A_1136 = arith.subi %get3A_1123, %sub3A_1135 : vector<16xi32>
    %ge3A_1137 = vector.broadcast %mul3A_0 : i32 to vector<16xi32>
    %ge3A_1138 = arith.cmpi sge, %add3A_1134, %ge3A_1137 : vector<16xi32>
    %add3A_1139 = arith.constant 625 : i32
    %add3A_1140 = arith.addi %mul3A_0, %add3A_1139 : i32
    %lt3A_1141 = vector.broadcast %add3A_1140 : i32 to vector<16xi32>
    %lt3A_1142 = arith.cmpi slt, %add3A_1134, %lt3A_1141 : vector<16xi32>
    %and3A_1143 = arith.andi %ge3A_1138, %lt3A_1142 : vector<16xi1>
    %ge3A_1144 = arith.constant 0 : i32
    %ge3A_1145 = vector.broadcast %ge3A_1144 : i32 to vector<16xi32>
    %ge3A_1146 = arith.cmpi sge, %sub3A_1136, %ge3A_1145 : vector<16xi32>
    %and3A_1147 = arith.andi %and3A_1143, %ge3A_1146 : vector<16xi1>
    %lt3A_1148 = arith.constant 5000 : i32
    %lt3A_1149 = vector.broadcast %lt3A_1148 : i32 to vector<16xi32>
    %lt3A_1150 = arith.cmpi slt, %sub3A_1136, %lt3A_1149 : vector<16xi32>
    %and3A_1151 = arith.andi %and3A_1147, %lt3A_1150 : vector<16xi1>
    %jit3A_1152 = arith.constant 0 : i32
    %broadcast_in_dim3A_1153 = vector.broadcast %jit3A_1152 : i32 to vector<16xi32>
    %select_n3A_1154 = arith.select %and3A_1151, %sub3A_1136, %broadcast_in_dim3A_1153 : vector<16xi1>, vector<16xi32>
    %broadcast_in_dim3A_1155 = arith.constant -1 : i32
    %broadcast_in_dim3A_1156 = vector.broadcast %broadcast_in_dim3A_1155 : i32 to vector<16xi32>
    %mul3A_1157 = arith.constant 5120 : i32
    %mul3A_1158 = vector.broadcast %mul3A_1157 : i32 to vector<16xi32>
    %mul3A_1159 = arith.muli %get3A_1127, %mul3A_1158 : vector<16xi32>
    %add3A_1160 = arith.addi %mul3A_1159, %select_n3A_1154 : vector<16xi32>
    %select_n3A_1161 = arith.select %and3A_1151, %add3A_1160, %broadcast_in_dim3A_1156 : vector<16xi1>, vector<16xi32>
    %swap3A_1162 = arith.constant 4 : i32
    %swap3A_1163 = arith.index_cast %swap3A_1162 : i32 to index
    %swap3A_1164 = arith.constant 16 : index
    %swap3A_1165 = tpu.vector_load %arg15[%swap3A_1163, %swap3A_1164] {strides = array<i32>} : memref<10x64xi32, #tpu.memory_space<vmem>>, vector<16xi32>,
    tpu.vector_store %arg15[%swap3A_1163, %swap3A_1164], %select_n3A_1161 {strides = array<i32>} : memref<10x64xi32, #tpu.memory_space<vmem>>, vector<16xi32>,
    %select_n3A_1166 = arith.select %and3A_1151, %gather3A_1129, %broadcast_in_dim3A_36 : vector<16xi1>, vector<16xf32>
    %swap3A_1167 = arith.constant 4 : i32
    %swap3A_1168 = arith.index_cast %swap3A_1167 : i32 to index
    %swap3A_1169 = arith.constant 16 : index
    %swap3A_1170 = tpu.vector_load %arg16[%swap3A_1168, %swap3A_1169] {strides = array<i32>} : memref<10x64xf32, #tpu.memory_space<vmem>>, vector<16xf32>,
    tpu.vector_store %arg16[%swap3A_1168, %swap3A_1169], %select_n3A_1166 {strides = array<i32>} : memref<10x64xf32, #tpu.memory_space<vmem>>, vector<16xf32>,
    %select_n3A_1171 = arith.select %and3A_1151, %select_n3A_1154, %broadcast_in_dim3A_1156 : vector<16xi1>, vector<16xi32>
    %swap3A_1172 = arith.constant 4 : i32
    %swap3A_1173 = arith.index_cast %swap3A_1172 : i32 to index
    %swap3A_1174 = arith.constant 16 : index
    %swap3A_1175 = tpu.vector_load %arg17[%swap3A_1173, %swap3A_1174] {strides = array<i32>} : memref<10x64xi32, #tpu.memory_space<vmem>>, vector<16xi32>,
    tpu.vector_store %arg17[%swap3A_1173, %swap3A_1174], %select_n3A_1171 {strides = array<i32>} : memref<10x64xi32, #tpu.memory_space<vmem>>, vector<16xi32>,
    %select_n3A_1176 = arith.select %and3A_1151, %gather3A_1128, %broadcast_in_dim3A_36 : vector<16xi1>, vector<16xf32>
    %swap3A_1177 = arith.constant 4 : i32
    %swap3A_1178 = arith.index_cast %swap3A_1177 : i32 to index
    %swap3A_1179 = arith.constant 16 : index
    %swap3A_1180 = tpu.vector_load %arg18[%swap3A_1178, %swap3A_1179] {strides = array<i32>} : memref<10x64xf32, #tpu.memory_space<vmem>>, vector<16xf32>,
    tpu.vector_store %arg18[%swap3A_1178, %swap3A_1179], %select_n3A_1176 {strides = array<i32>} : memref<10x64xf32, #tpu.memory_space<vmem>>, vector<16xf32>,
    %get3A_1181 = arith.constant 288 : index
    %get3A_1182 = tpu.vector_load %arg10[%get3A_1181] {strides = array<i32>} : memref<640xi32, #tpu.memory_space<vmem>>, vector<16xi32>,
    %get3A_1183 = arith.constant 288 : index
    %get3A_1184 = tpu.vector_load %arg11[%get3A_1183] {strides = array<i32>} : memref<640xi32, #tpu.memory_space<vmem>>, vector<16xi32>,
    %get3A_1185 = arith.constant 288 : index
    %get3A_1186 = tpu.vector_load %arg12[%get3A_1185] {strides = array<i32>} : memref<640xi32, #tpu.memory_space<vmem>>, vector<16xi32>,
    %gather3A_1187 = tpu.vector_load_idx %arg13[%get3A_1184] : memref<1000xf32, #tpu.memory_space<vmem>>[vector<16xi32>], vector<16xf32>,
    %gather3A_1188 = tpu.vector_load_idx %arg14[%get3A_1184] : memref<1000xf32, #tpu.memory_space<vmem>>[vector<16xi32>], vector<16xf32>,
    %add3A_1189 = arith.constant 288 : i32
    %add3A_1190 = arith.addi %multiple_of3A, %add3A_1189 : i32
    %iota3A_1191 = tpu.iota {dimensions = array<i32: 0>} : vector<16xi32>
    %add3A_1192 = vector.broadcast %add3A_1190 : i32 to vector<16xi32>
    %add3A_1193 = arith.addi %add3A_1192, %iota3A_1191 : vector<16xi32>
    %sub3A_1194 = vector.broadcast %mul3A_4 : i32 to vector<16xi32>
    %sub3A_1195 = arith.subi %get3A_1182, %sub3A_1194 : vector<16xi32>
    %ge3A_1196 = vector.broadcast %mul3A_0 : i32 to vector<16xi32>
    %ge3A_1197 = arith.cmpi sge, %add3A_1193, %ge3A_1196 : vector<16xi32>
    %add3A_1198 = arith.constant 625 : i32
    %add3A_1199 = arith.addi %mul3A_0, %add3A_1198 : i32
    %lt3A_1200 = vector.broadcast %add3A_1199 : i32 to vector<16xi32>
    %lt3A_1201 = arith.cmpi slt, %add3A_1193, %lt3A_1200 : vector<16xi32>
    %and3A_1202 = arith.andi %ge3A_1197, %lt3A_1201 : vector<16xi1>
    %ge3A_1203 = arith.constant 0 : i32
    %ge3A_1204 = vector.broadcast %ge3A_1203 : i32 to vector<16xi32>
    %ge3A_1205 = arith.cmpi sge, %sub3A_1195, %ge3A_1204 : vector<16xi32>
    %and3A_1206 = arith.andi %and3A_1202, %ge3A_1205 : vector<16xi1>
    %lt3A_1207 = arith.constant 5000 : i32
    %lt3A_1208 = vector.broadcast %lt3A_1207 : i32 to vector<16xi32>
    %lt3A_1209 = arith.cmpi slt, %sub3A_1195, %lt3A_1208 : vector<16xi32>
    %and3A_1210 = arith.andi %and3A_1206, %lt3A_1209 : vector<16xi1>
    %jit3A_1211 = arith.constant 0 : i32
    %broadcast_in_dim3A_1212 = vector.broadcast %jit3A_1211 : i32 to vector<16xi32>
    %select_n3A_1213 = arith.select %and3A_1210, %sub3A_1195, %broadcast_in_dim3A_1212 : vector<16xi1>, vector<16xi32>
    %broadcast_in_dim3A_1214 = arith.constant -1 : i32
    %broadcast_in_dim3A_1215 = vector.broadcast %broadcast_in_dim3A_1214 : i32 to vector<16xi32>
    %mul3A_1216 = arith.constant 5120 : i32
    %mul3A_1217 = vector.broadcast %mul3A_1216 : i32 to vector<16xi32>
    %mul3A_1218 = arith.muli %get3A_1186, %mul3A_1217 : vector<16xi32>
    %add3A_1219 = arith.addi %mul3A_1218, %select_n3A_1213 : vector<16xi32>
    %select_n3A_1220 = arith.select %and3A_1210, %add3A_1219, %broadcast_in_dim3A_1215 : vector<16xi1>, vector<16xi32>
    %swap3A_1221 = arith.constant 4 : i32
    %swap3A_1222 = arith.index_cast %swap3A_1221 : i32 to index
    %swap3A_1223 = arith.constant 32 : index
    %swap3A_1224 = tpu.vector_load %arg15[%swap3A_1222, %swap3A_1223] {strides = array<i32>} : memref<10x64xi32, #tpu.memory_space<vmem>>, vector<16xi32>,
    tpu.vector_store %arg15[%swap3A_1222, %swap3A_1223], %select_n3A_1220 {strides = array<i32>} : memref<10x64xi32, #tpu.memory_space<vmem>>, vector<16xi32>,
    %select_n3A_1225 = arith.select %and3A_1210, %gather3A_1188, %broadcast_in_dim3A_36 : vector<16xi1>, vector<16xf32>
    %swap3A_1226 = arith.constant 4 : i32
    %swap3A_1227 = arith.index_cast %swap3A_1226 : i32 to index
    %swap3A_1228 = arith.constant 32 : index
    %swap3A_1229 = tpu.vector_load %arg16[%swap3A_1227, %swap3A_1228] {strides = array<i32>} : memref<10x64xf32, #tpu.memory_space<vmem>>, vector<16xf32>,
    tpu.vector_store %arg16[%swap3A_1227, %swap3A_1228], %select_n3A_1225 {strides = array<i32>} : memref<10x64xf32, #tpu.memory_space<vmem>>, vector<16xf32>,
    %select_n3A_1230 = arith.select %and3A_1210, %select_n3A_1213, %broadcast_in_dim3A_1215 : vector<16xi1>, vector<16xi32>
    %swap3A_1231 = arith.constant 4 : i32
    %swap3A_1232 = arith.index_cast %swap3A_1231 : i32 to index
    %swap3A_1233 = arith.constant 32 : index
    %swap3A_1234 = tpu.vector_load %arg17[%swap3A_1232, %swap3A_1233] {strides = array<i32>} : memref<10x64xi32, #tpu.memory_space<vmem>>, vector<16xi32>,
    tpu.vector_store %arg17[%swap3A_1232, %swap3A_1233], %select_n3A_1230 {strides = array<i32>} : memref<10x64xi32, #tpu.memory_space<vmem>>, vector<16xi32>,
    %select_n3A_1235 = arith.select %and3A_1210, %gather3A_1187, %broadcast_in_dim3A_36 : vector<16xi1>, vector<16xf32>
    %swap3A_1236 = arith.constant 4 : i32
    %swap3A_1237 = arith.index_cast %swap3A_1236 : i32 to index
    %swap3A_1238 = arith.constant 32 : index
    %swap3A_1239 = tpu.vector_load %arg18[%swap3A_1237, %swap3A_1238] {strides = array<i32>} : memref<10x64xf32, #tpu.memory_space<vmem>>, vector<16xf32>,
    tpu.vector_store %arg18[%swap3A_1237, %swap3A_1238], %select_n3A_1235 {strides = array<i32>} : memref<10x64xf32, #tpu.memory_space<vmem>>, vector<16xf32>,
    %get3A_1240 = arith.constant 304 : index
    %get3A_1241 = tpu.vector_load %arg10[%get3A_1240] {strides = array<i32>} : memref<640xi32, #tpu.memory_space<vmem>>, vector<16xi32>,
    %get3A_1242 = arith.constant 304 : index
    %get3A_1243 = tpu.vector_load %arg11[%get3A_1242] {strides = array<i32>} : memref<640xi32, #tpu.memory_space<vmem>>, vector<16xi32>,
    %get3A_1244 = arith.constant 304 : index
    %get3A_1245 = tpu.vector_load %arg12[%get3A_1244] {strides = array<i32>} : memref<640xi32, #tpu.memory_space<vmem>>, vector<16xi32>,
    %gather3A_1246 = tpu.vector_load_idx %arg13[%get3A_1243] : memref<1000xf32, #tpu.memory_space<vmem>>[vector<16xi32>], vector<16xf32>,
    %gather3A_1247 = tpu.vector_load_idx %arg14[%get3A_1243] : memref<1000xf32, #tpu.memory_space<vmem>>[vector<16xi32>], vector<16xf32>,
    %add3A_1248 = arith.constant 304 : i32
    %add3A_1249 = arith.addi %multiple_of3A, %add3A_1248 : i32
    %iota3A_1250 = tpu.iota {dimensions = array<i32: 0>} : vector<16xi32>
    %add3A_1251 = vector.broadcast %add3A_1249 : i32 to vector<16xi32>
    %add3A_1252 = arith.addi %add3A_1251, %iota3A_1250 : vector<16xi32>
    %sub3A_1253 = vector.broadcast %mul3A_4 : i32 to vector<16xi32>
    %sub3A_1254 = arith.subi %get3A_1241, %sub3A_1253 : vector<16xi32>
    %ge3A_1255 = vector.broadcast %mul3A_0 : i32 to vector<16xi32>
    %ge3A_1256 = arith.cmpi sge, %add3A_1252, %ge3A_1255 : vector<16xi32>
    %add3A_1257 = arith.constant 625 : i32
    %add3A_1258 = arith.addi %mul3A_0, %add3A_1257 : i32
    %lt3A_1259 = vector.broadcast %add3A_1258 : i32 to vector<16xi32>
    %lt3A_1260 = arith.cmpi slt, %add3A_1252, %lt3A_1259 : vector<16xi32>
    %and3A_1261 = arith.andi %ge3A_1256, %lt3A_1260 : vector<16xi1>
    %ge3A_1262 = arith.constant 0 : i32
    %ge3A_1263 = vector.broadcast %ge3A_1262 : i32 to vector<16xi32>
    %ge3A_1264 = arith.cmpi sge, %sub3A_1254, %ge3A_1263 : vector<16xi32>
    %and3A_1265 = arith.andi %and3A_1261, %ge3A_1264 : vector<16xi1>
    %lt3A_1266 = arith.constant 5000 : i32
    %lt3A_1267 = vector.broadcast %lt3A_1266 : i32 to vector<16xi32>
    %lt3A_1268 = arith.cmpi slt, %sub3A_1254, %lt3A_1267 : vector<16xi32>
    %and3A_1269 = arith.andi %and3A_1265, %lt3A_1268 : vector<16xi1>
    %jit3A_1270 = arith.constant 0 : i32
    %broadcast_in_dim3A_1271 = vector.broadcast %jit3A_1270 : i32 to vector<16xi32>
    %select_n3A_1272 = arith.select %and3A_1269, %sub3A_1254, %broadcast_in_dim3A_1271 : vector<16xi1>, vector<16xi32>
    %broadcast_in_dim3A_1273 = arith.constant -1 : i32
    %broadcast_in_dim3A_1274 = vector.broadcast %broadcast_in_dim3A_1273 : i32 to vector<16xi32>
    %mul3A_1275 = arith.constant 5120 : i32
    %mul3A_1276 = vector.broadcast %mul3A_1275 : i32 to vector<16xi32>
    %mul3A_1277 = arith.muli %get3A_1245, %mul3A_1276 : vector<16xi32>
    %add3A_1278 = arith.addi %mul3A_1277, %select_n3A_1272 : vector<16xi32>
    %select_n3A_1279 = arith.select %and3A_1269, %add3A_1278, %broadcast_in_dim3A_1274 : vector<16xi1>, vector<16xi32>
    %swap3A_1280 = arith.constant 4 : i32
    %swap3A_1281 = arith.index_cast %swap3A_1280 : i32 to index
    %swap3A_1282 = arith.constant 48 : index
    %swap3A_1283 = tpu.vector_load %arg15[%swap3A_1281, %swap3A_1282] {strides = array<i32>} : memref<10x64xi32, #tpu.memory_space<vmem>>, vector<16xi32>,
    tpu.vector_store %arg15[%swap3A_1281, %swap3A_1282], %select_n3A_1279 {strides = array<i32>} : memref<10x64xi32, #tpu.memory_space<vmem>>, vector<16xi32>,
    %select_n3A_1284 = arith.select %and3A_1269, %gather3A_1247, %broadcast_in_dim3A_36 : vector<16xi1>, vector<16xf32>
    %swap3A_1285 = arith.constant 4 : i32
    %swap3A_1286 = arith.index_cast %swap3A_1285 : i32 to index
    %swap3A_1287 = arith.constant 48 : index
    %swap3A_1288 = tpu.vector_load %arg16[%swap3A_1286, %swap3A_1287] {strides = array<i32>} : memref<10x64xf32, #tpu.memory_space<vmem>>, vector<16xf32>,
    tpu.vector_store %arg16[%swap3A_1286, %swap3A_1287], %select_n3A_1284 {strides = array<i32>} : memref<10x64xf32, #tpu.memory_space<vmem>>, vector<16xf32>,
    %select_n3A_1289 = arith.select %and3A_1269, %select_n3A_1272, %broadcast_in_dim3A_1274 : vector<16xi1>, vector<16xi32>
    %swap3A_1290 = arith.constant 4 : i32
    %swap3A_1291 = arith.index_cast %swap3A_1290 : i32 to index
    %swap3A_1292 = arith.constant 48 : index
    %swap3A_1293 = tpu.vector_load %arg17[%swap3A_1291, %swap3A_1292] {strides = array<i32>} : memref<10x64xi32, #tpu.memory_space<vmem>>, vector<16xi32>,
    tpu.vector_store %arg17[%swap3A_1291, %swap3A_1292], %select_n3A_1289 {strides = array<i32>} : memref<10x64xi32, #tpu.memory_space<vmem>>, vector<16xi32>,
    %select_n3A_1294 = arith.select %and3A_1269, %gather3A_1246, %broadcast_in_dim3A_36 : vector<16xi1>, vector<16xf32>
    %swap3A_1295 = arith.constant 4 : i32
    %swap3A_1296 = arith.index_cast %swap3A_1295 : i32 to index
    %swap3A_1297 = arith.constant 48 : index
    %swap3A_1298 = tpu.vector_load %arg18[%swap3A_1296, %swap3A_1297] {strides = array<i32>} : memref<10x64xf32, #tpu.memory_space<vmem>>, vector<16xf32>,
    tpu.vector_store %arg18[%swap3A_1296, %swap3A_1297], %select_n3A_1294 {strides = array<i32>} : memref<10x64xf32, #tpu.memory_space<vmem>>, vector<16xf32>,
    %dma_start3A_1299 = arith.constant 4 : i32
    %dma_start3A_1300 = arith.constant 4 : i32
    %dma_start3A_1301 = arith.constant 0 : i32
    %dma_start3A_1302 = tpu.memref_slice %arg16[%dma_start3A_1299, %dma_start3A_1301] : memref<10x64xf32, #tpu.memory_space<vmem>> -> memref<1x64xf32, #tpu.memory_space<vmem>>
    %dma_start3A_1303 = tpu.memref_squeeze %dma_start3A_1302 : memref<1x64xf32, #tpu.memory_space<vmem>> -> memref<64xf32, #tpu.memory_space<vmem>>
    %dma_start3A_1304 = arith.constant 0 : i32
    %dma_start3A_1305 = tpu.memref_slice %arg15[%dma_start3A_1300, %dma_start3A_1304] : memref<10x64xi32, #tpu.memory_space<vmem>> -> memref<1x64xi32, #tpu.memory_space<vmem>>
    %dma_start3A_1306 = tpu.memref_squeeze %dma_start3A_1305 : memref<1x64xi32, #tpu.memory_space<vmem>> -> memref<64xi32, #tpu.memory_space<vmem>>
    %dma_start3A_1307 = arith.constant 0 : i32
    %dma_start3A_1308 = tpu.memref_slice %arg23[%dma_start3A_1307] : memref<163840xf32, #tpu.memory_space<vmem_shared>> -> memref<163840xf32, #tpu.memory_space<vmem_shared>>
    %dma_start3A_1309 = arith.constant -1 : i32
    tpu.enqueue_indirect_dma source(%dma_start3A_1303 : memref<64xf32, #tpu.memory_space<vmem>>) target(%dma_start3A_1308 : memref<163840xf32, #tpu.memory_space<vmem_shared>>) offsets(%dma_start3A_1306 : memref<64xi32, #tpu.memory_space<vmem>>) offset_filter(%dma_start3A_1309) semaphore(%arg26 : memref<!tpu.dma_semaphore, #tpu.memory_space<semaphore_mem>>) {add = true}
    %dma_start3A_1310 = arith.constant 4 : i32
    %dma_start3A_1311 = arith.constant 4 : i32
    %dma_start3A_1312 = arith.constant 0 : i32
    %dma_start3A_1313 = tpu.memref_slice %arg18[%dma_start3A_1310, %dma_start3A_1312] : memref<10x64xf32, #tpu.memory_space<vmem>> -> memref<1x64xf32, #tpu.memory_space<vmem>>
    %dma_start3A_1314 = tpu.memref_squeeze %dma_start3A_1313 : memref<1x64xf32, #tpu.memory_space<vmem>> -> memref<64xf32, #tpu.memory_space<vmem>>
    %dma_start3A_1315 = arith.constant 0 : i32
    %dma_start3A_1316 = tpu.memref_slice %arg17[%dma_start3A_1311, %dma_start3A_1315] : memref<10x64xi32, #tpu.memory_space<vmem>> -> memref<1x64xi32, #tpu.memory_space<vmem>>
    %dma_start3A_1317 = tpu.memref_squeeze %dma_start3A_1316 : memref<1x64xi32, #tpu.memory_space<vmem>> -> memref<64xi32, #tpu.memory_space<vmem>>
    %dma_start3A_1318 = arith.constant 0 : i32
    %dma_start3A_1319 = tpu.memref_slice %arg24[%dma_start3A_1318] : memref<5120xf32, #tpu.memory_space<vmem_shared>> -> memref<5120xf32, #tpu.memory_space<vmem_shared>>
    %dma_start3A_1320 = arith.constant -1 : i32
    tpu.enqueue_indirect_dma source(%dma_start3A_1314 : memref<64xf32, #tpu.memory_space<vmem>>) target(%dma_start3A_1319 : memref<5120xf32, #tpu.memory_space<vmem_shared>>) offsets(%dma_start3A_1317 : memref<64xi32, #tpu.memory_space<vmem>>) offset_filter(%dma_start3A_1320) semaphore(%arg26 : memref<!tpu.dma_semaphore, #tpu.memory_space<semaphore_mem>>) {add = true}
    %get3A_1321 = arith.constant 320 : index
    %get3A_1322 = tpu.vector_load %arg10[%get3A_1321] {strides = array<i32>} : memref<640xi32, #tpu.memory_space<vmem>>, vector<16xi32>,
    %get3A_1323 = arith.constant 320 : index
    %get3A_1324 = tpu.vector_load %arg11[%get3A_1323] {strides = array<i32>} : memref<640xi32, #tpu.memory_space<vmem>>, vector<16xi32>,
    %get3A_1325 = arith.constant 320 : index
    %get3A_1326 = tpu.vector_load %arg12[%get3A_1325] {strides = array<i32>} : memref<640xi32, #tpu.memory_space<vmem>>, vector<16xi32>,
    %gather3A_1327 = tpu.vector_load_idx %arg13[%get3A_1324] : memref<1000xf32, #tpu.memory_space<vmem>>[vector<16xi32>], vector<16xf32>,
    %gather3A_1328 = tpu.vector_load_idx %arg14[%get3A_1324] : memref<1000xf32, #tpu.memory_space<vmem>>[vector<16xi32>], vector<16xf32>,
    %add3A_1329 = arith.constant 320 : i32
    %add3A_1330 = arith.addi %multiple_of3A, %add3A_1329 : i32
    %iota3A_1331 = tpu.iota {dimensions = array<i32: 0>} : vector<16xi32>
    %add3A_1332 = vector.broadcast %add3A_1330 : i32 to vector<16xi32>
    %add3A_1333 = arith.addi %add3A_1332, %iota3A_1331 : vector<16xi32>
    %sub3A_1334 = vector.broadcast %mul3A_4 : i32 to vector<16xi32>
    %sub3A_1335 = arith.subi %get3A_1322, %sub3A_1334 : vector<16xi32>
    %ge3A_1336 = vector.broadcast %mul3A_0 : i32 to vector<16xi32>
    %ge3A_1337 = arith.cmpi sge, %add3A_1333, %ge3A_1336 : vector<16xi32>
    %add3A_1338 = arith.constant 625 : i32
    %add3A_1339 = arith.addi %mul3A_0, %add3A_1338 : i32
    %lt3A_1340 = vector.broadcast %add3A_1339 : i32 to vector<16xi32>
    %lt3A_1341 = arith.cmpi slt, %add3A_1333, %lt3A_1340 : vector<16xi32>
    %and3A_1342 = arith.andi %ge3A_1337, %lt3A_1341 : vector<16xi1>
    %ge3A_1343 = arith.constant 0 : i32
    %ge3A_1344 = vector.broadcast %ge3A_1343 : i32 to vector<16xi32>
    %ge3A_1345 = arith.cmpi sge, %sub3A_1335, %ge3A_1344 : vector<16xi32>
    %and3A_1346 = arith.andi %and3A_1342, %ge3A_1345 : vector<16xi1>
    %lt3A_1347 = arith.constant 5000 : i32
    %lt3A_1348 = vector.broadcast %lt3A_1347 : i32 to vector<16xi32>
    %lt3A_1349 = arith.cmpi slt, %sub3A_1335, %lt3A_1348 : vector<16xi32>
    %and3A_1350 = arith.andi %and3A_1346, %lt3A_1349 : vector<16xi1>
    %jit3A_1351 = arith.constant 0 : i32
    %broadcast_in_dim3A_1352 = vector.broadcast %jit3A_1351 : i32 to vector<16xi32>
    %select_n3A_1353 = arith.select %and3A_1350, %sub3A_1335, %broadcast_in_dim3A_1352 : vector<16xi1>, vector<16xi32>
    %broadcast_in_dim3A_1354 = arith.constant -1 : i32
    %broadcast_in_dim3A_1355 = vector.broadcast %broadcast_in_dim3A_1354 : i32 to vector<16xi32>
    %mul3A_1356 = arith.constant 5120 : i32
    %mul3A_1357 = vector.broadcast %mul3A_1356 : i32 to vector<16xi32>
    %mul3A_1358 = arith.muli %get3A_1326, %mul3A_1357 : vector<16xi32>
    %add3A_1359 = arith.addi %mul3A_1358, %select_n3A_1353 : vector<16xi32>
    %select_n3A_1360 = arith.select %and3A_1350, %add3A_1359, %broadcast_in_dim3A_1355 : vector<16xi1>, vector<16xi32>
    %swap3A_1361 = arith.constant 5 : i32
    %swap3A_1362 = arith.index_cast %swap3A_1361 : i32 to index
    %swap3A_1363 = arith.constant 0 : index
    %swap3A_1364 = tpu.vector_load %arg15[%swap3A_1362, %swap3A_1363] {strides = array<i32>} : memref<10x64xi32, #tpu.memory_space<vmem>>, vector<16xi32>,
    tpu.vector_store %arg15[%swap3A_1362, %swap3A_1363], %select_n3A_1360 {strides = array<i32>} : memref<10x64xi32, #tpu.memory_space<vmem>>, vector<16xi32>,
    %select_n3A_1365 = arith.select %and3A_1350, %gather3A_1328, %broadcast_in_dim3A_36 : vector<16xi1>, vector<16xf32>
    %swap3A_1366 = arith.constant 5 : i32
    %swap3A_1367 = arith.index_cast %swap3A_1366 : i32 to index
    %swap3A_1368 = arith.constant 0 : index
    %swap3A_1369 = tpu.vector_load %arg16[%swap3A_1367, %swap3A_1368] {strides = array<i32>} : memref<10x64xf32, #tpu.memory_space<vmem>>, vector<16xf32>,
    tpu.vector_store %arg16[%swap3A_1367, %swap3A_1368], %select_n3A_1365 {strides = array<i32>} : memref<10x64xf32, #tpu.memory_space<vmem>>, vector<16xf32>,
    %select_n3A_1370 = arith.select %and3A_1350, %select_n3A_1353, %broadcast_in_dim3A_1355 : vector<16xi1>, vector<16xi32>
    %swap3A_1371 = arith.constant 5 : i32
    %swap3A_1372 = arith.index_cast %swap3A_1371 : i32 to index
    %swap3A_1373 = arith.constant 0 : index
    %swap3A_1374 = tpu.vector_load %arg17[%swap3A_1372, %swap3A_1373] {strides = array<i32>} : memref<10x64xi32, #tpu.memory_space<vmem>>, vector<16xi32>,
    tpu.vector_store %arg17[%swap3A_1372, %swap3A_1373], %select_n3A_1370 {strides = array<i32>} : memref<10x64xi32, #tpu.memory_space<vmem>>, vector<16xi32>,
    %select_n3A_1375 = arith.select %and3A_1350, %gather3A_1327, %broadcast_in_dim3A_36 : vector<16xi1>, vector<16xf32>
    %swap3A_1376 = arith.constant 5 : i32
    %swap3A_1377 = arith.index_cast %swap3A_1376 : i32 to index
    %swap3A_1378 = arith.constant 0 : index
    %swap3A_1379 = tpu.vector_load %arg18[%swap3A_1377, %swap3A_1378] {strides = array<i32>} : memref<10x64xf32, #tpu.memory_space<vmem>>, vector<16xf32>,
    tpu.vector_store %arg18[%swap3A_1377, %swap3A_1378], %select_n3A_1375 {strides = array<i32>} : memref<10x64xf32, #tpu.memory_space<vmem>>, vector<16xf32>,
    %get3A_1380 = arith.constant 336 : index
    %get3A_1381 = tpu.vector_load %arg10[%get3A_1380] {strides = array<i32>} : memref<640xi32, #tpu.memory_space<vmem>>, vector<16xi32>,
    %get3A_1382 = arith.constant 336 : index
    %get3A_1383 = tpu.vector_load %arg11[%get3A_1382] {strides = array<i32>} : memref<640xi32, #tpu.memory_space<vmem>>, vector<16xi32>,
    %get3A_1384 = arith.constant 336 : index
    %get3A_1385 = tpu.vector_load %arg12[%get3A_1384] {strides = array<i32>} : memref<640xi32, #tpu.memory_space<vmem>>, vector<16xi32>,
    %gather3A_1386 = tpu.vector_load_idx %arg13[%get3A_1383] : memref<1000xf32, #tpu.memory_space<vmem>>[vector<16xi32>], vector<16xf32>,
    %gather3A_1387 = tpu.vector_load_idx %arg14[%get3A_1383] : memref<1000xf32, #tpu.memory_space<vmem>>[vector<16xi32>], vector<16xf32>,
    %add3A_1388 = arith.constant 336 : i32
    %add3A_1389 = arith.addi %multiple_of3A, %add3A_1388 : i32
    %iota3A_1390 = tpu.iota {dimensions = array<i32: 0>} : vector<16xi32>
    %add3A_1391 = vector.broadcast %add3A_1389 : i32 to vector<16xi32>
    %add3A_1392 = arith.addi %add3A_1391, %iota3A_1390 : vector<16xi32>
    %sub3A_1393 = vector.broadcast %mul3A_4 : i32 to vector<16xi32>
    %sub3A_1394 = arith.subi %get3A_1381, %sub3A_1393 : vector<16xi32>
    %ge3A_1395 = vector.broadcast %mul3A_0 : i32 to vector<16xi32>
    %ge3A_1396 = arith.cmpi sge, %add3A_1392, %ge3A_1395 : vector<16xi32>
    %add3A_1397 = arith.constant 625 : i32
    %add3A_1398 = arith.addi %mul3A_0, %add3A_1397 : i32
    %lt3A_1399 = vector.broadcast %add3A_1398 : i32 to vector<16xi32>
    %lt3A_1400 = arith.cmpi slt, %add3A_1392, %lt3A_1399 : vector<16xi32>
    %and3A_1401 = arith.andi %ge3A_1396, %lt3A_1400 : vector<16xi1>
    %ge3A_1402 = arith.constant 0 : i32
    %ge3A_1403 = vector.broadcast %ge3A_1402 : i32 to vector<16xi32>
    %ge3A_1404 = arith.cmpi sge, %sub3A_1394, %ge3A_1403 : vector<16xi32>
    %and3A_1405 = arith.andi %and3A_1401, %ge3A_1404 : vector<16xi1>
    %lt3A_1406 = arith.constant 5000 : i32
    %lt3A_1407 = vector.broadcast %lt3A_1406 : i32 to vector<16xi32>
    %lt3A_1408 = arith.cmpi slt, %sub3A_1394, %lt3A_1407 : vector<16xi32>
    %and3A_1409 = arith.andi %and3A_1405, %lt3A_1408 : vector<16xi1>
    %jit3A_1410 = arith.constant 0 : i32
    %broadcast_in_dim3A_1411 = vector.broadcast %jit3A_1410 : i32 to vector<16xi32>
    %select_n3A_1412 = arith.select %and3A_1409, %sub3A_1394, %broadcast_in_dim3A_1411 : vector<16xi1>, vector<16xi32>
    %broadcast_in_dim3A_1413 = arith.constant -1 : i32
    %broadcast_in_dim3A_1414 = vector.broadcast %broadcast_in_dim3A_1413 : i32 to vector<16xi32>
    %mul3A_1415 = arith.constant 5120 : i32
    %mul3A_1416 = vector.broadcast %mul3A_1415 : i32 to vector<16xi32>
    %mul3A_1417 = arith.muli %get3A_1385, %mul3A_1416 : vector<16xi32>
    %add3A_1418 = arith.addi %mul3A_1417, %select_n3A_1412 : vector<16xi32>
    %select_n3A_1419 = arith.select %and3A_1409, %add3A_1418, %broadcast_in_dim3A_1414 : vector<16xi1>, vector<16xi32>
    %swap3A_1420 = arith.constant 5 : i32
    %swap3A_1421 = arith.index_cast %swap3A_1420 : i32 to index
    %swap3A_1422 = arith.constant 16 : index
    %swap3A_1423 = tpu.vector_load %arg15[%swap3A_1421, %swap3A_1422] {strides = array<i32>} : memref<10x64xi32, #tpu.memory_space<vmem>>, vector<16xi32>,
    tpu.vector_store %arg15[%swap3A_1421, %swap3A_1422], %select_n3A_1419 {strides = array<i32>} : memref<10x64xi32, #tpu.memory_space<vmem>>, vector<16xi32>,
    %select_n3A_1424 = arith.select %and3A_1409, %gather3A_1387, %broadcast_in_dim3A_36 : vector<16xi1>, vector<16xf32>
    %swap3A_1425 = arith.constant 5 : i32
    %swap3A_1426 = arith.index_cast %swap3A_1425 : i32 to index
    %swap3A_1427 = arith.constant 16 : index
    %swap3A_1428 = tpu.vector_load %arg16[%swap3A_1426, %swap3A_1427] {strides = array<i32>} : memref<10x64xf32, #tpu.memory_space<vmem>>, vector<16xf32>,
    tpu.vector_store %arg16[%swap3A_1426, %swap3A_1427], %select_n3A_1424 {strides = array<i32>} : memref<10x64xf32, #tpu.memory_space<vmem>>, vector<16xf32>,
    %select_n3A_1429 = arith.select %and3A_1409, %select_n3A_1412, %broadcast_in_dim3A_1414 : vector<16xi1>, vector<16xi32>
    %swap3A_1430 = arith.constant 5 : i32
    %swap3A_1431 = arith.index_cast %swap3A_1430 : i32 to index
    %swap3A_1432 = arith.constant 16 : index
    %swap3A_1433 = tpu.vector_load %arg17[%swap3A_1431, %swap3A_1432] {strides = array<i32>} : memref<10x64xi32, #tpu.memory_space<vmem>>, vector<16xi32>,
    tpu.vector_store %arg17[%swap3A_1431, %swap3A_1432], %select_n3A_1429 {strides = array<i32>} : memref<10x64xi32, #tpu.memory_space<vmem>>, vector<16xi32>,
    %select_n3A_1434 = arith.select %and3A_1409, %gather3A_1386, %broadcast_in_dim3A_36 : vector<16xi1>, vector<16xf32>
    %swap3A_1435 = arith.constant 5 : i32
    %swap3A_1436 = arith.index_cast %swap3A_1435 : i32 to index
    %swap3A_1437 = arith.constant 16 : index
    %swap3A_1438 = tpu.vector_load %arg18[%swap3A_1436, %swap3A_1437] {strides = array<i32>} : memref<10x64xf32, #tpu.memory_space<vmem>>, vector<16xf32>,
    tpu.vector_store %arg18[%swap3A_1436, %swap3A_1437], %select_n3A_1434 {strides = array<i32>} : memref<10x64xf32, #tpu.memory_space<vmem>>, vector<16xf32>,
    %get3A_1439 = arith.constant 352 : index
    %get3A_1440 = tpu.vector_load %arg10[%get3A_1439] {strides = array<i32>} : memref<640xi32, #tpu.memory_space<vmem>>, vector<16xi32>,
    %get3A_1441 = arith.constant 352 : index
    %get3A_1442 = tpu.vector_load %arg11[%get3A_1441] {strides = array<i32>} : memref<640xi32, #tpu.memory_space<vmem>>, vector<16xi32>,
    %get3A_1443 = arith.constant 352 : index
    %get3A_1444 = tpu.vector_load %arg12[%get3A_1443] {strides = array<i32>} : memref<640xi32, #tpu.memory_space<vmem>>, vector<16xi32>,
    %gather3A_1445 = tpu.vector_load_idx %arg13[%get3A_1442] : memref<1000xf32, #tpu.memory_space<vmem>>[vector<16xi32>], vector<16xf32>,
    %gather3A_1446 = tpu.vector_load_idx %arg14[%get3A_1442] : memref<1000xf32, #tpu.memory_space<vmem>>[vector<16xi32>], vector<16xf32>,
    %add3A_1447 = arith.constant 352 : i32
    %add3A_1448 = arith.addi %multiple_of3A, %add3A_1447 : i32
    %iota3A_1449 = tpu.iota {dimensions = array<i32: 0>} : vector<16xi32>
    %add3A_1450 = vector.broadcast %add3A_1448 : i32 to vector<16xi32>
    %add3A_1451 = arith.addi %add3A_1450, %iota3A_1449 : vector<16xi32>
    %sub3A_1452 = vector.broadcast %mul3A_4 : i32 to vector<16xi32>
    %sub3A_1453 = arith.subi %get3A_1440, %sub3A_1452 : vector<16xi32>
    %ge3A_1454 = vector.broadcast %mul3A_0 : i32 to vector<16xi32>
    %ge3A_1455 = arith.cmpi sge, %add3A_1451, %ge3A_1454 : vector<16xi32>
    %add3A_1456 = arith.constant 625 : i32
    %add3A_1457 = arith.addi %mul3A_0, %add3A_1456 : i32
    %lt3A_1458 = vector.broadcast %add3A_1457 : i32 to vector<16xi32>
    %lt3A_1459 = arith.cmpi slt, %add3A_1451, %lt3A_1458 : vector<16xi32>
    %and3A_1460 = arith.andi %ge3A_1455, %lt3A_1459 : vector<16xi1>
    %ge3A_1461 = arith.constant 0 : i32
    %ge3A_1462 = vector.broadcast %ge3A_1461 : i32 to vector<16xi32>
    %ge3A_1463 = arith.cmpi sge, %sub3A_1453, %ge3A_1462 : vector<16xi32>
    %and3A_1464 = arith.andi %and3A_1460, %ge3A_1463 : vector<16xi1>
    %lt3A_1465 = arith.constant 5000 : i32
    %lt3A_1466 = vector.broadcast %lt3A_1465 : i32 to vector<16xi32>
    %lt3A_1467 = arith.cmpi slt, %sub3A_1453, %lt3A_1466 : vector<16xi32>
    %and3A_1468 = arith.andi %and3A_1464, %lt3A_1467 : vector<16xi1>
    %jit3A_1469 = arith.constant 0 : i32
    %broadcast_in_dim3A_1470 = vector.broadcast %jit3A_1469 : i32 to vector<16xi32>
    %select_n3A_1471 = arith.select %and3A_1468, %sub3A_1453, %broadcast_in_dim3A_1470 : vector<16xi1>, vector<16xi32>
    %broadcast_in_dim3A_1472 = arith.constant -1 : i32
    %broadcast_in_dim3A_1473 = vector.broadcast %broadcast_in_dim3A_1472 : i32 to vector<16xi32>
    %mul3A_1474 = arith.constant 5120 : i32
    %mul3A_1475 = vector.broadcast %mul3A_1474 : i32 to vector<16xi32>
    %mul3A_1476 = arith.muli %get3A_1444, %mul3A_1475 : vector<16xi32>
    %add3A_1477 = arith.addi %mul3A_1476, %select_n3A_1471 : vector<16xi32>
    %select_n3A_1478 = arith.select %and3A_1468, %add3A_1477, %broadcast_in_dim3A_1473 : vector<16xi1>, vector<16xi32>
    %swap3A_1479 = arith.constant 5 : i32
    %swap3A_1480 = arith.index_cast %swap3A_1479 : i32 to index
    %swap3A_1481 = arith.constant 32 : index
    %swap3A_1482 = tpu.vector_load %arg15[%swap3A_1480, %swap3A_1481] {strides = array<i32>} : memref<10x64xi32, #tpu.memory_space<vmem>>, vector<16xi32>,
    tpu.vector_store %arg15[%swap3A_1480, %swap3A_1481], %select_n3A_1478 {strides = array<i32>} : memref<10x64xi32, #tpu.memory_space<vmem>>, vector<16xi32>,
    %select_n3A_1483 = arith.select %and3A_1468, %gather3A_1446, %broadcast_in_dim3A_36 : vector<16xi1>, vector<16xf32>
    %swap3A_1484 = arith.constant 5 : i32
    %swap3A_1485 = arith.index_cast %swap3A_1484 : i32 to index
    %swap3A_1486 = arith.constant 32 : index
    %swap3A_1487 = tpu.vector_load %arg16[%swap3A_1485, %swap3A_1486] {strides = array<i32>} : memref<10x64xf32, #tpu.memory_space<vmem>>, vector<16xf32>,
    tpu.vector_store %arg16[%swap3A_1485, %swap3A_1486], %select_n3A_1483 {strides = array<i32>} : memref<10x64xf32, #tpu.memory_space<vmem>>, vector<16xf32>,
    %select_n3A_1488 = arith.select %and3A_1468, %select_n3A_1471, %broadcast_in_dim3A_1473 : vector<16xi1>, vector<16xi32>
    %swap3A_1489 = arith.constant 5 : i32
    %swap3A_1490 = arith.index_cast %swap3A_1489 : i32 to index
    %swap3A_1491 = arith.constant 32 : index
    %swap3A_1492 = tpu.vector_load %arg17[%swap3A_1490, %swap3A_1491] {strides = array<i32>} : memref<10x64xi32, #tpu.memory_space<vmem>>, vector<16xi32>,
    tpu.vector_store %arg17[%swap3A_1490, %swap3A_1491], %select_n3A_1488 {strides = array<i32>} : memref<10x64xi32, #tpu.memory_space<vmem>>, vector<16xi32>,
    %select_n3A_1493 = arith.select %and3A_1468, %gather3A_1445, %broadcast_in_dim3A_36 : vector<16xi1>, vector<16xf32>
    %swap3A_1494 = arith.constant 5 : i32
    %swap3A_1495 = arith.index_cast %swap3A_1494 : i32 to index
    %swap3A_1496 = arith.constant 32 : index
    %swap3A_1497 = tpu.vector_load %arg18[%swap3A_1495, %swap3A_1496] {strides = array<i32>} : memref<10x64xf32, #tpu.memory_space<vmem>>, vector<16xf32>,
    tpu.vector_store %arg18[%swap3A_1495, %swap3A_1496], %select_n3A_1493 {strides = array<i32>} : memref<10x64xf32, #tpu.memory_space<vmem>>, vector<16xf32>,
    %get3A_1498 = arith.constant 368 : index
    %get3A_1499 = tpu.vector_load %arg10[%get3A_1498] {strides = array<i32>} : memref<640xi32, #tpu.memory_space<vmem>>, vector<16xi32>,
    %get3A_1500 = arith.constant 368 : index
    %get3A_1501 = tpu.vector_load %arg11[%get3A_1500] {strides = array<i32>} : memref<640xi32, #tpu.memory_space<vmem>>, vector<16xi32>,
    %get3A_1502 = arith.constant 368 : index
    %get3A_1503 = tpu.vector_load %arg12[%get3A_1502] {strides = array<i32>} : memref<640xi32, #tpu.memory_space<vmem>>, vector<16xi32>,
    %gather3A_1504 = tpu.vector_load_idx %arg13[%get3A_1501] : memref<1000xf32, #tpu.memory_space<vmem>>[vector<16xi32>], vector<16xf32>,
    %gather3A_1505 = tpu.vector_load_idx %arg14[%get3A_1501] : memref<1000xf32, #tpu.memory_space<vmem>>[vector<16xi32>], vector<16xf32>,
    %add3A_1506 = arith.constant 368 : i32
    %add3A_1507 = arith.addi %multiple_of3A, %add3A_1506 : i32
    %iota3A_1508 = tpu.iota {dimensions = array<i32: 0>} : vector<16xi32>
    %add3A_1509 = vector.broadcast %add3A_1507 : i32 to vector<16xi32>
    %add3A_1510 = arith.addi %add3A_1509, %iota3A_1508 : vector<16xi32>
    %sub3A_1511 = vector.broadcast %mul3A_4 : i32 to vector<16xi32>
    %sub3A_1512 = arith.subi %get3A_1499, %sub3A_1511 : vector<16xi32>
    %ge3A_1513 = vector.broadcast %mul3A_0 : i32 to vector<16xi32>
    %ge3A_1514 = arith.cmpi sge, %add3A_1510, %ge3A_1513 : vector<16xi32>
    %add3A_1515 = arith.constant 625 : i32
    %add3A_1516 = arith.addi %mul3A_0, %add3A_1515 : i32
    %lt3A_1517 = vector.broadcast %add3A_1516 : i32 to vector<16xi32>
    %lt3A_1518 = arith.cmpi slt, %add3A_1510, %lt3A_1517 : vector<16xi32>
    %and3A_1519 = arith.andi %ge3A_1514, %lt3A_1518 : vector<16xi1>
    %ge3A_1520 = arith.constant 0 : i32
    %ge3A_1521 = vector.broadcast %ge3A_1520 : i32 to vector<16xi32>
    %ge3A_1522 = arith.cmpi sge, %sub3A_1512, %ge3A_1521 : vector<16xi32>
    %and3A_1523 = arith.andi %and3A_1519, %ge3A_1522 : vector<16xi1>
    %lt3A_1524 = arith.constant 5000 : i32
    %lt3A_1525 = vector.broadcast %lt3A_1524 : i32 to vector<16xi32>
    %lt3A_1526 = arith.cmpi slt, %sub3A_1512, %lt3A_1525 : vector<16xi32>
    %and3A_1527 = arith.andi %and3A_1523, %lt3A_1526 : vector<16xi1>
    %jit3A_1528 = arith.constant 0 : i32
    %broadcast_in_dim3A_1529 = vector.broadcast %jit3A_1528 : i32 to vector<16xi32>
    %select_n3A_1530 = arith.select %and3A_1527, %sub3A_1512, %broadcast_in_dim3A_1529 : vector<16xi1>, vector<16xi32>
    %broadcast_in_dim3A_1531 = arith.constant -1 : i32
    %broadcast_in_dim3A_1532 = vector.broadcast %broadcast_in_dim3A_1531 : i32 to vector<16xi32>
    %mul3A_1533 = arith.constant 5120 : i32
    %mul3A_1534 = vector.broadcast %mul3A_1533 : i32 to vector<16xi32>
    %mul3A_1535 = arith.muli %get3A_1503, %mul3A_1534 : vector<16xi32>
    %add3A_1536 = arith.addi %mul3A_1535, %select_n3A_1530 : vector<16xi32>
    %select_n3A_1537 = arith.select %and3A_1527, %add3A_1536, %broadcast_in_dim3A_1532 : vector<16xi1>, vector<16xi32>
    %swap3A_1538 = arith.constant 5 : i32
    %swap3A_1539 = arith.index_cast %swap3A_1538 : i32 to index
    %swap3A_1540 = arith.constant 48 : index
    %swap3A_1541 = tpu.vector_load %arg15[%swap3A_1539, %swap3A_1540] {strides = array<i32>} : memref<10x64xi32, #tpu.memory_space<vmem>>, vector<16xi32>,
    tpu.vector_store %arg15[%swap3A_1539, %swap3A_1540], %select_n3A_1537 {strides = array<i32>} : memref<10x64xi32, #tpu.memory_space<vmem>>, vector<16xi32>,
    %select_n3A_1542 = arith.select %and3A_1527, %gather3A_1505, %broadcast_in_dim3A_36 : vector<16xi1>, vector<16xf32>
    %swap3A_1543 = arith.constant 5 : i32
    %swap3A_1544 = arith.index_cast %swap3A_1543 : i32 to index
    %swap3A_1545 = arith.constant 48 : index
    %swap3A_1546 = tpu.vector_load %arg16[%swap3A_1544, %swap3A_1545] {strides = array<i32>} : memref<10x64xf32, #tpu.memory_space<vmem>>, vector<16xf32>,
    tpu.vector_store %arg16[%swap3A_1544, %swap3A_1545], %select_n3A_1542 {strides = array<i32>} : memref<10x64xf32, #tpu.memory_space<vmem>>, vector<16xf32>,
    %select_n3A_1547 = arith.select %and3A_1527, %select_n3A_1530, %broadcast_in_dim3A_1532 : vector<16xi1>, vector<16xi32>
    %swap3A_1548 = arith.constant 5 : i32
    %swap3A_1549 = arith.index_cast %swap3A_1548 : i32 to index
    %swap3A_1550 = arith.constant 48 : index
    %swap3A_1551 = tpu.vector_load %arg17[%swap3A_1549, %swap3A_1550] {strides = array<i32>} : memref<10x64xi32, #tpu.memory_space<vmem>>, vector<16xi32>,
    tpu.vector_store %arg17[%swap3A_1549, %swap3A_1550], %select_n3A_1547 {strides = array<i32>} : memref<10x64xi32, #tpu.memory_space<vmem>>, vector<16xi32>,
    %select_n3A_1552 = arith.select %and3A_1527, %gather3A_1504, %broadcast_in_dim3A_36 : vector<16xi1>, vector<16xf32>
    %swap3A_1553 = arith.constant 5 : i32
    %swap3A_1554 = arith.index_cast %swap3A_1553 : i32 to index
    %swap3A_1555 = arith.constant 48 : index
    %swap3A_1556 = tpu.vector_load %arg18[%swap3A_1554, %swap3A_1555] {strides = array<i32>} : memref<10x64xf32, #tpu.memory_space<vmem>>, vector<16xf32>,
    tpu.vector_store %arg18[%swap3A_1554, %swap3A_1555], %select_n3A_1552 {strides = array<i32>} : memref<10x64xf32, #tpu.memory_space<vmem>>, vector<16xf32>,
    %dma_start3A_1557 = arith.constant 5 : i32
    %dma_start3A_1558 = arith.constant 5 : i32
    %dma_start3A_1559 = arith.constant 0 : i32
    %dma_start3A_1560 = tpu.memref_slice %arg16[%dma_start3A_1557, %dma_start3A_1559] : memref<10x64xf32, #tpu.memory_space<vmem>> -> memref<1x64xf32, #tpu.memory_space<vmem>>
    %dma_start3A_1561 = tpu.memref_squeeze %dma_start3A_1560 : memref<1x64xf32, #tpu.memory_space<vmem>> -> memref<64xf32, #tpu.memory_space<vmem>>
    %dma_start3A_1562 = arith.constant 0 : i32
    %dma_start3A_1563 = tpu.memref_slice %arg15[%dma_start3A_1558, %dma_start3A_1562] : memref<10x64xi32, #tpu.memory_space<vmem>> -> memref<1x64xi32, #tpu.memory_space<vmem>>
    %dma_start3A_1564 = tpu.memref_squeeze %dma_start3A_1563 : memref<1x64xi32, #tpu.memory_space<vmem>> -> memref<64xi32, #tpu.memory_space<vmem>>
    %dma_start3A_1565 = arith.constant 0 : i32
    %dma_start3A_1566 = tpu.memref_slice %arg23[%dma_start3A_1565] : memref<163840xf32, #tpu.memory_space<vmem_shared>> -> memref<163840xf32, #tpu.memory_space<vmem_shared>>
    %dma_start3A_1567 = arith.constant -1 : i32
    tpu.enqueue_indirect_dma source(%dma_start3A_1561 : memref<64xf32, #tpu.memory_space<vmem>>) target(%dma_start3A_1566 : memref<163840xf32, #tpu.memory_space<vmem_shared>>) offsets(%dma_start3A_1564 : memref<64xi32, #tpu.memory_space<vmem>>) offset_filter(%dma_start3A_1567) semaphore(%arg26 : memref<!tpu.dma_semaphore, #tpu.memory_space<semaphore_mem>>) {add = true}
    %dma_start3A_1568 = arith.constant 5 : i32
    %dma_start3A_1569 = arith.constant 5 : i32
    %dma_start3A_1570 = arith.constant 0 : i32
    %dma_start3A_1571 = tpu.memref_slice %arg18[%dma_start3A_1568, %dma_start3A_1570] : memref<10x64xf32, #tpu.memory_space<vmem>> -> memref<1x64xf32, #tpu.memory_space<vmem>>
    %dma_start3A_1572 = tpu.memref_squeeze %dma_start3A_1571 : memref<1x64xf32, #tpu.memory_space<vmem>> -> memref<64xf32, #tpu.memory_space<vmem>>
    %dma_start3A_1573 = arith.constant 0 : i32
    %dma_start3A_1574 = tpu.memref_slice %arg17[%dma_start3A_1569, %dma_start3A_1573] : memref<10x64xi32, #tpu.memory_space<vmem>> -> memref<1x64xi32, #tpu.memory_space<vmem>>
    %dma_start3A_1575 = tpu.memref_squeeze %dma_start3A_1574 : memref<1x64xi32, #tpu.memory_space<vmem>> -> memref<64xi32, #tpu.memory_space<vmem>>
    %dma_start3A_1576 = arith.constant 0 : i32
    %dma_start3A_1577 = tpu.memref_slice %arg24[%dma_start3A_1576] : memref<5120xf32, #tpu.memory_space<vmem_shared>> -> memref<5120xf32, #tpu.memory_space<vmem_shared>>
    %dma_start3A_1578 = arith.constant -1 : i32
    tpu.enqueue_indirect_dma source(%dma_start3A_1572 : memref<64xf32, #tpu.memory_space<vmem>>) target(%dma_start3A_1577 : memref<5120xf32, #tpu.memory_space<vmem_shared>>) offsets(%dma_start3A_1575 : memref<64xi32, #tpu.memory_space<vmem>>) offset_filter(%dma_start3A_1578) semaphore(%arg26 : memref<!tpu.dma_semaphore, #tpu.memory_space<semaphore_mem>>) {add = true}
    %get3A_1579 = arith.constant 384 : index
    %get3A_1580 = tpu.vector_load %arg10[%get3A_1579] {strides = array<i32>} : memref<640xi32, #tpu.memory_space<vmem>>, vector<16xi32>,
    %get3A_1581 = arith.constant 384 : index
    %get3A_1582 = tpu.vector_load %arg11[%get3A_1581] {strides = array<i32>} : memref<640xi32, #tpu.memory_space<vmem>>, vector<16xi32>,
    %get3A_1583 = arith.constant 384 : index
    %get3A_1584 = tpu.vector_load %arg12[%get3A_1583] {strides = array<i32>} : memref<640xi32, #tpu.memory_space<vmem>>, vector<16xi32>,
    %gather3A_1585 = tpu.vector_load_idx %arg13[%get3A_1582] : memref<1000xf32, #tpu.memory_space<vmem>>[vector<16xi32>], vector<16xf32>,
    %gather3A_1586 = tpu.vector_load_idx %arg14[%get3A_1582] : memref<1000xf32, #tpu.memory_space<vmem>>[vector<16xi32>], vector<16xf32>,
    %add3A_1587 = arith.constant 384 : i32
    %add3A_1588 = arith.addi %multiple_of3A, %add3A_1587 : i32
    %iota3A_1589 = tpu.iota {dimensions = array<i32: 0>} : vector<16xi32>
    %add3A_1590 = vector.broadcast %add3A_1588 : i32 to vector<16xi32>
    %add3A_1591 = arith.addi %add3A_1590, %iota3A_1589 : vector<16xi32>
    %sub3A_1592 = vector.broadcast %mul3A_4 : i32 to vector<16xi32>
    %sub3A_1593 = arith.subi %get3A_1580, %sub3A_1592 : vector<16xi32>
    %ge3A_1594 = vector.broadcast %mul3A_0 : i32 to vector<16xi32>
    %ge3A_1595 = arith.cmpi sge, %add3A_1591, %ge3A_1594 : vector<16xi32>
    %add3A_1596 = arith.constant 625 : i32
    %add3A_1597 = arith.addi %mul3A_0, %add3A_1596 : i32
    %lt3A_1598 = vector.broadcast %add3A_1597 : i32 to vector<16xi32>
    %lt3A_1599 = arith.cmpi slt, %add3A_1591, %lt3A_1598 : vector<16xi32>
    %and3A_1600 = arith.andi %ge3A_1595, %lt3A_1599 : vector<16xi1>
    %ge3A_1601 = arith.constant 0 : i32
    %ge3A_1602 = vector.broadcast %ge3A_1601 : i32 to vector<16xi32>
    %ge3A_1603 = arith.cmpi sge, %sub3A_1593, %ge3A_1602 : vector<16xi32>
    %and3A_1604 = arith.andi %and3A_1600, %ge3A_1603 : vector<16xi1>
    %lt3A_1605 = arith.constant 5000 : i32
    %lt3A_1606 = vector.broadcast %lt3A_1605 : i32 to vector<16xi32>
    %lt3A_1607 = arith.cmpi slt, %sub3A_1593, %lt3A_1606 : vector<16xi32>
    %and3A_1608 = arith.andi %and3A_1604, %lt3A_1607 : vector<16xi1>
    %jit3A_1609 = arith.constant 0 : i32
    %broadcast_in_dim3A_1610 = vector.broadcast %jit3A_1609 : i32 to vector<16xi32>
    %select_n3A_1611 = arith.select %and3A_1608, %sub3A_1593, %broadcast_in_dim3A_1610 : vector<16xi1>, vector<16xi32>
    %broadcast_in_dim3A_1612 = arith.constant -1 : i32
    %broadcast_in_dim3A_1613 = vector.broadcast %broadcast_in_dim3A_1612 : i32 to vector<16xi32>
    %mul3A_1614 = arith.constant 5120 : i32
    %mul3A_1615 = vector.broadcast %mul3A_1614 : i32 to vector<16xi32>
    %mul3A_1616 = arith.muli %get3A_1584, %mul3A_1615 : vector<16xi32>
    %add3A_1617 = arith.addi %mul3A_1616, %select_n3A_1611 : vector<16xi32>
    %select_n3A_1618 = arith.select %and3A_1608, %add3A_1617, %broadcast_in_dim3A_1613 : vector<16xi1>, vector<16xi32>
    %swap3A_1619 = arith.constant 6 : i32
    %swap3A_1620 = arith.index_cast %swap3A_1619 : i32 to index
    %swap3A_1621 = arith.constant 0 : index
    %swap3A_1622 = tpu.vector_load %arg15[%swap3A_1620, %swap3A_1621] {strides = array<i32>} : memref<10x64xi32, #tpu.memory_space<vmem>>, vector<16xi32>,
    tpu.vector_store %arg15[%swap3A_1620, %swap3A_1621], %select_n3A_1618 {strides = array<i32>} : memref<10x64xi32, #tpu.memory_space<vmem>>, vector<16xi32>,
    %select_n3A_1623 = arith.select %and3A_1608, %gather3A_1586, %broadcast_in_dim3A_36 : vector<16xi1>, vector<16xf32>
    %swap3A_1624 = arith.constant 6 : i32
    %swap3A_1625 = arith.index_cast %swap3A_1624 : i32 to index
    %swap3A_1626 = arith.constant 0 : index
    %swap3A_1627 = tpu.vector_load %arg16[%swap3A_1625, %swap3A_1626] {strides = array<i32>} : memref<10x64xf32, #tpu.memory_space<vmem>>, vector<16xf32>,
    tpu.vector_store %arg16[%swap3A_1625, %swap3A_1626], %select_n3A_1623 {strides = array<i32>} : memref<10x64xf32, #tpu.memory_space<vmem>>, vector<16xf32>,
    %select_n3A_1628 = arith.select %and3A_1608, %select_n3A_1611, %broadcast_in_dim3A_1613 : vector<16xi1>, vector<16xi32>
    %swap3A_1629 = arith.constant 6 : i32
    %swap3A_1630 = arith.index_cast %swap3A_1629 : i32 to index
    %swap3A_1631 = arith.constant 0 : index
    %swap3A_1632 = tpu.vector_load %arg17[%swap3A_1630, %swap3A_1631] {strides = array<i32>} : memref<10x64xi32, #tpu.memory_space<vmem>>, vector<16xi32>,
    tpu.vector_store %arg17[%swap3A_1630, %swap3A_1631], %select_n3A_1628 {strides = array<i32>} : memref<10x64xi32, #tpu.memory_space<vmem>>, vector<16xi32>,
    %select_n3A_1633 = arith.select %and3A_1608, %gather3A_1585, %broadcast_in_dim3A_36 : vector<16xi1>, vector<16xf32>
    %swap3A_1634 = arith.constant 6 : i32
    %swap3A_1635 = arith.index_cast %swap3A_1634 : i32 to index
    %swap3A_1636 = arith.constant 0 : index
    %swap3A_1637 = tpu.vector_load %arg18[%swap3A_1635, %swap3A_1636] {strides = array<i32>} : memref<10x64xf32, #tpu.memory_space<vmem>>, vector<16xf32>,
    tpu.vector_store %arg18[%swap3A_1635, %swap3A_1636], %select_n3A_1633 {strides = array<i32>} : memref<10x64xf32, #tpu.memory_space<vmem>>, vector<16xf32>,
    %get3A_1638 = arith.constant 400 : index
    %get3A_1639 = tpu.vector_load %arg10[%get3A_1638] {strides = array<i32>} : memref<640xi32, #tpu.memory_space<vmem>>, vector<16xi32>,
    %get3A_1640 = arith.constant 400 : index
    %get3A_1641 = tpu.vector_load %arg11[%get3A_1640] {strides = array<i32>} : memref<640xi32, #tpu.memory_space<vmem>>, vector<16xi32>,
    %get3A_1642 = arith.constant 400 : index
    %get3A_1643 = tpu.vector_load %arg12[%get3A_1642] {strides = array<i32>} : memref<640xi32, #tpu.memory_space<vmem>>, vector<16xi32>,
    %gather3A_1644 = tpu.vector_load_idx %arg13[%get3A_1641] : memref<1000xf32, #tpu.memory_space<vmem>>[vector<16xi32>], vector<16xf32>,
    %gather3A_1645 = tpu.vector_load_idx %arg14[%get3A_1641] : memref<1000xf32, #tpu.memory_space<vmem>>[vector<16xi32>], vector<16xf32>,
    %add3A_1646 = arith.constant 400 : i32
    %add3A_1647 = arith.addi %multiple_of3A, %add3A_1646 : i32
    %iota3A_1648 = tpu.iota {dimensions = array<i32: 0>} : vector<16xi32>
    %add3A_1649 = vector.broadcast %add3A_1647 : i32 to vector<16xi32>
    %add3A_1650 = arith.addi %add3A_1649, %iota3A_1648 : vector<16xi32>
    %sub3A_1651 = vector.broadcast %mul3A_4 : i32 to vector<16xi32>
    %sub3A_1652 = arith.subi %get3A_1639, %sub3A_1651 : vector<16xi32>
    %ge3A_1653 = vector.broadcast %mul3A_0 : i32 to vector<16xi32>
    %ge3A_1654 = arith.cmpi sge, %add3A_1650, %ge3A_1653 : vector<16xi32>
    %add3A_1655 = arith.constant 625 : i32
    %add3A_1656 = arith.addi %mul3A_0, %add3A_1655 : i32
    %lt3A_1657 = vector.broadcast %add3A_1656 : i32 to vector<16xi32>
    %lt3A_1658 = arith.cmpi slt, %add3A_1650, %lt3A_1657 : vector<16xi32>
    %and3A_1659 = arith.andi %ge3A_1654, %lt3A_1658 : vector<16xi1>
    %ge3A_1660 = arith.constant 0 : i32
    %ge3A_1661 = vector.broadcast %ge3A_1660 : i32 to vector<16xi32>
    %ge3A_1662 = arith.cmpi sge, %sub3A_1652, %ge3A_1661 : vector<16xi32>
    %and3A_1663 = arith.andi %and3A_1659, %ge3A_1662 : vector<16xi1>
    %lt3A_1664 = arith.constant 5000 : i32
    %lt3A_1665 = vector.broadcast %lt3A_1664 : i32 to vector<16xi32>
    %lt3A_1666 = arith.cmpi slt, %sub3A_1652, %lt3A_1665 : vector<16xi32>
    %and3A_1667 = arith.andi %and3A_1663, %lt3A_1666 : vector<16xi1>
    %jit3A_1668 = arith.constant 0 : i32
    %broadcast_in_dim3A_1669 = vector.broadcast %jit3A_1668 : i32 to vector<16xi32>
    %select_n3A_1670 = arith.select %and3A_1667, %sub3A_1652, %broadcast_in_dim3A_1669 : vector<16xi1>, vector<16xi32>
    %broadcast_in_dim3A_1671 = arith.constant -1 : i32
    %broadcast_in_dim3A_1672 = vector.broadcast %broadcast_in_dim3A_1671 : i32 to vector<16xi32>
    %mul3A_1673 = arith.constant 5120 : i32
    %mul3A_1674 = vector.broadcast %mul3A_1673 : i32 to vector<16xi32>
    %mul3A_1675 = arith.muli %get3A_1643, %mul3A_1674 : vector<16xi32>
    %add3A_1676 = arith.addi %mul3A_1675, %select_n3A_1670 : vector<16xi32>
    %select_n3A_1677 = arith.select %and3A_1667, %add3A_1676, %broadcast_in_dim3A_1672 : vector<16xi1>, vector<16xi32>
    %swap3A_1678 = arith.constant 6 : i32
    %swap3A_1679 = arith.index_cast %swap3A_1678 : i32 to index
    %swap3A_1680 = arith.constant 16 : index
    %swap3A_1681 = tpu.vector_load %arg15[%swap3A_1679, %swap3A_1680] {strides = array<i32>} : memref<10x64xi32, #tpu.memory_space<vmem>>, vector<16xi32>,
    tpu.vector_store %arg15[%swap3A_1679, %swap3A_1680], %select_n3A_1677 {strides = array<i32>} : memref<10x64xi32, #tpu.memory_space<vmem>>, vector<16xi32>,
    %select_n3A_1682 = arith.select %and3A_1667, %gather3A_1645, %broadcast_in_dim3A_36 : vector<16xi1>, vector<16xf32>
    %swap3A_1683 = arith.constant 6 : i32
    %swap3A_1684 = arith.index_cast %swap3A_1683 : i32 to index
    %swap3A_1685 = arith.constant 16 : index
    %swap3A_1686 = tpu.vector_load %arg16[%swap3A_1684, %swap3A_1685] {strides = array<i32>} : memref<10x64xf32, #tpu.memory_space<vmem>>, vector<16xf32>,
    tpu.vector_store %arg16[%swap3A_1684, %swap3A_1685], %select_n3A_1682 {strides = array<i32>} : memref<10x64xf32, #tpu.memory_space<vmem>>, vector<16xf32>,
    %select_n3A_1687 = arith.select %and3A_1667, %select_n3A_1670, %broadcast_in_dim3A_1672 : vector<16xi1>, vector<16xi32>
    %swap3A_1688 = arith.constant 6 : i32
    %swap3A_1689 = arith.index_cast %swap3A_1688 : i32 to index
    %swap3A_1690 = arith.constant 16 : index
    %swap3A_1691 = tpu.vector_load %arg17[%swap3A_1689, %swap3A_1690] {strides = array<i32>} : memref<10x64xi32, #tpu.memory_space<vmem>>, vector<16xi32>,
    tpu.vector_store %arg17[%swap3A_1689, %swap3A_1690], %select_n3A_1687 {strides = array<i32>} : memref<10x64xi32, #tpu.memory_space<vmem>>, vector<16xi32>,
    %select_n3A_1692 = arith.select %and3A_1667, %gather3A_1644, %broadcast_in_dim3A_36 : vector<16xi1>, vector<16xf32>
    %swap3A_1693 = arith.constant 6 : i32
    %swap3A_1694 = arith.index_cast %swap3A_1693 : i32 to index
    %swap3A_1695 = arith.constant 16 : index
    %swap3A_1696 = tpu.vector_load %arg18[%swap3A_1694, %swap3A_1695] {strides = array<i32>} : memref<10x64xf32, #tpu.memory_space<vmem>>, vector<16xf32>,
    tpu.vector_store %arg18[%swap3A_1694, %swap3A_1695], %select_n3A_1692 {strides = array<i32>} : memref<10x64xf32, #tpu.memory_space<vmem>>, vector<16xf32>,
    %get3A_1697 = arith.constant 416 : index
    %get3A_1698 = tpu.vector_load %arg10[%get3A_1697] {strides = array<i32>} : memref<640xi32, #tpu.memory_space<vmem>>, vector<16xi32>,
    %get3A_1699 = arith.constant 416 : index
    %get3A_1700 = tpu.vector_load %arg11[%get3A_1699] {strides = array<i32>} : memref<640xi32, #tpu.memory_space<vmem>>, vector<16xi32>,
    %get3A_1701 = arith.constant 416 : index
    %get3A_1702 = tpu.vector_load %arg12[%get3A_1701] {strides = array<i32>} : memref<640xi32, #tpu.memory_space<vmem>>, vector<16xi32>,
    %gather3A_1703 = tpu.vector_load_idx %arg13[%get3A_1700] : memref<1000xf32, #tpu.memory_space<vmem>>[vector<16xi32>], vector<16xf32>,
    %gather3A_1704 = tpu.vector_load_idx %arg14[%get3A_1700] : memref<1000xf32, #tpu.memory_space<vmem>>[vector<16xi32>], vector<16xf32>,
    %add3A_1705 = arith.constant 416 : i32
    %add3A_1706 = arith.addi %multiple_of3A, %add3A_1705 : i32
    %iota3A_1707 = tpu.iota {dimensions = array<i32: 0>} : vector<16xi32>
    %add3A_1708 = vector.broadcast %add3A_1706 : i32 to vector<16xi32>
    %add3A_1709 = arith.addi %add3A_1708, %iota3A_1707 : vector<16xi32>
    %sub3A_1710 = vector.broadcast %mul3A_4 : i32 to vector<16xi32>
    %sub3A_1711 = arith.subi %get3A_1698, %sub3A_1710 : vector<16xi32>
    %ge3A_1712 = vector.broadcast %mul3A_0 : i32 to vector<16xi32>
    %ge3A_1713 = arith.cmpi sge, %add3A_1709, %ge3A_1712 : vector<16xi32>
    %add3A_1714 = arith.constant 625 : i32
    %add3A_1715 = arith.addi %mul3A_0, %add3A_1714 : i32
    %lt3A_1716 = vector.broadcast %add3A_1715 : i32 to vector<16xi32>
    %lt3A_1717 = arith.cmpi slt, %add3A_1709, %lt3A_1716 : vector<16xi32>
    %and3A_1718 = arith.andi %ge3A_1713, %lt3A_1717 : vector<16xi1>
    %ge3A_1719 = arith.constant 0 : i32
    %ge3A_1720 = vector.broadcast %ge3A_1719 : i32 to vector<16xi32>
    %ge3A_1721 = arith.cmpi sge, %sub3A_1711, %ge3A_1720 : vector<16xi32>
    %and3A_1722 = arith.andi %and3A_1718, %ge3A_1721 : vector<16xi1>
    %lt3A_1723 = arith.constant 5000 : i32
    %lt3A_1724 = vector.broadcast %lt3A_1723 : i32 to vector<16xi32>
    %lt3A_1725 = arith.cmpi slt, %sub3A_1711, %lt3A_1724 : vector<16xi32>
    %and3A_1726 = arith.andi %and3A_1722, %lt3A_1725 : vector<16xi1>
    %jit3A_1727 = arith.constant 0 : i32
    %broadcast_in_dim3A_1728 = vector.broadcast %jit3A_1727 : i32 to vector<16xi32>
    %select_n3A_1729 = arith.select %and3A_1726, %sub3A_1711, %broadcast_in_dim3A_1728 : vector<16xi1>, vector<16xi32>
    %broadcast_in_dim3A_1730 = arith.constant -1 : i32
    %broadcast_in_dim3A_1731 = vector.broadcast %broadcast_in_dim3A_1730 : i32 to vector<16xi32>
    %mul3A_1732 = arith.constant 5120 : i32
    %mul3A_1733 = vector.broadcast %mul3A_1732 : i32 to vector<16xi32>
    %mul3A_1734 = arith.muli %get3A_1702, %mul3A_1733 : vector<16xi32>
    %add3A_1735 = arith.addi %mul3A_1734, %select_n3A_1729 : vector<16xi32>
    %select_n3A_1736 = arith.select %and3A_1726, %add3A_1735, %broadcast_in_dim3A_1731 : vector<16xi1>, vector<16xi32>
    %swap3A_1737 = arith.constant 6 : i32
    %swap3A_1738 = arith.index_cast %swap3A_1737 : i32 to index
    %swap3A_1739 = arith.constant 32 : index
    %swap3A_1740 = tpu.vector_load %arg15[%swap3A_1738, %swap3A_1739] {strides = array<i32>} : memref<10x64xi32, #tpu.memory_space<vmem>>, vector<16xi32>,
    tpu.vector_store %arg15[%swap3A_1738, %swap3A_1739], %select_n3A_1736 {strides = array<i32>} : memref<10x64xi32, #tpu.memory_space<vmem>>, vector<16xi32>,
    %select_n3A_1741 = arith.select %and3A_1726, %gather3A_1704, %broadcast_in_dim3A_36 : vector<16xi1>, vector<16xf32>
    %swap3A_1742 = arith.constant 6 : i32
    %swap3A_1743 = arith.index_cast %swap3A_1742 : i32 to index
    %swap3A_1744 = arith.constant 32 : index
    %swap3A_1745 = tpu.vector_load %arg16[%swap3A_1743, %swap3A_1744] {strides = array<i32>} : memref<10x64xf32, #tpu.memory_space<vmem>>, vector<16xf32>,
    tpu.vector_store %arg16[%swap3A_1743, %swap3A_1744], %select_n3A_1741 {strides = array<i32>} : memref<10x64xf32, #tpu.memory_space<vmem>>, vector<16xf32>,
    %select_n3A_1746 = arith.select %and3A_1726, %select_n3A_1729, %broadcast_in_dim3A_1731 : vector<16xi1>, vector<16xi32>
    %swap3A_1747 = arith.constant 6 : i32
    %swap3A_1748 = arith.index_cast %swap3A_1747 : i32 to index
    %swap3A_1749 = arith.constant 32 : index
    %swap3A_1750 = tpu.vector_load %arg17[%swap3A_1748, %swap3A_1749] {strides = array<i32>} : memref<10x64xi32, #tpu.memory_space<vmem>>, vector<16xi32>,
    tpu.vector_store %arg17[%swap3A_1748, %swap3A_1749], %select_n3A_1746 {strides = array<i32>} : memref<10x64xi32, #tpu.memory_space<vmem>>, vector<16xi32>,
    %select_n3A_1751 = arith.select %and3A_1726, %gather3A_1703, %broadcast_in_dim3A_36 : vector<16xi1>, vector<16xf32>
    %swap3A_1752 = arith.constant 6 : i32
    %swap3A_1753 = arith.index_cast %swap3A_1752 : i32 to index
    %swap3A_1754 = arith.constant 32 : index
    %swap3A_1755 = tpu.vector_load %arg18[%swap3A_1753, %swap3A_1754] {strides = array<i32>} : memref<10x64xf32, #tpu.memory_space<vmem>>, vector<16xf32>,
    tpu.vector_store %arg18[%swap3A_1753, %swap3A_1754], %select_n3A_1751 {strides = array<i32>} : memref<10x64xf32, #tpu.memory_space<vmem>>, vector<16xf32>,
    %get3A_1756 = arith.constant 432 : index
    %get3A_1757 = tpu.vector_load %arg10[%get3A_1756] {strides = array<i32>} : memref<640xi32, #tpu.memory_space<vmem>>, vector<16xi32>,
    %get3A_1758 = arith.constant 432 : index
    %get3A_1759 = tpu.vector_load %arg11[%get3A_1758] {strides = array<i32>} : memref<640xi32, #tpu.memory_space<vmem>>, vector<16xi32>,
    %get3A_1760 = arith.constant 432 : index
    %get3A_1761 = tpu.vector_load %arg12[%get3A_1760] {strides = array<i32>} : memref<640xi32, #tpu.memory_space<vmem>>, vector<16xi32>,
    %gather3A_1762 = tpu.vector_load_idx %arg13[%get3A_1759] : memref<1000xf32, #tpu.memory_space<vmem>>[vector<16xi32>], vector<16xf32>,
    %gather3A_1763 = tpu.vector_load_idx %arg14[%get3A_1759] : memref<1000xf32, #tpu.memory_space<vmem>>[vector<16xi32>], vector<16xf32>,
    %add3A_1764 = arith.constant 432 : i32
    %add3A_1765 = arith.addi %multiple_of3A, %add3A_1764 : i32
    %iota3A_1766 = tpu.iota {dimensions = array<i32: 0>} : vector<16xi32>
    %add3A_1767 = vector.broadcast %add3A_1765 : i32 to vector<16xi32>
    %add3A_1768 = arith.addi %add3A_1767, %iota3A_1766 : vector<16xi32>
    %sub3A_1769 = vector.broadcast %mul3A_4 : i32 to vector<16xi32>
    %sub3A_1770 = arith.subi %get3A_1757, %sub3A_1769 : vector<16xi32>
    %ge3A_1771 = vector.broadcast %mul3A_0 : i32 to vector<16xi32>
    %ge3A_1772 = arith.cmpi sge, %add3A_1768, %ge3A_1771 : vector<16xi32>
    %add3A_1773 = arith.constant 625 : i32
    %add3A_1774 = arith.addi %mul3A_0, %add3A_1773 : i32
    %lt3A_1775 = vector.broadcast %add3A_1774 : i32 to vector<16xi32>
    %lt3A_1776 = arith.cmpi slt, %add3A_1768, %lt3A_1775 : vector<16xi32>
    %and3A_1777 = arith.andi %ge3A_1772, %lt3A_1776 : vector<16xi1>
    %ge3A_1778 = arith.constant 0 : i32
    %ge3A_1779 = vector.broadcast %ge3A_1778 : i32 to vector<16xi32>
    %ge3A_1780 = arith.cmpi sge, %sub3A_1770, %ge3A_1779 : vector<16xi32>
    %and3A_1781 = arith.andi %and3A_1777, %ge3A_1780 : vector<16xi1>
    %lt3A_1782 = arith.constant 5000 : i32
    %lt3A_1783 = vector.broadcast %lt3A_1782 : i32 to vector<16xi32>
    %lt3A_1784 = arith.cmpi slt, %sub3A_1770, %lt3A_1783 : vector<16xi32>
    %and3A_1785 = arith.andi %and3A_1781, %lt3A_1784 : vector<16xi1>
    %jit3A_1786 = arith.constant 0 : i32
    %broadcast_in_dim3A_1787 = vector.broadcast %jit3A_1786 : i32 to vector<16xi32>
    %select_n3A_1788 = arith.select %and3A_1785, %sub3A_1770, %broadcast_in_dim3A_1787 : vector<16xi1>, vector<16xi32>
    %broadcast_in_dim3A_1789 = arith.constant -1 : i32
    %broadcast_in_dim3A_1790 = vector.broadcast %broadcast_in_dim3A_1789 : i32 to vector<16xi32>
    %mul3A_1791 = arith.constant 5120 : i32
    %mul3A_1792 = vector.broadcast %mul3A_1791 : i32 to vector<16xi32>
    %mul3A_1793 = arith.muli %get3A_1761, %mul3A_1792 : vector<16xi32>
    %add3A_1794 = arith.addi %mul3A_1793, %select_n3A_1788 : vector<16xi32>
    %select_n3A_1795 = arith.select %and3A_1785, %add3A_1794, %broadcast_in_dim3A_1790 : vector<16xi1>, vector<16xi32>
    %swap3A_1796 = arith.constant 6 : i32
    %swap3A_1797 = arith.index_cast %swap3A_1796 : i32 to index
    %swap3A_1798 = arith.constant 48 : index
    %swap3A_1799 = tpu.vector_load %arg15[%swap3A_1797, %swap3A_1798] {strides = array<i32>} : memref<10x64xi32, #tpu.memory_space<vmem>>, vector<16xi32>,
    tpu.vector_store %arg15[%swap3A_1797, %swap3A_1798], %select_n3A_1795 {strides = array<i32>} : memref<10x64xi32, #tpu.memory_space<vmem>>, vector<16xi32>,
    %select_n3A_1800 = arith.select %and3A_1785, %gather3A_1763, %broadcast_in_dim3A_36 : vector<16xi1>, vector<16xf32>
    %swap3A_1801 = arith.constant 6 : i32
    %swap3A_1802 = arith.index_cast %swap3A_1801 : i32 to index
    %swap3A_1803 = arith.constant 48 : index
    %swap3A_1804 = tpu.vector_load %arg16[%swap3A_1802, %swap3A_1803] {strides = array<i32>} : memref<10x64xf32, #tpu.memory_space<vmem>>, vector<16xf32>,
    tpu.vector_store %arg16[%swap3A_1802, %swap3A_1803], %select_n3A_1800 {strides = array<i32>} : memref<10x64xf32, #tpu.memory_space<vmem>>, vector<16xf32>,
    %select_n3A_1805 = arith.select %and3A_1785, %select_n3A_1788, %broadcast_in_dim3A_1790 : vector<16xi1>, vector<16xi32>
    %swap3A_1806 = arith.constant 6 : i32
    %swap3A_1807 = arith.index_cast %swap3A_1806 : i32 to index
    %swap3A_1808 = arith.constant 48 : index
    %swap3A_1809 = tpu.vector_load %arg17[%swap3A_1807, %swap3A_1808] {strides = array<i32>} : memref<10x64xi32, #tpu.memory_space<vmem>>, vector<16xi32>,
    tpu.vector_store %arg17[%swap3A_1807, %swap3A_1808], %select_n3A_1805 {strides = array<i32>} : memref<10x64xi32, #tpu.memory_space<vmem>>, vector<16xi32>,
    %select_n3A_1810 = arith.select %and3A_1785, %gather3A_1762, %broadcast_in_dim3A_36 : vector<16xi1>, vector<16xf32>
    %swap3A_1811 = arith.constant 6 : i32
    %swap3A_1812 = arith.index_cast %swap3A_1811 : i32 to index
    %swap3A_1813 = arith.constant 48 : index
    %swap3A_1814 = tpu.vector_load %arg18[%swap3A_1812, %swap3A_1813] {strides = array<i32>} : memref<10x64xf32, #tpu.memory_space<vmem>>, vector<16xf32>,
    tpu.vector_store %arg18[%swap3A_1812, %swap3A_1813], %select_n3A_1810 {strides = array<i32>} : memref<10x64xf32, #tpu.memory_space<vmem>>, vector<16xf32>,
    %dma_start3A_1815 = arith.constant 6 : i32
    %dma_start3A_1816 = arith.constant 6 : i32
    %dma_start3A_1817 = arith.constant 0 : i32
    %dma_start3A_1818 = tpu.memref_slice %arg16[%dma_start3A_1815, %dma_start3A_1817] : memref<10x64xf32, #tpu.memory_space<vmem>> -> memref<1x64xf32, #tpu.memory_space<vmem>>
    %dma_start3A_1819 = tpu.memref_squeeze %dma_start3A_1818 : memref<1x64xf32, #tpu.memory_space<vmem>> -> memref<64xf32, #tpu.memory_space<vmem>>
    %dma_start3A_1820 = arith.constant 0 : i32
    %dma_start3A_1821 = tpu.memref_slice %arg15[%dma_start3A_1816, %dma_start3A_1820] : memref<10x64xi32, #tpu.memory_space<vmem>> -> memref<1x64xi32, #tpu.memory_space<vmem>>
    %dma_start3A_1822 = tpu.memref_squeeze %dma_start3A_1821 : memref<1x64xi32, #tpu.memory_space<vmem>> -> memref<64xi32, #tpu.memory_space<vmem>>
    %dma_start3A_1823 = arith.constant 0 : i32
    %dma_start3A_1824 = tpu.memref_slice %arg23[%dma_start3A_1823] : memref<163840xf32, #tpu.memory_space<vmem_shared>> -> memref<163840xf32, #tpu.memory_space<vmem_shared>>
    %dma_start3A_1825 = arith.constant -1 : i32
    tpu.enqueue_indirect_dma source(%dma_start3A_1819 : memref<64xf32, #tpu.memory_space<vmem>>) target(%dma_start3A_1824 : memref<163840xf32, #tpu.memory_space<vmem_shared>>) offsets(%dma_start3A_1822 : memref<64xi32, #tpu.memory_space<vmem>>) offset_filter(%dma_start3A_1825) semaphore(%arg26 : memref<!tpu.dma_semaphore, #tpu.memory_space<semaphore_mem>>) {add = true}
    %dma_start3A_1826 = arith.constant 6 : i32
    %dma_start3A_1827 = arith.constant 6 : i32
    %dma_start3A_1828 = arith.constant 0 : i32
    %dma_start3A_1829 = tpu.memref_slice %arg18[%dma_start3A_1826, %dma_start3A_1828] : memref<10x64xf32, #tpu.memory_space<vmem>> -> memref<1x64xf32, #tpu.memory_space<vmem>>
    %dma_start3A_1830 = tpu.memref_squeeze %dma_start3A_1829 : memref<1x64xf32, #tpu.memory_space<vmem>> -> memref<64xf32, #tpu.memory_space<vmem>>
    %dma_start3A_1831 = arith.constant 0 : i32
    %dma_start3A_1832 = tpu.memref_slice %arg17[%dma_start3A_1827, %dma_start3A_1831] : memref<10x64xi32, #tpu.memory_space<vmem>> -> memref<1x64xi32, #tpu.memory_space<vmem>>
    %dma_start3A_1833 = tpu.memref_squeeze %dma_start3A_1832 : memref<1x64xi32, #tpu.memory_space<vmem>> -> memref<64xi32, #tpu.memory_space<vmem>>
    %dma_start3A_1834 = arith.constant 0 : i32
    %dma_start3A_1835 = tpu.memref_slice %arg24[%dma_start3A_1834] : memref<5120xf32, #tpu.memory_space<vmem_shared>> -> memref<5120xf32, #tpu.memory_space<vmem_shared>>
    %dma_start3A_1836 = arith.constant -1 : i32
    tpu.enqueue_indirect_dma source(%dma_start3A_1830 : memref<64xf32, #tpu.memory_space<vmem>>) target(%dma_start3A_1835 : memref<5120xf32, #tpu.memory_space<vmem_shared>>) offsets(%dma_start3A_1833 : memref<64xi32, #tpu.memory_space<vmem>>) offset_filter(%dma_start3A_1836) semaphore(%arg26 : memref<!tpu.dma_semaphore, #tpu.memory_space<semaphore_mem>>) {add = true}
    %get3A_1837 = arith.constant 448 : index
    %get3A_1838 = tpu.vector_load %arg10[%get3A_1837] {strides = array<i32>} : memref<640xi32, #tpu.memory_space<vmem>>, vector<16xi32>,
    %get3A_1839 = arith.constant 448 : index
    %get3A_1840 = tpu.vector_load %arg11[%get3A_1839] {strides = array<i32>} : memref<640xi32, #tpu.memory_space<vmem>>, vector<16xi32>,
    %get3A_1841 = arith.constant 448 : index
    %get3A_1842 = tpu.vector_load %arg12[%get3A_1841] {strides = array<i32>} : memref<640xi32, #tpu.memory_space<vmem>>, vector<16xi32>,
    %gather3A_1843 = tpu.vector_load_idx %arg13[%get3A_1840] : memref<1000xf32, #tpu.memory_space<vmem>>[vector<16xi32>], vector<16xf32>,
    %gather3A_1844 = tpu.vector_load_idx %arg14[%get3A_1840] : memref<1000xf32, #tpu.memory_space<vmem>>[vector<16xi32>], vector<16xf32>,
    %add3A_1845 = arith.constant 448 : i32
    %add3A_1846 = arith.addi %multiple_of3A, %add3A_1845 : i32
    %iota3A_1847 = tpu.iota {dimensions = array<i32: 0>} : vector<16xi32>
    %add3A_1848 = vector.broadcast %add3A_1846 : i32 to vector<16xi32>
    %add3A_1849 = arith.addi %add3A_1848, %iota3A_1847 : vector<16xi32>
    %sub3A_1850 = vector.broadcast %mul3A_4 : i32 to vector<16xi32>
    %sub3A_1851 = arith.subi %get3A_1838, %sub3A_1850 : vector<16xi32>
    %ge3A_1852 = vector.broadcast %mul3A_0 : i32 to vector<16xi32>
    %ge3A_1853 = arith.cmpi sge, %add3A_1849, %ge3A_1852 : vector<16xi32>
    %add3A_1854 = arith.constant 625 : i32
    %add3A_1855 = arith.addi %mul3A_0, %add3A_1854 : i32
    %lt3A_1856 = vector.broadcast %add3A_1855 : i32 to vector<16xi32>
    %lt3A_1857 = arith.cmpi slt, %add3A_1849, %lt3A_1856 : vector<16xi32>
    %and3A_1858 = arith.andi %ge3A_1853, %lt3A_1857 : vector<16xi1>
    %ge3A_1859 = arith.constant 0 : i32
    %ge3A_1860 = vector.broadcast %ge3A_1859 : i32 to vector<16xi32>
    %ge3A_1861 = arith.cmpi sge, %sub3A_1851, %ge3A_1860 : vector<16xi32>
    %and3A_1862 = arith.andi %and3A_1858, %ge3A_1861 : vector<16xi1>
    %lt3A_1863 = arith.constant 5000 : i32
    %lt3A_1864 = vector.broadcast %lt3A_1863 : i32 to vector<16xi32>
    %lt3A_1865 = arith.cmpi slt, %sub3A_1851, %lt3A_1864 : vector<16xi32>
    %and3A_1866 = arith.andi %and3A_1862, %lt3A_1865 : vector<16xi1>
    %jit3A_1867 = arith.constant 0 : i32
    %broadcast_in_dim3A_1868 = vector.broadcast %jit3A_1867 : i32 to vector<16xi32>
    %select_n3A_1869 = arith.select %and3A_1866, %sub3A_1851, %broadcast_in_dim3A_1868 : vector<16xi1>, vector<16xi32>
    %broadcast_in_dim3A_1870 = arith.constant -1 : i32
    %broadcast_in_dim3A_1871 = vector.broadcast %broadcast_in_dim3A_1870 : i32 to vector<16xi32>
    %mul3A_1872 = arith.constant 5120 : i32
    %mul3A_1873 = vector.broadcast %mul3A_1872 : i32 to vector<16xi32>
    %mul3A_1874 = arith.muli %get3A_1842, %mul3A_1873 : vector<16xi32>
    %add3A_1875 = arith.addi %mul3A_1874, %select_n3A_1869 : vector<16xi32>
    %select_n3A_1876 = arith.select %and3A_1866, %add3A_1875, %broadcast_in_dim3A_1871 : vector<16xi1>, vector<16xi32>
    %swap3A_1877 = arith.constant 7 : i32
    %swap3A_1878 = arith.index_cast %swap3A_1877 : i32 to index
    %swap3A_1879 = arith.constant 0 : index
    %swap3A_1880 = tpu.vector_load %arg15[%swap3A_1878, %swap3A_1879] {strides = array<i32>} : memref<10x64xi32, #tpu.memory_space<vmem>>, vector<16xi32>,
    tpu.vector_store %arg15[%swap3A_1878, %swap3A_1879], %select_n3A_1876 {strides = array<i32>} : memref<10x64xi32, #tpu.memory_space<vmem>>, vector<16xi32>,
    %select_n3A_1881 = arith.select %and3A_1866, %gather3A_1844, %broadcast_in_dim3A_36 : vector<16xi1>, vector<16xf32>
    %swap3A_1882 = arith.constant 7 : i32
    %swap3A_1883 = arith.index_cast %swap3A_1882 : i32 to index
    %swap3A_1884 = arith.constant 0 : index
    %swap3A_1885 = tpu.vector_load %arg16[%swap3A_1883, %swap3A_1884] {strides = array<i32>} : memref<10x64xf32, #tpu.memory_space<vmem>>, vector<16xf32>,
    tpu.vector_store %arg16[%swap3A_1883, %swap3A_1884], %select_n3A_1881 {strides = array<i32>} : memref<10x64xf32, #tpu.memory_space<vmem>>, vector<16xf32>,
    %select_n3A_1886 = arith.select %and3A_1866, %select_n3A_1869, %broadcast_in_dim3A_1871 : vector<16xi1>, vector<16xi32>
    %swap3A_1887 = arith.constant 7 : i32
    %swap3A_1888 = arith.index_cast %swap3A_1887 : i32 to index
    %swap3A_1889 = arith.constant 0 : index
    %swap3A_1890 = tpu.vector_load %arg17[%swap3A_1888, %swap3A_1889] {strides = array<i32>} : memref<10x64xi32, #tpu.memory_space<vmem>>, vector<16xi32>,
    tpu.vector_store %arg17[%swap3A_1888, %swap3A_1889], %select_n3A_1886 {strides = array<i32>} : memref<10x64xi32, #tpu.memory_space<vmem>>, vector<16xi32>,
    %select_n3A_1891 = arith.select %and3A_1866, %gather3A_1843, %broadcast_in_dim3A_36 : vector<16xi1>, vector<16xf32>
    %swap3A_1892 = arith.constant 7 : i32
    %swap3A_1893 = arith.index_cast %swap3A_1892 : i32 to index
    %swap3A_1894 = arith.constant 0 : index
    %swap3A_1895 = tpu.vector_load %arg18[%swap3A_1893, %swap3A_1894] {strides = array<i32>} : memref<10x64xf32, #tpu.memory_space<vmem>>, vector<16xf32>,
    tpu.vector_store %arg18[%swap3A_1893, %swap3A_1894], %select_n3A_1891 {strides = array<i32>} : memref<10x64xf32, #tpu.memory_space<vmem>>, vector<16xf32>,
    %get3A_1896 = arith.constant 464 : index
    %get3A_1897 = tpu.vector_load %arg10[%get3A_1896] {strides = array<i32>} : memref<640xi32, #tpu.memory_space<vmem>>, vector<16xi32>,
    %get3A_1898 = arith.constant 464 : index
    %get3A_1899 = tpu.vector_load %arg11[%get3A_1898] {strides = array<i32>} : memref<640xi32, #tpu.memory_space<vmem>>, vector<16xi32>,
    %get3A_1900 = arith.constant 464 : index
    %get3A_1901 = tpu.vector_load %arg12[%get3A_1900] {strides = array<i32>} : memref<640xi32, #tpu.memory_space<vmem>>, vector<16xi32>,
    %gather3A_1902 = tpu.vector_load_idx %arg13[%get3A_1899] : memref<1000xf32, #tpu.memory_space<vmem>>[vector<16xi32>], vector<16xf32>,
    %gather3A_1903 = tpu.vector_load_idx %arg14[%get3A_1899] : memref<1000xf32, #tpu.memory_space<vmem>>[vector<16xi32>], vector<16xf32>,
    %add3A_1904 = arith.constant 464 : i32
    %add3A_1905 = arith.addi %multiple_of3A, %add3A_1904 : i32
    %iota3A_1906 = tpu.iota {dimensions = array<i32: 0>} : vector<16xi32>
    %add3A_1907 = vector.broadcast %add3A_1905 : i32 to vector<16xi32>
    %add3A_1908 = arith.addi %add3A_1907, %iota3A_1906 : vector<16xi32>
    %sub3A_1909 = vector.broadcast %mul3A_4 : i32 to vector<16xi32>
    %sub3A_1910 = arith.subi %get3A_1897, %sub3A_1909 : vector<16xi32>
    %ge3A_1911 = vector.broadcast %mul3A_0 : i32 to vector<16xi32>
    %ge3A_1912 = arith.cmpi sge, %add3A_1908, %ge3A_1911 : vector<16xi32>
    %add3A_1913 = arith.constant 625 : i32
    %add3A_1914 = arith.addi %mul3A_0, %add3A_1913 : i32
    %lt3A_1915 = vector.broadcast %add3A_1914 : i32 to vector<16xi32>
    %lt3A_1916 = arith.cmpi slt, %add3A_1908, %lt3A_1915 : vector<16xi32>
    %and3A_1917 = arith.andi %ge3A_1912, %lt3A_1916 : vector<16xi1>
    %ge3A_1918 = arith.constant 0 : i32
    %ge3A_1919 = vector.broadcast %ge3A_1918 : i32 to vector<16xi32>
    %ge3A_1920 = arith.cmpi sge, %sub3A_1910, %ge3A_1919 : vector<16xi32>
    %and3A_1921 = arith.andi %and3A_1917, %ge3A_1920 : vector<16xi1>
    %lt3A_1922 = arith.constant 5000 : i32
    %lt3A_1923 = vector.broadcast %lt3A_1922 : i32 to vector<16xi32>
    %lt3A_1924 = arith.cmpi slt, %sub3A_1910, %lt3A_1923 : vector<16xi32>
    %and3A_1925 = arith.andi %and3A_1921, %lt3A_1924 : vector<16xi1>
    %jit3A_1926 = arith.constant 0 : i32
    %broadcast_in_dim3A_1927 = vector.broadcast %jit3A_1926 : i32 to vector<16xi32>
    %select_n3A_1928 = arith.select %and3A_1925, %sub3A_1910, %broadcast_in_dim3A_1927 : vector<16xi1>, vector<16xi32>
    %broadcast_in_dim3A_1929 = arith.constant -1 : i32
    %broadcast_in_dim3A_1930 = vector.broadcast %broadcast_in_dim3A_1929 : i32 to vector<16xi32>
    %mul3A_1931 = arith.constant 5120 : i32
    %mul3A_1932 = vector.broadcast %mul3A_1931 : i32 to vector<16xi32>
    %mul3A_1933 = arith.muli %get3A_1901, %mul3A_1932 : vector<16xi32>
    %add3A_1934 = arith.addi %mul3A_1933, %select_n3A_1928 : vector<16xi32>
    %select_n3A_1935 = arith.select %and3A_1925, %add3A_1934, %broadcast_in_dim3A_1930 : vector<16xi1>, vector<16xi32>
    %swap3A_1936 = arith.constant 7 : i32
    %swap3A_1937 = arith.index_cast %swap3A_1936 : i32 to index
    %swap3A_1938 = arith.constant 16 : index
    %swap3A_1939 = tpu.vector_load %arg15[%swap3A_1937, %swap3A_1938] {strides = array<i32>} : memref<10x64xi32, #tpu.memory_space<vmem>>, vector<16xi32>,
    tpu.vector_store %arg15[%swap3A_1937, %swap3A_1938], %select_n3A_1935 {strides = array<i32>} : memref<10x64xi32, #tpu.memory_space<vmem>>, vector<16xi32>,
    %select_n3A_1940 = arith.select %and3A_1925, %gather3A_1903, %broadcast_in_dim3A_36 : vector<16xi1>, vector<16xf32>
    %swap3A_1941 = arith.constant 7 : i32
    %swap3A_1942 = arith.index_cast %swap3A_1941 : i32 to index
    %swap3A_1943 = arith.constant 16 : index
    %swap3A_1944 = tpu.vector_load %arg16[%swap3A_1942, %swap3A_1943] {strides = array<i32>} : memref<10x64xf32, #tpu.memory_space<vmem>>, vector<16xf32>,
    tpu.vector_store %arg16[%swap3A_1942, %swap3A_1943], %select_n3A_1940 {strides = array<i32>} : memref<10x64xf32, #tpu.memory_space<vmem>>, vector<16xf32>,
    %select_n3A_1945 = arith.select %and3A_1925, %select_n3A_1928, %broadcast_in_dim3A_1930 : vector<16xi1>, vector<16xi32>
    %swap3A_1946 = arith.constant 7 : i32
    %swap3A_1947 = arith.index_cast %swap3A_1946 : i32 to index
    %swap3A_1948 = arith.constant 16 : index
    %swap3A_1949 = tpu.vector_load %arg17[%swap3A_1947, %swap3A_1948] {strides = array<i32>} : memref<10x64xi32, #tpu.memory_space<vmem>>, vector<16xi32>,
    tpu.vector_store %arg17[%swap3A_1947, %swap3A_1948], %select_n3A_1945 {strides = array<i32>} : memref<10x64xi32, #tpu.memory_space<vmem>>, vector<16xi32>,
    %select_n3A_1950 = arith.select %and3A_1925, %gather3A_1902, %broadcast_in_dim3A_36 : vector<16xi1>, vector<16xf32>
    %swap3A_1951 = arith.constant 7 : i32
    %swap3A_1952 = arith.index_cast %swap3A_1951 : i32 to index
    %swap3A_1953 = arith.constant 16 : index
    %swap3A_1954 = tpu.vector_load %arg18[%swap3A_1952, %swap3A_1953] {strides = array<i32>} : memref<10x64xf32, #tpu.memory_space<vmem>>, vector<16xf32>,
    tpu.vector_store %arg18[%swap3A_1952, %swap3A_1953], %select_n3A_1950 {strides = array<i32>} : memref<10x64xf32, #tpu.memory_space<vmem>>, vector<16xf32>,
    %get3A_1955 = arith.constant 480 : index
    %get3A_1956 = tpu.vector_load %arg10[%get3A_1955] {strides = array<i32>} : memref<640xi32, #tpu.memory_space<vmem>>, vector<16xi32>,
    %get3A_1957 = arith.constant 480 : index
    %get3A_1958 = tpu.vector_load %arg11[%get3A_1957] {strides = array<i32>} : memref<640xi32, #tpu.memory_space<vmem>>, vector<16xi32>,
    %get3A_1959 = arith.constant 480 : index
    %get3A_1960 = tpu.vector_load %arg12[%get3A_1959] {strides = array<i32>} : memref<640xi32, #tpu.memory_space<vmem>>, vector<16xi32>,
    %gather3A_1961 = tpu.vector_load_idx %arg13[%get3A_1958] : memref<1000xf32, #tpu.memory_space<vmem>>[vector<16xi32>], vector<16xf32>,
    %gather3A_1962 = tpu.vector_load_idx %arg14[%get3A_1958] : memref<1000xf32, #tpu.memory_space<vmem>>[vector<16xi32>], vector<16xf32>,
    %add3A_1963 = arith.constant 480 : i32
    %add3A_1964 = arith.addi %multiple_of3A, %add3A_1963 : i32
    %iota3A_1965 = tpu.iota {dimensions = array<i32: 0>} : vector<16xi32>
    %add3A_1966 = vector.broadcast %add3A_1964 : i32 to vector<16xi32>
    %add3A_1967 = arith.addi %add3A_1966, %iota3A_1965 : vector<16xi32>
    %sub3A_1968 = vector.broadcast %mul3A_4 : i32 to vector<16xi32>
    %sub3A_1969 = arith.subi %get3A_1956, %sub3A_1968 : vector<16xi32>
    %ge3A_1970 = vector.broadcast %mul3A_0 : i32 to vector<16xi32>
    %ge3A_1971 = arith.cmpi sge, %add3A_1967, %ge3A_1970 : vector<16xi32>
    %add3A_1972 = arith.constant 625 : i32
    %add3A_1973 = arith.addi %mul3A_0, %add3A_1972 : i32
    %lt3A_1974 = vector.broadcast %add3A_1973 : i32 to vector<16xi32>
    %lt3A_1975 = arith.cmpi slt, %add3A_1967, %lt3A_1974 : vector<16xi32>
    %and3A_1976 = arith.andi %ge3A_1971, %lt3A_1975 : vector<16xi1>
    %ge3A_1977 = arith.constant 0 : i32
    %ge3A_1978 = vector.broadcast %ge3A_1977 : i32 to vector<16xi32>
    %ge3A_1979 = arith.cmpi sge, %sub3A_1969, %ge3A_1978 : vector<16xi32>
    %and3A_1980 = arith.andi %and3A_1976, %ge3A_1979 : vector<16xi1>
    %lt3A_1981 = arith.constant 5000 : i32
    %lt3A_1982 = vector.broadcast %lt3A_1981 : i32 to vector<16xi32>
    %lt3A_1983 = arith.cmpi slt, %sub3A_1969, %lt3A_1982 : vector<16xi32>
    %and3A_1984 = arith.andi %and3A_1980, %lt3A_1983 : vector<16xi1>
    %jit3A_1985 = arith.constant 0 : i32
    %broadcast_in_dim3A_1986 = vector.broadcast %jit3A_1985 : i32 to vector<16xi32>
    %select_n3A_1987 = arith.select %and3A_1984, %sub3A_1969, %broadcast_in_dim3A_1986 : vector<16xi1>, vector<16xi32>
    %broadcast_in_dim3A_1988 = arith.constant -1 : i32
    %broadcast_in_dim3A_1989 = vector.broadcast %broadcast_in_dim3A_1988 : i32 to vector<16xi32>
    %mul3A_1990 = arith.constant 5120 : i32
    %mul3A_1991 = vector.broadcast %mul3A_1990 : i32 to vector<16xi32>
    %mul3A_1992 = arith.muli %get3A_1960, %mul3A_1991 : vector<16xi32>
    %add3A_1993 = arith.addi %mul3A_1992, %select_n3A_1987 : vector<16xi32>
    %select_n3A_1994 = arith.select %and3A_1984, %add3A_1993, %broadcast_in_dim3A_1989 : vector<16xi1>, vector<16xi32>
    %swap3A_1995 = arith.constant 7 : i32
    %swap3A_1996 = arith.index_cast %swap3A_1995 : i32 to index
    %swap3A_1997 = arith.constant 32 : index
    %swap3A_1998 = tpu.vector_load %arg15[%swap3A_1996, %swap3A_1997] {strides = array<i32>} : memref<10x64xi32, #tpu.memory_space<vmem>>, vector<16xi32>,
    tpu.vector_store %arg15[%swap3A_1996, %swap3A_1997], %select_n3A_1994 {strides = array<i32>} : memref<10x64xi32, #tpu.memory_space<vmem>>, vector<16xi32>,
    %select_n3A_1999 = arith.select %and3A_1984, %gather3A_1962, %broadcast_in_dim3A_36 : vector<16xi1>, vector<16xf32>
    %swap3A_2000 = arith.constant 7 : i32
    %swap3A_2001 = arith.index_cast %swap3A_2000 : i32 to index
    %swap3A_2002 = arith.constant 32 : index
    %swap3A_2003 = tpu.vector_load %arg16[%swap3A_2001, %swap3A_2002] {strides = array<i32>} : memref<10x64xf32, #tpu.memory_space<vmem>>, vector<16xf32>,
    tpu.vector_store %arg16[%swap3A_2001, %swap3A_2002], %select_n3A_1999 {strides = array<i32>} : memref<10x64xf32, #tpu.memory_space<vmem>>, vector<16xf32>,
    %select_n3A_2004 = arith.select %and3A_1984, %select_n3A_1987, %broadcast_in_dim3A_1989 : vector<16xi1>, vector<16xi32>
    %swap3A_2005 = arith.constant 7 : i32
    %swap3A_2006 = arith.index_cast %swap3A_2005 : i32 to index
    %swap3A_2007 = arith.constant 32 : index
    %swap3A_2008 = tpu.vector_load %arg17[%swap3A_2006, %swap3A_2007] {strides = array<i32>} : memref<10x64xi32, #tpu.memory_space<vmem>>, vector<16xi32>,
    tpu.vector_store %arg17[%swap3A_2006, %swap3A_2007], %select_n3A_2004 {strides = array<i32>} : memref<10x64xi32, #tpu.memory_space<vmem>>, vector<16xi32>,
    %select_n3A_2009 = arith.select %and3A_1984, %gather3A_1961, %broadcast_in_dim3A_36 : vector<16xi1>, vector<16xf32>
    %swap3A_2010 = arith.constant 7 : i32
    %swap3A_2011 = arith.index_cast %swap3A_2010 : i32 to index
    %swap3A_2012 = arith.constant 32 : index
    %swap3A_2013 = tpu.vector_load %arg18[%swap3A_2011, %swap3A_2012] {strides = array<i32>} : memref<10x64xf32, #tpu.memory_space<vmem>>, vector<16xf32>,
    tpu.vector_store %arg18[%swap3A_2011, %swap3A_2012], %select_n3A_2009 {strides = array<i32>} : memref<10x64xf32, #tpu.memory_space<vmem>>, vector<16xf32>,
    %get3A_2014 = arith.constant 496 : index
    %get3A_2015 = tpu.vector_load %arg10[%get3A_2014] {strides = array<i32>} : memref<640xi32, #tpu.memory_space<vmem>>, vector<16xi32>,
    %get3A_2016 = arith.constant 496 : index
    %get3A_2017 = tpu.vector_load %arg11[%get3A_2016] {strides = array<i32>} : memref<640xi32, #tpu.memory_space<vmem>>, vector<16xi32>,
    %get3A_2018 = arith.constant 496 : index
    %get3A_2019 = tpu.vector_load %arg12[%get3A_2018] {strides = array<i32>} : memref<640xi32, #tpu.memory_space<vmem>>, vector<16xi32>,
    %gather3A_2020 = tpu.vector_load_idx %arg13[%get3A_2017] : memref<1000xf32, #tpu.memory_space<vmem>>[vector<16xi32>], vector<16xf32>,
    %gather3A_2021 = tpu.vector_load_idx %arg14[%get3A_2017] : memref<1000xf32, #tpu.memory_space<vmem>>[vector<16xi32>], vector<16xf32>,
    %add3A_2022 = arith.constant 496 : i32
    %add3A_2023 = arith.addi %multiple_of3A, %add3A_2022 : i32
    %iota3A_2024 = tpu.iota {dimensions = array<i32: 0>} : vector<16xi32>
    %add3A_2025 = vector.broadcast %add3A_2023 : i32 to vector<16xi32>
    %add3A_2026 = arith.addi %add3A_2025, %iota3A_2024 : vector<16xi32>
    %sub3A_2027 = vector.broadcast %mul3A_4 : i32 to vector<16xi32>
    %sub3A_2028 = arith.subi %get3A_2015, %sub3A_2027 : vector<16xi32>
    %ge3A_2029 = vector.broadcast %mul3A_0 : i32 to vector<16xi32>
    %ge3A_2030 = arith.cmpi sge, %add3A_2026, %ge3A_2029 : vector<16xi32>
    %add3A_2031 = arith.constant 625 : i32
    %add3A_2032 = arith.addi %mul3A_0, %add3A_2031 : i32
    %lt3A_2033 = vector.broadcast %add3A_2032 : i32 to vector<16xi32>
    %lt3A_2034 = arith.cmpi slt, %add3A_2026, %lt3A_2033 : vector<16xi32>
    %and3A_2035 = arith.andi %ge3A_2030, %lt3A_2034 : vector<16xi1>
    %ge3A_2036 = arith.constant 0 : i32
    %ge3A_2037 = vector.broadcast %ge3A_2036 : i32 to vector<16xi32>
    %ge3A_2038 = arith.cmpi sge, %sub3A_2028, %ge3A_2037 : vector<16xi32>
    %and3A_2039 = arith.andi %and3A_2035, %ge3A_2038 : vector<16xi1>
    %lt3A_2040 = arith.constant 5000 : i32
    %lt3A_2041 = vector.broadcast %lt3A_2040 : i32 to vector<16xi32>
    %lt3A_2042 = arith.cmpi slt, %sub3A_2028, %lt3A_2041 : vector<16xi32>
    %and3A_2043 = arith.andi %and3A_2039, %lt3A_2042 : vector<16xi1>
    %jit3A_2044 = arith.constant 0 : i32
    %broadcast_in_dim3A_2045 = vector.broadcast %jit3A_2044 : i32 to vector<16xi32>
    %select_n3A_2046 = arith.select %and3A_2043, %sub3A_2028, %broadcast_in_dim3A_2045 : vector<16xi1>, vector<16xi32>
    %broadcast_in_dim3A_2047 = arith.constant -1 : i32
    %broadcast_in_dim3A_2048 = vector.broadcast %broadcast_in_dim3A_2047 : i32 to vector<16xi32>
    %mul3A_2049 = arith.constant 5120 : i32
    %mul3A_2050 = vector.broadcast %mul3A_2049 : i32 to vector<16xi32>
    %mul3A_2051 = arith.muli %get3A_2019, %mul3A_2050 : vector<16xi32>
    %add3A_2052 = arith.addi %mul3A_2051, %select_n3A_2046 : vector<16xi32>
    %select_n3A_2053 = arith.select %and3A_2043, %add3A_2052, %broadcast_in_dim3A_2048 : vector<16xi1>, vector<16xi32>
    %swap3A_2054 = arith.constant 7 : i32
    %swap3A_2055 = arith.index_cast %swap3A_2054 : i32 to index
    %swap3A_2056 = arith.constant 48 : index
    %swap3A_2057 = tpu.vector_load %arg15[%swap3A_2055, %swap3A_2056] {strides = array<i32>} : memref<10x64xi32, #tpu.memory_space<vmem>>, vector<16xi32>,
    tpu.vector_store %arg15[%swap3A_2055, %swap3A_2056], %select_n3A_2053 {strides = array<i32>} : memref<10x64xi32, #tpu.memory_space<vmem>>, vector<16xi32>,
    %select_n3A_2058 = arith.select %and3A_2043, %gather3A_2021, %broadcast_in_dim3A_36 : vector<16xi1>, vector<16xf32>
    %swap3A_2059 = arith.constant 7 : i32
    %swap3A_2060 = arith.index_cast %swap3A_2059 : i32 to index
    %swap3A_2061 = arith.constant 48 : index
    %swap3A_2062 = tpu.vector_load %arg16[%swap3A_2060, %swap3A_2061] {strides = array<i32>} : memref<10x64xf32, #tpu.memory_space<vmem>>, vector<16xf32>,
    tpu.vector_store %arg16[%swap3A_2060, %swap3A_2061], %select_n3A_2058 {strides = array<i32>} : memref<10x64xf32, #tpu.memory_space<vmem>>, vector<16xf32>,
    %select_n3A_2063 = arith.select %and3A_2043, %select_n3A_2046, %broadcast_in_dim3A_2048 : vector<16xi1>, vector<16xi32>
    %swap3A_2064 = arith.constant 7 : i32
    %swap3A_2065 = arith.index_cast %swap3A_2064 : i32 to index
    %swap3A_2066 = arith.constant 48 : index
    %swap3A_2067 = tpu.vector_load %arg17[%swap3A_2065, %swap3A_2066] {strides = array<i32>} : memref<10x64xi32, #tpu.memory_space<vmem>>, vector<16xi32>,
    tpu.vector_store %arg17[%swap3A_2065, %swap3A_2066], %select_n3A_2063 {strides = array<i32>} : memref<10x64xi32, #tpu.memory_space<vmem>>, vector<16xi32>,
    %select_n3A_2068 = arith.select %and3A_2043, %gather3A_2020, %broadcast_in_dim3A_36 : vector<16xi1>, vector<16xf32>
    %swap3A_2069 = arith.constant 7 : i32
    %swap3A_2070 = arith.index_cast %swap3A_2069 : i32 to index
    %swap3A_2071 = arith.constant 48 : index
    %swap3A_2072 = tpu.vector_load %arg18[%swap3A_2070, %swap3A_2071] {strides = array<i32>} : memref<10x64xf32, #tpu.memory_space<vmem>>, vector<16xf32>,
    tpu.vector_store %arg18[%swap3A_2070, %swap3A_2071], %select_n3A_2068 {strides = array<i32>} : memref<10x64xf32, #tpu.memory_space<vmem>>, vector<16xf32>,
    %dma_start3A_2073 = arith.constant 7 : i32
    %dma_start3A_2074 = arith.constant 7 : i32
    %dma_start3A_2075 = arith.constant 0 : i32
    %dma_start3A_2076 = tpu.memref_slice %arg16[%dma_start3A_2073, %dma_start3A_2075] : memref<10x64xf32, #tpu.memory_space<vmem>> -> memref<1x64xf32, #tpu.memory_space<vmem>>
    %dma_start3A_2077 = tpu.memref_squeeze %dma_start3A_2076 : memref<1x64xf32, #tpu.memory_space<vmem>> -> memref<64xf32, #tpu.memory_space<vmem>>
    %dma_start3A_2078 = arith.constant 0 : i32
    %dma_start3A_2079 = tpu.memref_slice %arg15[%dma_start3A_2074, %dma_start3A_2078] : memref<10x64xi32, #tpu.memory_space<vmem>> -> memref<1x64xi32, #tpu.memory_space<vmem>>
    %dma_start3A_2080 = tpu.memref_squeeze %dma_start3A_2079 : memref<1x64xi32, #tpu.memory_space<vmem>> -> memref<64xi32, #tpu.memory_space<vmem>>
    %dma_start3A_2081 = arith.constant 0 : i32
    %dma_start3A_2082 = tpu.memref_slice %arg23[%dma_start3A_2081] : memref<163840xf32, #tpu.memory_space<vmem_shared>> -> memref<163840xf32, #tpu.memory_space<vmem_shared>>
    %dma_start3A_2083 = arith.constant -1 : i32
    tpu.enqueue_indirect_dma source(%dma_start3A_2077 : memref<64xf32, #tpu.memory_space<vmem>>) target(%dma_start3A_2082 : memref<163840xf32, #tpu.memory_space<vmem_shared>>) offsets(%dma_start3A_2080 : memref<64xi32, #tpu.memory_space<vmem>>) offset_filter(%dma_start3A_2083) semaphore(%arg26 : memref<!tpu.dma_semaphore, #tpu.memory_space<semaphore_mem>>) {add = true}
    %dma_start3A_2084 = arith.constant 7 : i32
    %dma_start3A_2085 = arith.constant 7 : i32
    %dma_start3A_2086 = arith.constant 0 : i32
    %dma_start3A_2087 = tpu.memref_slice %arg18[%dma_start3A_2084, %dma_start3A_2086] : memref<10x64xf32, #tpu.memory_space<vmem>> -> memref<1x64xf32, #tpu.memory_space<vmem>>
    %dma_start3A_2088 = tpu.memref_squeeze %dma_start3A_2087 : memref<1x64xf32, #tpu.memory_space<vmem>> -> memref<64xf32, #tpu.memory_space<vmem>>
    %dma_start3A_2089 = arith.constant 0 : i32
    %dma_start3A_2090 = tpu.memref_slice %arg17[%dma_start3A_2085, %dma_start3A_2089] : memref<10x64xi32, #tpu.memory_space<vmem>> -> memref<1x64xi32, #tpu.memory_space<vmem>>
    %dma_start3A_2091 = tpu.memref_squeeze %dma_start3A_2090 : memref<1x64xi32, #tpu.memory_space<vmem>> -> memref<64xi32, #tpu.memory_space<vmem>>
    %dma_start3A_2092 = arith.constant 0 : i32
    %dma_start3A_2093 = tpu.memref_slice %arg24[%dma_start3A_2092] : memref<5120xf32, #tpu.memory_space<vmem_shared>> -> memref<5120xf32, #tpu.memory_space<vmem_shared>>
    %dma_start3A_2094 = arith.constant -1 : i32
    tpu.enqueue_indirect_dma source(%dma_start3A_2088 : memref<64xf32, #tpu.memory_space<vmem>>) target(%dma_start3A_2093 : memref<5120xf32, #tpu.memory_space<vmem_shared>>) offsets(%dma_start3A_2091 : memref<64xi32, #tpu.memory_space<vmem>>) offset_filter(%dma_start3A_2094) semaphore(%arg26 : memref<!tpu.dma_semaphore, #tpu.memory_space<semaphore_mem>>) {add = true}
    %get3A_2095 = arith.constant 512 : index
    %get3A_2096 = tpu.vector_load %arg10[%get3A_2095] {strides = array<i32>} : memref<640xi32, #tpu.memory_space<vmem>>, vector<16xi32>,
    %get3A_2097 = arith.constant 512 : index
    %get3A_2098 = tpu.vector_load %arg11[%get3A_2097] {strides = array<i32>} : memref<640xi32, #tpu.memory_space<vmem>>, vector<16xi32>,
    %get3A_2099 = arith.constant 512 : index
    %get3A_2100 = tpu.vector_load %arg12[%get3A_2099] {strides = array<i32>} : memref<640xi32, #tpu.memory_space<vmem>>, vector<16xi32>,
    %gather3A_2101 = tpu.vector_load_idx %arg13[%get3A_2098] : memref<1000xf32, #tpu.memory_space<vmem>>[vector<16xi32>], vector<16xf32>,
    %gather3A_2102 = tpu.vector_load_idx %arg14[%get3A_2098] : memref<1000xf32, #tpu.memory_space<vmem>>[vector<16xi32>], vector<16xf32>,
    %add3A_2103 = arith.constant 512 : i32
    %add3A_2104 = arith.addi %multiple_of3A, %add3A_2103 : i32
    %iota3A_2105 = tpu.iota {dimensions = array<i32: 0>} : vector<16xi32>
    %add3A_2106 = vector.broadcast %add3A_2104 : i32 to vector<16xi32>
    %add3A_2107 = arith.addi %add3A_2106, %iota3A_2105 : vector<16xi32>
    %sub3A_2108 = vector.broadcast %mul3A_4 : i32 to vector<16xi32>
    %sub3A_2109 = arith.subi %get3A_2096, %sub3A_2108 : vector<16xi32>
    %ge3A_2110 = vector.broadcast %mul3A_0 : i32 to vector<16xi32>
    %ge3A_2111 = arith.cmpi sge, %add3A_2107, %ge3A_2110 : vector<16xi32>
    %add3A_2112 = arith.constant 625 : i32
    %add3A_2113 = arith.addi %mul3A_0, %add3A_2112 : i32
    %lt3A_2114 = vector.broadcast %add3A_2113 : i32 to vector<16xi32>
    %lt3A_2115 = arith.cmpi slt, %add3A_2107, %lt3A_2114 : vector<16xi32>
    %and3A_2116 = arith.andi %ge3A_2111, %lt3A_2115 : vector<16xi1>
    %ge3A_2117 = arith.constant 0 : i32
    %ge3A_2118 = vector.broadcast %ge3A_2117 : i32 to vector<16xi32>
    %ge3A_2119 = arith.cmpi sge, %sub3A_2109, %ge3A_2118 : vector<16xi32>
    %and3A_2120 = arith.andi %and3A_2116, %ge3A_2119 : vector<16xi1>
    %lt3A_2121 = arith.constant 5000 : i32
    %lt3A_2122 = vector.broadcast %lt3A_2121 : i32 to vector<16xi32>
    %lt3A_2123 = arith.cmpi slt, %sub3A_2109, %lt3A_2122 : vector<16xi32>
    %and3A_2124 = arith.andi %and3A_2120, %lt3A_2123 : vector<16xi1>
    %jit3A_2125 = arith.constant 0 : i32
    %broadcast_in_dim3A_2126 = vector.broadcast %jit3A_2125 : i32 to vector<16xi32>
    %select_n3A_2127 = arith.select %and3A_2124, %sub3A_2109, %broadcast_in_dim3A_2126 : vector<16xi1>, vector<16xi32>
    %broadcast_in_dim3A_2128 = arith.constant -1 : i32
    %broadcast_in_dim3A_2129 = vector.broadcast %broadcast_in_dim3A_2128 : i32 to vector<16xi32>
    %mul3A_2130 = arith.constant 5120 : i32
    %mul3A_2131 = vector.broadcast %mul3A_2130 : i32 to vector<16xi32>
    %mul3A_2132 = arith.muli %get3A_2100, %mul3A_2131 : vector<16xi32>
    %add3A_2133 = arith.addi %mul3A_2132, %select_n3A_2127 : vector<16xi32>
    %select_n3A_2134 = arith.select %and3A_2124, %add3A_2133, %broadcast_in_dim3A_2129 : vector<16xi1>, vector<16xi32>
    %swap3A_2135 = arith.constant 8 : i32
    %swap3A_2136 = arith.index_cast %swap3A_2135 : i32 to index
    %swap3A_2137 = arith.constant 0 : index
    %swap3A_2138 = tpu.vector_load %arg15[%swap3A_2136, %swap3A_2137] {strides = array<i32>} : memref<10x64xi32, #tpu.memory_space<vmem>>, vector<16xi32>,
    tpu.vector_store %arg15[%swap3A_2136, %swap3A_2137], %select_n3A_2134 {strides = array<i32>} : memref<10x64xi32, #tpu.memory_space<vmem>>, vector<16xi32>,
    %select_n3A_2139 = arith.select %and3A_2124, %gather3A_2102, %broadcast_in_dim3A_36 : vector<16xi1>, vector<16xf32>
    %swap3A_2140 = arith.constant 8 : i32
    %swap3A_2141 = arith.index_cast %swap3A_2140 : i32 to index
    %swap3A_2142 = arith.constant 0 : index
    %swap3A_2143 = tpu.vector_load %arg16[%swap3A_2141, %swap3A_2142] {strides = array<i32>} : memref<10x64xf32, #tpu.memory_space<vmem>>, vector<16xf32>,
    tpu.vector_store %arg16[%swap3A_2141, %swap3A_2142], %select_n3A_2139 {strides = array<i32>} : memref<10x64xf32, #tpu.memory_space<vmem>>, vector<16xf32>,
    %select_n3A_2144 = arith.select %and3A_2124, %select_n3A_2127, %broadcast_in_dim3A_2129 : vector<16xi1>, vector<16xi32>
    %swap3A_2145 = arith.constant 8 : i32
    %swap3A_2146 = arith.index_cast %swap3A_2145 : i32 to index
    %swap3A_2147 = arith.constant 0 : index
    %swap3A_2148 = tpu.vector_load %arg17[%swap3A_2146, %swap3A_2147] {strides = array<i32>} : memref<10x64xi32, #tpu.memory_space<vmem>>, vector<16xi32>,
    tpu.vector_store %arg17[%swap3A_2146, %swap3A_2147], %select_n3A_2144 {strides = array<i32>} : memref<10x64xi32, #tpu.memory_space<vmem>>, vector<16xi32>,
    %select_n3A_2149 = arith.select %and3A_2124, %gather3A_2101, %broadcast_in_dim3A_36 : vector<16xi1>, vector<16xf32>
    %swap3A_2150 = arith.constant 8 : i32
    %swap3A_2151 = arith.index_cast %swap3A_2150 : i32 to index
    %swap3A_2152 = arith.constant 0 : index
    %swap3A_2153 = tpu.vector_load %arg18[%swap3A_2151, %swap3A_2152] {strides = array<i32>} : memref<10x64xf32, #tpu.memory_space<vmem>>, vector<16xf32>,
    tpu.vector_store %arg18[%swap3A_2151, %swap3A_2152], %select_n3A_2149 {strides = array<i32>} : memref<10x64xf32, #tpu.memory_space<vmem>>, vector<16xf32>,
    %get3A_2154 = arith.constant 528 : index
    %get3A_2155 = tpu.vector_load %arg10[%get3A_2154] {strides = array<i32>} : memref<640xi32, #tpu.memory_space<vmem>>, vector<16xi32>,
    %get3A_2156 = arith.constant 528 : index
    %get3A_2157 = tpu.vector_load %arg11[%get3A_2156] {strides = array<i32>} : memref<640xi32, #tpu.memory_space<vmem>>, vector<16xi32>,
    %get3A_2158 = arith.constant 528 : index
    %get3A_2159 = tpu.vector_load %arg12[%get3A_2158] {strides = array<i32>} : memref<640xi32, #tpu.memory_space<vmem>>, vector<16xi32>,
    %gather3A_2160 = tpu.vector_load_idx %arg13[%get3A_2157] : memref<1000xf32, #tpu.memory_space<vmem>>[vector<16xi32>], vector<16xf32>,
    %gather3A_2161 = tpu.vector_load_idx %arg14[%get3A_2157] : memref<1000xf32, #tpu.memory_space<vmem>>[vector<16xi32>], vector<16xf32>,
    %add3A_2162 = arith.constant 528 : i32
    %add3A_2163 = arith.addi %multiple_of3A, %add3A_2162 : i32
    %iota3A_2164 = tpu.iota {dimensions = array<i32: 0>} : vector<16xi32>
    %add3A_2165 = vector.broadcast %add3A_2163 : i32 to vector<16xi32>
    %add3A_2166 = arith.addi %add3A_2165, %iota3A_2164 : vector<16xi32>
    %sub3A_2167 = vector.broadcast %mul3A_4 : i32 to vector<16xi32>
    %sub3A_2168 = arith.subi %get3A_2155, %sub3A_2167 : vector<16xi32>
    %ge3A_2169 = vector.broadcast %mul3A_0 : i32 to vector<16xi32>
    %ge3A_2170 = arith.cmpi sge, %add3A_2166, %ge3A_2169 : vector<16xi32>
    %add3A_2171 = arith.constant 625 : i32
    %add3A_2172 = arith.addi %mul3A_0, %add3A_2171 : i32
    %lt3A_2173 = vector.broadcast %add3A_2172 : i32 to vector<16xi32>
    %lt3A_2174 = arith.cmpi slt, %add3A_2166, %lt3A_2173 : vector<16xi32>
    %and3A_2175 = arith.andi %ge3A_2170, %lt3A_2174 : vector<16xi1>
    %ge3A_2176 = arith.constant 0 : i32
    %ge3A_2177 = vector.broadcast %ge3A_2176 : i32 to vector<16xi32>
    %ge3A_2178 = arith.cmpi sge, %sub3A_2168, %ge3A_2177 : vector<16xi32>
    %and3A_2179 = arith.andi %and3A_2175, %ge3A_2178 : vector<16xi1>
    %lt3A_2180 = arith.constant 5000 : i32
    %lt3A_2181 = vector.broadcast %lt3A_2180 : i32 to vector<16xi32>
    %lt3A_2182 = arith.cmpi slt, %sub3A_2168, %lt3A_2181 : vector<16xi32>
    %and3A_2183 = arith.andi %and3A_2179, %lt3A_2182 : vector<16xi1>
    %jit3A_2184 = arith.constant 0 : i32
    %broadcast_in_dim3A_2185 = vector.broadcast %jit3A_2184 : i32 to vector<16xi32>
    %select_n3A_2186 = arith.select %and3A_2183, %sub3A_2168, %broadcast_in_dim3A_2185 : vector<16xi1>, vector<16xi32>
    %broadcast_in_dim3A_2187 = arith.constant -1 : i32
    %broadcast_in_dim3A_2188 = vector.broadcast %broadcast_in_dim3A_2187 : i32 to vector<16xi32>
    %mul3A_2189 = arith.constant 5120 : i32
    %mul3A_2190 = vector.broadcast %mul3A_2189 : i32 to vector<16xi32>
    %mul3A_2191 = arith.muli %get3A_2159, %mul3A_2190 : vector<16xi32>
    %add3A_2192 = arith.addi %mul3A_2191, %select_n3A_2186 : vector<16xi32>
    %select_n3A_2193 = arith.select %and3A_2183, %add3A_2192, %broadcast_in_dim3A_2188 : vector<16xi1>, vector<16xi32>
    %swap3A_2194 = arith.constant 8 : i32
    %swap3A_2195 = arith.index_cast %swap3A_2194 : i32 to index
    %swap3A_2196 = arith.constant 16 : index
    %swap3A_2197 = tpu.vector_load %arg15[%swap3A_2195, %swap3A_2196] {strides = array<i32>} : memref<10x64xi32, #tpu.memory_space<vmem>>, vector<16xi32>,
    tpu.vector_store %arg15[%swap3A_2195, %swap3A_2196], %select_n3A_2193 {strides = array<i32>} : memref<10x64xi32, #tpu.memory_space<vmem>>, vector<16xi32>,
    %select_n3A_2198 = arith.select %and3A_2183, %gather3A_2161, %broadcast_in_dim3A_36 : vector<16xi1>, vector<16xf32>
    %swap3A_2199 = arith.constant 8 : i32
    %swap3A_2200 = arith.index_cast %swap3A_2199 : i32 to index
    %swap3A_2201 = arith.constant 16 : index
    %swap3A_2202 = tpu.vector_load %arg16[%swap3A_2200, %swap3A_2201] {strides = array<i32>} : memref<10x64xf32, #tpu.memory_space<vmem>>, vector<16xf32>,
    tpu.vector_store %arg16[%swap3A_2200, %swap3A_2201], %select_n3A_2198 {strides = array<i32>} : memref<10x64xf32, #tpu.memory_space<vmem>>, vector<16xf32>,
    %select_n3A_2203 = arith.select %and3A_2183, %select_n3A_2186, %broadcast_in_dim3A_2188 : vector<16xi1>, vector<16xi32>
    %swap3A_2204 = arith.constant 8 : i32
    %swap3A_2205 = arith.index_cast %swap3A_2204 : i32 to index
    %swap3A_2206 = arith.constant 16 : index
    %swap3A_2207 = tpu.vector_load %arg17[%swap3A_2205, %swap3A_2206] {strides = array<i32>} : memref<10x64xi32, #tpu.memory_space<vmem>>, vector<16xi32>,
    tpu.vector_store %arg17[%swap3A_2205, %swap3A_2206], %select_n3A_2203 {strides = array<i32>} : memref<10x64xi32, #tpu.memory_space<vmem>>, vector<16xi32>,
    %select_n3A_2208 = arith.select %and3A_2183, %gather3A_2160, %broadcast_in_dim3A_36 : vector<16xi1>, vector<16xf32>
    %swap3A_2209 = arith.constant 8 : i32
    %swap3A_2210 = arith.index_cast %swap3A_2209 : i32 to index
    %swap3A_2211 = arith.constant 16 : index
    %swap3A_2212 = tpu.vector_load %arg18[%swap3A_2210, %swap3A_2211] {strides = array<i32>} : memref<10x64xf32, #tpu.memory_space<vmem>>, vector<16xf32>,
    tpu.vector_store %arg18[%swap3A_2210, %swap3A_2211], %select_n3A_2208 {strides = array<i32>} : memref<10x64xf32, #tpu.memory_space<vmem>>, vector<16xf32>,
    %get3A_2213 = arith.constant 544 : index
    %get3A_2214 = tpu.vector_load %arg10[%get3A_2213] {strides = array<i32>} : memref<640xi32, #tpu.memory_space<vmem>>, vector<16xi32>,
    %get3A_2215 = arith.constant 544 : index
    %get3A_2216 = tpu.vector_load %arg11[%get3A_2215] {strides = array<i32>} : memref<640xi32, #tpu.memory_space<vmem>>, vector<16xi32>,
    %get3A_2217 = arith.constant 544 : index
    %get3A_2218 = tpu.vector_load %arg12[%get3A_2217] {strides = array<i32>} : memref<640xi32, #tpu.memory_space<vmem>>, vector<16xi32>,
    %gather3A_2219 = tpu.vector_load_idx %arg13[%get3A_2216] : memref<1000xf32, #tpu.memory_space<vmem>>[vector<16xi32>], vector<16xf32>,
    %gather3A_2220 = tpu.vector_load_idx %arg14[%get3A_2216] : memref<1000xf32, #tpu.memory_space<vmem>>[vector<16xi32>], vector<16xf32>,
    %add3A_2221 = arith.constant 544 : i32
    %add3A_2222 = arith.addi %multiple_of3A, %add3A_2221 : i32
    %iota3A_2223 = tpu.iota {dimensions = array<i32: 0>} : vector<16xi32>
    %add3A_2224 = vector.broadcast %add3A_2222 : i32 to vector<16xi32>
    %add3A_2225 = arith.addi %add3A_2224, %iota3A_2223 : vector<16xi32>
    %sub3A_2226 = vector.broadcast %mul3A_4 : i32 to vector<16xi32>
    %sub3A_2227 = arith.subi %get3A_2214, %sub3A_2226 : vector<16xi32>
    %ge3A_2228 = vector.broadcast %mul3A_0 : i32 to vector<16xi32>
    %ge3A_2229 = arith.cmpi sge, %add3A_2225, %ge3A_2228 : vector<16xi32>
    %add3A_2230 = arith.constant 625 : i32
    %add3A_2231 = arith.addi %mul3A_0, %add3A_2230 : i32
    %lt3A_2232 = vector.broadcast %add3A_2231 : i32 to vector<16xi32>
    %lt3A_2233 = arith.cmpi slt, %add3A_2225, %lt3A_2232 : vector<16xi32>
    %and3A_2234 = arith.andi %ge3A_2229, %lt3A_2233 : vector<16xi1>
    %ge3A_2235 = arith.constant 0 : i32
    %ge3A_2236 = vector.broadcast %ge3A_2235 : i32 to vector<16xi32>
    %ge3A_2237 = arith.cmpi sge, %sub3A_2227, %ge3A_2236 : vector<16xi32>
    %and3A_2238 = arith.andi %and3A_2234, %ge3A_2237 : vector<16xi1>
    %lt3A_2239 = arith.constant 5000 : i32
    %lt3A_2240 = vector.broadcast %lt3A_2239 : i32 to vector<16xi32>
    %lt3A_2241 = arith.cmpi slt, %sub3A_2227, %lt3A_2240 : vector<16xi32>
    %and3A_2242 = arith.andi %and3A_2238, %lt3A_2241 : vector<16xi1>
    %jit3A_2243 = arith.constant 0 : i32
    %broadcast_in_dim3A_2244 = vector.broadcast %jit3A_2243 : i32 to vector<16xi32>
    %select_n3A_2245 = arith.select %and3A_2242, %sub3A_2227, %broadcast_in_dim3A_2244 : vector<16xi1>, vector<16xi32>
    %broadcast_in_dim3A_2246 = arith.constant -1 : i32
    %broadcast_in_dim3A_2247 = vector.broadcast %broadcast_in_dim3A_2246 : i32 to vector<16xi32>
    %mul3A_2248 = arith.constant 5120 : i32
    %mul3A_2249 = vector.broadcast %mul3A_2248 : i32 to vector<16xi32>
    %mul3A_2250 = arith.muli %get3A_2218, %mul3A_2249 : vector<16xi32>
    %add3A_2251 = arith.addi %mul3A_2250, %select_n3A_2245 : vector<16xi32>
    %select_n3A_2252 = arith.select %and3A_2242, %add3A_2251, %broadcast_in_dim3A_2247 : vector<16xi1>, vector<16xi32>
    %swap3A_2253 = arith.constant 8 : i32
    %swap3A_2254 = arith.index_cast %swap3A_2253 : i32 to index
    %swap3A_2255 = arith.constant 32 : index
    %swap3A_2256 = tpu.vector_load %arg15[%swap3A_2254, %swap3A_2255] {strides = array<i32>} : memref<10x64xi32, #tpu.memory_space<vmem>>, vector<16xi32>,
    tpu.vector_store %arg15[%swap3A_2254, %swap3A_2255], %select_n3A_2252 {strides = array<i32>} : memref<10x64xi32, #tpu.memory_space<vmem>>, vector<16xi32>,
    %select_n3A_2257 = arith.select %and3A_2242, %gather3A_2220, %broadcast_in_dim3A_36 : vector<16xi1>, vector<16xf32>
    %swap3A_2258 = arith.constant 8 : i32
    %swap3A_2259 = arith.index_cast %swap3A_2258 : i32 to index
    %swap3A_2260 = arith.constant 32 : index
    %swap3A_2261 = tpu.vector_load %arg16[%swap3A_2259, %swap3A_2260] {strides = array<i32>} : memref<10x64xf32, #tpu.memory_space<vmem>>, vector<16xf32>,
    tpu.vector_store %arg16[%swap3A_2259, %swap3A_2260], %select_n3A_2257 {strides = array<i32>} : memref<10x64xf32, #tpu.memory_space<vmem>>, vector<16xf32>,
    %select_n3A_2262 = arith.select %and3A_2242, %select_n3A_2245, %broadcast_in_dim3A_2247 : vector<16xi1>, vector<16xi32>
    %swap3A_2263 = arith.constant 8 : i32
    %swap3A_2264 = arith.index_cast %swap3A_2263 : i32 to index
    %swap3A_2265 = arith.constant 32 : index
    %swap3A_2266 = tpu.vector_load %arg17[%swap3A_2264, %swap3A_2265] {strides = array<i32>} : memref<10x64xi32, #tpu.memory_space<vmem>>, vector<16xi32>,
    tpu.vector_store %arg17[%swap3A_2264, %swap3A_2265], %select_n3A_2262 {strides = array<i32>} : memref<10x64xi32, #tpu.memory_space<vmem>>, vector<16xi32>,
    %select_n3A_2267 = arith.select %and3A_2242, %gather3A_2219, %broadcast_in_dim3A_36 : vector<16xi1>, vector<16xf32>
    %swap3A_2268 = arith.constant 8 : i32
    %swap3A_2269 = arith.index_cast %swap3A_2268 : i32 to index
    %swap3A_2270 = arith.constant 32 : index
    %swap3A_2271 = tpu.vector_load %arg18[%swap3A_2269, %swap3A_2270] {strides = array<i32>} : memref<10x64xf32, #tpu.memory_space<vmem>>, vector<16xf32>,
    tpu.vector_store %arg18[%swap3A_2269, %swap3A_2270], %select_n3A_2267 {strides = array<i32>} : memref<10x64xf32, #tpu.memory_space<vmem>>, vector<16xf32>,
    %get3A_2272 = arith.constant 560 : index
    %get3A_2273 = tpu.vector_load %arg10[%get3A_2272] {strides = array<i32>} : memref<640xi32, #tpu.memory_space<vmem>>, vector<16xi32>,
    %get3A_2274 = arith.constant 560 : index
    %get3A_2275 = tpu.vector_load %arg11[%get3A_2274] {strides = array<i32>} : memref<640xi32, #tpu.memory_space<vmem>>, vector<16xi32>,
    %get3A_2276 = arith.constant 560 : index
    %get3A_2277 = tpu.vector_load %arg12[%get3A_2276] {strides = array<i32>} : memref<640xi32, #tpu.memory_space<vmem>>, vector<16xi32>,
    %gather3A_2278 = tpu.vector_load_idx %arg13[%get3A_2275] : memref<1000xf32, #tpu.memory_space<vmem>>[vector<16xi32>], vector<16xf32>,
    %gather3A_2279 = tpu.vector_load_idx %arg14[%get3A_2275] : memref<1000xf32, #tpu.memory_space<vmem>>[vector<16xi32>], vector<16xf32>,
    %add3A_2280 = arith.constant 560 : i32
    %add3A_2281 = arith.addi %multiple_of3A, %add3A_2280 : i32
    %iota3A_2282 = tpu.iota {dimensions = array<i32: 0>} : vector<16xi32>
    %add3A_2283 = vector.broadcast %add3A_2281 : i32 to vector<16xi32>
    %add3A_2284 = arith.addi %add3A_2283, %iota3A_2282 : vector<16xi32>
    %sub3A_2285 = vector.broadcast %mul3A_4 : i32 to vector<16xi32>
    %sub3A_2286 = arith.subi %get3A_2273, %sub3A_2285 : vector<16xi32>
    %ge3A_2287 = vector.broadcast %mul3A_0 : i32 to vector<16xi32>
    %ge3A_2288 = arith.cmpi sge, %add3A_2284, %ge3A_2287 : vector<16xi32>
    %add3A_2289 = arith.constant 625 : i32
    %add3A_2290 = arith.addi %mul3A_0, %add3A_2289 : i32
    %lt3A_2291 = vector.broadcast %add3A_2290 : i32 to vector<16xi32>
    %lt3A_2292 = arith.cmpi slt, %add3A_2284, %lt3A_2291 : vector<16xi32>
    %and3A_2293 = arith.andi %ge3A_2288, %lt3A_2292 : vector<16xi1>
    %ge3A_2294 = arith.constant 0 : i32
    %ge3A_2295 = vector.broadcast %ge3A_2294 : i32 to vector<16xi32>
    %ge3A_2296 = arith.cmpi sge, %sub3A_2286, %ge3A_2295 : vector<16xi32>
    %and3A_2297 = arith.andi %and3A_2293, %ge3A_2296 : vector<16xi1>
    %lt3A_2298 = arith.constant 5000 : i32
    %lt3A_2299 = vector.broadcast %lt3A_2298 : i32 to vector<16xi32>
    %lt3A_2300 = arith.cmpi slt, %sub3A_2286, %lt3A_2299 : vector<16xi32>
    %and3A_2301 = arith.andi %and3A_2297, %lt3A_2300 : vector<16xi1>
    %jit3A_2302 = arith.constant 0 : i32
    %broadcast_in_dim3A_2303 = vector.broadcast %jit3A_2302 : i32 to vector<16xi32>
    %select_n3A_2304 = arith.select %and3A_2301, %sub3A_2286, %broadcast_in_dim3A_2303 : vector<16xi1>, vector<16xi32>
    %broadcast_in_dim3A_2305 = arith.constant -1 : i32
    %broadcast_in_dim3A_2306 = vector.broadcast %broadcast_in_dim3A_2305 : i32 to vector<16xi32>
    %mul3A_2307 = arith.constant 5120 : i32
    %mul3A_2308 = vector.broadcast %mul3A_2307 : i32 to vector<16xi32>
    %mul3A_2309 = arith.muli %get3A_2277, %mul3A_2308 : vector<16xi32>
    %add3A_2310 = arith.addi %mul3A_2309, %select_n3A_2304 : vector<16xi32>
    %select_n3A_2311 = arith.select %and3A_2301, %add3A_2310, %broadcast_in_dim3A_2306 : vector<16xi1>, vector<16xi32>
    %swap3A_2312 = arith.constant 8 : i32
    %swap3A_2313 = arith.index_cast %swap3A_2312 : i32 to index
    %swap3A_2314 = arith.constant 48 : index
    %swap3A_2315 = tpu.vector_load %arg15[%swap3A_2313, %swap3A_2314] {strides = array<i32>} : memref<10x64xi32, #tpu.memory_space<vmem>>, vector<16xi32>,
    tpu.vector_store %arg15[%swap3A_2313, %swap3A_2314], %select_n3A_2311 {strides = array<i32>} : memref<10x64xi32, #tpu.memory_space<vmem>>, vector<16xi32>,
    %select_n3A_2316 = arith.select %and3A_2301, %gather3A_2279, %broadcast_in_dim3A_36 : vector<16xi1>, vector<16xf32>
    %swap3A_2317 = arith.constant 8 : i32
    %swap3A_2318 = arith.index_cast %swap3A_2317 : i32 to index
    %swap3A_2319 = arith.constant 48 : index
    %swap3A_2320 = tpu.vector_load %arg16[%swap3A_2318, %swap3A_2319] {strides = array<i32>} : memref<10x64xf32, #tpu.memory_space<vmem>>, vector<16xf32>,
    tpu.vector_store %arg16[%swap3A_2318, %swap3A_2319], %select_n3A_2316 {strides = array<i32>} : memref<10x64xf32, #tpu.memory_space<vmem>>, vector<16xf32>,
    %select_n3A_2321 = arith.select %and3A_2301, %select_n3A_2304, %broadcast_in_dim3A_2306 : vector<16xi1>, vector<16xi32>
    %swap3A_2322 = arith.constant 8 : i32
    %swap3A_2323 = arith.index_cast %swap3A_2322 : i32 to index
    %swap3A_2324 = arith.constant 48 : index
    %swap3A_2325 = tpu.vector_load %arg17[%swap3A_2323, %swap3A_2324] {strides = array<i32>} : memref<10x64xi32, #tpu.memory_space<vmem>>, vector<16xi32>,
    tpu.vector_store %arg17[%swap3A_2323, %swap3A_2324], %select_n3A_2321 {strides = array<i32>} : memref<10x64xi32, #tpu.memory_space<vmem>>, vector<16xi32>,
    %select_n3A_2326 = arith.select %and3A_2301, %gather3A_2278, %broadcast_in_dim3A_36 : vector<16xi1>, vector<16xf32>
    %swap3A_2327 = arith.constant 8 : i32
    %swap3A_2328 = arith.index_cast %swap3A_2327 : i32 to index
    %swap3A_2329 = arith.constant 48 : index
    %swap3A_2330 = tpu.vector_load %arg18[%swap3A_2328, %swap3A_2329] {strides = array<i32>} : memref<10x64xf32, #tpu.memory_space<vmem>>, vector<16xf32>,
    tpu.vector_store %arg18[%swap3A_2328, %swap3A_2329], %select_n3A_2326 {strides = array<i32>} : memref<10x64xf32, #tpu.memory_space<vmem>>, vector<16xf32>,
    %dma_start3A_2331 = arith.constant 8 : i32
    %dma_start3A_2332 = arith.constant 8 : i32
    %dma_start3A_2333 = arith.constant 0 : i32
    %dma_start3A_2334 = tpu.memref_slice %arg16[%dma_start3A_2331, %dma_start3A_2333] : memref<10x64xf32, #tpu.memory_space<vmem>> -> memref<1x64xf32, #tpu.memory_space<vmem>>
    %dma_start3A_2335 = tpu.memref_squeeze %dma_start3A_2334 : memref<1x64xf32, #tpu.memory_space<vmem>> -> memref<64xf32, #tpu.memory_space<vmem>>
    %dma_start3A_2336 = arith.constant 0 : i32
    %dma_start3A_2337 = tpu.memref_slice %arg15[%dma_start3A_2332, %dma_start3A_2336] : memref<10x64xi32, #tpu.memory_space<vmem>> -> memref<1x64xi32, #tpu.memory_space<vmem>>
    %dma_start3A_2338 = tpu.memref_squeeze %dma_start3A_2337 : memref<1x64xi32, #tpu.memory_space<vmem>> -> memref<64xi32, #tpu.memory_space<vmem>>
    %dma_start3A_2339 = arith.constant 0 : i32
    %dma_start3A_2340 = tpu.memref_slice %arg23[%dma_start3A_2339] : memref<163840xf32, #tpu.memory_space<vmem_shared>> -> memref<163840xf32, #tpu.memory_space<vmem_shared>>
    %dma_start3A_2341 = arith.constant -1 : i32
    tpu.enqueue_indirect_dma source(%dma_start3A_2335 : memref<64xf32, #tpu.memory_space<vmem>>) target(%dma_start3A_2340 : memref<163840xf32, #tpu.memory_space<vmem_shared>>) offsets(%dma_start3A_2338 : memref<64xi32, #tpu.memory_space<vmem>>) offset_filter(%dma_start3A_2341) semaphore(%arg26 : memref<!tpu.dma_semaphore, #tpu.memory_space<semaphore_mem>>) {add = true}
    %dma_start3A_2342 = arith.constant 8 : i32
    %dma_start3A_2343 = arith.constant 8 : i32
    %dma_start3A_2344 = arith.constant 0 : i32
    %dma_start3A_2345 = tpu.memref_slice %arg18[%dma_start3A_2342, %dma_start3A_2344] : memref<10x64xf32, #tpu.memory_space<vmem>> -> memref<1x64xf32, #tpu.memory_space<vmem>>
    %dma_start3A_2346 = tpu.memref_squeeze %dma_start3A_2345 : memref<1x64xf32, #tpu.memory_space<vmem>> -> memref<64xf32, #tpu.memory_space<vmem>>
    %dma_start3A_2347 = arith.constant 0 : i32
    %dma_start3A_2348 = tpu.memref_slice %arg17[%dma_start3A_2343, %dma_start3A_2347] : memref<10x64xi32, #tpu.memory_space<vmem>> -> memref<1x64xi32, #tpu.memory_space<vmem>>
    %dma_start3A_2349 = tpu.memref_squeeze %dma_start3A_2348 : memref<1x64xi32, #tpu.memory_space<vmem>> -> memref<64xi32, #tpu.memory_space<vmem>>
    %dma_start3A_2350 = arith.constant 0 : i32
    %dma_start3A_2351 = tpu.memref_slice %arg24[%dma_start3A_2350] : memref<5120xf32, #tpu.memory_space<vmem_shared>> -> memref<5120xf32, #tpu.memory_space<vmem_shared>>
    %dma_start3A_2352 = arith.constant -1 : i32
    tpu.enqueue_indirect_dma source(%dma_start3A_2346 : memref<64xf32, #tpu.memory_space<vmem>>) target(%dma_start3A_2351 : memref<5120xf32, #tpu.memory_space<vmem_shared>>) offsets(%dma_start3A_2349 : memref<64xi32, #tpu.memory_space<vmem>>) offset_filter(%dma_start3A_2352) semaphore(%arg26 : memref<!tpu.dma_semaphore, #tpu.memory_space<semaphore_mem>>) {add = true}
    %get3A_2353 = arith.constant 576 : index
    %get3A_2354 = tpu.vector_load %arg10[%get3A_2353] {strides = array<i32>} : memref<640xi32, #tpu.memory_space<vmem>>, vector<16xi32>,
    %get3A_2355 = arith.constant 576 : index
    %get3A_2356 = tpu.vector_load %arg11[%get3A_2355] {strides = array<i32>} : memref<640xi32, #tpu.memory_space<vmem>>, vector<16xi32>,
    %get3A_2357 = arith.constant 576 : index
    %get3A_2358 = tpu.vector_load %arg12[%get3A_2357] {strides = array<i32>} : memref<640xi32, #tpu.memory_space<vmem>>, vector<16xi32>,
    %gather3A_2359 = tpu.vector_load_idx %arg13[%get3A_2356] : memref<1000xf32, #tpu.memory_space<vmem>>[vector<16xi32>], vector<16xf32>,
    %gather3A_2360 = tpu.vector_load_idx %arg14[%get3A_2356] : memref<1000xf32, #tpu.memory_space<vmem>>[vector<16xi32>], vector<16xf32>,
    %add3A_2361 = arith.constant 576 : i32
    %add3A_2362 = arith.addi %multiple_of3A, %add3A_2361 : i32
    %iota3A_2363 = tpu.iota {dimensions = array<i32: 0>} : vector<16xi32>
    %add3A_2364 = vector.broadcast %add3A_2362 : i32 to vector<16xi32>
    %add3A_2365 = arith.addi %add3A_2364, %iota3A_2363 : vector<16xi32>
    %sub3A_2366 = vector.broadcast %mul3A_4 : i32 to vector<16xi32>
    %sub3A_2367 = arith.subi %get3A_2354, %sub3A_2366 : vector<16xi32>
    %ge3A_2368 = vector.broadcast %mul3A_0 : i32 to vector<16xi32>
    %ge3A_2369 = arith.cmpi sge, %add3A_2365, %ge3A_2368 : vector<16xi32>
    %add3A_2370 = arith.constant 625 : i32
    %add3A_2371 = arith.addi %mul3A_0, %add3A_2370 : i32
    %lt3A_2372 = vector.broadcast %add3A_2371 : i32 to vector<16xi32>
    %lt3A_2373 = arith.cmpi slt, %add3A_2365, %lt3A_2372 : vector<16xi32>
    %and3A_2374 = arith.andi %ge3A_2369, %lt3A_2373 : vector<16xi1>
    %ge3A_2375 = arith.constant 0 : i32
    %ge3A_2376 = vector.broadcast %ge3A_2375 : i32 to vector<16xi32>
    %ge3A_2377 = arith.cmpi sge, %sub3A_2367, %ge3A_2376 : vector<16xi32>
    %and3A_2378 = arith.andi %and3A_2374, %ge3A_2377 : vector<16xi1>
    %lt3A_2379 = arith.constant 5000 : i32
    %lt3A_2380 = vector.broadcast %lt3A_2379 : i32 to vector<16xi32>
    %lt3A_2381 = arith.cmpi slt, %sub3A_2367, %lt3A_2380 : vector<16xi32>
    %and3A_2382 = arith.andi %and3A_2378, %lt3A_2381 : vector<16xi1>
    %jit3A_2383 = arith.constant 0 : i32
    %broadcast_in_dim3A_2384 = vector.broadcast %jit3A_2383 : i32 to vector<16xi32>
    %select_n3A_2385 = arith.select %and3A_2382, %sub3A_2367, %broadcast_in_dim3A_2384 : vector<16xi1>, vector<16xi32>
    %broadcast_in_dim3A_2386 = arith.constant -1 : i32
    %broadcast_in_dim3A_2387 = vector.broadcast %broadcast_in_dim3A_2386 : i32 to vector<16xi32>
    %mul3A_2388 = arith.constant 5120 : i32
    %mul3A_2389 = vector.broadcast %mul3A_2388 : i32 to vector<16xi32>
    %mul3A_2390 = arith.muli %get3A_2358, %mul3A_2389 : vector<16xi32>
    %add3A_2391 = arith.addi %mul3A_2390, %select_n3A_2385 : vector<16xi32>
    %select_n3A_2392 = arith.select %and3A_2382, %add3A_2391, %broadcast_in_dim3A_2387 : vector<16xi1>, vector<16xi32>
    %swap3A_2393 = arith.constant 9 : i32
    %swap3A_2394 = arith.index_cast %swap3A_2393 : i32 to index
    %swap3A_2395 = arith.constant 0 : index
    %swap3A_2396 = tpu.vector_load %arg15[%swap3A_2394, %swap3A_2395] {strides = array<i32>} : memref<10x64xi32, #tpu.memory_space<vmem>>, vector<16xi32>,
    tpu.vector_store %arg15[%swap3A_2394, %swap3A_2395], %select_n3A_2392 {strides = array<i32>} : memref<10x64xi32, #tpu.memory_space<vmem>>, vector<16xi32>,
    %select_n3A_2397 = arith.select %and3A_2382, %gather3A_2360, %broadcast_in_dim3A_36 : vector<16xi1>, vector<16xf32>
    %swap3A_2398 = arith.constant 9 : i32
    %swap3A_2399 = arith.index_cast %swap3A_2398 : i32 to index
    %swap3A_2400 = arith.constant 0 : index
    %swap3A_2401 = tpu.vector_load %arg16[%swap3A_2399, %swap3A_2400] {strides = array<i32>} : memref<10x64xf32, #tpu.memory_space<vmem>>, vector<16xf32>,
    tpu.vector_store %arg16[%swap3A_2399, %swap3A_2400], %select_n3A_2397 {strides = array<i32>} : memref<10x64xf32, #tpu.memory_space<vmem>>, vector<16xf32>,
    %select_n3A_2402 = arith.select %and3A_2382, %select_n3A_2385, %broadcast_in_dim3A_2387 : vector<16xi1>, vector<16xi32>
    %swap3A_2403 = arith.constant 9 : i32
    %swap3A_2404 = arith.index_cast %swap3A_2403 : i32 to index
    %swap3A_2405 = arith.constant 0 : index
    %swap3A_2406 = tpu.vector_load %arg17[%swap3A_2404, %swap3A_2405] {strides = array<i32>} : memref<10x64xi32, #tpu.memory_space<vmem>>, vector<16xi32>,
    tpu.vector_store %arg17[%swap3A_2404, %swap3A_2405], %select_n3A_2402 {strides = array<i32>} : memref<10x64xi32, #tpu.memory_space<vmem>>, vector<16xi32>,
    %select_n3A_2407 = arith.select %and3A_2382, %gather3A_2359, %broadcast_in_dim3A_36 : vector<16xi1>, vector<16xf32>
    %swap3A_2408 = arith.constant 9 : i32
    %swap3A_2409 = arith.index_cast %swap3A_2408 : i32 to index
    %swap3A_2410 = arith.constant 0 : index
    %swap3A_2411 = tpu.vector_load %arg18[%swap3A_2409, %swap3A_2410] {strides = array<i32>} : memref<10x64xf32, #tpu.memory_space<vmem>>, vector<16xf32>,
    tpu.vector_store %arg18[%swap3A_2409, %swap3A_2410], %select_n3A_2407 {strides = array<i32>} : memref<10x64xf32, #tpu.memory_space<vmem>>, vector<16xf32>,
    %get3A_2412 = arith.constant 592 : index
    %get3A_2413 = tpu.vector_load %arg10[%get3A_2412] {strides = array<i32>} : memref<640xi32, #tpu.memory_space<vmem>>, vector<16xi32>,
    %get3A_2414 = arith.constant 592 : index
    %get3A_2415 = tpu.vector_load %arg11[%get3A_2414] {strides = array<i32>} : memref<640xi32, #tpu.memory_space<vmem>>, vector<16xi32>,
    %get3A_2416 = arith.constant 592 : index
    %get3A_2417 = tpu.vector_load %arg12[%get3A_2416] {strides = array<i32>} : memref<640xi32, #tpu.memory_space<vmem>>, vector<16xi32>,
    %gather3A_2418 = tpu.vector_load_idx %arg13[%get3A_2415] : memref<1000xf32, #tpu.memory_space<vmem>>[vector<16xi32>], vector<16xf32>,
    %gather3A_2419 = tpu.vector_load_idx %arg14[%get3A_2415] : memref<1000xf32, #tpu.memory_space<vmem>>[vector<16xi32>], vector<16xf32>,
    %add3A_2420 = arith.constant 592 : i32
    %add3A_2421 = arith.addi %multiple_of3A, %add3A_2420 : i32
    %iota3A_2422 = tpu.iota {dimensions = array<i32: 0>} : vector<16xi32>
    %add3A_2423 = vector.broadcast %add3A_2421 : i32 to vector<16xi32>
    %add3A_2424 = arith.addi %add3A_2423, %iota3A_2422 : vector<16xi32>
    %sub3A_2425 = vector.broadcast %mul3A_4 : i32 to vector<16xi32>
    %sub3A_2426 = arith.subi %get3A_2413, %sub3A_2425 : vector<16xi32>
    %ge3A_2427 = vector.broadcast %mul3A_0 : i32 to vector<16xi32>
    %ge3A_2428 = arith.cmpi sge, %add3A_2424, %ge3A_2427 : vector<16xi32>
    %add3A_2429 = arith.constant 625 : i32
    %add3A_2430 = arith.addi %mul3A_0, %add3A_2429 : i32
    %lt3A_2431 = vector.broadcast %add3A_2430 : i32 to vector<16xi32>
    %lt3A_2432 = arith.cmpi slt, %add3A_2424, %lt3A_2431 : vector<16xi32>
    %and3A_2433 = arith.andi %ge3A_2428, %lt3A_2432 : vector<16xi1>
    %ge3A_2434 = arith.constant 0 : i32
    %ge3A_2435 = vector.broadcast %ge3A_2434 : i32 to vector<16xi32>
    %ge3A_2436 = arith.cmpi sge, %sub3A_2426, %ge3A_2435 : vector<16xi32>
    %and3A_2437 = arith.andi %and3A_2433, %ge3A_2436 : vector<16xi1>
    %lt3A_2438 = arith.constant 5000 : i32
    %lt3A_2439 = vector.broadcast %lt3A_2438 : i32 to vector<16xi32>
    %lt3A_2440 = arith.cmpi slt, %sub3A_2426, %lt3A_2439 : vector<16xi32>
    %and3A_2441 = arith.andi %and3A_2437, %lt3A_2440 : vector<16xi1>
    %jit3A_2442 = arith.constant 0 : i32
    %broadcast_in_dim3A_2443 = vector.broadcast %jit3A_2442 : i32 to vector<16xi32>
    %select_n3A_2444 = arith.select %and3A_2441, %sub3A_2426, %broadcast_in_dim3A_2443 : vector<16xi1>, vector<16xi32>
    %broadcast_in_dim3A_2445 = arith.constant -1 : i32
    %broadcast_in_dim3A_2446 = vector.broadcast %broadcast_in_dim3A_2445 : i32 to vector<16xi32>
    %mul3A_2447 = arith.constant 5120 : i32
    %mul3A_2448 = vector.broadcast %mul3A_2447 : i32 to vector<16xi32>
    %mul3A_2449 = arith.muli %get3A_2417, %mul3A_2448 : vector<16xi32>
    %add3A_2450 = arith.addi %mul3A_2449, %select_n3A_2444 : vector<16xi32>
    %select_n3A_2451 = arith.select %and3A_2441, %add3A_2450, %broadcast_in_dim3A_2446 : vector<16xi1>, vector<16xi32>
    %swap3A_2452 = arith.constant 9 : i32
    %swap3A_2453 = arith.index_cast %swap3A_2452 : i32 to index
    %swap3A_2454 = arith.constant 16 : index
    %swap3A_2455 = tpu.vector_load %arg15[%swap3A_2453, %swap3A_2454] {strides = array<i32>} : memref<10x64xi32, #tpu.memory_space<vmem>>, vector<16xi32>,
    tpu.vector_store %arg15[%swap3A_2453, %swap3A_2454], %select_n3A_2451 {strides = array<i32>} : memref<10x64xi32, #tpu.memory_space<vmem>>, vector<16xi32>,
    %select_n3A_2456 = arith.select %and3A_2441, %gather3A_2419, %broadcast_in_dim3A_36 : vector<16xi1>, vector<16xf32>
    %swap3A_2457 = arith.constant 9 : i32
    %swap3A_2458 = arith.index_cast %swap3A_2457 : i32 to index
    %swap3A_2459 = arith.constant 16 : index
    %swap3A_2460 = tpu.vector_load %arg16[%swap3A_2458, %swap3A_2459] {strides = array<i32>} : memref<10x64xf32, #tpu.memory_space<vmem>>, vector<16xf32>,
    tpu.vector_store %arg16[%swap3A_2458, %swap3A_2459], %select_n3A_2456 {strides = array<i32>} : memref<10x64xf32, #tpu.memory_space<vmem>>, vector<16xf32>,
    %select_n3A_2461 = arith.select %and3A_2441, %select_n3A_2444, %broadcast_in_dim3A_2446 : vector<16xi1>, vector<16xi32>
    %swap3A_2462 = arith.constant 9 : i32
    %swap3A_2463 = arith.index_cast %swap3A_2462 : i32 to index
    %swap3A_2464 = arith.constant 16 : index
    %swap3A_2465 = tpu.vector_load %arg17[%swap3A_2463, %swap3A_2464] {strides = array<i32>} : memref<10x64xi32, #tpu.memory_space<vmem>>, vector<16xi32>,
    tpu.vector_store %arg17[%swap3A_2463, %swap3A_2464], %select_n3A_2461 {strides = array<i32>} : memref<10x64xi32, #tpu.memory_space<vmem>>, vector<16xi32>,
    %select_n3A_2466 = arith.select %and3A_2441, %gather3A_2418, %broadcast_in_dim3A_36 : vector<16xi1>, vector<16xf32>
    %swap3A_2467 = arith.constant 9 : i32
    %swap3A_2468 = arith.index_cast %swap3A_2467 : i32 to index
    %swap3A_2469 = arith.constant 16 : index
    %swap3A_2470 = tpu.vector_load %arg18[%swap3A_2468, %swap3A_2469] {strides = array<i32>} : memref<10x64xf32, #tpu.memory_space<vmem>>, vector<16xf32>,
    tpu.vector_store %arg18[%swap3A_2468, %swap3A_2469], %select_n3A_2466 {strides = array<i32>} : memref<10x64xf32, #tpu.memory_space<vmem>>, vector<16xf32>,
    %get3A_2471 = arith.constant 608 : index
    %get3A_2472 = tpu.vector_load %arg10[%get3A_2471] {strides = array<i32>} : memref<640xi32, #tpu.memory_space<vmem>>, vector<16xi32>,
    %get3A_2473 = arith.constant 608 : index
    %get3A_2474 = tpu.vector_load %arg11[%get3A_2473] {strides = array<i32>} : memref<640xi32, #tpu.memory_space<vmem>>, vector<16xi32>,
    %get3A_2475 = arith.constant 608 : index
    %get3A_2476 = tpu.vector_load %arg12[%get3A_2475] {strides = array<i32>} : memref<640xi32, #tpu.memory_space<vmem>>, vector<16xi32>,
    %gather3A_2477 = tpu.vector_load_idx %arg13[%get3A_2474] : memref<1000xf32, #tpu.memory_space<vmem>>[vector<16xi32>], vector<16xf32>,
    %gather3A_2478 = tpu.vector_load_idx %arg14[%get3A_2474] : memref<1000xf32, #tpu.memory_space<vmem>>[vector<16xi32>], vector<16xf32>,
    %add3A_2479 = arith.constant 608 : i32
    %add3A_2480 = arith.addi %multiple_of3A, %add3A_2479 : i32
    %iota3A_2481 = tpu.iota {dimensions = array<i32: 0>} : vector<16xi32>
    %add3A_2482 = vector.broadcast %add3A_2480 : i32 to vector<16xi32>
    %add3A_2483 = arith.addi %add3A_2482, %iota3A_2481 : vector<16xi32>
    %sub3A_2484 = vector.broadcast %mul3A_4 : i32 to vector<16xi32>
    %sub3A_2485 = arith.subi %get3A_2472, %sub3A_2484 : vector<16xi32>
    %ge3A_2486 = vector.broadcast %mul3A_0 : i32 to vector<16xi32>
    %ge3A_2487 = arith.cmpi sge, %add3A_2483, %ge3A_2486 : vector<16xi32>
    %add3A_2488 = arith.constant 625 : i32
    %add3A_2489 = arith.addi %mul3A_0, %add3A_2488 : i32
    %lt3A_2490 = vector.broadcast %add3A_2489 : i32 to vector<16xi32>
    %lt3A_2491 = arith.cmpi slt, %add3A_2483, %lt3A_2490 : vector<16xi32>
    %and3A_2492 = arith.andi %ge3A_2487, %lt3A_2491 : vector<16xi1>
    %ge3A_2493 = arith.constant 0 : i32
    %ge3A_2494 = vector.broadcast %ge3A_2493 : i32 to vector<16xi32>
    %ge3A_2495 = arith.cmpi sge, %sub3A_2485, %ge3A_2494 : vector<16xi32>
    %and3A_2496 = arith.andi %and3A_2492, %ge3A_2495 : vector<16xi1>
    %lt3A_2497 = arith.constant 5000 : i32
    %lt3A_2498 = vector.broadcast %lt3A_2497 : i32 to vector<16xi32>
    %lt3A_2499 = arith.cmpi slt, %sub3A_2485, %lt3A_2498 : vector<16xi32>
    %and3A_2500 = arith.andi %and3A_2496, %lt3A_2499 : vector<16xi1>
    %jit3A_2501 = arith.constant 0 : i32
    %broadcast_in_dim3A_2502 = vector.broadcast %jit3A_2501 : i32 to vector<16xi32>
    %select_n3A_2503 = arith.select %and3A_2500, %sub3A_2485, %broadcast_in_dim3A_2502 : vector<16xi1>, vector<16xi32>
    %broadcast_in_dim3A_2504 = arith.constant -1 : i32
    %broadcast_in_dim3A_2505 = vector.broadcast %broadcast_in_dim3A_2504 : i32 to vector<16xi32>
    %mul3A_2506 = arith.constant 5120 : i32
    %mul3A_2507 = vector.broadcast %mul3A_2506 : i32 to vector<16xi32>
    %mul3A_2508 = arith.muli %get3A_2476, %mul3A_2507 : vector<16xi32>
    %add3A_2509 = arith.addi %mul3A_2508, %select_n3A_2503 : vector<16xi32>
    %select_n3A_2510 = arith.select %and3A_2500, %add3A_2509, %broadcast_in_dim3A_2505 : vector<16xi1>, vector<16xi32>
    %swap3A_2511 = arith.constant 9 : i32
    %swap3A_2512 = arith.index_cast %swap3A_2511 : i32 to index
    %swap3A_2513 = arith.constant 32 : index
    %swap3A_2514 = tpu.vector_load %arg15[%swap3A_2512, %swap3A_2513] {strides = array<i32>} : memref<10x64xi32, #tpu.memory_space<vmem>>, vector<16xi32>,
    tpu.vector_store %arg15[%swap3A_2512, %swap3A_2513], %select_n3A_2510 {strides = array<i32>} : memref<10x64xi32, #tpu.memory_space<vmem>>, vector<16xi32>,
    %select_n3A_2515 = arith.select %and3A_2500, %gather3A_2478, %broadcast_in_dim3A_36 : vector<16xi1>, vector<16xf32>
    %swap3A_2516 = arith.constant 9 : i32
    %swap3A_2517 = arith.index_cast %swap3A_2516 : i32 to index
    %swap3A_2518 = arith.constant 32 : index
    %swap3A_2519 = tpu.vector_load %arg16[%swap3A_2517, %swap3A_2518] {strides = array<i32>} : memref<10x64xf32, #tpu.memory_space<vmem>>, vector<16xf32>,
    tpu.vector_store %arg16[%swap3A_2517, %swap3A_2518], %select_n3A_2515 {strides = array<i32>} : memref<10x64xf32, #tpu.memory_space<vmem>>, vector<16xf32>,
    %select_n3A_2520 = arith.select %and3A_2500, %select_n3A_2503, %broadcast_in_dim3A_2505 : vector<16xi1>, vector<16xi32>
    %swap3A_2521 = arith.constant 9 : i32
    %swap3A_2522 = arith.index_cast %swap3A_2521 : i32 to index
    %swap3A_2523 = arith.constant 32 : index
    %swap3A_2524 = tpu.vector_load %arg17[%swap3A_2522, %swap3A_2523] {strides = array<i32>} : memref<10x64xi32, #tpu.memory_space<vmem>>, vector<16xi32>,
    tpu.vector_store %arg17[%swap3A_2522, %swap3A_2523], %select_n3A_2520 {strides = array<i32>} : memref<10x64xi32, #tpu.memory_space<vmem>>, vector<16xi32>,
    %select_n3A_2525 = arith.select %and3A_2500, %gather3A_2477, %broadcast_in_dim3A_36 : vector<16xi1>, vector<16xf32>
    %swap3A_2526 = arith.constant 9 : i32
    %swap3A_2527 = arith.index_cast %swap3A_2526 : i32 to index
    %swap3A_2528 = arith.constant 32 : index
    %swap3A_2529 = tpu.vector_load %arg18[%swap3A_2527, %swap3A_2528] {strides = array<i32>} : memref<10x64xf32, #tpu.memory_space<vmem>>, vector<16xf32>,
    tpu.vector_store %arg18[%swap3A_2527, %swap3A_2528], %select_n3A_2525 {strides = array<i32>} : memref<10x64xf32, #tpu.memory_space<vmem>>, vector<16xf32>,
    %get3A_2530 = arith.constant 624 : index
    %get3A_2531 = tpu.vector_load %arg10[%get3A_2530] {strides = array<i32>} : memref<640xi32, #tpu.memory_space<vmem>>, vector<16xi32>,
    %get3A_2532 = arith.constant 624 : index
    %get3A_2533 = tpu.vector_load %arg11[%get3A_2532] {strides = array<i32>} : memref<640xi32, #tpu.memory_space<vmem>>, vector<16xi32>,
    %get3A_2534 = arith.constant 624 : index
    %get3A_2535 = tpu.vector_load %arg12[%get3A_2534] {strides = array<i32>} : memref<640xi32, #tpu.memory_space<vmem>>, vector<16xi32>,
    %gather3A_2536 = tpu.vector_load_idx %arg13[%get3A_2533] : memref<1000xf32, #tpu.memory_space<vmem>>[vector<16xi32>], vector<16xf32>,
    %gather3A_2537 = tpu.vector_load_idx %arg14[%get3A_2533] : memref<1000xf32, #tpu.memory_space<vmem>>[vector<16xi32>], vector<16xf32>,
    %add3A_2538 = arith.constant 624 : i32
    %add3A_2539 = arith.addi %multiple_of3A, %add3A_2538 : i32
    %iota3A_2540 = tpu.iota {dimensions = array<i32: 0>} : vector<16xi32>
    %add3A_2541 = vector.broadcast %add3A_2539 : i32 to vector<16xi32>
    %add3A_2542 = arith.addi %add3A_2541, %iota3A_2540 : vector<16xi32>
    %sub3A_2543 = vector.broadcast %mul3A_4 : i32 to vector<16xi32>
    %sub3A_2544 = arith.subi %get3A_2531, %sub3A_2543 : vector<16xi32>
    %ge3A_2545 = vector.broadcast %mul3A_0 : i32 to vector<16xi32>
    %ge3A_2546 = arith.cmpi sge, %add3A_2542, %ge3A_2545 : vector<16xi32>
    %add3A_2547 = arith.constant 625 : i32
    %add3A_2548 = arith.addi %mul3A_0, %add3A_2547 : i32
    %lt3A_2549 = vector.broadcast %add3A_2548 : i32 to vector<16xi32>
    %lt3A_2550 = arith.cmpi slt, %add3A_2542, %lt3A_2549 : vector<16xi32>
    %and3A_2551 = arith.andi %ge3A_2546, %lt3A_2550 : vector<16xi1>
    %ge3A_2552 = arith.constant 0 : i32
    %ge3A_2553 = vector.broadcast %ge3A_2552 : i32 to vector<16xi32>
    %ge3A_2554 = arith.cmpi sge, %sub3A_2544, %ge3A_2553 : vector<16xi32>
    %and3A_2555 = arith.andi %and3A_2551, %ge3A_2554 : vector<16xi1>
    %lt3A_2556 = arith.constant 5000 : i32
    %lt3A_2557 = vector.broadcast %lt3A_2556 : i32 to vector<16xi32>
    %lt3A_2558 = arith.cmpi slt, %sub3A_2544, %lt3A_2557 : vector<16xi32>
    %and3A_2559 = arith.andi %and3A_2555, %lt3A_2558 : vector<16xi1>
    %jit3A_2560 = arith.constant 0 : i32
    %broadcast_in_dim3A_2561 = vector.broadcast %jit3A_2560 : i32 to vector<16xi32>
    %select_n3A_2562 = arith.select %and3A_2559, %sub3A_2544, %broadcast_in_dim3A_2561 : vector<16xi1>, vector<16xi32>
    %broadcast_in_dim3A_2563 = arith.constant -1 : i32
    %broadcast_in_dim3A_2564 = vector.broadcast %broadcast_in_dim3A_2563 : i32 to vector<16xi32>
    %mul3A_2565 = arith.constant 5120 : i32
    %mul3A_2566 = vector.broadcast %mul3A_2565 : i32 to vector<16xi32>
    %mul3A_2567 = arith.muli %get3A_2535, %mul3A_2566 : vector<16xi32>
    %add3A_2568 = arith.addi %mul3A_2567, %select_n3A_2562 : vector<16xi32>
    %select_n3A_2569 = arith.select %and3A_2559, %add3A_2568, %broadcast_in_dim3A_2564 : vector<16xi1>, vector<16xi32>
    %swap3A_2570 = arith.constant 9 : i32
    %swap3A_2571 = arith.index_cast %swap3A_2570 : i32 to index
    %swap3A_2572 = arith.constant 48 : index
    %swap3A_2573 = tpu.vector_load %arg15[%swap3A_2571, %swap3A_2572] {strides = array<i32>} : memref<10x64xi32, #tpu.memory_space<vmem>>, vector<16xi32>,
    tpu.vector_store %arg15[%swap3A_2571, %swap3A_2572], %select_n3A_2569 {strides = array<i32>} : memref<10x64xi32, #tpu.memory_space<vmem>>, vector<16xi32>,
    %select_n3A_2574 = arith.select %and3A_2559, %gather3A_2537, %broadcast_in_dim3A_36 : vector<16xi1>, vector<16xf32>
    %swap3A_2575 = arith.constant 9 : i32
    %swap3A_2576 = arith.index_cast %swap3A_2575 : i32 to index
    %swap3A_2577 = arith.constant 48 : index
    %swap3A_2578 = tpu.vector_load %arg16[%swap3A_2576, %swap3A_2577] {strides = array<i32>} : memref<10x64xf32, #tpu.memory_space<vmem>>, vector<16xf32>,
    tpu.vector_store %arg16[%swap3A_2576, %swap3A_2577], %select_n3A_2574 {strides = array<i32>} : memref<10x64xf32, #tpu.memory_space<vmem>>, vector<16xf32>,
    %select_n3A_2579 = arith.select %and3A_2559, %select_n3A_2562, %broadcast_in_dim3A_2564 : vector<16xi1>, vector<16xi32>
    %swap3A_2580 = arith.constant 9 : i32
    %swap3A_2581 = arith.index_cast %swap3A_2580 : i32 to index
    %swap3A_2582 = arith.constant 48 : index
    %swap3A_2583 = tpu.vector_load %arg17[%swap3A_2581, %swap3A_2582] {strides = array<i32>} : memref<10x64xi32, #tpu.memory_space<vmem>>, vector<16xi32>,
    tpu.vector_store %arg17[%swap3A_2581, %swap3A_2582], %select_n3A_2579 {strides = array<i32>} : memref<10x64xi32, #tpu.memory_space<vmem>>, vector<16xi32>,
    %select_n3A_2584 = arith.select %and3A_2559, %gather3A_2536, %broadcast_in_dim3A_36 : vector<16xi1>, vector<16xf32>
    %swap3A_2585 = arith.constant 9 : i32
    %swap3A_2586 = arith.index_cast %swap3A_2585 : i32 to index
    %swap3A_2587 = arith.constant 48 : index
    %swap3A_2588 = tpu.vector_load %arg18[%swap3A_2586, %swap3A_2587] {strides = array<i32>} : memref<10x64xf32, #tpu.memory_space<vmem>>, vector<16xf32>,
    tpu.vector_store %arg18[%swap3A_2586, %swap3A_2587], %select_n3A_2584 {strides = array<i32>} : memref<10x64xf32, #tpu.memory_space<vmem>>, vector<16xf32>,
    %dma_start3A_2589 = arith.constant 9 : i32
    %dma_start3A_2590 = arith.constant 9 : i32
    %dma_start3A_2591 = arith.constant 0 : i32
    %dma_start3A_2592 = tpu.memref_slice %arg16[%dma_start3A_2589, %dma_start3A_2591] : memref<10x64xf32, #tpu.memory_space<vmem>> -> memref<1x64xf32, #tpu.memory_space<vmem>>
    %dma_start3A_2593 = tpu.memref_squeeze %dma_start3A_2592 : memref<1x64xf32, #tpu.memory_space<vmem>> -> memref<64xf32, #tpu.memory_space<vmem>>
    %dma_start3A_2594 = arith.constant 0 : i32
    %dma_start3A_2595 = tpu.memref_slice %arg15[%dma_start3A_2590, %dma_start3A_2594] : memref<10x64xi32, #tpu.memory_space<vmem>> -> memref<1x64xi32, #tpu.memory_space<vmem>>
    %dma_start3A_2596 = tpu.memref_squeeze %dma_start3A_2595 : memref<1x64xi32, #tpu.memory_space<vmem>> -> memref<64xi32, #tpu.memory_space<vmem>>
    %dma_start3A_2597 = arith.constant 0 : i32
    %dma_start3A_2598 = tpu.memref_slice %arg23[%dma_start3A_2597] : memref<163840xf32, #tpu.memory_space<vmem_shared>> -> memref<163840xf32, #tpu.memory_space<vmem_shared>>
    %dma_start3A_2599 = arith.constant -1 : i32
    tpu.enqueue_indirect_dma source(%dma_start3A_2593 : memref<64xf32, #tpu.memory_space<vmem>>) target(%dma_start3A_2598 : memref<163840xf32, #tpu.memory_space<vmem_shared>>) offsets(%dma_start3A_2596 : memref<64xi32, #tpu.memory_space<vmem>>) offset_filter(%dma_start3A_2599) semaphore(%arg26 : memref<!tpu.dma_semaphore, #tpu.memory_space<semaphore_mem>>) {add = true}
    %dma_start3A_2600 = arith.constant 9 : i32
    %dma_start3A_2601 = arith.constant 9 : i32
    %dma_start3A_2602 = arith.constant 0 : i32
    %dma_start3A_2603 = tpu.memref_slice %arg18[%dma_start3A_2600, %dma_start3A_2602] : memref<10x64xf32, #tpu.memory_space<vmem>> -> memref<1x64xf32, #tpu.memory_space<vmem>>
    %dma_start3A_2604 = tpu.memref_squeeze %dma_start3A_2603 : memref<1x64xf32, #tpu.memory_space<vmem>> -> memref<64xf32, #tpu.memory_space<vmem>>
    %dma_start3A_2605 = arith.constant 0 : i32
    %dma_start3A_2606 = tpu.memref_slice %arg17[%dma_start3A_2601, %dma_start3A_2605] : memref<10x64xi32, #tpu.memory_space<vmem>> -> memref<1x64xi32, #tpu.memory_space<vmem>>
    %dma_start3A_2607 = tpu.memref_squeeze %dma_start3A_2606 : memref<1x64xi32, #tpu.memory_space<vmem>> -> memref<64xi32, #tpu.memory_space<vmem>>
    %dma_start3A_2608 = arith.constant 0 : i32
    %dma_start3A_2609 = tpu.memref_slice %arg24[%dma_start3A_2608] : memref<5120xf32, #tpu.memory_space<vmem_shared>> -> memref<5120xf32, #tpu.memory_space<vmem_shared>>
    %dma_start3A_2610 = arith.constant -1 : i32
    tpu.enqueue_indirect_dma source(%dma_start3A_2604 : memref<64xf32, #tpu.memory_space<vmem>>) target(%dma_start3A_2609 : memref<5120xf32, #tpu.memory_space<vmem_shared>>) offsets(%dma_start3A_2607 : memref<64xi32, #tpu.memory_space<vmem>>) offset_filter(%dma_start3A_2610) semaphore(%arg26 : memref<!tpu.dma_semaphore, #tpu.memory_space<semaphore_mem>>) {add = true}
    %dma_wait3A_2611 = arith.constant 0 : i32
    %dma_wait3A_2612 = arith.constant 0 : i32
    %dma_wait3A_2613 = arith.constant 0 : i32
    %dma_wait3A_2614 = tpu.memref_slice %arg16[%dma_wait3A_2611, %dma_wait3A_2613] : memref<10x64xf32, #tpu.memory_space<vmem>> -> memref<1x64xf32, #tpu.memory_space<vmem>>
    %dma_wait3A_2615 = tpu.memref_squeeze %dma_wait3A_2614 : memref<1x64xf32, #tpu.memory_space<vmem>> -> memref<64xf32, #tpu.memory_space<vmem>>
    %dma_wait3A_2616 = arith.constant 0 : i32
    %dma_wait3A_2617 = tpu.memref_slice %arg15[%dma_wait3A_2612, %dma_wait3A_2616] : memref<10x64xi32, #tpu.memory_space<vmem>> -> memref<1x64xi32, #tpu.memory_space<vmem>>
    %dma_wait3A_2618 = tpu.memref_squeeze %dma_wait3A_2617 : memref<1x64xi32, #tpu.memory_space<vmem>> -> memref<64xi32, #tpu.memory_space<vmem>>
    %dma_wait3A_2619 = arith.constant 0 : i32
    %dma_wait3A_2620 = tpu.memref_slice %arg23[%dma_wait3A_2619] : memref<163840xf32, #tpu.memory_space<vmem_shared>> -> memref<163840xf32, #tpu.memory_space<vmem_shared>>
    tpu.wait_indirect_dma semaphore(%arg26 : memref<!tpu.dma_semaphore, #tpu.memory_space<semaphore_mem>>) src(%dma_wait3A_2615 : memref<64xf32, #tpu.memory_space<vmem>>) dst(%dma_wait3A_2620 : memref<163840xf32, #tpu.memory_space<vmem_shared>>)
    %dma_wait3A_2621 = arith.constant 0 : i32
    %dma_wait3A_2622 = arith.constant 0 : i32
    %dma_wait3A_2623 = arith.constant 0 : i32
    %dma_wait3A_2624 = tpu.memref_slice %arg18[%dma_wait3A_2621, %dma_wait3A_2623] : memref<10x64xf32, #tpu.memory_space<vmem>> -> memref<1x64xf32, #tpu.memory_space<vmem>>
    %dma_wait3A_2625 = tpu.memref_squeeze %dma_wait3A_2624 : memref<1x64xf32, #tpu.memory_space<vmem>> -> memref<64xf32, #tpu.memory_space<vmem>>
    %dma_wait3A_2626 = arith.constant 0 : i32
    %dma_wait3A_2627 = tpu.memref_slice %arg17[%dma_wait3A_2622, %dma_wait3A_2626] : memref<10x64xi32, #tpu.memory_space<vmem>> -> memref<1x64xi32, #tpu.memory_space<vmem>>
    %dma_wait3A_2628 = tpu.memref_squeeze %dma_wait3A_2627 : memref<1x64xi32, #tpu.memory_space<vmem>> -> memref<64xi32, #tpu.memory_space<vmem>>
    %dma_wait3A_2629 = arith.constant 0 : i32
    %dma_wait3A_2630 = tpu.memref_slice %arg24[%dma_wait3A_2629] : memref<5120xf32, #tpu.memory_space<vmem_shared>> -> memref<5120xf32, #tpu.memory_space<vmem_shared>>
    tpu.wait_indirect_dma semaphore(%arg26 : memref<!tpu.dma_semaphore, #tpu.memory_space<semaphore_mem>>) src(%dma_wait3A_2625 : memref<64xf32, #tpu.memory_space<vmem>>) dst(%dma_wait3A_2630 : memref<5120xf32, #tpu.memory_space<vmem_shared>>)
    %dma_wait3A_2631 = arith.constant 1 : i32
    %dma_wait3A_2632 = arith.constant 1 : i32
    %dma_wait3A_2633 = arith.constant 0 : i32
    %dma_wait3A_2634 = tpu.memref_slice %arg16[%dma_wait3A_2631, %dma_wait3A_2633] : memref<10x64xf32, #tpu.memory_space<vmem>> -> memref<1x64xf32, #tpu.memory_space<vmem>>
    %dma_wait3A_2635 = tpu.memref_squeeze %dma_wait3A_2634 : memref<1x64xf32, #tpu.memory_space<vmem>> -> memref<64xf32, #tpu.memory_space<vmem>>
    %dma_wait3A_2636 = arith.constant 0 : i32
    %dma_wait3A_2637 = tpu.memref_slice %arg15[%dma_wait3A_2632, %dma_wait3A_2636] : memref<10x64xi32, #tpu.memory_space<vmem>> -> memref<1x64xi32, #tpu.memory_space<vmem>>
    %dma_wait3A_2638 = tpu.memref_squeeze %dma_wait3A_2637 : memref<1x64xi32, #tpu.memory_space<vmem>> -> memref<64xi32, #tpu.memory_space<vmem>>
    %dma_wait3A_2639 = arith.constant 0 : i32
    %dma_wait3A_2640 = tpu.memref_slice %arg23[%dma_wait3A_2639] : memref<163840xf32, #tpu.memory_space<vmem_shared>> -> memref<163840xf32, #tpu.memory_space<vmem_shared>>
    tpu.wait_indirect_dma semaphore(%arg26 : memref<!tpu.dma_semaphore, #tpu.memory_space<semaphore_mem>>) src(%dma_wait3A_2635 : memref<64xf32, #tpu.memory_space<vmem>>) dst(%dma_wait3A_2640 : memref<163840xf32, #tpu.memory_space<vmem_shared>>)
    %dma_wait3A_2641 = arith.constant 1 : i32
    %dma_wait3A_2642 = arith.constant 1 : i32
    %dma_wait3A_2643 = arith.constant 0 : i32
    %dma_wait3A_2644 = tpu.memref_slice %arg18[%dma_wait3A_2641, %dma_wait3A_2643] : memref<10x64xf32, #tpu.memory_space<vmem>> -> memref<1x64xf32, #tpu.memory_space<vmem>>
    %dma_wait3A_2645 = tpu.memref_squeeze %dma_wait3A_2644 : memref<1x64xf32, #tpu.memory_space<vmem>> -> memref<64xf32, #tpu.memory_space<vmem>>
    %dma_wait3A_2646 = arith.constant 0 : i32
    %dma_wait3A_2647 = tpu.memref_slice %arg17[%dma_wait3A_2642, %dma_wait3A_2646] : memref<10x64xi32, #tpu.memory_space<vmem>> -> memref<1x64xi32, #tpu.memory_space<vmem>>
    %dma_wait3A_2648 = tpu.memref_squeeze %dma_wait3A_2647 : memref<1x64xi32, #tpu.memory_space<vmem>> -> memref<64xi32, #tpu.memory_space<vmem>>
    %dma_wait3A_2649 = arith.constant 0 : i32
    %dma_wait3A_2650 = tpu.memref_slice %arg24[%dma_wait3A_2649] : memref<5120xf32, #tpu.memory_space<vmem_shared>> -> memref<5120xf32, #tpu.memory_space<vmem_shared>>
    tpu.wait_indirect_dma semaphore(%arg26 : memref<!tpu.dma_semaphore, #tpu.memory_space<semaphore_mem>>) src(%dma_wait3A_2645 : memref<64xf32, #tpu.memory_space<vmem>>) dst(%dma_wait3A_2650 : memref<5120xf32, #tpu.memory_space<vmem_shared>>)
    %dma_wait3A_2651 = arith.constant 2 : i32
    %dma_wait3A_2652 = arith.constant 2 : i32
    %dma_wait3A_2653 = arith.constant 0 : i32
    %dma_wait3A_2654 = tpu.memref_slice %arg16[%dma_wait3A_2651, %dma_wait3A_2653] : memref<10x64xf32, #tpu.memory_space<vmem>> -> memref<1x64xf32, #tpu.memory_space<vmem>>
    %dma_wait3A_2655 = tpu.memref_squeeze %dma_wait3A_2654 : memref<1x64xf32, #tpu.memory_space<vmem>> -> memref<64xf32, #tpu.memory_space<vmem>>
    %dma_wait3A_2656 = arith.constant 0 : i32
    %dma_wait3A_2657 = tpu.memref_slice %arg15[%dma_wait3A_2652, %dma_wait3A_2656] : memref<10x64xi32, #tpu.memory_space<vmem>> -> memref<1x64xi32, #tpu.memory_space<vmem>>
    %dma_wait3A_2658 = tpu.memref_squeeze %dma_wait3A_2657 : memref<1x64xi32, #tpu.memory_space<vmem>> -> memref<64xi32, #tpu.memory_space<vmem>>
    %dma_wait3A_2659 = arith.constant 0 : i32
    %dma_wait3A_2660 = tpu.memref_slice %arg23[%dma_wait3A_2659] : memref<163840xf32, #tpu.memory_space<vmem_shared>> -> memref<163840xf32, #tpu.memory_space<vmem_shared>>
    tpu.wait_indirect_dma semaphore(%arg26 : memref<!tpu.dma_semaphore, #tpu.memory_space<semaphore_mem>>) src(%dma_wait3A_2655 : memref<64xf32, #tpu.memory_space<vmem>>) dst(%dma_wait3A_2660 : memref<163840xf32, #tpu.memory_space<vmem_shared>>)
    %dma_wait3A_2661 = arith.constant 2 : i32
    %dma_wait3A_2662 = arith.constant 2 : i32
    %dma_wait3A_2663 = arith.constant 0 : i32
    %dma_wait3A_2664 = tpu.memref_slice %arg18[%dma_wait3A_2661, %dma_wait3A_2663] : memref<10x64xf32, #tpu.memory_space<vmem>> -> memref<1x64xf32, #tpu.memory_space<vmem>>
    %dma_wait3A_2665 = tpu.memref_squeeze %dma_wait3A_2664 : memref<1x64xf32, #tpu.memory_space<vmem>> -> memref<64xf32, #tpu.memory_space<vmem>>
    %dma_wait3A_2666 = arith.constant 0 : i32
    %dma_wait3A_2667 = tpu.memref_slice %arg17[%dma_wait3A_2662, %dma_wait3A_2666] : memref<10x64xi32, #tpu.memory_space<vmem>> -> memref<1x64xi32, #tpu.memory_space<vmem>>
    %dma_wait3A_2668 = tpu.memref_squeeze %dma_wait3A_2667 : memref<1x64xi32, #tpu.memory_space<vmem>> -> memref<64xi32, #tpu.memory_space<vmem>>
    %dma_wait3A_2669 = arith.constant 0 : i32
    %dma_wait3A_2670 = tpu.memref_slice %arg24[%dma_wait3A_2669] : memref<5120xf32, #tpu.memory_space<vmem_shared>> -> memref<5120xf32, #tpu.memory_space<vmem_shared>>
    tpu.wait_indirect_dma semaphore(%arg26 : memref<!tpu.dma_semaphore, #tpu.memory_space<semaphore_mem>>) src(%dma_wait3A_2665 : memref<64xf32, #tpu.memory_space<vmem>>) dst(%dma_wait3A_2670 : memref<5120xf32, #tpu.memory_space<vmem_shared>>)
    %dma_wait3A_2671 = arith.constant 3 : i32
    %dma_wait3A_2672 = arith.constant 3 : i32
    %dma_wait3A_2673 = arith.constant 0 : i32
    %dma_wait3A_2674 = tpu.memref_slice %arg16[%dma_wait3A_2671, %dma_wait3A_2673] : memref<10x64xf32, #tpu.memory_space<vmem>> -> memref<1x64xf32, #tpu.memory_space<vmem>>
    %dma_wait3A_2675 = tpu.memref_squeeze %dma_wait3A_2674 : memref<1x64xf32, #tpu.memory_space<vmem>> -> memref<64xf32, #tpu.memory_space<vmem>>
    %dma_wait3A_2676 = arith.constant 0 : i32
    %dma_wait3A_2677 = tpu.memref_slice %arg15[%dma_wait3A_2672, %dma_wait3A_2676] : memref<10x64xi32, #tpu.memory_space<vmem>> -> memref<1x64xi32, #tpu.memory_space<vmem>>
    %dma_wait3A_2678 = tpu.memref_squeeze %dma_wait3A_2677 : memref<1x64xi32, #tpu.memory_space<vmem>> -> memref<64xi32, #tpu.memory_space<vmem>>
    %dma_wait3A_2679 = arith.constant 0 : i32
    %dma_wait3A_2680 = tpu.memref_slice %arg23[%dma_wait3A_2679] : memref<163840xf32, #tpu.memory_space<vmem_shared>> -> memref<163840xf32, #tpu.memory_space<vmem_shared>>
    tpu.wait_indirect_dma semaphore(%arg26 : memref<!tpu.dma_semaphore, #tpu.memory_space<semaphore_mem>>) src(%dma_wait3A_2675 : memref<64xf32, #tpu.memory_space<vmem>>) dst(%dma_wait3A_2680 : memref<163840xf32, #tpu.memory_space<vmem_shared>>)
    %dma_wait3A_2681 = arith.constant 3 : i32
    %dma_wait3A_2682 = arith.constant 3 : i32
    %dma_wait3A_2683 = arith.constant 0 : i32
    %dma_wait3A_2684 = tpu.memref_slice %arg18[%dma_wait3A_2681, %dma_wait3A_2683] : memref<10x64xf32, #tpu.memory_space<vmem>> -> memref<1x64xf32, #tpu.memory_space<vmem>>
    %dma_wait3A_2685 = tpu.memref_squeeze %dma_wait3A_2684 : memref<1x64xf32, #tpu.memory_space<vmem>> -> memref<64xf32, #tpu.memory_space<vmem>>
    %dma_wait3A_2686 = arith.constant 0 : i32
    %dma_wait3A_2687 = tpu.memref_slice %arg17[%dma_wait3A_2682, %dma_wait3A_2686] : memref<10x64xi32, #tpu.memory_space<vmem>> -> memref<1x64xi32, #tpu.memory_space<vmem>>
    %dma_wait3A_2688 = tpu.memref_squeeze %dma_wait3A_2687 : memref<1x64xi32, #tpu.memory_space<vmem>> -> memref<64xi32, #tpu.memory_space<vmem>>
    %dma_wait3A_2689 = arith.constant 0 : i32
    %dma_wait3A_2690 = tpu.memref_slice %arg24[%dma_wait3A_2689] : memref<5120xf32, #tpu.memory_space<vmem_shared>> -> memref<5120xf32, #tpu.memory_space<vmem_shared>>
    tpu.wait_indirect_dma semaphore(%arg26 : memref<!tpu.dma_semaphore, #tpu.memory_space<semaphore_mem>>) src(%dma_wait3A_2685 : memref<64xf32, #tpu.memory_space<vmem>>) dst(%dma_wait3A_2690 : memref<5120xf32, #tpu.memory_space<vmem_shared>>)
    %dma_wait3A_2691 = arith.constant 4 : i32
    %dma_wait3A_2692 = arith.constant 4 : i32
    %dma_wait3A_2693 = arith.constant 0 : i32
    %dma_wait3A_2694 = tpu.memref_slice %arg16[%dma_wait3A_2691, %dma_wait3A_2693] : memref<10x64xf32, #tpu.memory_space<vmem>> -> memref<1x64xf32, #tpu.memory_space<vmem>>
    %dma_wait3A_2695 = tpu.memref_squeeze %dma_wait3A_2694 : memref<1x64xf32, #tpu.memory_space<vmem>> -> memref<64xf32, #tpu.memory_space<vmem>>
    %dma_wait3A_2696 = arith.constant 0 : i32
    %dma_wait3A_2697 = tpu.memref_slice %arg15[%dma_wait3A_2692, %dma_wait3A_2696] : memref<10x64xi32, #tpu.memory_space<vmem>> -> memref<1x64xi32, #tpu.memory_space<vmem>>
    %dma_wait3A_2698 = tpu.memref_squeeze %dma_wait3A_2697 : memref<1x64xi32, #tpu.memory_space<vmem>> -> memref<64xi32, #tpu.memory_space<vmem>>
    %dma_wait3A_2699 = arith.constant 0 : i32
    %dma_wait3A_2700 = tpu.memref_slice %arg23[%dma_wait3A_2699] : memref<163840xf32, #tpu.memory_space<vmem_shared>> -> memref<163840xf32, #tpu.memory_space<vmem_shared>>
    tpu.wait_indirect_dma semaphore(%arg26 : memref<!tpu.dma_semaphore, #tpu.memory_space<semaphore_mem>>) src(%dma_wait3A_2695 : memref<64xf32, #tpu.memory_space<vmem>>) dst(%dma_wait3A_2700 : memref<163840xf32, #tpu.memory_space<vmem_shared>>)
    %dma_wait3A_2701 = arith.constant 4 : i32
    %dma_wait3A_2702 = arith.constant 4 : i32
    %dma_wait3A_2703 = arith.constant 0 : i32
    %dma_wait3A_2704 = tpu.memref_slice %arg18[%dma_wait3A_2701, %dma_wait3A_2703] : memref<10x64xf32, #tpu.memory_space<vmem>> -> memref<1x64xf32, #tpu.memory_space<vmem>>
    %dma_wait3A_2705 = tpu.memref_squeeze %dma_wait3A_2704 : memref<1x64xf32, #tpu.memory_space<vmem>> -> memref<64xf32, #tpu.memory_space<vmem>>
    %dma_wait3A_2706 = arith.constant 0 : i32
    %dma_wait3A_2707 = tpu.memref_slice %arg17[%dma_wait3A_2702, %dma_wait3A_2706] : memref<10x64xi32, #tpu.memory_space<vmem>> -> memref<1x64xi32, #tpu.memory_space<vmem>>
    %dma_wait3A_2708 = tpu.memref_squeeze %dma_wait3A_2707 : memref<1x64xi32, #tpu.memory_space<vmem>> -> memref<64xi32, #tpu.memory_space<vmem>>
    %dma_wait3A_2709 = arith.constant 0 : i32
    %dma_wait3A_2710 = tpu.memref_slice %arg24[%dma_wait3A_2709] : memref<5120xf32, #tpu.memory_space<vmem_shared>> -> memref<5120xf32, #tpu.memory_space<vmem_shared>>
    tpu.wait_indirect_dma semaphore(%arg26 : memref<!tpu.dma_semaphore, #tpu.memory_space<semaphore_mem>>) src(%dma_wait3A_2705 : memref<64xf32, #tpu.memory_space<vmem>>) dst(%dma_wait3A_2710 : memref<5120xf32, #tpu.memory_space<vmem_shared>>)
    %dma_wait3A_2711 = arith.constant 5 : i32
    %dma_wait3A_2712 = arith.constant 5 : i32
    %dma_wait3A_2713 = arith.constant 0 : i32
    %dma_wait3A_2714 = tpu.memref_slice %arg16[%dma_wait3A_2711, %dma_wait3A_2713] : memref<10x64xf32, #tpu.memory_space<vmem>> -> memref<1x64xf32, #tpu.memory_space<vmem>>
    %dma_wait3A_2715 = tpu.memref_squeeze %dma_wait3A_2714 : memref<1x64xf32, #tpu.memory_space<vmem>> -> memref<64xf32, #tpu.memory_space<vmem>>
    %dma_wait3A_2716 = arith.constant 0 : i32
    %dma_wait3A_2717 = tpu.memref_slice %arg15[%dma_wait3A_2712, %dma_wait3A_2716] : memref<10x64xi32, #tpu.memory_space<vmem>> -> memref<1x64xi32, #tpu.memory_space<vmem>>
    %dma_wait3A_2718 = tpu.memref_squeeze %dma_wait3A_2717 : memref<1x64xi32, #tpu.memory_space<vmem>> -> memref<64xi32, #tpu.memory_space<vmem>>
    %dma_wait3A_2719 = arith.constant 0 : i32
    %dma_wait3A_2720 = tpu.memref_slice %arg23[%dma_wait3A_2719] : memref<163840xf32, #tpu.memory_space<vmem_shared>> -> memref<163840xf32, #tpu.memory_space<vmem_shared>>
    tpu.wait_indirect_dma semaphore(%arg26 : memref<!tpu.dma_semaphore, #tpu.memory_space<semaphore_mem>>) src(%dma_wait3A_2715 : memref<64xf32, #tpu.memory_space<vmem>>) dst(%dma_wait3A_2720 : memref<163840xf32, #tpu.memory_space<vmem_shared>>)
    %dma_wait3A_2721 = arith.constant 5 : i32
    %dma_wait3A_2722 = arith.constant 5 : i32
    %dma_wait3A_2723 = arith.constant 0 : i32
    %dma_wait3A_2724 = tpu.memref_slice %arg18[%dma_wait3A_2721, %dma_wait3A_2723] : memref<10x64xf32, #tpu.memory_space<vmem>> -> memref<1x64xf32, #tpu.memory_space<vmem>>
    %dma_wait3A_2725 = tpu.memref_squeeze %dma_wait3A_2724 : memref<1x64xf32, #tpu.memory_space<vmem>> -> memref<64xf32, #tpu.memory_space<vmem>>
    %dma_wait3A_2726 = arith.constant 0 : i32
    %dma_wait3A_2727 = tpu.memref_slice %arg17[%dma_wait3A_2722, %dma_wait3A_2726] : memref<10x64xi32, #tpu.memory_space<vmem>> -> memref<1x64xi32, #tpu.memory_space<vmem>>
    %dma_wait3A_2728 = tpu.memref_squeeze %dma_wait3A_2727 : memref<1x64xi32, #tpu.memory_space<vmem>> -> memref<64xi32, #tpu.memory_space<vmem>>
    %dma_wait3A_2729 = arith.constant 0 : i32
    %dma_wait3A_2730 = tpu.memref_slice %arg24[%dma_wait3A_2729] : memref<5120xf32, #tpu.memory_space<vmem_shared>> -> memref<5120xf32, #tpu.memory_space<vmem_shared>>
    tpu.wait_indirect_dma semaphore(%arg26 : memref<!tpu.dma_semaphore, #tpu.memory_space<semaphore_mem>>) src(%dma_wait3A_2725 : memref<64xf32, #tpu.memory_space<vmem>>) dst(%dma_wait3A_2730 : memref<5120xf32, #tpu.memory_space<vmem_shared>>)
    %dma_wait3A_2731 = arith.constant 6 : i32
    %dma_wait3A_2732 = arith.constant 6 : i32
    %dma_wait3A_2733 = arith.constant 0 : i32
    %dma_wait3A_2734 = tpu.memref_slice %arg16[%dma_wait3A_2731, %dma_wait3A_2733] : memref<10x64xf32, #tpu.memory_space<vmem>> -> memref<1x64xf32, #tpu.memory_space<vmem>>
    %dma_wait3A_2735 = tpu.memref_squeeze %dma_wait3A_2734 : memref<1x64xf32, #tpu.memory_space<vmem>> -> memref<64xf32, #tpu.memory_space<vmem>>
    %dma_wait3A_2736 = arith.constant 0 : i32
    %dma_wait3A_2737 = tpu.memref_slice %arg15[%dma_wait3A_2732, %dma_wait3A_2736] : memref<10x64xi32, #tpu.memory_space<vmem>> -> memref<1x64xi32, #tpu.memory_space<vmem>>
    %dma_wait3A_2738 = tpu.memref_squeeze %dma_wait3A_2737 : memref<1x64xi32, #tpu.memory_space<vmem>> -> memref<64xi32, #tpu.memory_space<vmem>>
    %dma_wait3A_2739 = arith.constant 0 : i32
    %dma_wait3A_2740 = tpu.memref_slice %arg23[%dma_wait3A_2739] : memref<163840xf32, #tpu.memory_space<vmem_shared>> -> memref<163840xf32, #tpu.memory_space<vmem_shared>>
    tpu.wait_indirect_dma semaphore(%arg26 : memref<!tpu.dma_semaphore, #tpu.memory_space<semaphore_mem>>) src(%dma_wait3A_2735 : memref<64xf32, #tpu.memory_space<vmem>>) dst(%dma_wait3A_2740 : memref<163840xf32, #tpu.memory_space<vmem_shared>>)
    %dma_wait3A_2741 = arith.constant 6 : i32
    %dma_wait3A_2742 = arith.constant 6 : i32
    %dma_wait3A_2743 = arith.constant 0 : i32
    %dma_wait3A_2744 = tpu.memref_slice %arg18[%dma_wait3A_2741, %dma_wait3A_2743] : memref<10x64xf32, #tpu.memory_space<vmem>> -> memref<1x64xf32, #tpu.memory_space<vmem>>
    %dma_wait3A_2745 = tpu.memref_squeeze %dma_wait3A_2744 : memref<1x64xf32, #tpu.memory_space<vmem>> -> memref<64xf32, #tpu.memory_space<vmem>>
    %dma_wait3A_2746 = arith.constant 0 : i32
    %dma_wait3A_2747 = tpu.memref_slice %arg17[%dma_wait3A_2742, %dma_wait3A_2746] : memref<10x64xi32, #tpu.memory_space<vmem>> -> memref<1x64xi32, #tpu.memory_space<vmem>>
    %dma_wait3A_2748 = tpu.memref_squeeze %dma_wait3A_2747 : memref<1x64xi32, #tpu.memory_space<vmem>> -> memref<64xi32, #tpu.memory_space<vmem>>
    %dma_wait3A_2749 = arith.constant 0 : i32
    %dma_wait3A_2750 = tpu.memref_slice %arg24[%dma_wait3A_2749] : memref<5120xf32, #tpu.memory_space<vmem_shared>> -> memref<5120xf32, #tpu.memory_space<vmem_shared>>
    tpu.wait_indirect_dma semaphore(%arg26 : memref<!tpu.dma_semaphore, #tpu.memory_space<semaphore_mem>>) src(%dma_wait3A_2745 : memref<64xf32, #tpu.memory_space<vmem>>) dst(%dma_wait3A_2750 : memref<5120xf32, #tpu.memory_space<vmem_shared>>)
    %dma_wait3A_2751 = arith.constant 7 : i32
    %dma_wait3A_2752 = arith.constant 7 : i32
    %dma_wait3A_2753 = arith.constant 0 : i32
    %dma_wait3A_2754 = tpu.memref_slice %arg16[%dma_wait3A_2751, %dma_wait3A_2753] : memref<10x64xf32, #tpu.memory_space<vmem>> -> memref<1x64xf32, #tpu.memory_space<vmem>>
    %dma_wait3A_2755 = tpu.memref_squeeze %dma_wait3A_2754 : memref<1x64xf32, #tpu.memory_space<vmem>> -> memref<64xf32, #tpu.memory_space<vmem>>
    %dma_wait3A_2756 = arith.constant 0 : i32
    %dma_wait3A_2757 = tpu.memref_slice %arg15[%dma_wait3A_2752, %dma_wait3A_2756] : memref<10x64xi32, #tpu.memory_space<vmem>> -> memref<1x64xi32, #tpu.memory_space<vmem>>
    %dma_wait3A_2758 = tpu.memref_squeeze %dma_wait3A_2757 : memref<1x64xi32, #tpu.memory_space<vmem>> -> memref<64xi32, #tpu.memory_space<vmem>>
    %dma_wait3A_2759 = arith.constant 0 : i32
    %dma_wait3A_2760 = tpu.memref_slice %arg23[%dma_wait3A_2759] : memref<163840xf32, #tpu.memory_space<vmem_shared>> -> memref<163840xf32, #tpu.memory_space<vmem_shared>>
    tpu.wait_indirect_dma semaphore(%arg26 : memref<!tpu.dma_semaphore, #tpu.memory_space<semaphore_mem>>) src(%dma_wait3A_2755 : memref<64xf32, #tpu.memory_space<vmem>>) dst(%dma_wait3A_2760 : memref<163840xf32, #tpu.memory_space<vmem_shared>>)
    %dma_wait3A_2761 = arith.constant 7 : i32
    %dma_wait3A_2762 = arith.constant 7 : i32
    %dma_wait3A_2763 = arith.constant 0 : i32
    %dma_wait3A_2764 = tpu.memref_slice %arg18[%dma_wait3A_2761, %dma_wait3A_2763] : memref<10x64xf32, #tpu.memory_space<vmem>> -> memref<1x64xf32, #tpu.memory_space<vmem>>
    %dma_wait3A_2765 = tpu.memref_squeeze %dma_wait3A_2764 : memref<1x64xf32, #tpu.memory_space<vmem>> -> memref<64xf32, #tpu.memory_space<vmem>>
    %dma_wait3A_2766 = arith.constant 0 : i32
    %dma_wait3A_2767 = tpu.memref_slice %arg17[%dma_wait3A_2762, %dma_wait3A_2766] : memref<10x64xi32, #tpu.memory_space<vmem>> -> memref<1x64xi32, #tpu.memory_space<vmem>>
    %dma_wait3A_2768 = tpu.memref_squeeze %dma_wait3A_2767 : memref<1x64xi32, #tpu.memory_space<vmem>> -> memref<64xi32, #tpu.memory_space<vmem>>
    %dma_wait3A_2769 = arith.constant 0 : i32
    %dma_wait3A_2770 = tpu.memref_slice %arg24[%dma_wait3A_2769] : memref<5120xf32, #tpu.memory_space<vmem_shared>> -> memref<5120xf32, #tpu.memory_space<vmem_shared>>
    tpu.wait_indirect_dma semaphore(%arg26 : memref<!tpu.dma_semaphore, #tpu.memory_space<semaphore_mem>>) src(%dma_wait3A_2765 : memref<64xf32, #tpu.memory_space<vmem>>) dst(%dma_wait3A_2770 : memref<5120xf32, #tpu.memory_space<vmem_shared>>)
    %dma_wait3A_2771 = arith.constant 8 : i32
    %dma_wait3A_2772 = arith.constant 8 : i32
    %dma_wait3A_2773 = arith.constant 0 : i32
    %dma_wait3A_2774 = tpu.memref_slice %arg16[%dma_wait3A_2771, %dma_wait3A_2773] : memref<10x64xf32, #tpu.memory_space<vmem>> -> memref<1x64xf32, #tpu.memory_space<vmem>>
    %dma_wait3A_2775 = tpu.memref_squeeze %dma_wait3A_2774 : memref<1x64xf32, #tpu.memory_space<vmem>> -> memref<64xf32, #tpu.memory_space<vmem>>
    %dma_wait3A_2776 = arith.constant 0 : i32
    %dma_wait3A_2777 = tpu.memref_slice %arg15[%dma_wait3A_2772, %dma_wait3A_2776] : memref<10x64xi32, #tpu.memory_space<vmem>> -> memref<1x64xi32, #tpu.memory_space<vmem>>
    %dma_wait3A_2778 = tpu.memref_squeeze %dma_wait3A_2777 : memref<1x64xi32, #tpu.memory_space<vmem>> -> memref<64xi32, #tpu.memory_space<vmem>>
    %dma_wait3A_2779 = arith.constant 0 : i32
    %dma_wait3A_2780 = tpu.memref_slice %arg23[%dma_wait3A_2779] : memref<163840xf32, #tpu.memory_space<vmem_shared>> -> memref<163840xf32, #tpu.memory_space<vmem_shared>>
    tpu.wait_indirect_dma semaphore(%arg26 : memref<!tpu.dma_semaphore, #tpu.memory_space<semaphore_mem>>) src(%dma_wait3A_2775 : memref<64xf32, #tpu.memory_space<vmem>>) dst(%dma_wait3A_2780 : memref<163840xf32, #tpu.memory_space<vmem_shared>>)
    %dma_wait3A_2781 = arith.constant 8 : i32
    %dma_wait3A_2782 = arith.constant 8 : i32
    %dma_wait3A_2783 = arith.constant 0 : i32
    %dma_wait3A_2784 = tpu.memref_slice %arg18[%dma_wait3A_2781, %dma_wait3A_2783] : memref<10x64xf32, #tpu.memory_space<vmem>> -> memref<1x64xf32, #tpu.memory_space<vmem>>
    %dma_wait3A_2785 = tpu.memref_squeeze %dma_wait3A_2784 : memref<1x64xf32, #tpu.memory_space<vmem>> -> memref<64xf32, #tpu.memory_space<vmem>>
    %dma_wait3A_2786 = arith.constant 0 : i32
    %dma_wait3A_2787 = tpu.memref_slice %arg17[%dma_wait3A_2782, %dma_wait3A_2786] : memref<10x64xi32, #tpu.memory_space<vmem>> -> memref<1x64xi32, #tpu.memory_space<vmem>>
    %dma_wait3A_2788 = tpu.memref_squeeze %dma_wait3A_2787 : memref<1x64xi32, #tpu.memory_space<vmem>> -> memref<64xi32, #tpu.memory_space<vmem>>
    %dma_wait3A_2789 = arith.constant 0 : i32
    %dma_wait3A_2790 = tpu.memref_slice %arg24[%dma_wait3A_2789] : memref<5120xf32, #tpu.memory_space<vmem_shared>> -> memref<5120xf32, #tpu.memory_space<vmem_shared>>
    tpu.wait_indirect_dma semaphore(%arg26 : memref<!tpu.dma_semaphore, #tpu.memory_space<semaphore_mem>>) src(%dma_wait3A_2785 : memref<64xf32, #tpu.memory_space<vmem>>) dst(%dma_wait3A_2790 : memref<5120xf32, #tpu.memory_space<vmem_shared>>)
    %dma_wait3A_2791 = arith.constant 9 : i32
    %dma_wait3A_2792 = arith.constant 9 : i32
    %dma_wait3A_2793 = arith.constant 0 : i32
    %dma_wait3A_2794 = tpu.memref_slice %arg16[%dma_wait3A_2791, %dma_wait3A_2793] : memref<10x64xf32, #tpu.memory_space<vmem>> -> memref<1x64xf32, #tpu.memory_space<vmem>>
    %dma_wait3A_2795 = tpu.memref_squeeze %dma_wait3A_2794 : memref<1x64xf32, #tpu.memory_space<vmem>> -> memref<64xf32, #tpu.memory_space<vmem>>
    %dma_wait3A_2796 = arith.constant 0 : i32
    %dma_wait3A_2797 = tpu.memref_slice %arg15[%dma_wait3A_2792, %dma_wait3A_2796] : memref<10x64xi32, #tpu.memory_space<vmem>> -> memref<1x64xi32, #tpu.memory_space<vmem>>
    %dma_wait3A_2798 = tpu.memref_squeeze %dma_wait3A_2797 : memref<1x64xi32, #tpu.memory_space<vmem>> -> memref<64xi32, #tpu.memory_space<vmem>>
    %dma_wait3A_2799 = arith.constant 0 : i32
    %dma_wait3A_2800 = tpu.memref_slice %arg23[%dma_wait3A_2799] : memref<163840xf32, #tpu.memory_space<vmem_shared>> -> memref<163840xf32, #tpu.memory_space<vmem_shared>>
    tpu.wait_indirect_dma semaphore(%arg26 : memref<!tpu.dma_semaphore, #tpu.memory_space<semaphore_mem>>) src(%dma_wait3A_2795 : memref<64xf32, #tpu.memory_space<vmem>>) dst(%dma_wait3A_2800 : memref<163840xf32, #tpu.memory_space<vmem_shared>>)
    %dma_wait3A_2801 = arith.constant 9 : i32
    %dma_wait3A_2802 = arith.constant 9 : i32
    %dma_wait3A_2803 = arith.constant 0 : i32
    %dma_wait3A_2804 = tpu.memref_slice %arg18[%dma_wait3A_2801, %dma_wait3A_2803] : memref<10x64xf32, #tpu.memory_space<vmem>> -> memref<1x64xf32, #tpu.memory_space<vmem>>
    %dma_wait3A_2805 = tpu.memref_squeeze %dma_wait3A_2804 : memref<1x64xf32, #tpu.memory_space<vmem>> -> memref<64xf32, #tpu.memory_space<vmem>>
    %dma_wait3A_2806 = arith.constant 0 : i32
    %dma_wait3A_2807 = tpu.memref_slice %arg17[%dma_wait3A_2802, %dma_wait3A_2806] : memref<10x64xi32, #tpu.memory_space<vmem>> -> memref<1x64xi32, #tpu.memory_space<vmem>>
    %dma_wait3A_2808 = tpu.memref_squeeze %dma_wait3A_2807 : memref<1x64xi32, #tpu.memory_space<vmem>> -> memref<64xi32, #tpu.memory_space<vmem>>
    %dma_wait3A_2809 = arith.constant 0 : i32
    %dma_wait3A_2810 = tpu.memref_slice %arg24[%dma_wait3A_2809] : memref<5120xf32, #tpu.memory_space<vmem_shared>> -> memref<5120xf32, #tpu.memory_space<vmem_shared>>
    tpu.wait_indirect_dma semaphore(%arg26 : memref<!tpu.dma_semaphore, #tpu.memory_space<semaphore_mem>>) src(%dma_wait3A_2805 : memref<64xf32, #tpu.memory_space<vmem>>) dst(%dma_wait3A_2810 : memref<5120xf32, #tpu.memory_space<vmem_shared>>)
    %barrier3A_2811 = arith.constant 0 : index
    tpu.barrier barrier_id(%barrier3A_2811)
    %mul3A_2812 = arith.constant 313 : i32
    %mul3A_2813 = arith.muli %arg1, %mul3A_2812 : i32
    %min3A_2814 = arith.constant 4680 : i32
    %min3A_2815 = arith.minsi %mul3A_2813, %min3A_2814 : i32
    %and3A_2816 = arith.constant -8 : i32
    %and3A_2817 = arith.andi %min3A_2815, %and3A_2816 : i32
    %multiple_of3A_2818 = tpu.assume_multiple %and3A_2817, 8 : i32
    %add3A_2819 = arith.constant 0 : i32
    %add3A_2820 = arith.addi %add3A_2819, %multiple_of3A_2818 : i32
    %dma_start3A_2821 = arith.constant 0 : i32
    %dma_start3A_2822 = tpu.memref_slice %arg19[%dma_start3A_2821] : memref<10240xf32, #tpu.memory_space<vmem>> -> memref<320xf32, #tpu.memory_space<vmem>>
    %dma_start3A_2823 = tpu.memref_slice %arg23[%add3A_2820] : memref<163840xf32, #tpu.memory_space<vmem_shared>> -> memref<320xf32, #tpu.memory_space<vmem_shared>>
    %dma_start3A_2824 = arith.constant 0 : i32
    %dma_start3A_2825 = tpu.memref_slice %arg19[%dma_start3A_2824] : memref<10240xf32, #tpu.memory_space<vmem>> -> memref<320xf32, #tpu.memory_space<vmem>>
    %dma_start3A_2826 = tpu.memref_slice %arg23[%add3A_2820] : memref<163840xf32, #tpu.memory_space<vmem_shared>> -> memref<320xf32, #tpu.memory_space<vmem_shared>>
    tpu.enqueue_dma source(%dma_start3A_2826 : memref<320xf32, #tpu.memory_space<vmem_shared>>) target(%dma_start3A_2825 : memref<320xf32, #tpu.memory_space<vmem>>) target_semaphore(%arg25 : memref<!tpu.dma_semaphore, #tpu.memory_space<semaphore_mem>>)
    %add3A_2827 = arith.constant 5120 : i32
    %add3A_2828 = arith.addi %add3A_2827, %multiple_of3A_2818 : i32
    %dma_start3A_2829 = arith.constant 320 : i32
    %dma_start3A_2830 = tpu.memref_slice %arg19[%dma_start3A_2829] : memref<10240xf32, #tpu.memory_space<vmem>> -> memref<320xf32, #tpu.memory_space<vmem>>
    %dma_start3A_2831 = tpu.memref_slice %arg23[%add3A_2828] : memref<163840xf32, #tpu.memory_space<vmem_shared>> -> memref<320xf32, #tpu.memory_space<vmem_shared>>
    %dma_start3A_2832 = arith.constant 320 : i32
    %dma_start3A_2833 = tpu.memref_slice %arg19[%dma_start3A_2832] : memref<10240xf32, #tpu.memory_space<vmem>> -> memref<320xf32, #tpu.memory_space<vmem>>
    %dma_start3A_2834 = tpu.memref_slice %arg23[%add3A_2828] : memref<163840xf32, #tpu.memory_space<vmem_shared>> -> memref<320xf32, #tpu.memory_space<vmem_shared>>
    tpu.enqueue_dma source(%dma_start3A_2834 : memref<320xf32, #tpu.memory_space<vmem_shared>>) target(%dma_start3A_2833 : memref<320xf32, #tpu.memory_space<vmem>>) target_semaphore(%arg25 : memref<!tpu.dma_semaphore, #tpu.memory_space<semaphore_mem>>)
    %add3A_2835 = arith.constant 10240 : i32
    %add3A_2836 = arith.addi %add3A_2835, %multiple_of3A_2818 : i32
    %dma_start3A_2837 = arith.constant 640 : i32
    %dma_start3A_2838 = tpu.memref_slice %arg19[%dma_start3A_2837] : memref<10240xf32, #tpu.memory_space<vmem>> -> memref<320xf32, #tpu.memory_space<vmem>>
    %dma_start3A_2839 = tpu.memref_slice %arg23[%add3A_2836] : memref<163840xf32, #tpu.memory_space<vmem_shared>> -> memref<320xf32, #tpu.memory_space<vmem_shared>>
    %dma_start3A_2840 = arith.constant 640 : i32
    %dma_start3A_2841 = tpu.memref_slice %arg19[%dma_start3A_2840] : memref<10240xf32, #tpu.memory_space<vmem>> -> memref<320xf32, #tpu.memory_space<vmem>>
    %dma_start3A_2842 = tpu.memref_slice %arg23[%add3A_2836] : memref<163840xf32, #tpu.memory_space<vmem_shared>> -> memref<320xf32, #tpu.memory_space<vmem_shared>>
    tpu.enqueue_dma source(%dma_start3A_2842 : memref<320xf32, #tpu.memory_space<vmem_shared>>) target(%dma_start3A_2841 : memref<320xf32, #tpu.memory_space<vmem>>) target_semaphore(%arg25 : memref<!tpu.dma_semaphore, #tpu.memory_space<semaphore_mem>>)
    %add3A_2843 = arith.constant 15360 : i32
    %add3A_2844 = arith.addi %add3A_2843, %multiple_of3A_2818 : i32
    %dma_start3A_2845 = arith.constant 960 : i32
    %dma_start3A_2846 = tpu.memref_slice %arg19[%dma_start3A_2845] : memref<10240xf32, #tpu.memory_space<vmem>> -> memref<320xf32, #tpu.memory_space<vmem>>
    %dma_start3A_2847 = tpu.memref_slice %arg23[%add3A_2844] : memref<163840xf32, #tpu.memory_space<vmem_shared>> -> memref<320xf32, #tpu.memory_space<vmem_shared>>
    %dma_start3A_2848 = arith.constant 960 : i32
    %dma_start3A_2849 = tpu.memref_slice %arg19[%dma_start3A_2848] : memref<10240xf32, #tpu.memory_space<vmem>> -> memref<320xf32, #tpu.memory_space<vmem>>
    %dma_start3A_2850 = tpu.memref_slice %arg23[%add3A_2844] : memref<163840xf32, #tpu.memory_space<vmem_shared>> -> memref<320xf32, #tpu.memory_space<vmem_shared>>
    tpu.enqueue_dma source(%dma_start3A_2850 : memref<320xf32, #tpu.memory_space<vmem_shared>>) target(%dma_start3A_2849 : memref<320xf32, #tpu.memory_space<vmem>>) target_semaphore(%arg25 : memref<!tpu.dma_semaphore, #tpu.memory_space<semaphore_mem>>)
    %add3A_2851 = arith.constant 20480 : i32
    %add3A_2852 = arith.addi %add3A_2851, %multiple_of3A_2818 : i32
    %dma_start3A_2853 = arith.constant 1280 : i32
    %dma_start3A_2854 = tpu.memref_slice %arg19[%dma_start3A_2853] : memref<10240xf32, #tpu.memory_space<vmem>> -> memref<320xf32, #tpu.memory_space<vmem>>
    %dma_start3A_2855 = tpu.memref_slice %arg23[%add3A_2852] : memref<163840xf32, #tpu.memory_space<vmem_shared>> -> memref<320xf32, #tpu.memory_space<vmem_shared>>
    %dma_start3A_2856 = arith.constant 1280 : i32
    %dma_start3A_2857 = tpu.memref_slice %arg19[%dma_start3A_2856] : memref<10240xf32, #tpu.memory_space<vmem>> -> memref<320xf32, #tpu.memory_space<vmem>>
    %dma_start3A_2858 = tpu.memref_slice %arg23[%add3A_2852] : memref<163840xf32, #tpu.memory_space<vmem_shared>> -> memref<320xf32, #tpu.memory_space<vmem_shared>>
    tpu.enqueue_dma source(%dma_start3A_2858 : memref<320xf32, #tpu.memory_space<vmem_shared>>) target(%dma_start3A_2857 : memref<320xf32, #tpu.memory_space<vmem>>) target_semaphore(%arg25 : memref<!tpu.dma_semaphore, #tpu.memory_space<semaphore_mem>>)
    %add3A_2859 = arith.constant 25600 : i32
    %add3A_2860 = arith.addi %add3A_2859, %multiple_of3A_2818 : i32
    %dma_start3A_2861 = arith.constant 1600 : i32
    %dma_start3A_2862 = tpu.memref_slice %arg19[%dma_start3A_2861] : memref<10240xf32, #tpu.memory_space<vmem>> -> memref<320xf32, #tpu.memory_space<vmem>>
    %dma_start3A_2863 = tpu.memref_slice %arg23[%add3A_2860] : memref<163840xf32, #tpu.memory_space<vmem_shared>> -> memref<320xf32, #tpu.memory_space<vmem_shared>>
    %dma_start3A_2864 = arith.constant 1600 : i32
    %dma_start3A_2865 = tpu.memref_slice %arg19[%dma_start3A_2864] : memref<10240xf32, #tpu.memory_space<vmem>> -> memref<320xf32, #tpu.memory_space<vmem>>
    %dma_start3A_2866 = tpu.memref_slice %arg23[%add3A_2860] : memref<163840xf32, #tpu.memory_space<vmem_shared>> -> memref<320xf32, #tpu.memory_space<vmem_shared>>
    tpu.enqueue_dma source(%dma_start3A_2866 : memref<320xf32, #tpu.memory_space<vmem_shared>>) target(%dma_start3A_2865 : memref<320xf32, #tpu.memory_space<vmem>>) target_semaphore(%arg25 : memref<!tpu.dma_semaphore, #tpu.memory_space<semaphore_mem>>)
    %add3A_2867 = arith.constant 30720 : i32
    %add3A_2868 = arith.addi %add3A_2867, %multiple_of3A_2818 : i32
    %dma_start3A_2869 = arith.constant 1920 : i32
    %dma_start3A_2870 = tpu.memref_slice %arg19[%dma_start3A_2869] : memref<10240xf32, #tpu.memory_space<vmem>> -> memref<320xf32, #tpu.memory_space<vmem>>
    %dma_start3A_2871 = tpu.memref_slice %arg23[%add3A_2868] : memref<163840xf32, #tpu.memory_space<vmem_shared>> -> memref<320xf32, #tpu.memory_space<vmem_shared>>
    %dma_start3A_2872 = arith.constant 1920 : i32
    %dma_start3A_2873 = tpu.memref_slice %arg19[%dma_start3A_2872] : memref<10240xf32, #tpu.memory_space<vmem>> -> memref<320xf32, #tpu.memory_space<vmem>>
    %dma_start3A_2874 = tpu.memref_slice %arg23[%add3A_2868] : memref<163840xf32, #tpu.memory_space<vmem_shared>> -> memref<320xf32, #tpu.memory_space<vmem_shared>>
    tpu.enqueue_dma source(%dma_start3A_2874 : memref<320xf32, #tpu.memory_space<vmem_shared>>) target(%dma_start3A_2873 : memref<320xf32, #tpu.memory_space<vmem>>) target_semaphore(%arg25 : memref<!tpu.dma_semaphore, #tpu.memory_space<semaphore_mem>>)
    %add3A_2875 = arith.constant 35840 : i32
    %add3A_2876 = arith.addi %add3A_2875, %multiple_of3A_2818 : i32
    %dma_start3A_2877 = arith.constant 2240 : i32
    %dma_start3A_2878 = tpu.memref_slice %arg19[%dma_start3A_2877] : memref<10240xf32, #tpu.memory_space<vmem>> -> memref<320xf32, #tpu.memory_space<vmem>>
    %dma_start3A_2879 = tpu.memref_slice %arg23[%add3A_2876] : memref<163840xf32, #tpu.memory_space<vmem_shared>> -> memref<320xf32, #tpu.memory_space<vmem_shared>>
    %dma_start3A_2880 = arith.constant 2240 : i32
    %dma_start3A_2881 = tpu.memref_slice %arg19[%dma_start3A_2880] : memref<10240xf32, #tpu.memory_space<vmem>> -> memref<320xf32, #tpu.memory_space<vmem>>
    %dma_start3A_2882 = tpu.memref_slice %arg23[%add3A_2876] : memref<163840xf32, #tpu.memory_space<vmem_shared>> -> memref<320xf32, #tpu.memory_space<vmem_shared>>
    tpu.enqueue_dma source(%dma_start3A_2882 : memref<320xf32, #tpu.memory_space<vmem_shared>>) target(%dma_start3A_2881 : memref<320xf32, #tpu.memory_space<vmem>>) target_semaphore(%arg25 : memref<!tpu.dma_semaphore, #tpu.memory_space<semaphore_mem>>)
    %add3A_2883 = arith.constant 40960 : i32
    %add3A_2884 = arith.addi %add3A_2883, %multiple_of3A_2818 : i32
    %dma_start3A_2885 = arith.constant 2560 : i32
    %dma_start3A_2886 = tpu.memref_slice %arg19[%dma_start3A_2885] : memref<10240xf32, #tpu.memory_space<vmem>> -> memref<320xf32, #tpu.memory_space<vmem>>
    %dma_start3A_2887 = tpu.memref_slice %arg23[%add3A_2884] : memref<163840xf32, #tpu.memory_space<vmem_shared>> -> memref<320xf32, #tpu.memory_space<vmem_shared>>
    %dma_start3A_2888 = arith.constant 2560 : i32
    %dma_start3A_2889 = tpu.memref_slice %arg19[%dma_start3A_2888] : memref<10240xf32, #tpu.memory_space<vmem>> -> memref<320xf32, #tpu.memory_space<vmem>>
    %dma_start3A_2890 = tpu.memref_slice %arg23[%add3A_2884] : memref<163840xf32, #tpu.memory_space<vmem_shared>> -> memref<320xf32, #tpu.memory_space<vmem_shared>>
    tpu.enqueue_dma source(%dma_start3A_2890 : memref<320xf32, #tpu.memory_space<vmem_shared>>) target(%dma_start3A_2889 : memref<320xf32, #tpu.memory_space<vmem>>) target_semaphore(%arg25 : memref<!tpu.dma_semaphore, #tpu.memory_space<semaphore_mem>>)
    %add3A_2891 = arith.constant 46080 : i32
    %add3A_2892 = arith.addi %add3A_2891, %multiple_of3A_2818 : i32
    %dma_start3A_2893 = arith.constant 2880 : i32
    %dma_start3A_2894 = tpu.memref_slice %arg19[%dma_start3A_2893] : memref<10240xf32, #tpu.memory_space<vmem>> -> memref<320xf32, #tpu.memory_space<vmem>>
    %dma_start3A_2895 = tpu.memref_slice %arg23[%add3A_2892] : memref<163840xf32, #tpu.memory_space<vmem_shared>> -> memref<320xf32, #tpu.memory_space<vmem_shared>>
    %dma_start3A_2896 = arith.constant 2880 : i32
    %dma_start3A_2897 = tpu.memref_slice %arg19[%dma_start3A_2896] : memref<10240xf32, #tpu.memory_space<vmem>> -> memref<320xf32, #tpu.memory_space<vmem>>
    %dma_start3A_2898 = tpu.memref_slice %arg23[%add3A_2892] : memref<163840xf32, #tpu.memory_space<vmem_shared>> -> memref<320xf32, #tpu.memory_space<vmem_shared>>
    tpu.enqueue_dma source(%dma_start3A_2898 : memref<320xf32, #tpu.memory_space<vmem_shared>>) target(%dma_start3A_2897 : memref<320xf32, #tpu.memory_space<vmem>>) target_semaphore(%arg25 : memref<!tpu.dma_semaphore, #tpu.memory_space<semaphore_mem>>)
    %add3A_2899 = arith.constant 51200 : i32
    %add3A_2900 = arith.addi %add3A_2899, %multiple_of3A_2818 : i32
    %dma_start3A_2901 = arith.constant 3200 : i32
    %dma_start3A_2902 = tpu.memref_slice %arg19[%dma_start3A_2901] : memref<10240xf32, #tpu.memory_space<vmem>> -> memref<320xf32, #tpu.memory_space<vmem>>
    %dma_start3A_2903 = tpu.memref_slice %arg23[%add3A_2900] : memref<163840xf32, #tpu.memory_space<vmem_shared>> -> memref<320xf32, #tpu.memory_space<vmem_shared>>
    %dma_start3A_2904 = arith.constant 3200 : i32
    %dma_start3A_2905 = tpu.memref_slice %arg19[%dma_start3A_2904] : memref<10240xf32, #tpu.memory_space<vmem>> -> memref<320xf32, #tpu.memory_space<vmem>>
    %dma_start3A_2906 = tpu.memref_slice %arg23[%add3A_2900] : memref<163840xf32, #tpu.memory_space<vmem_shared>> -> memref<320xf32, #tpu.memory_space<vmem_shared>>
    tpu.enqueue_dma source(%dma_start3A_2906 : memref<320xf32, #tpu.memory_space<vmem_shared>>) target(%dma_start3A_2905 : memref<320xf32, #tpu.memory_space<vmem>>) target_semaphore(%arg25 : memref<!tpu.dma_semaphore, #tpu.memory_space<semaphore_mem>>)
    %add3A_2907 = arith.constant 56320 : i32
    %add3A_2908 = arith.addi %add3A_2907, %multiple_of3A_2818 : i32
    %dma_start3A_2909 = arith.constant 3520 : i32
    %dma_start3A_2910 = tpu.memref_slice %arg19[%dma_start3A_2909] : memref<10240xf32, #tpu.memory_space<vmem>> -> memref<320xf32, #tpu.memory_space<vmem>>
    %dma_start3A_2911 = tpu.memref_slice %arg23[%add3A_2908] : memref<163840xf32, #tpu.memory_space<vmem_shared>> -> memref<320xf32, #tpu.memory_space<vmem_shared>>
    %dma_start3A_2912 = arith.constant 3520 : i32
    %dma_start3A_2913 = tpu.memref_slice %arg19[%dma_start3A_2912] : memref<10240xf32, #tpu.memory_space<vmem>> -> memref<320xf32, #tpu.memory_space<vmem>>
    %dma_start3A_2914 = tpu.memref_slice %arg23[%add3A_2908] : memref<163840xf32, #tpu.memory_space<vmem_shared>> -> memref<320xf32, #tpu.memory_space<vmem_shared>>
    tpu.enqueue_dma source(%dma_start3A_2914 : memref<320xf32, #tpu.memory_space<vmem_shared>>) target(%dma_start3A_2913 : memref<320xf32, #tpu.memory_space<vmem>>) target_semaphore(%arg25 : memref<!tpu.dma_semaphore, #tpu.memory_space<semaphore_mem>>)
    %add3A_2915 = arith.constant 61440 : i32
    %add3A_2916 = arith.addi %add3A_2915, %multiple_of3A_2818 : i32
    %dma_start3A_2917 = arith.constant 3840 : i32
    %dma_start3A_2918 = tpu.memref_slice %arg19[%dma_start3A_2917] : memref<10240xf32, #tpu.memory_space<vmem>> -> memref<320xf32, #tpu.memory_space<vmem>>
    %dma_start3A_2919 = tpu.memref_slice %arg23[%add3A_2916] : memref<163840xf32, #tpu.memory_space<vmem_shared>> -> memref<320xf32, #tpu.memory_space<vmem_shared>>
    %dma_start3A_2920 = arith.constant 3840 : i32
    %dma_start3A_2921 = tpu.memref_slice %arg19[%dma_start3A_2920] : memref<10240xf32, #tpu.memory_space<vmem>> -> memref<320xf32, #tpu.memory_space<vmem>>
    %dma_start3A_2922 = tpu.memref_slice %arg23[%add3A_2916] : memref<163840xf32, #tpu.memory_space<vmem_shared>> -> memref<320xf32, #tpu.memory_space<vmem_shared>>
    tpu.enqueue_dma source(%dma_start3A_2922 : memref<320xf32, #tpu.memory_space<vmem_shared>>) target(%dma_start3A_2921 : memref<320xf32, #tpu.memory_space<vmem>>) target_semaphore(%arg25 : memref<!tpu.dma_semaphore, #tpu.memory_space<semaphore_mem>>)
    %add3A_2923 = arith.constant 66560 : i32
    %add3A_2924 = arith.addi %add3A_2923, %multiple_of3A_2818 : i32
    %dma_start3A_2925 = arith.constant 4160 : i32
    %dma_start3A_2926 = tpu.memref_slice %arg19[%dma_start3A_2925] : memref<10240xf32, #tpu.memory_space<vmem>> -> memref<320xf32, #tpu.memory_space<vmem>>
    %dma_start3A_2927 = tpu.memref_slice %arg23[%add3A_2924] : memref<163840xf32, #tpu.memory_space<vmem_shared>> -> memref<320xf32, #tpu.memory_space<vmem_shared>>
    %dma_start3A_2928 = arith.constant 4160 : i32
    %dma_start3A_2929 = tpu.memref_slice %arg19[%dma_start3A_2928] : memref<10240xf32, #tpu.memory_space<vmem>> -> memref<320xf32, #tpu.memory_space<vmem>>
    %dma_start3A_2930 = tpu.memref_slice %arg23[%add3A_2924] : memref<163840xf32, #tpu.memory_space<vmem_shared>> -> memref<320xf32, #tpu.memory_space<vmem_shared>>
    tpu.enqueue_dma source(%dma_start3A_2930 : memref<320xf32, #tpu.memory_space<vmem_shared>>) target(%dma_start3A_2929 : memref<320xf32, #tpu.memory_space<vmem>>) target_semaphore(%arg25 : memref<!tpu.dma_semaphore, #tpu.memory_space<semaphore_mem>>)
    %add3A_2931 = arith.constant 71680 : i32
    %add3A_2932 = arith.addi %add3A_2931, %multiple_of3A_2818 : i32
    %dma_start3A_2933 = arith.constant 4480 : i32
    %dma_start3A_2934 = tpu.memref_slice %arg19[%dma_start3A_2933] : memref<10240xf32, #tpu.memory_space<vmem>> -> memref<320xf32, #tpu.memory_space<vmem>>
    %dma_start3A_2935 = tpu.memref_slice %arg23[%add3A_2932] : memref<163840xf32, #tpu.memory_space<vmem_shared>> -> memref<320xf32, #tpu.memory_space<vmem_shared>>
    %dma_start3A_2936 = arith.constant 4480 : i32
    %dma_start3A_2937 = tpu.memref_slice %arg19[%dma_start3A_2936] : memref<10240xf32, #tpu.memory_space<vmem>> -> memref<320xf32, #tpu.memory_space<vmem>>
    %dma_start3A_2938 = tpu.memref_slice %arg23[%add3A_2932] : memref<163840xf32, #tpu.memory_space<vmem_shared>> -> memref<320xf32, #tpu.memory_space<vmem_shared>>
    tpu.enqueue_dma source(%dma_start3A_2938 : memref<320xf32, #tpu.memory_space<vmem_shared>>) target(%dma_start3A_2937 : memref<320xf32, #tpu.memory_space<vmem>>) target_semaphore(%arg25 : memref<!tpu.dma_semaphore, #tpu.memory_space<semaphore_mem>>)
    %add3A_2939 = arith.constant 76800 : i32
    %add3A_2940 = arith.addi %add3A_2939, %multiple_of3A_2818 : i32
    %dma_start3A_2941 = arith.constant 4800 : i32
    %dma_start3A_2942 = tpu.memref_slice %arg19[%dma_start3A_2941] : memref<10240xf32, #tpu.memory_space<vmem>> -> memref<320xf32, #tpu.memory_space<vmem>>
    %dma_start3A_2943 = tpu.memref_slice %arg23[%add3A_2940] : memref<163840xf32, #tpu.memory_space<vmem_shared>> -> memref<320xf32, #tpu.memory_space<vmem_shared>>
    %dma_start3A_2944 = arith.constant 4800 : i32
    %dma_start3A_2945 = tpu.memref_slice %arg19[%dma_start3A_2944] : memref<10240xf32, #tpu.memory_space<vmem>> -> memref<320xf32, #tpu.memory_space<vmem>>
    %dma_start3A_2946 = tpu.memref_slice %arg23[%add3A_2940] : memref<163840xf32, #tpu.memory_space<vmem_shared>> -> memref<320xf32, #tpu.memory_space<vmem_shared>>
    tpu.enqueue_dma source(%dma_start3A_2946 : memref<320xf32, #tpu.memory_space<vmem_shared>>) target(%dma_start3A_2945 : memref<320xf32, #tpu.memory_space<vmem>>) target_semaphore(%arg25 : memref<!tpu.dma_semaphore, #tpu.memory_space<semaphore_mem>>)
    %add3A_2947 = arith.constant 81920 : i32
    %add3A_2948 = arith.addi %add3A_2947, %multiple_of3A_2818 : i32
    %dma_start3A_2949 = arith.constant 5120 : i32
    %dma_start3A_2950 = tpu.memref_slice %arg19[%dma_start3A_2949] : memref<10240xf32, #tpu.memory_space<vmem>> -> memref<320xf32, #tpu.memory_space<vmem>>
    %dma_start3A_2951 = tpu.memref_slice %arg23[%add3A_2948] : memref<163840xf32, #tpu.memory_space<vmem_shared>> -> memref<320xf32, #tpu.memory_space<vmem_shared>>
    %dma_start3A_2952 = arith.constant 5120 : i32
    %dma_start3A_2953 = tpu.memref_slice %arg19[%dma_start3A_2952] : memref<10240xf32, #tpu.memory_space<vmem>> -> memref<320xf32, #tpu.memory_space<vmem>>
    %dma_start3A_2954 = tpu.memref_slice %arg23[%add3A_2948] : memref<163840xf32, #tpu.memory_space<vmem_shared>> -> memref<320xf32, #tpu.memory_space<vmem_shared>>
    tpu.enqueue_dma source(%dma_start3A_2954 : memref<320xf32, #tpu.memory_space<vmem_shared>>) target(%dma_start3A_2953 : memref<320xf32, #tpu.memory_space<vmem>>) target_semaphore(%arg25 : memref<!tpu.dma_semaphore, #tpu.memory_space<semaphore_mem>>)
    %add3A_2955 = arith.constant 87040 : i32
    %add3A_2956 = arith.addi %add3A_2955, %multiple_of3A_2818 : i32
    %dma_start3A_2957 = arith.constant 5440 : i32
    %dma_start3A_2958 = tpu.memref_slice %arg19[%dma_start3A_2957] : memref<10240xf32, #tpu.memory_space<vmem>> -> memref<320xf32, #tpu.memory_space<vmem>>
    %dma_start3A_2959 = tpu.memref_slice %arg23[%add3A_2956] : memref<163840xf32, #tpu.memory_space<vmem_shared>> -> memref<320xf32, #tpu.memory_space<vmem_shared>>
    %dma_start3A_2960 = arith.constant 5440 : i32
    %dma_start3A_2961 = tpu.memref_slice %arg19[%dma_start3A_2960] : memref<10240xf32, #tpu.memory_space<vmem>> -> memref<320xf32, #tpu.memory_space<vmem>>
    %dma_start3A_2962 = tpu.memref_slice %arg23[%add3A_2956] : memref<163840xf32, #tpu.memory_space<vmem_shared>> -> memref<320xf32, #tpu.memory_space<vmem_shared>>
    tpu.enqueue_dma source(%dma_start3A_2962 : memref<320xf32, #tpu.memory_space<vmem_shared>>) target(%dma_start3A_2961 : memref<320xf32, #tpu.memory_space<vmem>>) target_semaphore(%arg25 : memref<!tpu.dma_semaphore, #tpu.memory_space<semaphore_mem>>)
    %add3A_2963 = arith.constant 92160 : i32
    %add3A_2964 = arith.addi %add3A_2963, %multiple_of3A_2818 : i32
    %dma_start3A_2965 = arith.constant 5760 : i32
    %dma_start3A_2966 = tpu.memref_slice %arg19[%dma_start3A_2965] : memref<10240xf32, #tpu.memory_space<vmem>> -> memref<320xf32, #tpu.memory_space<vmem>>
    %dma_start3A_2967 = tpu.memref_slice %arg23[%add3A_2964] : memref<163840xf32, #tpu.memory_space<vmem_shared>> -> memref<320xf32, #tpu.memory_space<vmem_shared>>
    %dma_start3A_2968 = arith.constant 5760 : i32
    %dma_start3A_2969 = tpu.memref_slice %arg19[%dma_start3A_2968] : memref<10240xf32, #tpu.memory_space<vmem>> -> memref<320xf32, #tpu.memory_space<vmem>>
    %dma_start3A_2970 = tpu.memref_slice %arg23[%add3A_2964] : memref<163840xf32, #tpu.memory_space<vmem_shared>> -> memref<320xf32, #tpu.memory_space<vmem_shared>>
    tpu.enqueue_dma source(%dma_start3A_2970 : memref<320xf32, #tpu.memory_space<vmem_shared>>) target(%dma_start3A_2969 : memref<320xf32, #tpu.memory_space<vmem>>) target_semaphore(%arg25 : memref<!tpu.dma_semaphore, #tpu.memory_space<semaphore_mem>>)
    %add3A_2971 = arith.constant 97280 : i32
    %add3A_2972 = arith.addi %add3A_2971, %multiple_of3A_2818 : i32
    %dma_start3A_2973 = arith.constant 6080 : i32
    %dma_start3A_2974 = tpu.memref_slice %arg19[%dma_start3A_2973] : memref<10240xf32, #tpu.memory_space<vmem>> -> memref<320xf32, #tpu.memory_space<vmem>>
    %dma_start3A_2975 = tpu.memref_slice %arg23[%add3A_2972] : memref<163840xf32, #tpu.memory_space<vmem_shared>> -> memref<320xf32, #tpu.memory_space<vmem_shared>>
    %dma_start3A_2976 = arith.constant 6080 : i32
    %dma_start3A_2977 = tpu.memref_slice %arg19[%dma_start3A_2976] : memref<10240xf32, #tpu.memory_space<vmem>> -> memref<320xf32, #tpu.memory_space<vmem>>
    %dma_start3A_2978 = tpu.memref_slice %arg23[%add3A_2972] : memref<163840xf32, #tpu.memory_space<vmem_shared>> -> memref<320xf32, #tpu.memory_space<vmem_shared>>
    tpu.enqueue_dma source(%dma_start3A_2978 : memref<320xf32, #tpu.memory_space<vmem_shared>>) target(%dma_start3A_2977 : memref<320xf32, #tpu.memory_space<vmem>>) target_semaphore(%arg25 : memref<!tpu.dma_semaphore, #tpu.memory_space<semaphore_mem>>)
    %add3A_2979 = arith.constant 102400 : i32
    %add3A_2980 = arith.addi %add3A_2979, %multiple_of3A_2818 : i32
    %dma_start3A_2981 = arith.constant 6400 : i32
    %dma_start3A_2982 = tpu.memref_slice %arg19[%dma_start3A_2981] : memref<10240xf32, #tpu.memory_space<vmem>> -> memref<320xf32, #tpu.memory_space<vmem>>
    %dma_start3A_2983 = tpu.memref_slice %arg23[%add3A_2980] : memref<163840xf32, #tpu.memory_space<vmem_shared>> -> memref<320xf32, #tpu.memory_space<vmem_shared>>
    %dma_start3A_2984 = arith.constant 6400 : i32
    %dma_start3A_2985 = tpu.memref_slice %arg19[%dma_start3A_2984] : memref<10240xf32, #tpu.memory_space<vmem>> -> memref<320xf32, #tpu.memory_space<vmem>>
    %dma_start3A_2986 = tpu.memref_slice %arg23[%add3A_2980] : memref<163840xf32, #tpu.memory_space<vmem_shared>> -> memref<320xf32, #tpu.memory_space<vmem_shared>>
    tpu.enqueue_dma source(%dma_start3A_2986 : memref<320xf32, #tpu.memory_space<vmem_shared>>) target(%dma_start3A_2985 : memref<320xf32, #tpu.memory_space<vmem>>) target_semaphore(%arg25 : memref<!tpu.dma_semaphore, #tpu.memory_space<semaphore_mem>>)
    %add3A_2987 = arith.constant 107520 : i32
    %add3A_2988 = arith.addi %add3A_2987, %multiple_of3A_2818 : i32
    %dma_start3A_2989 = arith.constant 6720 : i32
    %dma_start3A_2990 = tpu.memref_slice %arg19[%dma_start3A_2989] : memref<10240xf32, #tpu.memory_space<vmem>> -> memref<320xf32, #tpu.memory_space<vmem>>
    %dma_start3A_2991 = tpu.memref_slice %arg23[%add3A_2988] : memref<163840xf32, #tpu.memory_space<vmem_shared>> -> memref<320xf32, #tpu.memory_space<vmem_shared>>
    %dma_start3A_2992 = arith.constant 6720 : i32
    %dma_start3A_2993 = tpu.memref_slice %arg19[%dma_start3A_2992] : memref<10240xf32, #tpu.memory_space<vmem>> -> memref<320xf32, #tpu.memory_space<vmem>>
    %dma_start3A_2994 = tpu.memref_slice %arg23[%add3A_2988] : memref<163840xf32, #tpu.memory_space<vmem_shared>> -> memref<320xf32, #tpu.memory_space<vmem_shared>>
    tpu.enqueue_dma source(%dma_start3A_2994 : memref<320xf32, #tpu.memory_space<vmem_shared>>) target(%dma_start3A_2993 : memref<320xf32, #tpu.memory_space<vmem>>) target_semaphore(%arg25 : memref<!tpu.dma_semaphore, #tpu.memory_space<semaphore_mem>>)
    %add3A_2995 = arith.constant 112640 : i32
    %add3A_2996 = arith.addi %add3A_2995, %multiple_of3A_2818 : i32
    %dma_start3A_2997 = arith.constant 7040 : i32
    %dma_start3A_2998 = tpu.memref_slice %arg19[%dma_start3A_2997] : memref<10240xf32, #tpu.memory_space<vmem>> -> memref<320xf32, #tpu.memory_space<vmem>>
    %dma_start3A_2999 = tpu.memref_slice %arg23[%add3A_2996] : memref<163840xf32, #tpu.memory_space<vmem_shared>> -> memref<320xf32, #tpu.memory_space<vmem_shared>>
    %dma_start3A_3000 = arith.constant 7040 : i32
    %dma_start3A_3001 = tpu.memref_slice %arg19[%dma_start3A_3000] : memref<10240xf32, #tpu.memory_space<vmem>> -> memref<320xf32, #tpu.memory_space<vmem>>
    %dma_start3A_3002 = tpu.memref_slice %arg23[%add3A_2996] : memref<163840xf32, #tpu.memory_space<vmem_shared>> -> memref<320xf32, #tpu.memory_space<vmem_shared>>
    tpu.enqueue_dma source(%dma_start3A_3002 : memref<320xf32, #tpu.memory_space<vmem_shared>>) target(%dma_start3A_3001 : memref<320xf32, #tpu.memory_space<vmem>>) target_semaphore(%arg25 : memref<!tpu.dma_semaphore, #tpu.memory_space<semaphore_mem>>)
    %add3A_3003 = arith.constant 117760 : i32
    %add3A_3004 = arith.addi %add3A_3003, %multiple_of3A_2818 : i32
    %dma_start3A_3005 = arith.constant 7360 : i32
    %dma_start3A_3006 = tpu.memref_slice %arg19[%dma_start3A_3005] : memref<10240xf32, #tpu.memory_space<vmem>> -> memref<320xf32, #tpu.memory_space<vmem>>
    %dma_start3A_3007 = tpu.memref_slice %arg23[%add3A_3004] : memref<163840xf32, #tpu.memory_space<vmem_shared>> -> memref<320xf32, #tpu.memory_space<vmem_shared>>
    %dma_start3A_3008 = arith.constant 7360 : i32
    %dma_start3A_3009 = tpu.memref_slice %arg19[%dma_start3A_3008] : memref<10240xf32, #tpu.memory_space<vmem>> -> memref<320xf32, #tpu.memory_space<vmem>>
    %dma_start3A_3010 = tpu.memref_slice %arg23[%add3A_3004] : memref<163840xf32, #tpu.memory_space<vmem_shared>> -> memref<320xf32, #tpu.memory_space<vmem_shared>>
    tpu.enqueue_dma source(%dma_start3A_3010 : memref<320xf32, #tpu.memory_space<vmem_shared>>) target(%dma_start3A_3009 : memref<320xf32, #tpu.memory_space<vmem>>) target_semaphore(%arg25 : memref<!tpu.dma_semaphore, #tpu.memory_space<semaphore_mem>>)
    %add3A_3011 = arith.constant 122880 : i32
    %add3A_3012 = arith.addi %add3A_3011, %multiple_of3A_2818 : i32
    %dma_start3A_3013 = arith.constant 7680 : i32
    %dma_start3A_3014 = tpu.memref_slice %arg19[%dma_start3A_3013] : memref<10240xf32, #tpu.memory_space<vmem>> -> memref<320xf32, #tpu.memory_space<vmem>>
    %dma_start3A_3015 = tpu.memref_slice %arg23[%add3A_3012] : memref<163840xf32, #tpu.memory_space<vmem_shared>> -> memref<320xf32, #tpu.memory_space<vmem_shared>>
    %dma_start3A_3016 = arith.constant 7680 : i32
    %dma_start3A_3017 = tpu.memref_slice %arg19[%dma_start3A_3016] : memref<10240xf32, #tpu.memory_space<vmem>> -> memref<320xf32, #tpu.memory_space<vmem>>
    %dma_start3A_3018 = tpu.memref_slice %arg23[%add3A_3012] : memref<163840xf32, #tpu.memory_space<vmem_shared>> -> memref<320xf32, #tpu.memory_space<vmem_shared>>
    tpu.enqueue_dma source(%dma_start3A_3018 : memref<320xf32, #tpu.memory_space<vmem_shared>>) target(%dma_start3A_3017 : memref<320xf32, #tpu.memory_space<vmem>>) target_semaphore(%arg25 : memref<!tpu.dma_semaphore, #tpu.memory_space<semaphore_mem>>)
    %add3A_3019 = arith.constant 128000 : i32
    %add3A_3020 = arith.addi %add3A_3019, %multiple_of3A_2818 : i32
    %dma_start3A_3021 = arith.constant 8000 : i32
    %dma_start3A_3022 = tpu.memref_slice %arg19[%dma_start3A_3021] : memref<10240xf32, #tpu.memory_space<vmem>> -> memref<320xf32, #tpu.memory_space<vmem>>
    %dma_start3A_3023 = tpu.memref_slice %arg23[%add3A_3020] : memref<163840xf32, #tpu.memory_space<vmem_shared>> -> memref<320xf32, #tpu.memory_space<vmem_shared>>
    %dma_start3A_3024 = arith.constant 8000 : i32
    %dma_start3A_3025 = tpu.memref_slice %arg19[%dma_start3A_3024] : memref<10240xf32, #tpu.memory_space<vmem>> -> memref<320xf32, #tpu.memory_space<vmem>>
    %dma_start3A_3026 = tpu.memref_slice %arg23[%add3A_3020] : memref<163840xf32, #tpu.memory_space<vmem_shared>> -> memref<320xf32, #tpu.memory_space<vmem_shared>>
    tpu.enqueue_dma source(%dma_start3A_3026 : memref<320xf32, #tpu.memory_space<vmem_shared>>) target(%dma_start3A_3025 : memref<320xf32, #tpu.memory_space<vmem>>) target_semaphore(%arg25 : memref<!tpu.dma_semaphore, #tpu.memory_space<semaphore_mem>>)
    %add3A_3027 = arith.constant 133120 : i32
    %add3A_3028 = arith.addi %add3A_3027, %multiple_of3A_2818 : i32
    %dma_start3A_3029 = arith.constant 8320 : i32
    %dma_start3A_3030 = tpu.memref_slice %arg19[%dma_start3A_3029] : memref<10240xf32, #tpu.memory_space<vmem>> -> memref<320xf32, #tpu.memory_space<vmem>>
    %dma_start3A_3031 = tpu.memref_slice %arg23[%add3A_3028] : memref<163840xf32, #tpu.memory_space<vmem_shared>> -> memref<320xf32, #tpu.memory_space<vmem_shared>>
    %dma_start3A_3032 = arith.constant 8320 : i32
    %dma_start3A_3033 = tpu.memref_slice %arg19[%dma_start3A_3032] : memref<10240xf32, #tpu.memory_space<vmem>> -> memref<320xf32, #tpu.memory_space<vmem>>
    %dma_start3A_3034 = tpu.memref_slice %arg23[%add3A_3028] : memref<163840xf32, #tpu.memory_space<vmem_shared>> -> memref<320xf32, #tpu.memory_space<vmem_shared>>
    tpu.enqueue_dma source(%dma_start3A_3034 : memref<320xf32, #tpu.memory_space<vmem_shared>>) target(%dma_start3A_3033 : memref<320xf32, #tpu.memory_space<vmem>>) target_semaphore(%arg25 : memref<!tpu.dma_semaphore, #tpu.memory_space<semaphore_mem>>)
    %add3A_3035 = arith.constant 138240 : i32
    %add3A_3036 = arith.addi %add3A_3035, %multiple_of3A_2818 : i32
    %dma_start3A_3037 = arith.constant 8640 : i32
    %dma_start3A_3038 = tpu.memref_slice %arg19[%dma_start3A_3037] : memref<10240xf32, #tpu.memory_space<vmem>> -> memref<320xf32, #tpu.memory_space<vmem>>
    %dma_start3A_3039 = tpu.memref_slice %arg23[%add3A_3036] : memref<163840xf32, #tpu.memory_space<vmem_shared>> -> memref<320xf32, #tpu.memory_space<vmem_shared>>
    %dma_start3A_3040 = arith.constant 8640 : i32
    %dma_start3A_3041 = tpu.memref_slice %arg19[%dma_start3A_3040] : memref<10240xf32, #tpu.memory_space<vmem>> -> memref<320xf32, #tpu.memory_space<vmem>>
    %dma_start3A_3042 = tpu.memref_slice %arg23[%add3A_3036] : memref<163840xf32, #tpu.memory_space<vmem_shared>> -> memref<320xf32, #tpu.memory_space<vmem_shared>>
    tpu.enqueue_dma source(%dma_start3A_3042 : memref<320xf32, #tpu.memory_space<vmem_shared>>) target(%dma_start3A_3041 : memref<320xf32, #tpu.memory_space<vmem>>) target_semaphore(%arg25 : memref<!tpu.dma_semaphore, #tpu.memory_space<semaphore_mem>>)
    %add3A_3043 = arith.constant 143360 : i32
    %add3A_3044 = arith.addi %add3A_3043, %multiple_of3A_2818 : i32
    %dma_start3A_3045 = arith.constant 8960 : i32
    %dma_start3A_3046 = tpu.memref_slice %arg19[%dma_start3A_3045] : memref<10240xf32, #tpu.memory_space<vmem>> -> memref<320xf32, #tpu.memory_space<vmem>>
    %dma_start3A_3047 = tpu.memref_slice %arg23[%add3A_3044] : memref<163840xf32, #tpu.memory_space<vmem_shared>> -> memref<320xf32, #tpu.memory_space<vmem_shared>>
    %dma_start3A_3048 = arith.constant 8960 : i32
    %dma_start3A_3049 = tpu.memref_slice %arg19[%dma_start3A_3048] : memref<10240xf32, #tpu.memory_space<vmem>> -> memref<320xf32, #tpu.memory_space<vmem>>
    %dma_start3A_3050 = tpu.memref_slice %arg23[%add3A_3044] : memref<163840xf32, #tpu.memory_space<vmem_shared>> -> memref<320xf32, #tpu.memory_space<vmem_shared>>
    tpu.enqueue_dma source(%dma_start3A_3050 : memref<320xf32, #tpu.memory_space<vmem_shared>>) target(%dma_start3A_3049 : memref<320xf32, #tpu.memory_space<vmem>>) target_semaphore(%arg25 : memref<!tpu.dma_semaphore, #tpu.memory_space<semaphore_mem>>)
    %add3A_3051 = arith.constant 148480 : i32
    %add3A_3052 = arith.addi %add3A_3051, %multiple_of3A_2818 : i32
    %dma_start3A_3053 = arith.constant 9280 : i32
    %dma_start3A_3054 = tpu.memref_slice %arg19[%dma_start3A_3053] : memref<10240xf32, #tpu.memory_space<vmem>> -> memref<320xf32, #tpu.memory_space<vmem>>
    %dma_start3A_3055 = tpu.memref_slice %arg23[%add3A_3052] : memref<163840xf32, #tpu.memory_space<vmem_shared>> -> memref<320xf32, #tpu.memory_space<vmem_shared>>
    %dma_start3A_3056 = arith.constant 9280 : i32
    %dma_start3A_3057 = tpu.memref_slice %arg19[%dma_start3A_3056] : memref<10240xf32, #tpu.memory_space<vmem>> -> memref<320xf32, #tpu.memory_space<vmem>>
    %dma_start3A_3058 = tpu.memref_slice %arg23[%add3A_3052] : memref<163840xf32, #tpu.memory_space<vmem_shared>> -> memref<320xf32, #tpu.memory_space<vmem_shared>>
    tpu.enqueue_dma source(%dma_start3A_3058 : memref<320xf32, #tpu.memory_space<vmem_shared>>) target(%dma_start3A_3057 : memref<320xf32, #tpu.memory_space<vmem>>) target_semaphore(%arg25 : memref<!tpu.dma_semaphore, #tpu.memory_space<semaphore_mem>>)
    %add3A_3059 = arith.constant 153600 : i32
    %add3A_3060 = arith.addi %add3A_3059, %multiple_of3A_2818 : i32
    %dma_start3A_3061 = arith.constant 9600 : i32
    %dma_start3A_3062 = tpu.memref_slice %arg19[%dma_start3A_3061] : memref<10240xf32, #tpu.memory_space<vmem>> -> memref<320xf32, #tpu.memory_space<vmem>>
    %dma_start3A_3063 = tpu.memref_slice %arg23[%add3A_3060] : memref<163840xf32, #tpu.memory_space<vmem_shared>> -> memref<320xf32, #tpu.memory_space<vmem_shared>>
    %dma_start3A_3064 = arith.constant 9600 : i32
    %dma_start3A_3065 = tpu.memref_slice %arg19[%dma_start3A_3064] : memref<10240xf32, #tpu.memory_space<vmem>> -> memref<320xf32, #tpu.memory_space<vmem>>
    %dma_start3A_3066 = tpu.memref_slice %arg23[%add3A_3060] : memref<163840xf32, #tpu.memory_space<vmem_shared>> -> memref<320xf32, #tpu.memory_space<vmem_shared>>
    tpu.enqueue_dma source(%dma_start3A_3066 : memref<320xf32, #tpu.memory_space<vmem_shared>>) target(%dma_start3A_3065 : memref<320xf32, #tpu.memory_space<vmem>>) target_semaphore(%arg25 : memref<!tpu.dma_semaphore, #tpu.memory_space<semaphore_mem>>)
    %add3A_3067 = arith.constant 158720 : i32
    %add3A_3068 = arith.addi %add3A_3067, %multiple_of3A_2818 : i32
    %dma_start3A_3069 = arith.constant 9920 : i32
    %dma_start3A_3070 = tpu.memref_slice %arg19[%dma_start3A_3069] : memref<10240xf32, #tpu.memory_space<vmem>> -> memref<320xf32, #tpu.memory_space<vmem>>
    %dma_start3A_3071 = tpu.memref_slice %arg23[%add3A_3068] : memref<163840xf32, #tpu.memory_space<vmem_shared>> -> memref<320xf32, #tpu.memory_space<vmem_shared>>
    %dma_start3A_3072 = arith.constant 9920 : i32
    %dma_start3A_3073 = tpu.memref_slice %arg19[%dma_start3A_3072] : memref<10240xf32, #tpu.memory_space<vmem>> -> memref<320xf32, #tpu.memory_space<vmem>>
    %dma_start3A_3074 = tpu.memref_slice %arg23[%add3A_3068] : memref<163840xf32, #tpu.memory_space<vmem_shared>> -> memref<320xf32, #tpu.memory_space<vmem_shared>>
    tpu.enqueue_dma source(%dma_start3A_3074 : memref<320xf32, #tpu.memory_space<vmem_shared>>) target(%dma_start3A_3073 : memref<320xf32, #tpu.memory_space<vmem>>) target_semaphore(%arg25 : memref<!tpu.dma_semaphore, #tpu.memory_space<semaphore_mem>>)
    %dma_start3A_3075 = tpu.memref_slice %arg24[%multiple_of3A_2818] : memref<5120xf32, #tpu.memory_space<vmem_shared>> -> memref<320xf32, #tpu.memory_space<vmem_shared>>
    %dma_start3A_3076 = tpu.memref_slice %arg24[%multiple_of3A_2818] : memref<5120xf32, #tpu.memory_space<vmem_shared>> -> memref<320xf32, #tpu.memory_space<vmem_shared>>
    tpu.enqueue_dma source(%dma_start3A_3076 : memref<320xf32, #tpu.memory_space<vmem_shared>>) target(%arg21 : memref<320xf32, #tpu.memory_space<vmem>>) target_semaphore(%arg25 : memref<!tpu.dma_semaphore, #tpu.memory_space<semaphore_mem>>)
    %dma_wait3A_3077 = arith.constant 0 : i32
    %dma_wait3A_3078 = tpu.memref_slice %arg19[%dma_wait3A_3077] : memref<10240xf32, #tpu.memory_space<vmem>> -> memref<320xf32, #tpu.memory_space<vmem>>
    %dma_wait3A_3079 = tpu.memref_slice %arg23[%add3A_2820] : memref<163840xf32, #tpu.memory_space<vmem_shared>> -> memref<320xf32, #tpu.memory_space<vmem_shared>>
    %dma_wait3A_3080 = arith.constant 0 : i32
    %dma_wait3A_3081 = tpu.memref_slice %arg19[%dma_wait3A_3080] : memref<10240xf32, #tpu.memory_space<vmem>> -> memref<320xf32, #tpu.memory_space<vmem>>
    %dma_wait3A_3082 = tpu.memref_slice %arg23[%add3A_2820] : memref<163840xf32, #tpu.memory_space<vmem_shared>> -> memref<320xf32, #tpu.memory_space<vmem_shared>>
    tpu.wait_dma2 semaphore(%arg25 : memref<!tpu.dma_semaphore, #tpu.memory_space<semaphore_mem>>) src(%dma_wait3A_3082 : memref<320xf32, #tpu.memory_space<vmem_shared>>) dst(%dma_wait3A_3081 : memref<320xf32, #tpu.memory_space<vmem>>)
    %dma_wait3A_3083 = arith.constant 320 : i32
    %dma_wait3A_3084 = tpu.memref_slice %arg19[%dma_wait3A_3083] : memref<10240xf32, #tpu.memory_space<vmem>> -> memref<320xf32, #tpu.memory_space<vmem>>
    %dma_wait3A_3085 = tpu.memref_slice %arg23[%add3A_2828] : memref<163840xf32, #tpu.memory_space<vmem_shared>> -> memref<320xf32, #tpu.memory_space<vmem_shared>>
    %dma_wait3A_3086 = arith.constant 320 : i32
    %dma_wait3A_3087 = tpu.memref_slice %arg19[%dma_wait3A_3086] : memref<10240xf32, #tpu.memory_space<vmem>> -> memref<320xf32, #tpu.memory_space<vmem>>
    %dma_wait3A_3088 = tpu.memref_slice %arg23[%add3A_2828] : memref<163840xf32, #tpu.memory_space<vmem_shared>> -> memref<320xf32, #tpu.memory_space<vmem_shared>>
    tpu.wait_dma2 semaphore(%arg25 : memref<!tpu.dma_semaphore, #tpu.memory_space<semaphore_mem>>) src(%dma_wait3A_3088 : memref<320xf32, #tpu.memory_space<vmem_shared>>) dst(%dma_wait3A_3087 : memref<320xf32, #tpu.memory_space<vmem>>)
    %dma_wait3A_3089 = arith.constant 640 : i32
    %dma_wait3A_3090 = tpu.memref_slice %arg19[%dma_wait3A_3089] : memref<10240xf32, #tpu.memory_space<vmem>> -> memref<320xf32, #tpu.memory_space<vmem>>
    %dma_wait3A_3091 = tpu.memref_slice %arg23[%add3A_2836] : memref<163840xf32, #tpu.memory_space<vmem_shared>> -> memref<320xf32, #tpu.memory_space<vmem_shared>>
    %dma_wait3A_3092 = arith.constant 640 : i32
    %dma_wait3A_3093 = tpu.memref_slice %arg19[%dma_wait3A_3092] : memref<10240xf32, #tpu.memory_space<vmem>> -> memref<320xf32, #tpu.memory_space<vmem>>
    %dma_wait3A_3094 = tpu.memref_slice %arg23[%add3A_2836] : memref<163840xf32, #tpu.memory_space<vmem_shared>> -> memref<320xf32, #tpu.memory_space<vmem_shared>>
    tpu.wait_dma2 semaphore(%arg25 : memref<!tpu.dma_semaphore, #tpu.memory_space<semaphore_mem>>) src(%dma_wait3A_3094 : memref<320xf32, #tpu.memory_space<vmem_shared>>) dst(%dma_wait3A_3093 : memref<320xf32, #tpu.memory_space<vmem>>)
    %dma_wait3A_3095 = arith.constant 960 : i32
    %dma_wait3A_3096 = tpu.memref_slice %arg19[%dma_wait3A_3095] : memref<10240xf32, #tpu.memory_space<vmem>> -> memref<320xf32, #tpu.memory_space<vmem>>
    %dma_wait3A_3097 = tpu.memref_slice %arg23[%add3A_2844] : memref<163840xf32, #tpu.memory_space<vmem_shared>> -> memref<320xf32, #tpu.memory_space<vmem_shared>>
    %dma_wait3A_3098 = arith.constant 960 : i32
    %dma_wait3A_3099 = tpu.memref_slice %arg19[%dma_wait3A_3098] : memref<10240xf32, #tpu.memory_space<vmem>> -> memref<320xf32, #tpu.memory_space<vmem>>
    %dma_wait3A_3100 = tpu.memref_slice %arg23[%add3A_2844] : memref<163840xf32, #tpu.memory_space<vmem_shared>> -> memref<320xf32, #tpu.memory_space<vmem_shared>>
    tpu.wait_dma2 semaphore(%arg25 : memref<!tpu.dma_semaphore, #tpu.memory_space<semaphore_mem>>) src(%dma_wait3A_3100 : memref<320xf32, #tpu.memory_space<vmem_shared>>) dst(%dma_wait3A_3099 : memref<320xf32, #tpu.memory_space<vmem>>)
    %dma_wait3A_3101 = arith.constant 1280 : i32
    %dma_wait3A_3102 = tpu.memref_slice %arg19[%dma_wait3A_3101] : memref<10240xf32, #tpu.memory_space<vmem>> -> memref<320xf32, #tpu.memory_space<vmem>>
    %dma_wait3A_3103 = tpu.memref_slice %arg23[%add3A_2852] : memref<163840xf32, #tpu.memory_space<vmem_shared>> -> memref<320xf32, #tpu.memory_space<vmem_shared>>
    %dma_wait3A_3104 = arith.constant 1280 : i32
    %dma_wait3A_3105 = tpu.memref_slice %arg19[%dma_wait3A_3104] : memref<10240xf32, #tpu.memory_space<vmem>> -> memref<320xf32, #tpu.memory_space<vmem>>
    %dma_wait3A_3106 = tpu.memref_slice %arg23[%add3A_2852] : memref<163840xf32, #tpu.memory_space<vmem_shared>> -> memref<320xf32, #tpu.memory_space<vmem_shared>>
    tpu.wait_dma2 semaphore(%arg25 : memref<!tpu.dma_semaphore, #tpu.memory_space<semaphore_mem>>) src(%dma_wait3A_3106 : memref<320xf32, #tpu.memory_space<vmem_shared>>) dst(%dma_wait3A_3105 : memref<320xf32, #tpu.memory_space<vmem>>)
    %dma_wait3A_3107 = arith.constant 1600 : i32
    %dma_wait3A_3108 = tpu.memref_slice %arg19[%dma_wait3A_3107] : memref<10240xf32, #tpu.memory_space<vmem>> -> memref<320xf32, #tpu.memory_space<vmem>>
    %dma_wait3A_3109 = tpu.memref_slice %arg23[%add3A_2860] : memref<163840xf32, #tpu.memory_space<vmem_shared>> -> memref<320xf32, #tpu.memory_space<vmem_shared>>
    %dma_wait3A_3110 = arith.constant 1600 : i32
    %dma_wait3A_3111 = tpu.memref_slice %arg19[%dma_wait3A_3110] : memref<10240xf32, #tpu.memory_space<vmem>> -> memref<320xf32, #tpu.memory_space<vmem>>
    %dma_wait3A_3112 = tpu.memref_slice %arg23[%add3A_2860] : memref<163840xf32, #tpu.memory_space<vmem_shared>> -> memref<320xf32, #tpu.memory_space<vmem_shared>>
    tpu.wait_dma2 semaphore(%arg25 : memref<!tpu.dma_semaphore, #tpu.memory_space<semaphore_mem>>) src(%dma_wait3A_3112 : memref<320xf32, #tpu.memory_space<vmem_shared>>) dst(%dma_wait3A_3111 : memref<320xf32, #tpu.memory_space<vmem>>)
    %dma_wait3A_3113 = arith.constant 1920 : i32
    %dma_wait3A_3114 = tpu.memref_slice %arg19[%dma_wait3A_3113] : memref<10240xf32, #tpu.memory_space<vmem>> -> memref<320xf32, #tpu.memory_space<vmem>>
    %dma_wait3A_3115 = tpu.memref_slice %arg23[%add3A_2868] : memref<163840xf32, #tpu.memory_space<vmem_shared>> -> memref<320xf32, #tpu.memory_space<vmem_shared>>
    %dma_wait3A_3116 = arith.constant 1920 : i32
    %dma_wait3A_3117 = tpu.memref_slice %arg19[%dma_wait3A_3116] : memref<10240xf32, #tpu.memory_space<vmem>> -> memref<320xf32, #tpu.memory_space<vmem>>
    %dma_wait3A_3118 = tpu.memref_slice %arg23[%add3A_2868] : memref<163840xf32, #tpu.memory_space<vmem_shared>> -> memref<320xf32, #tpu.memory_space<vmem_shared>>
    tpu.wait_dma2 semaphore(%arg25 : memref<!tpu.dma_semaphore, #tpu.memory_space<semaphore_mem>>) src(%dma_wait3A_3118 : memref<320xf32, #tpu.memory_space<vmem_shared>>) dst(%dma_wait3A_3117 : memref<320xf32, #tpu.memory_space<vmem>>)
    %dma_wait3A_3119 = arith.constant 2240 : i32
    %dma_wait3A_3120 = tpu.memref_slice %arg19[%dma_wait3A_3119] : memref<10240xf32, #tpu.memory_space<vmem>> -> memref<320xf32, #tpu.memory_space<vmem>>
    %dma_wait3A_3121 = tpu.memref_slice %arg23[%add3A_2876] : memref<163840xf32, #tpu.memory_space<vmem_shared>> -> memref<320xf32, #tpu.memory_space<vmem_shared>>
    %dma_wait3A_3122 = arith.constant 2240 : i32
    %dma_wait3A_3123 = tpu.memref_slice %arg19[%dma_wait3A_3122] : memref<10240xf32, #tpu.memory_space<vmem>> -> memref<320xf32, #tpu.memory_space<vmem>>
    %dma_wait3A_3124 = tpu.memref_slice %arg23[%add3A_2876] : memref<163840xf32, #tpu.memory_space<vmem_shared>> -> memref<320xf32, #tpu.memory_space<vmem_shared>>
    tpu.wait_dma2 semaphore(%arg25 : memref<!tpu.dma_semaphore, #tpu.memory_space<semaphore_mem>>) src(%dma_wait3A_3124 : memref<320xf32, #tpu.memory_space<vmem_shared>>) dst(%dma_wait3A_3123 : memref<320xf32, #tpu.memory_space<vmem>>)
    %dma_wait3A_3125 = arith.constant 2560 : i32
    %dma_wait3A_3126 = tpu.memref_slice %arg19[%dma_wait3A_3125] : memref<10240xf32, #tpu.memory_space<vmem>> -> memref<320xf32, #tpu.memory_space<vmem>>
    %dma_wait3A_3127 = tpu.memref_slice %arg23[%add3A_2884] : memref<163840xf32, #tpu.memory_space<vmem_shared>> -> memref<320xf32, #tpu.memory_space<vmem_shared>>
    %dma_wait3A_3128 = arith.constant 2560 : i32
    %dma_wait3A_3129 = tpu.memref_slice %arg19[%dma_wait3A_3128] : memref<10240xf32, #tpu.memory_space<vmem>> -> memref<320xf32, #tpu.memory_space<vmem>>
    %dma_wait3A_3130 = tpu.memref_slice %arg23[%add3A_2884] : memref<163840xf32, #tpu.memory_space<vmem_shared>> -> memref<320xf32, #tpu.memory_space<vmem_shared>>
    tpu.wait_dma2 semaphore(%arg25 : memref<!tpu.dma_semaphore, #tpu.memory_space<semaphore_mem>>) src(%dma_wait3A_3130 : memref<320xf32, #tpu.memory_space<vmem_shared>>) dst(%dma_wait3A_3129 : memref<320xf32, #tpu.memory_space<vmem>>)
    %dma_wait3A_3131 = arith.constant 2880 : i32
    %dma_wait3A_3132 = tpu.memref_slice %arg19[%dma_wait3A_3131] : memref<10240xf32, #tpu.memory_space<vmem>> -> memref<320xf32, #tpu.memory_space<vmem>>
    %dma_wait3A_3133 = tpu.memref_slice %arg23[%add3A_2892] : memref<163840xf32, #tpu.memory_space<vmem_shared>> -> memref<320xf32, #tpu.memory_space<vmem_shared>>
    %dma_wait3A_3134 = arith.constant 2880 : i32
    %dma_wait3A_3135 = tpu.memref_slice %arg19[%dma_wait3A_3134] : memref<10240xf32, #tpu.memory_space<vmem>> -> memref<320xf32, #tpu.memory_space<vmem>>
    %dma_wait3A_3136 = tpu.memref_slice %arg23[%add3A_2892] : memref<163840xf32, #tpu.memory_space<vmem_shared>> -> memref<320xf32, #tpu.memory_space<vmem_shared>>
    tpu.wait_dma2 semaphore(%arg25 : memref<!tpu.dma_semaphore, #tpu.memory_space<semaphore_mem>>) src(%dma_wait3A_3136 : memref<320xf32, #tpu.memory_space<vmem_shared>>) dst(%dma_wait3A_3135 : memref<320xf32, #tpu.memory_space<vmem>>)
    %dma_wait3A_3137 = arith.constant 3200 : i32
    %dma_wait3A_3138 = tpu.memref_slice %arg19[%dma_wait3A_3137] : memref<10240xf32, #tpu.memory_space<vmem>> -> memref<320xf32, #tpu.memory_space<vmem>>
    %dma_wait3A_3139 = tpu.memref_slice %arg23[%add3A_2900] : memref<163840xf32, #tpu.memory_space<vmem_shared>> -> memref<320xf32, #tpu.memory_space<vmem_shared>>
    %dma_wait3A_3140 = arith.constant 3200 : i32
    %dma_wait3A_3141 = tpu.memref_slice %arg19[%dma_wait3A_3140] : memref<10240xf32, #tpu.memory_space<vmem>> -> memref<320xf32, #tpu.memory_space<vmem>>
    %dma_wait3A_3142 = tpu.memref_slice %arg23[%add3A_2900] : memref<163840xf32, #tpu.memory_space<vmem_shared>> -> memref<320xf32, #tpu.memory_space<vmem_shared>>
    tpu.wait_dma2 semaphore(%arg25 : memref<!tpu.dma_semaphore, #tpu.memory_space<semaphore_mem>>) src(%dma_wait3A_3142 : memref<320xf32, #tpu.memory_space<vmem_shared>>) dst(%dma_wait3A_3141 : memref<320xf32, #tpu.memory_space<vmem>>)
    %dma_wait3A_3143 = arith.constant 3520 : i32
    %dma_wait3A_3144 = tpu.memref_slice %arg19[%dma_wait3A_3143] : memref<10240xf32, #tpu.memory_space<vmem>> -> memref<320xf32, #tpu.memory_space<vmem>>
    %dma_wait3A_3145 = tpu.memref_slice %arg23[%add3A_2908] : memref<163840xf32, #tpu.memory_space<vmem_shared>> -> memref<320xf32, #tpu.memory_space<vmem_shared>>
    %dma_wait3A_3146 = arith.constant 3520 : i32
    %dma_wait3A_3147 = tpu.memref_slice %arg19[%dma_wait3A_3146] : memref<10240xf32, #tpu.memory_space<vmem>> -> memref<320xf32, #tpu.memory_space<vmem>>
    %dma_wait3A_3148 = tpu.memref_slice %arg23[%add3A_2908] : memref<163840xf32, #tpu.memory_space<vmem_shared>> -> memref<320xf32, #tpu.memory_space<vmem_shared>>
    tpu.wait_dma2 semaphore(%arg25 : memref<!tpu.dma_semaphore, #tpu.memory_space<semaphore_mem>>) src(%dma_wait3A_3148 : memref<320xf32, #tpu.memory_space<vmem_shared>>) dst(%dma_wait3A_3147 : memref<320xf32, #tpu.memory_space<vmem>>)
    %dma_wait3A_3149 = arith.constant 3840 : i32
    %dma_wait3A_3150 = tpu.memref_slice %arg19[%dma_wait3A_3149] : memref<10240xf32, #tpu.memory_space<vmem>> -> memref<320xf32, #tpu.memory_space<vmem>>
    %dma_wait3A_3151 = tpu.memref_slice %arg23[%add3A_2916] : memref<163840xf32, #tpu.memory_space<vmem_shared>> -> memref<320xf32, #tpu.memory_space<vmem_shared>>
    %dma_wait3A_3152 = arith.constant 3840 : i32
    %dma_wait3A_3153 = tpu.memref_slice %arg19[%dma_wait3A_3152] : memref<10240xf32, #tpu.memory_space<vmem>> -> memref<320xf32, #tpu.memory_space<vmem>>
    %dma_wait3A_3154 = tpu.memref_slice %arg23[%add3A_2916] : memref<163840xf32, #tpu.memory_space<vmem_shared>> -> memref<320xf32, #tpu.memory_space<vmem_shared>>
    tpu.wait_dma2 semaphore(%arg25 : memref<!tpu.dma_semaphore, #tpu.memory_space<semaphore_mem>>) src(%dma_wait3A_3154 : memref<320xf32, #tpu.memory_space<vmem_shared>>) dst(%dma_wait3A_3153 : memref<320xf32, #tpu.memory_space<vmem>>)
    %dma_wait3A_3155 = arith.constant 4160 : i32
    %dma_wait3A_3156 = tpu.memref_slice %arg19[%dma_wait3A_3155] : memref<10240xf32, #tpu.memory_space<vmem>> -> memref<320xf32, #tpu.memory_space<vmem>>
    %dma_wait3A_3157 = tpu.memref_slice %arg23[%add3A_2924] : memref<163840xf32, #tpu.memory_space<vmem_shared>> -> memref<320xf32, #tpu.memory_space<vmem_shared>>
    %dma_wait3A_3158 = arith.constant 4160 : i32
    %dma_wait3A_3159 = tpu.memref_slice %arg19[%dma_wait3A_3158] : memref<10240xf32, #tpu.memory_space<vmem>> -> memref<320xf32, #tpu.memory_space<vmem>>
    %dma_wait3A_3160 = tpu.memref_slice %arg23[%add3A_2924] : memref<163840xf32, #tpu.memory_space<vmem_shared>> -> memref<320xf32, #tpu.memory_space<vmem_shared>>
    tpu.wait_dma2 semaphore(%arg25 : memref<!tpu.dma_semaphore, #tpu.memory_space<semaphore_mem>>) src(%dma_wait3A_3160 : memref<320xf32, #tpu.memory_space<vmem_shared>>) dst(%dma_wait3A_3159 : memref<320xf32, #tpu.memory_space<vmem>>)
    %dma_wait3A_3161 = arith.constant 4480 : i32
    %dma_wait3A_3162 = tpu.memref_slice %arg19[%dma_wait3A_3161] : memref<10240xf32, #tpu.memory_space<vmem>> -> memref<320xf32, #tpu.memory_space<vmem>>
    %dma_wait3A_3163 = tpu.memref_slice %arg23[%add3A_2932] : memref<163840xf32, #tpu.memory_space<vmem_shared>> -> memref<320xf32, #tpu.memory_space<vmem_shared>>
    %dma_wait3A_3164 = arith.constant 4480 : i32
    %dma_wait3A_3165 = tpu.memref_slice %arg19[%dma_wait3A_3164] : memref<10240xf32, #tpu.memory_space<vmem>> -> memref<320xf32, #tpu.memory_space<vmem>>
    %dma_wait3A_3166 = tpu.memref_slice %arg23[%add3A_2932] : memref<163840xf32, #tpu.memory_space<vmem_shared>> -> memref<320xf32, #tpu.memory_space<vmem_shared>>
    tpu.wait_dma2 semaphore(%arg25 : memref<!tpu.dma_semaphore, #tpu.memory_space<semaphore_mem>>) src(%dma_wait3A_3166 : memref<320xf32, #tpu.memory_space<vmem_shared>>) dst(%dma_wait3A_3165 : memref<320xf32, #tpu.memory_space<vmem>>)
    %dma_wait3A_3167 = arith.constant 4800 : i32
    %dma_wait3A_3168 = tpu.memref_slice %arg19[%dma_wait3A_3167] : memref<10240xf32, #tpu.memory_space<vmem>> -> memref<320xf32, #tpu.memory_space<vmem>>
    %dma_wait3A_3169 = tpu.memref_slice %arg23[%add3A_2940] : memref<163840xf32, #tpu.memory_space<vmem_shared>> -> memref<320xf32, #tpu.memory_space<vmem_shared>>
    %dma_wait3A_3170 = arith.constant 4800 : i32
    %dma_wait3A_3171 = tpu.memref_slice %arg19[%dma_wait3A_3170] : memref<10240xf32, #tpu.memory_space<vmem>> -> memref<320xf32, #tpu.memory_space<vmem>>
    %dma_wait3A_3172 = tpu.memref_slice %arg23[%add3A_2940] : memref<163840xf32, #tpu.memory_space<vmem_shared>> -> memref<320xf32, #tpu.memory_space<vmem_shared>>
    tpu.wait_dma2 semaphore(%arg25 : memref<!tpu.dma_semaphore, #tpu.memory_space<semaphore_mem>>) src(%dma_wait3A_3172 : memref<320xf32, #tpu.memory_space<vmem_shared>>) dst(%dma_wait3A_3171 : memref<320xf32, #tpu.memory_space<vmem>>)
    %dma_wait3A_3173 = arith.constant 5120 : i32
    %dma_wait3A_3174 = tpu.memref_slice %arg19[%dma_wait3A_3173] : memref<10240xf32, #tpu.memory_space<vmem>> -> memref<320xf32, #tpu.memory_space<vmem>>
    %dma_wait3A_3175 = tpu.memref_slice %arg23[%add3A_2948] : memref<163840xf32, #tpu.memory_space<vmem_shared>> -> memref<320xf32, #tpu.memory_space<vmem_shared>>
    %dma_wait3A_3176 = arith.constant 5120 : i32
    %dma_wait3A_3177 = tpu.memref_slice %arg19[%dma_wait3A_3176] : memref<10240xf32, #tpu.memory_space<vmem>> -> memref<320xf32, #tpu.memory_space<vmem>>
    %dma_wait3A_3178 = tpu.memref_slice %arg23[%add3A_2948] : memref<163840xf32, #tpu.memory_space<vmem_shared>> -> memref<320xf32, #tpu.memory_space<vmem_shared>>
    tpu.wait_dma2 semaphore(%arg25 : memref<!tpu.dma_semaphore, #tpu.memory_space<semaphore_mem>>) src(%dma_wait3A_3178 : memref<320xf32, #tpu.memory_space<vmem_shared>>) dst(%dma_wait3A_3177 : memref<320xf32, #tpu.memory_space<vmem>>)
    %dma_wait3A_3179 = arith.constant 5440 : i32
    %dma_wait3A_3180 = tpu.memref_slice %arg19[%dma_wait3A_3179] : memref<10240xf32, #tpu.memory_space<vmem>> -> memref<320xf32, #tpu.memory_space<vmem>>
    %dma_wait3A_3181 = tpu.memref_slice %arg23[%add3A_2956] : memref<163840xf32, #tpu.memory_space<vmem_shared>> -> memref<320xf32, #tpu.memory_space<vmem_shared>>
    %dma_wait3A_3182 = arith.constant 5440 : i32
    %dma_wait3A_3183 = tpu.memref_slice %arg19[%dma_wait3A_3182] : memref<10240xf32, #tpu.memory_space<vmem>> -> memref<320xf32, #tpu.memory_space<vmem>>
    %dma_wait3A_3184 = tpu.memref_slice %arg23[%add3A_2956] : memref<163840xf32, #tpu.memory_space<vmem_shared>> -> memref<320xf32, #tpu.memory_space<vmem_shared>>
    tpu.wait_dma2 semaphore(%arg25 : memref<!tpu.dma_semaphore, #tpu.memory_space<semaphore_mem>>) src(%dma_wait3A_3184 : memref<320xf32, #tpu.memory_space<vmem_shared>>) dst(%dma_wait3A_3183 : memref<320xf32, #tpu.memory_space<vmem>>)
    %dma_wait3A_3185 = arith.constant 5760 : i32
    %dma_wait3A_3186 = tpu.memref_slice %arg19[%dma_wait3A_3185] : memref<10240xf32, #tpu.memory_space<vmem>> -> memref<320xf32, #tpu.memory_space<vmem>>
    %dma_wait3A_3187 = tpu.memref_slice %arg23[%add3A_2964] : memref<163840xf32, #tpu.memory_space<vmem_shared>> -> memref<320xf32, #tpu.memory_space<vmem_shared>>
    %dma_wait3A_3188 = arith.constant 5760 : i32
    %dma_wait3A_3189 = tpu.memref_slice %arg19[%dma_wait3A_3188] : memref<10240xf32, #tpu.memory_space<vmem>> -> memref<320xf32, #tpu.memory_space<vmem>>
    %dma_wait3A_3190 = tpu.memref_slice %arg23[%add3A_2964] : memref<163840xf32, #tpu.memory_space<vmem_shared>> -> memref<320xf32, #tpu.memory_space<vmem_shared>>
    tpu.wait_dma2 semaphore(%arg25 : memref<!tpu.dma_semaphore, #tpu.memory_space<semaphore_mem>>) src(%dma_wait3A_3190 : memref<320xf32, #tpu.memory_space<vmem_shared>>) dst(%dma_wait3A_3189 : memref<320xf32, #tpu.memory_space<vmem>>)
    %dma_wait3A_3191 = arith.constant 6080 : i32
    %dma_wait3A_3192 = tpu.memref_slice %arg19[%dma_wait3A_3191] : memref<10240xf32, #tpu.memory_space<vmem>> -> memref<320xf32, #tpu.memory_space<vmem>>
    %dma_wait3A_3193 = tpu.memref_slice %arg23[%add3A_2972] : memref<163840xf32, #tpu.memory_space<vmem_shared>> -> memref<320xf32, #tpu.memory_space<vmem_shared>>
    %dma_wait3A_3194 = arith.constant 6080 : i32
    %dma_wait3A_3195 = tpu.memref_slice %arg19[%dma_wait3A_3194] : memref<10240xf32, #tpu.memory_space<vmem>> -> memref<320xf32, #tpu.memory_space<vmem>>
    %dma_wait3A_3196 = tpu.memref_slice %arg23[%add3A_2972] : memref<163840xf32, #tpu.memory_space<vmem_shared>> -> memref<320xf32, #tpu.memory_space<vmem_shared>>
    tpu.wait_dma2 semaphore(%arg25 : memref<!tpu.dma_semaphore, #tpu.memory_space<semaphore_mem>>) src(%dma_wait3A_3196 : memref<320xf32, #tpu.memory_space<vmem_shared>>) dst(%dma_wait3A_3195 : memref<320xf32, #tpu.memory_space<vmem>>)
    %dma_wait3A_3197 = arith.constant 6400 : i32
    %dma_wait3A_3198 = tpu.memref_slice %arg19[%dma_wait3A_3197] : memref<10240xf32, #tpu.memory_space<vmem>> -> memref<320xf32, #tpu.memory_space<vmem>>
    %dma_wait3A_3199 = tpu.memref_slice %arg23[%add3A_2980] : memref<163840xf32, #tpu.memory_space<vmem_shared>> -> memref<320xf32, #tpu.memory_space<vmem_shared>>
    %dma_wait3A_3200 = arith.constant 6400 : i32
    %dma_wait3A_3201 = tpu.memref_slice %arg19[%dma_wait3A_3200] : memref<10240xf32, #tpu.memory_space<vmem>> -> memref<320xf32, #tpu.memory_space<vmem>>
    %dma_wait3A_3202 = tpu.memref_slice %arg23[%add3A_2980] : memref<163840xf32, #tpu.memory_space<vmem_shared>> -> memref<320xf32, #tpu.memory_space<vmem_shared>>
    tpu.wait_dma2 semaphore(%arg25 : memref<!tpu.dma_semaphore, #tpu.memory_space<semaphore_mem>>) src(%dma_wait3A_3202 : memref<320xf32, #tpu.memory_space<vmem_shared>>) dst(%dma_wait3A_3201 : memref<320xf32, #tpu.memory_space<vmem>>)
    %dma_wait3A_3203 = arith.constant 6720 : i32
    %dma_wait3A_3204 = tpu.memref_slice %arg19[%dma_wait3A_3203] : memref<10240xf32, #tpu.memory_space<vmem>> -> memref<320xf32, #tpu.memory_space<vmem>>
    %dma_wait3A_3205 = tpu.memref_slice %arg23[%add3A_2988] : memref<163840xf32, #tpu.memory_space<vmem_shared>> -> memref<320xf32, #tpu.memory_space<vmem_shared>>
    %dma_wait3A_3206 = arith.constant 6720 : i32
    %dma_wait3A_3207 = tpu.memref_slice %arg19[%dma_wait3A_3206] : memref<10240xf32, #tpu.memory_space<vmem>> -> memref<320xf32, #tpu.memory_space<vmem>>
    %dma_wait3A_3208 = tpu.memref_slice %arg23[%add3A_2988] : memref<163840xf32, #tpu.memory_space<vmem_shared>> -> memref<320xf32, #tpu.memory_space<vmem_shared>>
    tpu.wait_dma2 semaphore(%arg25 : memref<!tpu.dma_semaphore, #tpu.memory_space<semaphore_mem>>) src(%dma_wait3A_3208 : memref<320xf32, #tpu.memory_space<vmem_shared>>) dst(%dma_wait3A_3207 : memref<320xf32, #tpu.memory_space<vmem>>)
    %dma_wait3A_3209 = arith.constant 7040 : i32
    %dma_wait3A_3210 = tpu.memref_slice %arg19[%dma_wait3A_3209] : memref<10240xf32, #tpu.memory_space<vmem>> -> memref<320xf32, #tpu.memory_space<vmem>>
    %dma_wait3A_3211 = tpu.memref_slice %arg23[%add3A_2996] : memref<163840xf32, #tpu.memory_space<vmem_shared>> -> memref<320xf32, #tpu.memory_space<vmem_shared>>
    %dma_wait3A_3212 = arith.constant 7040 : i32
    %dma_wait3A_3213 = tpu.memref_slice %arg19[%dma_wait3A_3212] : memref<10240xf32, #tpu.memory_space<vmem>> -> memref<320xf32, #tpu.memory_space<vmem>>
    %dma_wait3A_3214 = tpu.memref_slice %arg23[%add3A_2996] : memref<163840xf32, #tpu.memory_space<vmem_shared>> -> memref<320xf32, #tpu.memory_space<vmem_shared>>
    tpu.wait_dma2 semaphore(%arg25 : memref<!tpu.dma_semaphore, #tpu.memory_space<semaphore_mem>>) src(%dma_wait3A_3214 : memref<320xf32, #tpu.memory_space<vmem_shared>>) dst(%dma_wait3A_3213 : memref<320xf32, #tpu.memory_space<vmem>>)
    %dma_wait3A_3215 = arith.constant 7360 : i32
    %dma_wait3A_3216 = tpu.memref_slice %arg19[%dma_wait3A_3215] : memref<10240xf32, #tpu.memory_space<vmem>> -> memref<320xf32, #tpu.memory_space<vmem>>
    %dma_wait3A_3217 = tpu.memref_slice %arg23[%add3A_3004] : memref<163840xf32, #tpu.memory_space<vmem_shared>> -> memref<320xf32, #tpu.memory_space<vmem_shared>>
    %dma_wait3A_3218 = arith.constant 7360 : i32
    %dma_wait3A_3219 = tpu.memref_slice %arg19[%dma_wait3A_3218] : memref<10240xf32, #tpu.memory_space<vmem>> -> memref<320xf32, #tpu.memory_space<vmem>>
    %dma_wait3A_3220 = tpu.memref_slice %arg23[%add3A_3004] : memref<163840xf32, #tpu.memory_space<vmem_shared>> -> memref<320xf32, #tpu.memory_space<vmem_shared>>
    tpu.wait_dma2 semaphore(%arg25 : memref<!tpu.dma_semaphore, #tpu.memory_space<semaphore_mem>>) src(%dma_wait3A_3220 : memref<320xf32, #tpu.memory_space<vmem_shared>>) dst(%dma_wait3A_3219 : memref<320xf32, #tpu.memory_space<vmem>>)
    %dma_wait3A_3221 = arith.constant 7680 : i32
    %dma_wait3A_3222 = tpu.memref_slice %arg19[%dma_wait3A_3221] : memref<10240xf32, #tpu.memory_space<vmem>> -> memref<320xf32, #tpu.memory_space<vmem>>
    %dma_wait3A_3223 = tpu.memref_slice %arg23[%add3A_3012] : memref<163840xf32, #tpu.memory_space<vmem_shared>> -> memref<320xf32, #tpu.memory_space<vmem_shared>>
    %dma_wait3A_3224 = arith.constant 7680 : i32
    %dma_wait3A_3225 = tpu.memref_slice %arg19[%dma_wait3A_3224] : memref<10240xf32, #tpu.memory_space<vmem>> -> memref<320xf32, #tpu.memory_space<vmem>>
    %dma_wait3A_3226 = tpu.memref_slice %arg23[%add3A_3012] : memref<163840xf32, #tpu.memory_space<vmem_shared>> -> memref<320xf32, #tpu.memory_space<vmem_shared>>
    tpu.wait_dma2 semaphore(%arg25 : memref<!tpu.dma_semaphore, #tpu.memory_space<semaphore_mem>>) src(%dma_wait3A_3226 : memref<320xf32, #tpu.memory_space<vmem_shared>>) dst(%dma_wait3A_3225 : memref<320xf32, #tpu.memory_space<vmem>>)
    %dma_wait3A_3227 = arith.constant 8000 : i32
    %dma_wait3A_3228 = tpu.memref_slice %arg19[%dma_wait3A_3227] : memref<10240xf32, #tpu.memory_space<vmem>> -> memref<320xf32, #tpu.memory_space<vmem>>
    %dma_wait3A_3229 = tpu.memref_slice %arg23[%add3A_3020] : memref<163840xf32, #tpu.memory_space<vmem_shared>> -> memref<320xf32, #tpu.memory_space<vmem_shared>>
    %dma_wait3A_3230 = arith.constant 8000 : i32
    %dma_wait3A_3231 = tpu.memref_slice %arg19[%dma_wait3A_3230] : memref<10240xf32, #tpu.memory_space<vmem>> -> memref<320xf32, #tpu.memory_space<vmem>>
    %dma_wait3A_3232 = tpu.memref_slice %arg23[%add3A_3020] : memref<163840xf32, #tpu.memory_space<vmem_shared>> -> memref<320xf32, #tpu.memory_space<vmem_shared>>
    tpu.wait_dma2 semaphore(%arg25 : memref<!tpu.dma_semaphore, #tpu.memory_space<semaphore_mem>>) src(%dma_wait3A_3232 : memref<320xf32, #tpu.memory_space<vmem_shared>>) dst(%dma_wait3A_3231 : memref<320xf32, #tpu.memory_space<vmem>>)
    %dma_wait3A_3233 = arith.constant 8320 : i32
    %dma_wait3A_3234 = tpu.memref_slice %arg19[%dma_wait3A_3233] : memref<10240xf32, #tpu.memory_space<vmem>> -> memref<320xf32, #tpu.memory_space<vmem>>
    %dma_wait3A_3235 = tpu.memref_slice %arg23[%add3A_3028] : memref<163840xf32, #tpu.memory_space<vmem_shared>> -> memref<320xf32, #tpu.memory_space<vmem_shared>>
    %dma_wait3A_3236 = arith.constant 8320 : i32
    %dma_wait3A_3237 = tpu.memref_slice %arg19[%dma_wait3A_3236] : memref<10240xf32, #tpu.memory_space<vmem>> -> memref<320xf32, #tpu.memory_space<vmem>>
    %dma_wait3A_3238 = tpu.memref_slice %arg23[%add3A_3028] : memref<163840xf32, #tpu.memory_space<vmem_shared>> -> memref<320xf32, #tpu.memory_space<vmem_shared>>
    tpu.wait_dma2 semaphore(%arg25 : memref<!tpu.dma_semaphore, #tpu.memory_space<semaphore_mem>>) src(%dma_wait3A_3238 : memref<320xf32, #tpu.memory_space<vmem_shared>>) dst(%dma_wait3A_3237 : memref<320xf32, #tpu.memory_space<vmem>>)
    %dma_wait3A_3239 = arith.constant 8640 : i32
    %dma_wait3A_3240 = tpu.memref_slice %arg19[%dma_wait3A_3239] : memref<10240xf32, #tpu.memory_space<vmem>> -> memref<320xf32, #tpu.memory_space<vmem>>
    %dma_wait3A_3241 = tpu.memref_slice %arg23[%add3A_3036] : memref<163840xf32, #tpu.memory_space<vmem_shared>> -> memref<320xf32, #tpu.memory_space<vmem_shared>>
    %dma_wait3A_3242 = arith.constant 8640 : i32
    %dma_wait3A_3243 = tpu.memref_slice %arg19[%dma_wait3A_3242] : memref<10240xf32, #tpu.memory_space<vmem>> -> memref<320xf32, #tpu.memory_space<vmem>>
    %dma_wait3A_3244 = tpu.memref_slice %arg23[%add3A_3036] : memref<163840xf32, #tpu.memory_space<vmem_shared>> -> memref<320xf32, #tpu.memory_space<vmem_shared>>
    tpu.wait_dma2 semaphore(%arg25 : memref<!tpu.dma_semaphore, #tpu.memory_space<semaphore_mem>>) src(%dma_wait3A_3244 : memref<320xf32, #tpu.memory_space<vmem_shared>>) dst(%dma_wait3A_3243 : memref<320xf32, #tpu.memory_space<vmem>>)
    %dma_wait3A_3245 = arith.constant 8960 : i32
    %dma_wait3A_3246 = tpu.memref_slice %arg19[%dma_wait3A_3245] : memref<10240xf32, #tpu.memory_space<vmem>> -> memref<320xf32, #tpu.memory_space<vmem>>
    %dma_wait3A_3247 = tpu.memref_slice %arg23[%add3A_3044] : memref<163840xf32, #tpu.memory_space<vmem_shared>> -> memref<320xf32, #tpu.memory_space<vmem_shared>>
    %dma_wait3A_3248 = arith.constant 8960 : i32
    %dma_wait3A_3249 = tpu.memref_slice %arg19[%dma_wait3A_3248] : memref<10240xf32, #tpu.memory_space<vmem>> -> memref<320xf32, #tpu.memory_space<vmem>>
    %dma_wait3A_3250 = tpu.memref_slice %arg23[%add3A_3044] : memref<163840xf32, #tpu.memory_space<vmem_shared>> -> memref<320xf32, #tpu.memory_space<vmem_shared>>
    tpu.wait_dma2 semaphore(%arg25 : memref<!tpu.dma_semaphore, #tpu.memory_space<semaphore_mem>>) src(%dma_wait3A_3250 : memref<320xf32, #tpu.memory_space<vmem_shared>>) dst(%dma_wait3A_3249 : memref<320xf32, #tpu.memory_space<vmem>>)
    %dma_wait3A_3251 = arith.constant 9280 : i32
    %dma_wait3A_3252 = tpu.memref_slice %arg19[%dma_wait3A_3251] : memref<10240xf32, #tpu.memory_space<vmem>> -> memref<320xf32, #tpu.memory_space<vmem>>
    %dma_wait3A_3253 = tpu.memref_slice %arg23[%add3A_3052] : memref<163840xf32, #tpu.memory_space<vmem_shared>> -> memref<320xf32, #tpu.memory_space<vmem_shared>>
    %dma_wait3A_3254 = arith.constant 9280 : i32
    %dma_wait3A_3255 = tpu.memref_slice %arg19[%dma_wait3A_3254] : memref<10240xf32, #tpu.memory_space<vmem>> -> memref<320xf32, #tpu.memory_space<vmem>>
    %dma_wait3A_3256 = tpu.memref_slice %arg23[%add3A_3052] : memref<163840xf32, #tpu.memory_space<vmem_shared>> -> memref<320xf32, #tpu.memory_space<vmem_shared>>
    tpu.wait_dma2 semaphore(%arg25 : memref<!tpu.dma_semaphore, #tpu.memory_space<semaphore_mem>>) src(%dma_wait3A_3256 : memref<320xf32, #tpu.memory_space<vmem_shared>>) dst(%dma_wait3A_3255 : memref<320xf32, #tpu.memory_space<vmem>>)
    %dma_wait3A_3257 = arith.constant 9600 : i32
    %dma_wait3A_3258 = tpu.memref_slice %arg19[%dma_wait3A_3257] : memref<10240xf32, #tpu.memory_space<vmem>> -> memref<320xf32, #tpu.memory_space<vmem>>
    %dma_wait3A_3259 = tpu.memref_slice %arg23[%add3A_3060] : memref<163840xf32, #tpu.memory_space<vmem_shared>> -> memref<320xf32, #tpu.memory_space<vmem_shared>>
    %dma_wait3A_3260 = arith.constant 9600 : i32
    %dma_wait3A_3261 = tpu.memref_slice %arg19[%dma_wait3A_3260] : memref<10240xf32, #tpu.memory_space<vmem>> -> memref<320xf32, #tpu.memory_space<vmem>>
    %dma_wait3A_3262 = tpu.memref_slice %arg23[%add3A_3060] : memref<163840xf32, #tpu.memory_space<vmem_shared>> -> memref<320xf32, #tpu.memory_space<vmem_shared>>
    tpu.wait_dma2 semaphore(%arg25 : memref<!tpu.dma_semaphore, #tpu.memory_space<semaphore_mem>>) src(%dma_wait3A_3262 : memref<320xf32, #tpu.memory_space<vmem_shared>>) dst(%dma_wait3A_3261 : memref<320xf32, #tpu.memory_space<vmem>>)
    %dma_wait3A_3263 = arith.constant 9920 : i32
    %dma_wait3A_3264 = tpu.memref_slice %arg19[%dma_wait3A_3263] : memref<10240xf32, #tpu.memory_space<vmem>> -> memref<320xf32, #tpu.memory_space<vmem>>
    %dma_wait3A_3265 = tpu.memref_slice %arg23[%add3A_3068] : memref<163840xf32, #tpu.memory_space<vmem_shared>> -> memref<320xf32, #tpu.memory_space<vmem_shared>>
    %dma_wait3A_3266 = arith.constant 9920 : i32
    %dma_wait3A_3267 = tpu.memref_slice %arg19[%dma_wait3A_3266] : memref<10240xf32, #tpu.memory_space<vmem>> -> memref<320xf32, #tpu.memory_space<vmem>>
    %dma_wait3A_3268 = tpu.memref_slice %arg23[%add3A_3068] : memref<163840xf32, #tpu.memory_space<vmem_shared>> -> memref<320xf32, #tpu.memory_space<vmem_shared>>
    tpu.wait_dma2 semaphore(%arg25 : memref<!tpu.dma_semaphore, #tpu.memory_space<semaphore_mem>>) src(%dma_wait3A_3268 : memref<320xf32, #tpu.memory_space<vmem_shared>>) dst(%dma_wait3A_3267 : memref<320xf32, #tpu.memory_space<vmem>>)
    %dma_wait3A_3269 = tpu.memref_slice %arg24[%multiple_of3A_2818] : memref<5120xf32, #tpu.memory_space<vmem_shared>> -> memref<320xf32, #tpu.memory_space<vmem_shared>>
    %dma_wait3A_3270 = tpu.memref_slice %arg24[%multiple_of3A_2818] : memref<5120xf32, #tpu.memory_space<vmem_shared>> -> memref<320xf32, #tpu.memory_space<vmem_shared>>
    tpu.wait_dma2 semaphore(%arg25 : memref<!tpu.dma_semaphore, #tpu.memory_space<semaphore_mem>>) src(%dma_wait3A_3270 : memref<320xf32, #tpu.memory_space<vmem_shared>>) dst(%arg21 : memref<320xf32, #tpu.memory_space<vmem>>)
    %scan3A = arith.constant 0 : i32
    %scan3A_3271 = arith.constant 0 : i32
    %scan3A_3272 = arith.constant 20 : i32
    %scan3A_3273 = arith.addi %scan3A_3271, %scan3A_3272 : i32
    %scan3A_3274 = arith.constant 1 : i32
    scf.for %scan3A_3278 = %scan3A_3271 to %scan3A_3273 step %scan3A_3274  : i32 {
      %mul3A_3279 = arith.constant 16 : i32
      %mul3A_3280 = arith.muli %scan3A_3278, %mul3A_3279 : i32
      %add3A_3281 = arith.constant 0 : i32
      %add3A_3282 = arith.addi %add3A_3281, %mul3A_3280 : i32
      %get3A_3283 = arith.index_cast %add3A_3282 : i32 to index
      %get3A_3284 = tpu.vector_load %arg19[%get3A_3283] {strides = array<i32>} : memref<10240xf32, #tpu.memory_space<vmem>>, vector<16xf32>,
      %mul3A_3285 = arith.constant 16 : i32
      %mul3A_3286 = arith.muli %scan3A_3278, %mul3A_3285 : i32
      %add3A_3287 = arith.constant 320 : i32
      %add3A_3288 = arith.addi %add3A_3287, %mul3A_3286 : i32
      %get3A_3289 = arith.index_cast %add3A_3288 : i32 to index
      %get3A_3290 = tpu.vector_load %arg19[%get3A_3289] {strides = array<i32>} : memref<10240xf32, #tpu.memory_space<vmem>>, vector<16xf32>,
      %mul3A_3291 = arith.constant 16 : i32
      %mul3A_3292 = arith.muli %scan3A_3278, %mul3A_3291 : i32
      %add3A_3293 = arith.constant 640 : i32
      %add3A_3294 = arith.addi %add3A_3293, %mul3A_3292 : i32
      %get3A_3295 = arith.index_cast %add3A_3294 : i32 to index
      %get3A_3296 = tpu.vector_load %arg19[%get3A_3295] {strides = array<i32>} : memref<10240xf32, #tpu.memory_space<vmem>>, vector<16xf32>,
      %mul3A_3297 = arith.constant 16 : i32
      %mul3A_3298 = arith.muli %scan3A_3278, %mul3A_3297 : i32
      %add3A_3299 = arith.constant 960 : i32
      %add3A_3300 = arith.addi %add3A_3299, %mul3A_3298 : i32
      %get3A_3301 = arith.index_cast %add3A_3300 : i32 to index
      %get3A_3302 = tpu.vector_load %arg19[%get3A_3301] {strides = array<i32>} : memref<10240xf32, #tpu.memory_space<vmem>>, vector<16xf32>,
      %mul3A_3303 = arith.constant 16 : i32
      %mul3A_3304 = arith.muli %scan3A_3278, %mul3A_3303 : i32
      %add3A_3305 = arith.constant 1280 : i32
      %add3A_3306 = arith.addi %add3A_3305, %mul3A_3304 : i32
      %get3A_3307 = arith.index_cast %add3A_3306 : i32 to index
      %get3A_3308 = tpu.vector_load %arg19[%get3A_3307] {strides = array<i32>} : memref<10240xf32, #tpu.memory_space<vmem>>, vector<16xf32>,
      %mul3A_3309 = arith.constant 16 : i32
      %mul3A_3310 = arith.muli %scan3A_3278, %mul3A_3309 : i32
      %add3A_3311 = arith.constant 1600 : i32
      %add3A_3312 = arith.addi %add3A_3311, %mul3A_3310 : i32
      %get3A_3313 = arith.index_cast %add3A_3312 : i32 to index
      %get3A_3314 = tpu.vector_load %arg19[%get3A_3313] {strides = array<i32>} : memref<10240xf32, #tpu.memory_space<vmem>>, vector<16xf32>,
      %mul3A_3315 = arith.constant 16 : i32
      %mul3A_3316 = arith.muli %scan3A_3278, %mul3A_3315 : i32
      %add3A_3317 = arith.constant 1920 : i32
      %add3A_3318 = arith.addi %add3A_3317, %mul3A_3316 : i32
      %get3A_3319 = arith.index_cast %add3A_3318 : i32 to index
      %get3A_3320 = tpu.vector_load %arg19[%get3A_3319] {strides = array<i32>} : memref<10240xf32, #tpu.memory_space<vmem>>, vector<16xf32>,
      %mul3A_3321 = arith.constant 16 : i32
      %mul3A_3322 = arith.muli %scan3A_3278, %mul3A_3321 : i32
      %add3A_3323 = arith.constant 2240 : i32
      %add3A_3324 = arith.addi %add3A_3323, %mul3A_3322 : i32
      %get3A_3325 = arith.index_cast %add3A_3324 : i32 to index
      %get3A_3326 = tpu.vector_load %arg19[%get3A_3325] {strides = array<i32>} : memref<10240xf32, #tpu.memory_space<vmem>>, vector<16xf32>,
      %mul3A_3327 = arith.constant 16 : i32
      %mul3A_3328 = arith.muli %scan3A_3278, %mul3A_3327 : i32
      %add3A_3329 = arith.constant 2560 : i32
      %add3A_3330 = arith.addi %add3A_3329, %mul3A_3328 : i32
      %get3A_3331 = arith.index_cast %add3A_3330 : i32 to index
      %get3A_3332 = tpu.vector_load %arg19[%get3A_3331] {strides = array<i32>} : memref<10240xf32, #tpu.memory_space<vmem>>, vector<16xf32>,
      %mul3A_3333 = arith.constant 16 : i32
      %mul3A_3334 = arith.muli %scan3A_3278, %mul3A_3333 : i32
      %add3A_3335 = arith.constant 2880 : i32
      %add3A_3336 = arith.addi %add3A_3335, %mul3A_3334 : i32
      %get3A_3337 = arith.index_cast %add3A_3336 : i32 to index
      %get3A_3338 = tpu.vector_load %arg19[%get3A_3337] {strides = array<i32>} : memref<10240xf32, #tpu.memory_space<vmem>>, vector<16xf32>,
      %mul3A_3339 = arith.constant 16 : i32
      %mul3A_3340 = arith.muli %scan3A_3278, %mul3A_3339 : i32
      %add3A_3341 = arith.constant 3200 : i32
      %add3A_3342 = arith.addi %add3A_3341, %mul3A_3340 : i32
      %get3A_3343 = arith.index_cast %add3A_3342 : i32 to index
      %get3A_3344 = tpu.vector_load %arg19[%get3A_3343] {strides = array<i32>} : memref<10240xf32, #tpu.memory_space<vmem>>, vector<16xf32>,
      %mul3A_3345 = arith.constant 16 : i32
      %mul3A_3346 = arith.muli %scan3A_3278, %mul3A_3345 : i32
      %add3A_3347 = arith.constant 3520 : i32
      %add3A_3348 = arith.addi %add3A_3347, %mul3A_3346 : i32
      %get3A_3349 = arith.index_cast %add3A_3348 : i32 to index
      %get3A_3350 = tpu.vector_load %arg19[%get3A_3349] {strides = array<i32>} : memref<10240xf32, #tpu.memory_space<vmem>>, vector<16xf32>,
      %mul3A_3351 = arith.constant 16 : i32
      %mul3A_3352 = arith.muli %scan3A_3278, %mul3A_3351 : i32
      %add3A_3353 = arith.constant 3840 : i32
      %add3A_3354 = arith.addi %add3A_3353, %mul3A_3352 : i32
      %get3A_3355 = arith.index_cast %add3A_3354 : i32 to index
      %get3A_3356 = tpu.vector_load %arg19[%get3A_3355] {strides = array<i32>} : memref<10240xf32, #tpu.memory_space<vmem>>, vector<16xf32>,
      %mul3A_3357 = arith.constant 16 : i32
      %mul3A_3358 = arith.muli %scan3A_3278, %mul3A_3357 : i32
      %add3A_3359 = arith.constant 4160 : i32
      %add3A_3360 = arith.addi %add3A_3359, %mul3A_3358 : i32
      %get3A_3361 = arith.index_cast %add3A_3360 : i32 to index
      %get3A_3362 = tpu.vector_load %arg19[%get3A_3361] {strides = array<i32>} : memref<10240xf32, #tpu.memory_space<vmem>>, vector<16xf32>,
      %mul3A_3363 = arith.constant 16 : i32
      %mul3A_3364 = arith.muli %scan3A_3278, %mul3A_3363 : i32
      %add3A_3365 = arith.constant 4480 : i32
      %add3A_3366 = arith.addi %add3A_3365, %mul3A_3364 : i32
      %get3A_3367 = arith.index_cast %add3A_3366 : i32 to index
      %get3A_3368 = tpu.vector_load %arg19[%get3A_3367] {strides = array<i32>} : memref<10240xf32, #tpu.memory_space<vmem>>, vector<16xf32>,
      %mul3A_3369 = arith.constant 16 : i32
      %mul3A_3370 = arith.muli %scan3A_3278, %mul3A_3369 : i32
      %add3A_3371 = arith.constant 4800 : i32
      %add3A_3372 = arith.addi %add3A_3371, %mul3A_3370 : i32
      %get3A_3373 = arith.index_cast %add3A_3372 : i32 to index
      %get3A_3374 = tpu.vector_load %arg19[%get3A_3373] {strides = array<i32>} : memref<10240xf32, #tpu.memory_space<vmem>>, vector<16xf32>,
      %mul3A_3375 = arith.constant 16 : i32
      %mul3A_3376 = arith.muli %scan3A_3278, %mul3A_3375 : i32
      %add3A_3377 = arith.constant 5120 : i32
      %add3A_3378 = arith.addi %add3A_3377, %mul3A_3376 : i32
      %get3A_3379 = arith.index_cast %add3A_3378 : i32 to index
      %get3A_3380 = tpu.vector_load %arg19[%get3A_3379] {strides = array<i32>} : memref<10240xf32, #tpu.memory_space<vmem>>, vector<16xf32>,
      %mul3A_3381 = arith.constant 16 : i32
      %mul3A_3382 = arith.muli %scan3A_3278, %mul3A_3381 : i32
      %add3A_3383 = arith.constant 5440 : i32
      %add3A_3384 = arith.addi %add3A_3383, %mul3A_3382 : i32
      %get3A_3385 = arith.index_cast %add3A_3384 : i32 to index
      %get3A_3386 = tpu.vector_load %arg19[%get3A_3385] {strides = array<i32>} : memref<10240xf32, #tpu.memory_space<vmem>>, vector<16xf32>,
      %mul3A_3387 = arith.constant 16 : i32
      %mul3A_3388 = arith.muli %scan3A_3278, %mul3A_3387 : i32
      %add3A_3389 = arith.constant 5760 : i32
      %add3A_3390 = arith.addi %add3A_3389, %mul3A_3388 : i32
      %get3A_3391 = arith.index_cast %add3A_3390 : i32 to index
      %get3A_3392 = tpu.vector_load %arg19[%get3A_3391] {strides = array<i32>} : memref<10240xf32, #tpu.memory_space<vmem>>, vector<16xf32>,
      %mul3A_3393 = arith.constant 16 : i32
      %mul3A_3394 = arith.muli %scan3A_3278, %mul3A_3393 : i32
      %add3A_3395 = arith.constant 6080 : i32
      %add3A_3396 = arith.addi %add3A_3395, %mul3A_3394 : i32
      %get3A_3397 = arith.index_cast %add3A_3396 : i32 to index
      %get3A_3398 = tpu.vector_load %arg19[%get3A_3397] {strides = array<i32>} : memref<10240xf32, #tpu.memory_space<vmem>>, vector<16xf32>,
      %mul3A_3399 = arith.constant 16 : i32
      %mul3A_3400 = arith.muli %scan3A_3278, %mul3A_3399 : i32
      %add3A_3401 = arith.constant 6400 : i32
      %add3A_3402 = arith.addi %add3A_3401, %mul3A_3400 : i32
      %get3A_3403 = arith.index_cast %add3A_3402 : i32 to index
      %get3A_3404 = tpu.vector_load %arg19[%get3A_3403] {strides = array<i32>} : memref<10240xf32, #tpu.memory_space<vmem>>, vector<16xf32>,
      %mul3A_3405 = arith.constant 16 : i32
      %mul3A_3406 = arith.muli %scan3A_3278, %mul3A_3405 : i32
      %add3A_3407 = arith.constant 6720 : i32
      %add3A_3408 = arith.addi %add3A_3407, %mul3A_3406 : i32
      %get3A_3409 = arith.index_cast %add3A_3408 : i32 to index
      %get3A_3410 = tpu.vector_load %arg19[%get3A_3409] {strides = array<i32>} : memref<10240xf32, #tpu.memory_space<vmem>>, vector<16xf32>,
      %mul3A_3411 = arith.constant 16 : i32
      %mul3A_3412 = arith.muli %scan3A_3278, %mul3A_3411 : i32
      %add3A_3413 = arith.constant 7040 : i32
      %add3A_3414 = arith.addi %add3A_3413, %mul3A_3412 : i32
      %get3A_3415 = arith.index_cast %add3A_3414 : i32 to index
      %get3A_3416 = tpu.vector_load %arg19[%get3A_3415] {strides = array<i32>} : memref<10240xf32, #tpu.memory_space<vmem>>, vector<16xf32>,
      %mul3A_3417 = arith.constant 16 : i32
      %mul3A_3418 = arith.muli %scan3A_3278, %mul3A_3417 : i32
      %add3A_3419 = arith.constant 7360 : i32
      %add3A_3420 = arith.addi %add3A_3419, %mul3A_3418 : i32
      %get3A_3421 = arith.index_cast %add3A_3420 : i32 to index
      %get3A_3422 = tpu.vector_load %arg19[%get3A_3421] {strides = array<i32>} : memref<10240xf32, #tpu.memory_space<vmem>>, vector<16xf32>,
      %mul3A_3423 = arith.constant 16 : i32
      %mul3A_3424 = arith.muli %scan3A_3278, %mul3A_3423 : i32
      %add3A_3425 = arith.constant 7680 : i32
      %add3A_3426 = arith.addi %add3A_3425, %mul3A_3424 : i32
      %get3A_3427 = arith.index_cast %add3A_3426 : i32 to index
      %get3A_3428 = tpu.vector_load %arg19[%get3A_3427] {strides = array<i32>} : memref<10240xf32, #tpu.memory_space<vmem>>, vector<16xf32>,
      %mul3A_3429 = arith.constant 16 : i32
      %mul3A_3430 = arith.muli %scan3A_3278, %mul3A_3429 : i32
      %add3A_3431 = arith.constant 8000 : i32
      %add3A_3432 = arith.addi %add3A_3431, %mul3A_3430 : i32
      %get3A_3433 = arith.index_cast %add3A_3432 : i32 to index
      %get3A_3434 = tpu.vector_load %arg19[%get3A_3433] {strides = array<i32>} : memref<10240xf32, #tpu.memory_space<vmem>>, vector<16xf32>,
      %mul3A_3435 = arith.constant 16 : i32
      %mul3A_3436 = arith.muli %scan3A_3278, %mul3A_3435 : i32
      %add3A_3437 = arith.constant 8320 : i32
      %add3A_3438 = arith.addi %add3A_3437, %mul3A_3436 : i32
      %get3A_3439 = arith.index_cast %add3A_3438 : i32 to index
      %get3A_3440 = tpu.vector_load %arg19[%get3A_3439] {strides = array<i32>} : memref<10240xf32, #tpu.memory_space<vmem>>, vector<16xf32>,
      %mul3A_3441 = arith.constant 16 : i32
      %mul3A_3442 = arith.muli %scan3A_3278, %mul3A_3441 : i32
      %add3A_3443 = arith.constant 8640 : i32
      %add3A_3444 = arith.addi %add3A_3443, %mul3A_3442 : i32
      %get3A_3445 = arith.index_cast %add3A_3444 : i32 to index
      %get3A_3446 = tpu.vector_load %arg19[%get3A_3445] {strides = array<i32>} : memref<10240xf32, #tpu.memory_space<vmem>>, vector<16xf32>,
      %mul3A_3447 = arith.constant 16 : i32
      %mul3A_3448 = arith.muli %scan3A_3278, %mul3A_3447 : i32
      %add3A_3449 = arith.constant 8960 : i32
      %add3A_3450 = arith.addi %add3A_3449, %mul3A_3448 : i32
      %get3A_3451 = arith.index_cast %add3A_3450 : i32 to index
      %get3A_3452 = tpu.vector_load %arg19[%get3A_3451] {strides = array<i32>} : memref<10240xf32, #tpu.memory_space<vmem>>, vector<16xf32>,
      %mul3A_3453 = arith.constant 16 : i32
      %mul3A_3454 = arith.muli %scan3A_3278, %mul3A_3453 : i32
      %add3A_3455 = arith.constant 9280 : i32
      %add3A_3456 = arith.addi %add3A_3455, %mul3A_3454 : i32
      %get3A_3457 = arith.index_cast %add3A_3456 : i32 to index
      %get3A_3458 = tpu.vector_load %arg19[%get3A_3457] {strides = array<i32>} : memref<10240xf32, #tpu.memory_space<vmem>>, vector<16xf32>,
      %mul3A_3459 = arith.constant 16 : i32
      %mul3A_3460 = arith.muli %scan3A_3278, %mul3A_3459 : i32
      %add3A_3461 = arith.constant 9600 : i32
      %add3A_3462 = arith.addi %add3A_3461, %mul3A_3460 : i32
      %get3A_3463 = arith.index_cast %add3A_3462 : i32 to index
      %get3A_3464 = tpu.vector_load %arg19[%get3A_3463] {strides = array<i32>} : memref<10240xf32, #tpu.memory_space<vmem>>, vector<16xf32>,
      %mul3A_3465 = arith.constant 16 : i32
      %mul3A_3466 = arith.muli %scan3A_3278, %mul3A_3465 : i32
      %add3A_3467 = arith.constant 9920 : i32
      %add3A_3468 = arith.addi %add3A_3467, %mul3A_3466 : i32
      %get3A_3469 = arith.index_cast %add3A_3468 : i32 to index
      %get3A_3470 = tpu.vector_load %arg19[%get3A_3469] {strides = array<i32>} : memref<10240xf32, #tpu.memory_space<vmem>>, vector<16xf32>,
      %max3A = arith.maximumf %get3A_3284, %get3A_3290 : vector<16xf32>
      %max3A_3471 = arith.maximumf %get3A_3296, %get3A_3302 : vector<16xf32>
      %max3A_3472 = arith.maximumf %get3A_3308, %get3A_3314 : vector<16xf32>
      %max3A_3473 = arith.maximumf %get3A_3320, %get3A_3326 : vector<16xf32>
      %max3A_3474 = arith.maximumf %get3A_3332, %get3A_3338 : vector<16xf32>
      %max3A_3475 = arith.maximumf %get3A_3344, %get3A_3350 : vector<16xf32>
      %max3A_3476 = arith.maximumf %get3A_3356, %get3A_3362 : vector<16xf32>
      %max3A_3477 = arith.maximumf %get3A_3368, %get3A_3374 : vector<16xf32>
      %max3A_3478 = arith.maximumf %get3A_3380, %get3A_3386 : vector<16xf32>
      %max3A_3479 = arith.maximumf %get3A_3392, %get3A_3398 : vector<16xf32>
      %max3A_3480 = arith.maximumf %get3A_3404, %get3A_3410 : vector<16xf32>
      %max3A_3481 = arith.maximumf %get3A_3416, %get3A_3422 : vector<16xf32>
      %max3A_3482 = arith.maximumf %get3A_3428, %get3A_3434 : vector<16xf32>
      %max3A_3483 = arith.maximumf %get3A_3440, %get3A_3446 : vector<16xf32>
      %max3A_3484 = arith.maximumf %get3A_3452, %get3A_3458 : vector<16xf32>
      %max3A_3485 = arith.maximumf %get3A_3464, %get3A_3470 : vector<16xf32>
      %max3A_3486 = arith.maximumf %max3A, %max3A_3471 : vector<16xf32>
      %max3A_3487 = arith.maximumf %max3A_3472, %max3A_3473 : vector<16xf32>
      %max3A_3488 = arith.maximumf %max3A_3474, %max3A_3475 : vector<16xf32>
      %max3A_3489 = arith.maximumf %max3A_3476, %max3A_3477 : vector<16xf32>
      %max3A_3490 = arith.maximumf %max3A_3478, %max3A_3479 : vector<16xf32>
      %max3A_3491 = arith.maximumf %max3A_3480, %max3A_3481 : vector<16xf32>
      %max3A_3492 = arith.maximumf %max3A_3482, %max3A_3483 : vector<16xf32>
      %max3A_3493 = arith.maximumf %max3A_3484, %max3A_3485 : vector<16xf32>
      %max3A_3494 = arith.maximumf %max3A_3486, %max3A_3487 : vector<16xf32>
      %max3A_3495 = arith.maximumf %max3A_3488, %max3A_3489 : vector<16xf32>
      %max3A_3496 = arith.maximumf %max3A_3490, %max3A_3491 : vector<16xf32>
      %max3A_3497 = arith.maximumf %max3A_3492, %max3A_3493 : vector<16xf32>
      %max3A_3498 = arith.maximumf %max3A_3494, %max3A_3495 : vector<16xf32>
      %max3A_3499 = arith.maximumf %max3A_3496, %max3A_3497 : vector<16xf32>
      %max3A_3500 = arith.maximumf %max3A_3498, %max3A_3499 : vector<16xf32>
      %sub3A_3501 = arith.subf %get3A_3284, %max3A_3500 : vector<16xf32>
      %exp3A = math.exp %sub3A_3501 : vector<16xf32>
      %sub3A_3502 = arith.subf %get3A_3290, %max3A_3500 : vector<16xf32>
      %exp3A_3503 = math.exp %sub3A_3502 : vector<16xf32>
      %sub3A_3504 = arith.subf %get3A_3296, %max3A_3500 : vector<16xf32>
      %exp3A_3505 = math.exp %sub3A_3504 : vector<16xf32>
      %sub3A_3506 = arith.subf %get3A_3302, %max3A_3500 : vector<16xf32>
      %exp3A_3507 = math.exp %sub3A_3506 : vector<16xf32>
      %sub3A_3508 = arith.subf %get3A_3308, %max3A_3500 : vector<16xf32>
      %exp3A_3509 = math.exp %sub3A_3508 : vector<16xf32>
      %sub3A_3510 = arith.subf %get3A_3314, %max3A_3500 : vector<16xf32>
      %exp3A_3511 = math.exp %sub3A_3510 : vector<16xf32>
      %sub3A_3512 = arith.subf %get3A_3320, %max3A_3500 : vector<16xf32>
      %exp3A_3513 = math.exp %sub3A_3512 : vector<16xf32>
      %sub3A_3514 = arith.subf %get3A_3326, %max3A_3500 : vector<16xf32>
      %exp3A_3515 = math.exp %sub3A_3514 : vector<16xf32>
      %sub3A_3516 = arith.subf %get3A_3332, %max3A_3500 : vector<16xf32>
      %exp3A_3517 = math.exp %sub3A_3516 : vector<16xf32>
      %sub3A_3518 = arith.subf %get3A_3338, %max3A_3500 : vector<16xf32>
      %exp3A_3519 = math.exp %sub3A_3518 : vector<16xf32>
      %sub3A_3520 = arith.subf %get3A_3344, %max3A_3500 : vector<16xf32>
      %exp3A_3521 = math.exp %sub3A_3520 : vector<16xf32>
      %sub3A_3522 = arith.subf %get3A_3350, %max3A_3500 : vector<16xf32>
      %exp3A_3523 = math.exp %sub3A_3522 : vector<16xf32>
      %sub3A_3524 = arith.subf %get3A_3356, %max3A_3500 : vector<16xf32>
      %exp3A_3525 = math.exp %sub3A_3524 : vector<16xf32>
      %sub3A_3526 = arith.subf %get3A_3362, %max3A_3500 : vector<16xf32>
      %exp3A_3527 = math.exp %sub3A_3526 : vector<16xf32>
      %sub3A_3528 = arith.subf %get3A_3368, %max3A_3500 : vector<16xf32>
      %exp3A_3529 = math.exp %sub3A_3528 : vector<16xf32>
      %sub3A_3530 = arith.subf %get3A_3374, %max3A_3500 : vector<16xf32>
      %exp3A_3531 = math.exp %sub3A_3530 : vector<16xf32>
      %sub3A_3532 = arith.subf %get3A_3380, %max3A_3500 : vector<16xf32>
      %exp3A_3533 = math.exp %sub3A_3532 : vector<16xf32>
      %sub3A_3534 = arith.subf %get3A_3386, %max3A_3500 : vector<16xf32>
      %exp3A_3535 = math.exp %sub3A_3534 : vector<16xf32>
      %sub3A_3536 = arith.subf %get3A_3392, %max3A_3500 : vector<16xf32>
      %exp3A_3537 = math.exp %sub3A_3536 : vector<16xf32>
      %sub3A_3538 = arith.subf %get3A_3398, %max3A_3500 : vector<16xf32>
      %exp3A_3539 = math.exp %sub3A_3538 : vector<16xf32>
      %sub3A_3540 = arith.subf %get3A_3404, %max3A_3500 : vector<16xf32>
      %exp3A_3541 = math.exp %sub3A_3540 : vector<16xf32>
      %sub3A_3542 = arith.subf %get3A_3410, %max3A_3500 : vector<16xf32>
      %exp3A_3543 = math.exp %sub3A_3542 : vector<16xf32>
      %sub3A_3544 = arith.subf %get3A_3416, %max3A_3500 : vector<16xf32>
      %exp3A_3545 = math.exp %sub3A_3544 : vector<16xf32>
      %sub3A_3546 = arith.subf %get3A_3422, %max3A_3500 : vector<16xf32>
      %exp3A_3547 = math.exp %sub3A_3546 : vector<16xf32>
      %sub3A_3548 = arith.subf %get3A_3428, %max3A_3500 : vector<16xf32>
      %exp3A_3549 = math.exp %sub3A_3548 : vector<16xf32>
      %sub3A_3550 = arith.subf %get3A_3434, %max3A_3500 : vector<16xf32>
      %exp3A_3551 = math.exp %sub3A_3550 : vector<16xf32>
      %sub3A_3552 = arith.subf %get3A_3440, %max3A_3500 : vector<16xf32>
      %exp3A_3553 = math.exp %sub3A_3552 : vector<16xf32>
      %sub3A_3554 = arith.subf %get3A_3446, %max3A_3500 : vector<16xf32>
      %exp3A_3555 = math.exp %sub3A_3554 : vector<16xf32>
      %sub3A_3556 = arith.subf %get3A_3452, %max3A_3500 : vector<16xf32>
      %exp3A_3557 = math.exp %sub3A_3556 : vector<16xf32>
      %sub3A_3558 = arith.subf %get3A_3458, %max3A_3500 : vector<16xf32>
      %exp3A_3559 = math.exp %sub3A_3558 : vector<16xf32>
      %sub3A_3560 = arith.subf %get3A_3464, %max3A_3500 : vector<16xf32>
      %exp3A_3561 = math.exp %sub3A_3560 : vector<16xf32>
      %sub3A_3562 = arith.subf %get3A_3470, %max3A_3500 : vector<16xf32>
      %exp3A_3563 = math.exp %sub3A_3562 : vector<16xf32>
      %add3A_3564 = arith.addf %exp3A, %exp3A_3503 : vector<16xf32>
      %add3A_3565 = arith.addf %exp3A_3505, %exp3A_3507 : vector<16xf32>
      %add3A_3566 = arith.addf %exp3A_3509, %exp3A_3511 : vector<16xf32>
      %add3A_3567 = arith.addf %exp3A_3513, %exp3A_3515 : vector<16xf32>
      %add3A_3568 = arith.addf %exp3A_3517, %exp3A_3519 : vector<16xf32>
      %add3A_3569 = arith.addf %exp3A_3521, %exp3A_3523 : vector<16xf32>
      %add3A_3570 = arith.addf %exp3A_3525, %exp3A_3527 : vector<16xf32>
      %add3A_3571 = arith.addf %exp3A_3529, %exp3A_3531 : vector<16xf32>
      %add3A_3572 = arith.addf %exp3A_3533, %exp3A_3535 : vector<16xf32>
      %add3A_3573 = arith.addf %exp3A_3537, %exp3A_3539 : vector<16xf32>
      %add3A_3574 = arith.addf %exp3A_3541, %exp3A_3543 : vector<16xf32>
      %add3A_3575 = arith.addf %exp3A_3545, %exp3A_3547 : vector<16xf32>
      %add3A_3576 = arith.addf %exp3A_3549, %exp3A_3551 : vector<16xf32>
      %add3A_3577 = arith.addf %exp3A_3553, %exp3A_3555 : vector<16xf32>
      %add3A_3578 = arith.addf %exp3A_3557, %exp3A_3559 : vector<16xf32>
      %add3A_3579 = arith.addf %exp3A_3561, %exp3A_3563 : vector<16xf32>
      %add3A_3580 = arith.addf %add3A_3564, %add3A_3565 : vector<16xf32>
      %add3A_3581 = arith.addf %add3A_3566, %add3A_3567 : vector<16xf32>
      %add3A_3582 = arith.addf %add3A_3568, %add3A_3569 : vector<16xf32>
      %add3A_3583 = arith.addf %add3A_3570, %add3A_3571 : vector<16xf32>
      %add3A_3584 = arith.addf %add3A_3572, %add3A_3573 : vector<16xf32>
      %add3A_3585 = arith.addf %add3A_3574, %add3A_3575 : vector<16xf32>
      %add3A_3586 = arith.addf %add3A_3576, %add3A_3577 : vector<16xf32>
      %add3A_3587 = arith.addf %add3A_3578, %add3A_3579 : vector<16xf32>
      %add3A_3588 = arith.addf %add3A_3580, %add3A_3581 : vector<16xf32>
      %add3A_3589 = arith.addf %add3A_3582, %add3A_3583 : vector<16xf32>
      %add3A_3590 = arith.addf %add3A_3584, %add3A_3585 : vector<16xf32>
      %add3A_3591 = arith.addf %add3A_3586, %add3A_3587 : vector<16xf32>
      %add3A_3592 = arith.addf %add3A_3588, %add3A_3589 : vector<16xf32>
      %add3A_3593 = arith.addf %add3A_3590, %add3A_3591 : vector<16xf32>
      %add3A_3594 = arith.addf %add3A_3592, %add3A_3593 : vector<16xf32>
      %div3A = arith.constant 1.000000e+00 : f32
      %div3A_3595 = vector.broadcast %div3A : f32 to vector<16xf32>
      %div3A_3596 = arith.divf %div3A_3595, %add3A_3594 : vector<16xf32>
      %mul3A_3597 = arith.constant 16 : i32
      %mul3A_3598 = arith.muli %scan3A_3278, %mul3A_3597 : i32
      %iota3A_3599 = tpu.iota {dimensions = array<i32: 0>} : vector<16xi32>
      %add3A_3600 = vector.broadcast %mul3A_3598 : i32 to vector<16xi32>
      %add3A_3601 = arith.addi %add3A_3600, %iota3A_3599 : vector<16xi32>
      %broadcast_in_dim3A_3602 = arith.constant 0 : i32
      %broadcast_in_dim3A_3603 = vector.broadcast %broadcast_in_dim3A_3602 : i32 to vector<16xi32>
      %mul3A_3604 = arith.mulf %exp3A, %div3A_3596 : vector<16xf32>
      tpu.vector_store_idx %arg20[%add3A_3601, %broadcast_in_dim3A_3603], %mul3A_3604 : memref<320x32xf32, #tpu.memory_space<vmem>>[vector<16xi32>, vector<16xi32>], vector<16xf32>,
      %broadcast_in_dim3A_3605 = arith.constant 1 : i32
      %broadcast_in_dim3A_3606 = vector.broadcast %broadcast_in_dim3A_3605 : i32 to vector<16xi32>
      %mul3A_3607 = arith.mulf %exp3A_3503, %div3A_3596 : vector<16xf32>
      tpu.vector_store_idx %arg20[%add3A_3601, %broadcast_in_dim3A_3606], %mul3A_3607 : memref<320x32xf32, #tpu.memory_space<vmem>>[vector<16xi32>, vector<16xi32>], vector<16xf32>,
      %broadcast_in_dim3A_3608 = arith.constant 2 : i32
      %broadcast_in_dim3A_3609 = vector.broadcast %broadcast_in_dim3A_3608 : i32 to vector<16xi32>
      %mul3A_3610 = arith.mulf %exp3A_3505, %div3A_3596 : vector<16xf32>
      tpu.vector_store_idx %arg20[%add3A_3601, %broadcast_in_dim3A_3609], %mul3A_3610 : memref<320x32xf32, #tpu.memory_space<vmem>>[vector<16xi32>, vector<16xi32>], vector<16xf32>,
      %broadcast_in_dim3A_3611 = arith.constant 3 : i32
      %broadcast_in_dim3A_3612 = vector.broadcast %broadcast_in_dim3A_3611 : i32 to vector<16xi32>
      %mul3A_3613 = arith.mulf %exp3A_3507, %div3A_3596 : vector<16xf32>
      tpu.vector_store_idx %arg20[%add3A_3601, %broadcast_in_dim3A_3612], %mul3A_3613 : memref<320x32xf32, #tpu.memory_space<vmem>>[vector<16xi32>, vector<16xi32>], vector<16xf32>,
      %broadcast_in_dim3A_3614 = arith.constant 4 : i32
      %broadcast_in_dim3A_3615 = vector.broadcast %broadcast_in_dim3A_3614 : i32 to vector<16xi32>
      %mul3A_3616 = arith.mulf %exp3A_3509, %div3A_3596 : vector<16xf32>
      tpu.vector_store_idx %arg20[%add3A_3601, %broadcast_in_dim3A_3615], %mul3A_3616 : memref<320x32xf32, #tpu.memory_space<vmem>>[vector<16xi32>, vector<16xi32>], vector<16xf32>,
      %broadcast_in_dim3A_3617 = arith.constant 5 : i32
      %broadcast_in_dim3A_3618 = vector.broadcast %broadcast_in_dim3A_3617 : i32 to vector<16xi32>
      %mul3A_3619 = arith.mulf %exp3A_3511, %div3A_3596 : vector<16xf32>
      tpu.vector_store_idx %arg20[%add3A_3601, %broadcast_in_dim3A_3618], %mul3A_3619 : memref<320x32xf32, #tpu.memory_space<vmem>>[vector<16xi32>, vector<16xi32>], vector<16xf32>,
      %broadcast_in_dim3A_3620 = arith.constant 6 : i32
      %broadcast_in_dim3A_3621 = vector.broadcast %broadcast_in_dim3A_3620 : i32 to vector<16xi32>
      %mul3A_3622 = arith.mulf %exp3A_3513, %div3A_3596 : vector<16xf32>
      tpu.vector_store_idx %arg20[%add3A_3601, %broadcast_in_dim3A_3621], %mul3A_3622 : memref<320x32xf32, #tpu.memory_space<vmem>>[vector<16xi32>, vector<16xi32>], vector<16xf32>,
      %broadcast_in_dim3A_3623 = arith.constant 7 : i32
      %broadcast_in_dim3A_3624 = vector.broadcast %broadcast_in_dim3A_3623 : i32 to vector<16xi32>
      %mul3A_3625 = arith.mulf %exp3A_3515, %div3A_3596 : vector<16xf32>
      tpu.vector_store_idx %arg20[%add3A_3601, %broadcast_in_dim3A_3624], %mul3A_3625 : memref<320x32xf32, #tpu.memory_space<vmem>>[vector<16xi32>, vector<16xi32>], vector<16xf32>,
      %broadcast_in_dim3A_3626 = arith.constant 8 : i32
      %broadcast_in_dim3A_3627 = vector.broadcast %broadcast_in_dim3A_3626 : i32 to vector<16xi32>
      %mul3A_3628 = arith.mulf %exp3A_3517, %div3A_3596 : vector<16xf32>
      tpu.vector_store_idx %arg20[%add3A_3601, %broadcast_in_dim3A_3627], %mul3A_3628 : memref<320x32xf32, #tpu.memory_space<vmem>>[vector<16xi32>, vector<16xi32>], vector<16xf32>,
      %broadcast_in_dim3A_3629 = arith.constant 9 : i32
      %broadcast_in_dim3A_3630 = vector.broadcast %broadcast_in_dim3A_3629 : i32 to vector<16xi32>
      %mul3A_3631 = arith.mulf %exp3A_3519, %div3A_3596 : vector<16xf32>
      tpu.vector_store_idx %arg20[%add3A_3601, %broadcast_in_dim3A_3630], %mul3A_3631 : memref<320x32xf32, #tpu.memory_space<vmem>>[vector<16xi32>, vector<16xi32>], vector<16xf32>,
      %broadcast_in_dim3A_3632 = arith.constant 10 : i32
      %broadcast_in_dim3A_3633 = vector.broadcast %broadcast_in_dim3A_3632 : i32 to vector<16xi32>
      %mul3A_3634 = arith.mulf %exp3A_3521, %div3A_3596 : vector<16xf32>
      tpu.vector_store_idx %arg20[%add3A_3601, %broadcast_in_dim3A_3633], %mul3A_3634 : memref<320x32xf32, #tpu.memory_space<vmem>>[vector<16xi32>, vector<16xi32>], vector<16xf32>,
      %broadcast_in_dim3A_3635 = arith.constant 11 : i32
      %broadcast_in_dim3A_3636 = vector.broadcast %broadcast_in_dim3A_3635 : i32 to vector<16xi32>
      %mul3A_3637 = arith.mulf %exp3A_3523, %div3A_3596 : vector<16xf32>
      tpu.vector_store_idx %arg20[%add3A_3601, %broadcast_in_dim3A_3636], %mul3A_3637 : memref<320x32xf32, #tpu.memory_space<vmem>>[vector<16xi32>, vector<16xi32>], vector<16xf32>,
      %broadcast_in_dim3A_3638 = arith.constant 12 : i32
      %broadcast_in_dim3A_3639 = vector.broadcast %broadcast_in_dim3A_3638 : i32 to vector<16xi32>
      %mul3A_3640 = arith.mulf %exp3A_3525, %div3A_3596 : vector<16xf32>
      tpu.vector_store_idx %arg20[%add3A_3601, %broadcast_in_dim3A_3639], %mul3A_3640 : memref<320x32xf32, #tpu.memory_space<vmem>>[vector<16xi32>, vector<16xi32>], vector<16xf32>,
      %broadcast_in_dim3A_3641 = arith.constant 13 : i32
      %broadcast_in_dim3A_3642 = vector.broadcast %broadcast_in_dim3A_3641 : i32 to vector<16xi32>
      %mul3A_3643 = arith.mulf %exp3A_3527, %div3A_3596 : vector<16xf32>
      tpu.vector_store_idx %arg20[%add3A_3601, %broadcast_in_dim3A_3642], %mul3A_3643 : memref<320x32xf32, #tpu.memory_space<vmem>>[vector<16xi32>, vector<16xi32>], vector<16xf32>,
      %broadcast_in_dim3A_3644 = arith.constant 14 : i32
      %broadcast_in_dim3A_3645 = vector.broadcast %broadcast_in_dim3A_3644 : i32 to vector<16xi32>
      %mul3A_3646 = arith.mulf %exp3A_3529, %div3A_3596 : vector<16xf32>
      tpu.vector_store_idx %arg20[%add3A_3601, %broadcast_in_dim3A_3645], %mul3A_3646 : memref<320x32xf32, #tpu.memory_space<vmem>>[vector<16xi32>, vector<16xi32>], vector<16xf32>,
      %broadcast_in_dim3A_3647 = arith.constant 15 : i32
      %broadcast_in_dim3A_3648 = vector.broadcast %broadcast_in_dim3A_3647 : i32 to vector<16xi32>
      %mul3A_3649 = arith.mulf %exp3A_3531, %div3A_3596 : vector<16xf32>
      tpu.vector_store_idx %arg20[%add3A_3601, %broadcast_in_dim3A_3648], %mul3A_3649 : memref<320x32xf32, #tpu.memory_space<vmem>>[vector<16xi32>, vector<16xi32>], vector<16xf32>,
      %broadcast_in_dim3A_3650 = arith.constant 16 : i32
      %broadcast_in_dim3A_3651 = vector.broadcast %broadcast_in_dim3A_3650 : i32 to vector<16xi32>
      %mul3A_3652 = arith.mulf %exp3A_3533, %div3A_3596 : vector<16xf32>
      tpu.vector_store_idx %arg20[%add3A_3601, %broadcast_in_dim3A_3651], %mul3A_3652 : memref<320x32xf32, #tpu.memory_space<vmem>>[vector<16xi32>, vector<16xi32>], vector<16xf32>,
      %broadcast_in_dim3A_3653 = arith.constant 17 : i32
      %broadcast_in_dim3A_3654 = vector.broadcast %broadcast_in_dim3A_3653 : i32 to vector<16xi32>
      %mul3A_3655 = arith.mulf %exp3A_3535, %div3A_3596 : vector<16xf32>
      tpu.vector_store_idx %arg20[%add3A_3601, %broadcast_in_dim3A_3654], %mul3A_3655 : memref<320x32xf32, #tpu.memory_space<vmem>>[vector<16xi32>, vector<16xi32>], vector<16xf32>,
      %broadcast_in_dim3A_3656 = arith.constant 18 : i32
      %broadcast_in_dim3A_3657 = vector.broadcast %broadcast_in_dim3A_3656 : i32 to vector<16xi32>
      %mul3A_3658 = arith.mulf %exp3A_3537, %div3A_3596 : vector<16xf32>
      tpu.vector_store_idx %arg20[%add3A_3601, %broadcast_in_dim3A_3657], %mul3A_3658 : memref<320x32xf32, #tpu.memory_space<vmem>>[vector<16xi32>, vector<16xi32>], vector<16xf32>,
      %broadcast_in_dim3A_3659 = arith.constant 19 : i32
      %broadcast_in_dim3A_3660 = vector.broadcast %broadcast_in_dim3A_3659 : i32 to vector<16xi32>
      %mul3A_3661 = arith.mulf %exp3A_3539, %div3A_3596 : vector<16xf32>
      tpu.vector_store_idx %arg20[%add3A_3601, %broadcast_in_dim3A_3660], %mul3A_3661 : memref<320x32xf32, #tpu.memory_space<vmem>>[vector<16xi32>, vector<16xi32>], vector<16xf32>,
      %broadcast_in_dim3A_3662 = arith.constant 20 : i32
      %broadcast_in_dim3A_3663 = vector.broadcast %broadcast_in_dim3A_3662 : i32 to vector<16xi32>
      %mul3A_3664 = arith.mulf %exp3A_3541, %div3A_3596 : vector<16xf32>
      tpu.vector_store_idx %arg20[%add3A_3601, %broadcast_in_dim3A_3663], %mul3A_3664 : memref<320x32xf32, #tpu.memory_space<vmem>>[vector<16xi32>, vector<16xi32>], vector<16xf32>,
      %broadcast_in_dim3A_3665 = arith.constant 21 : i32
      %broadcast_in_dim3A_3666 = vector.broadcast %broadcast_in_dim3A_3665 : i32 to vector<16xi32>
      %mul3A_3667 = arith.mulf %exp3A_3543, %div3A_3596 : vector<16xf32>
      tpu.vector_store_idx %arg20[%add3A_3601, %broadcast_in_dim3A_3666], %mul3A_3667 : memref<320x32xf32, #tpu.memory_space<vmem>>[vector<16xi32>, vector<16xi32>], vector<16xf32>,
      %broadcast_in_dim3A_3668 = arith.constant 22 : i32
      %broadcast_in_dim3A_3669 = vector.broadcast %broadcast_in_dim3A_3668 : i32 to vector<16xi32>
      %mul3A_3670 = arith.mulf %exp3A_3545, %div3A_3596 : vector<16xf32>
      tpu.vector_store_idx %arg20[%add3A_3601, %broadcast_in_dim3A_3669], %mul3A_3670 : memref<320x32xf32, #tpu.memory_space<vmem>>[vector<16xi32>, vector<16xi32>], vector<16xf32>,
      %broadcast_in_dim3A_3671 = arith.constant 23 : i32
      %broadcast_in_dim3A_3672 = vector.broadcast %broadcast_in_dim3A_3671 : i32 to vector<16xi32>
      %mul3A_3673 = arith.mulf %exp3A_3547, %div3A_3596 : vector<16xf32>
      tpu.vector_store_idx %arg20[%add3A_3601, %broadcast_in_dim3A_3672], %mul3A_3673 : memref<320x32xf32, #tpu.memory_space<vmem>>[vector<16xi32>, vector<16xi32>], vector<16xf32>,
      %broadcast_in_dim3A_3674 = arith.constant 24 : i32
      %broadcast_in_dim3A_3675 = vector.broadcast %broadcast_in_dim3A_3674 : i32 to vector<16xi32>
      %mul3A_3676 = arith.mulf %exp3A_3549, %div3A_3596 : vector<16xf32>
      tpu.vector_store_idx %arg20[%add3A_3601, %broadcast_in_dim3A_3675], %mul3A_3676 : memref<320x32xf32, #tpu.memory_space<vmem>>[vector<16xi32>, vector<16xi32>], vector<16xf32>,
      %broadcast_in_dim3A_3677 = arith.constant 25 : i32
      %broadcast_in_dim3A_3678 = vector.broadcast %broadcast_in_dim3A_3677 : i32 to vector<16xi32>
      %mul3A_3679 = arith.mulf %exp3A_3551, %div3A_3596 : vector<16xf32>
      tpu.vector_store_idx %arg20[%add3A_3601, %broadcast_in_dim3A_3678], %mul3A_3679 : memref<320x32xf32, #tpu.memory_space<vmem>>[vector<16xi32>, vector<16xi32>], vector<16xf32>,
      %broadcast_in_dim3A_3680 = arith.constant 26 : i32
      %broadcast_in_dim3A_3681 = vector.broadcast %broadcast_in_dim3A_3680 : i32 to vector<16xi32>
      %mul3A_3682 = arith.mulf %exp3A_3553, %div3A_3596 : vector<16xf32>
      tpu.vector_store_idx %arg20[%add3A_3601, %broadcast_in_dim3A_3681], %mul3A_3682 : memref<320x32xf32, #tpu.memory_space<vmem>>[vector<16xi32>, vector<16xi32>], vector<16xf32>,
      %broadcast_in_dim3A_3683 = arith.constant 27 : i32
      %broadcast_in_dim3A_3684 = vector.broadcast %broadcast_in_dim3A_3683 : i32 to vector<16xi32>
      %mul3A_3685 = arith.mulf %exp3A_3555, %div3A_3596 : vector<16xf32>
      tpu.vector_store_idx %arg20[%add3A_3601, %broadcast_in_dim3A_3684], %mul3A_3685 : memref<320x32xf32, #tpu.memory_space<vmem>>[vector<16xi32>, vector<16xi32>], vector<16xf32>,
      %broadcast_in_dim3A_3686 = arith.constant 28 : i32
      %broadcast_in_dim3A_3687 = vector.broadcast %broadcast_in_dim3A_3686 : i32 to vector<16xi32>
      %mul3A_3688 = arith.mulf %exp3A_3557, %div3A_3596 : vector<16xf32>
      tpu.vector_store_idx %arg20[%add3A_3601, %broadcast_in_dim3A_3687], %mul3A_3688 : memref<320x32xf32, #tpu.memory_space<vmem>>[vector<16xi32>, vector<16xi32>], vector<16xf32>,
      %broadcast_in_dim3A_3689 = arith.constant 29 : i32
      %broadcast_in_dim3A_3690 = vector.broadcast %broadcast_in_dim3A_3689 : i32 to vector<16xi32>
      %mul3A_3691 = arith.mulf %exp3A_3559, %div3A_3596 : vector<16xf32>
      tpu.vector_store_idx %arg20[%add3A_3601, %broadcast_in_dim3A_3690], %mul3A_3691 : memref<320x32xf32, #tpu.memory_space<vmem>>[vector<16xi32>, vector<16xi32>], vector<16xf32>,
      %broadcast_in_dim3A_3692 = arith.constant 30 : i32
      %broadcast_in_dim3A_3693 = vector.broadcast %broadcast_in_dim3A_3692 : i32 to vector<16xi32>
      %mul3A_3694 = arith.mulf %exp3A_3561, %div3A_3596 : vector<16xf32>
      tpu.vector_store_idx %arg20[%add3A_3601, %broadcast_in_dim3A_3693], %mul3A_3694 : memref<320x32xf32, #tpu.memory_space<vmem>>[vector<16xi32>, vector<16xi32>], vector<16xf32>,
      %broadcast_in_dim3A_3695 = arith.constant 31 : i32
      %broadcast_in_dim3A_3696 = vector.broadcast %broadcast_in_dim3A_3695 : i32 to vector<16xi32>
      %mul3A_3697 = arith.mulf %exp3A_3563, %div3A_3596 : vector<16xf32>
      tpu.vector_store_idx %arg20[%add3A_3601, %broadcast_in_dim3A_3696], %mul3A_3697 : memref<320x32xf32, #tpu.memory_space<vmem>>[vector<16xi32>, vector<16xi32>], vector<16xf32>,
      %mul3A_3698 = arith.constant 16 : i32
      %mul3A_3699 = arith.muli %scan3A_3278, %mul3A_3698 : i32
      %get3A_3700 = arith.index_cast %mul3A_3699 : i32 to index
      %get3A_3701 = tpu.vector_load %arg21[%get3A_3700] {strides = array<i32>} : memref<320xf32, #tpu.memory_space<vmem>>, vector<16xf32>,
      %add3A_3702 = arith.addf %get3A_3701, %max3A_3500 : vector<16xf32>
      %bitcast3A = vector.bitcast %add3A_3594 : vector<16xf32> to vector<16xi32>
      %shift_right_arithmetic3A = arith.constant 23 : i32
      %shift_right_arithmetic3A_3703 = vector.broadcast %shift_right_arithmetic3A : i32 to vector<16xi32>
      %shift_right_arithmetic3A_3704 = arith.shrsi %bitcast3A, %shift_right_arithmetic3A_3703 : vector<16xi32>
      %sub3A_3705 = arith.constant 127 : i32
      %sub3A_3706 = vector.broadcast %sub3A_3705 : i32 to vector<16xi32>
      %sub3A_3707 = arith.subi %shift_right_arithmetic3A_3704, %sub3A_3706 : vector<16xi32>
      %and3A_3708 = arith.constant 8388607 : i32
      %and3A_3709 = vector.broadcast %and3A_3708 : i32 to vector<16xi32>
      %and3A_3710 = arith.andi %bitcast3A, %and3A_3709 : vector<16xi32>
      %or3A = arith.constant 1065353216 : i32
      %or3A_3711 = vector.broadcast %or3A : i32 to vector<16xi32>
      %or3A_3712 = arith.ori %and3A_3710, %or3A_3711 : vector<16xi32>
      %bitcast3A_3713 = vector.bitcast %or3A_3712 : vector<16xi32> to vector<16xf32>
      %sub3A_3714 = arith.constant 1.000000e+00 : f32
      %sub3A_3715 = vector.broadcast %sub3A_3714 : f32 to vector<16xf32>
      %sub3A_3716 = arith.subf %bitcast3A_3713, %sub3A_3715 : vector<16xf32>
      %add3A_3717 = arith.constant 1.000000e+00 : f32
      %add3A_3718 = vector.broadcast %add3A_3717 : f32 to vector<16xf32>
      %add3A_3719 = arith.addf %bitcast3A_3713, %add3A_3718 : vector<16xf32>
      %div3A_3720 = arith.divf %sub3A_3716, %add3A_3719 : vector<16xf32>
      %mul3A_3721 = arith.mulf %div3A_3720, %div3A_3720 : vector<16xf32>
      %mul3A_3722 = arith.constant 0.111111112 : f32
      %mul3A_3723 = vector.broadcast %mul3A_3722 : f32 to vector<16xf32>
      %mul3A_3724 = arith.mulf %mul3A_3721, %mul3A_3723 : vector<16xf32>
      %add3A_3725 = arith.constant 0.142857134 : f32
      %add3A_3726 = vector.broadcast %add3A_3725 : f32 to vector<16xf32>
      %add3A_3727 = arith.addf %add3A_3726, %mul3A_3724 : vector<16xf32>
      %mul3A_3728 = arith.mulf %mul3A_3721, %add3A_3727 : vector<16xf32>
      %add3A_3729 = arith.constant 2.000000e-01 : f32
      %add3A_3730 = vector.broadcast %add3A_3729 : f32 to vector<16xf32>
      %add3A_3731 = arith.addf %add3A_3730, %mul3A_3728 : vector<16xf32>
      %mul3A_3732 = arith.mulf %mul3A_3721, %add3A_3731 : vector<16xf32>
      %add3A_3733 = arith.constant 0.333333343 : f32
      %add3A_3734 = vector.broadcast %add3A_3733 : f32 to vector<16xf32>
      %add3A_3735 = arith.addf %add3A_3734, %mul3A_3732 : vector<16xf32>
      %mul3A_3736 = arith.mulf %mul3A_3721, %add3A_3735 : vector<16xf32>
      %add3A_3737 = arith.constant 1.000000e+00 : f32
      %add3A_3738 = vector.broadcast %add3A_3737 : f32 to vector<16xf32>
      %add3A_3739 = arith.addf %add3A_3738, %mul3A_3736 : vector<16xf32>
      %convert_element_type3A = arith.sitofp %sub3A_3707 : vector<16xi32> to vector<16xf32>
      %mul3A_3740 = arith.constant 0.693147182 : f32
      %mul3A_3741 = vector.broadcast %mul3A_3740 : f32 to vector<16xf32>
      %mul3A_3742 = arith.mulf %convert_element_type3A, %mul3A_3741 : vector<16xf32>
      %mul3A_3743 = arith.constant 2.000000e+00 : f32
      %mul3A_3744 = vector.broadcast %mul3A_3743 : f32 to vector<16xf32>
      %mul3A_3745 = arith.mulf %mul3A_3744, %div3A_3720 : vector<16xf32>
      %mul3A_3746 = arith.mulf %mul3A_3745, %add3A_3739 : vector<16xf32>
      %add3A_3747 = arith.addf %mul3A_3742, %mul3A_3746 : vector<16xf32>
      %add3A_3748 = arith.addf %add3A_3702, %add3A_3747 : vector<16xf32>
      %mul3A_3749 = arith.constant 16 : i32
      %mul3A_3750 = arith.muli %scan3A_3278, %mul3A_3749 : i32
      %swap3A_3751 = arith.index_cast %mul3A_3750 : i32 to index
      %swap3A_3752 = tpu.vector_load %arg22[%swap3A_3751] {strides = array<i32>} : memref<320xf32, #tpu.memory_space<vmem>>, vector<16xf32>,
      tpu.vector_store %arg22[%swap3A_3751], %add3A_3748 {strides = array<i32>} : memref<320xf32, #tpu.memory_space<vmem>>, vector<16xf32>,
    }
    %scan3A_3275 = arith.constant 20 : i32
    %add3A_3276 = arith.addi %mul3A_4, %multiple_of3A_2818 : i32
    %multiple_of3A_3277 = tpu.assume_multiple %add3A_3276, 8 : i32
    "tpu.region"() ({
      %run_scoped3A = tpu.sem_alloc : memref<!tpu.dma_semaphore, #tpu.memory_space<semaphore_mem>>
      %dma_start3A_3278 = arith.constant 0 : i32
      %dma_start3A_3279 = tpu.memref_slice %arg8[%multiple_of3A_3277, %dma_start3A_3278] : memref<10000x32xf32, #tpu.memory_space<hbm>> -> memref<320x32xf32, #tpu.memory_space<hbm>>
      %dma_start3A_3280 = arith.constant 0 : i32
      %dma_start3A_3281 = tpu.memref_slice %arg8[%multiple_of3A_3277, %dma_start3A_3280] : memref<10000x32xf32, #tpu.memory_space<hbm>> -> memref<320x32xf32, #tpu.memory_space<hbm>>
      tpu.enqueue_dma source(%arg20 : memref<320x32xf32, #tpu.memory_space<vmem>>) target(%dma_start3A_3281 : memref<320x32xf32, #tpu.memory_space<hbm>>) target_semaphore(%run_scoped3A : memref<!tpu.dma_semaphore, #tpu.memory_space<semaphore_mem>>)
      %dma_wait3A_3282 = arith.constant 0 : i32
      %dma_wait3A_3283 = tpu.memref_slice %arg8[%multiple_of3A_3277, %dma_wait3A_3282] : memref<10000x32xf32, #tpu.memory_space<hbm>> -> memref<320x32xf32, #tpu.memory_space<hbm>>
      %dma_wait3A_3284 = arith.constant 0 : i32
      %dma_wait3A_3285 = tpu.memref_slice %arg8[%multiple_of3A_3277, %dma_wait3A_3284] : memref<10000x32xf32, #tpu.memory_space<hbm>> -> memref<320x32xf32, #tpu.memory_space<hbm>>
      tpu.wait_dma2 semaphore(%run_scoped3A : memref<!tpu.dma_semaphore, #tpu.memory_space<semaphore_mem>>) src(%arg20 : memref<320x32xf32, #tpu.memory_space<vmem>>) dst(%dma_wait3A_3285 : memref<320x32xf32, #tpu.memory_space<hbm>>)
      tpu.yield
    }) : () -> ()
    "tpu.region"() ({
      %run_scoped3A = tpu.sem_alloc : memref<!tpu.dma_semaphore, #tpu.memory_space<semaphore_mem>>
      %dma_start3A_3278 = tpu.memref_slice %arg9[%multiple_of3A_3277] : memref<10000xf32, #tpu.memory_space<hbm>> -> memref<320xf32, #tpu.memory_space<hbm>>
      %dma_start3A_3279 = tpu.memref_slice %arg9[%multiple_of3A_3277] : memref<10000xf32, #tpu.memory_space<hbm>> -> memref<320xf32, #tpu.memory_space<hbm>>
      tpu.enqueue_dma source(%arg22 : memref<320xf32, #tpu.memory_space<vmem>>) target(%dma_start3A_3279 : memref<320xf32, #tpu.memory_space<hbm>>) target_semaphore(%run_scoped3A : memref<!tpu.dma_semaphore, #tpu.memory_space<semaphore_mem>>)
      %dma_wait3A_3280 = tpu.memref_slice %arg9[%multiple_of3A_3277] : memref<10000xf32, #tpu.memory_space<hbm>> -> memref<320xf32, #tpu.memory_space<hbm>>
      %dma_wait3A_3281 = tpu.memref_slice %arg9[%multiple_of3A_3277] : memref<10000xf32, #tpu.memory_space<hbm>> -> memref<320xf32, #tpu.memory_space<hbm>>
      tpu.wait_dma2 semaphore(%run_scoped3A : memref<!tpu.dma_semaphore, #tpu.memory_space<semaphore_mem>>) src(%arg22 : memref<320xf32, #tpu.memory_space<vmem>>) dst(%dma_wait3A_3281 : memref<320xf32, #tpu.memory_space<hbm>>)
      tpu.yield
    }) : () -> ()
    return
  }
}

module attributes {stable_mosaic.version = 14 : i64} {
  func.func @_ad_body(%arg0: memref<1000xf32, #tpu.memory_space<vmem>>, %arg1: memref<1000xf32, #tpu.memory_space<vmem>>, %arg2: memref<1000xf32, #tpu.memory_space<vmem>>) attributes {dimension_semantics = [], scalar_prefetch = 0 : i64, scratch_operands = 0 : i64, tpu.core_type = #tpu.core_type<tc>} {
    %get3A = arith.constant 0 : index
    %get3A_0 = vector.load %arg0[%get3A] : memref<1000xf32, #tpu.memory_space<vmem>>, vector<1000xf32>
    %logistic3A = arith.negf %get3A_0 : vector<1000xf32>
    %logistic3A_1 = math.exp %logistic3A : vector<1000xf32>
    %logistic3A_2 = arith.constant 1.000000e+00 : f32
    %logistic3A_3 = vector.broadcast %logistic3A_2 : f32 to vector<1000xf32>
    %logistic3A_4 = arith.addf %logistic3A_3, %logistic3A_1 : vector<1000xf32>
    %logistic3A_5 = arith.divf %logistic3A_3, %logistic3A_4 : vector<1000xf32>
    %neg3A = arith.constant 0.000000e+00 : f32
    %neg3A_6 = vector.broadcast %neg3A : f32 to vector<1000xf32>
    %neg3A_7 = arith.subf %neg3A_6, %get3A_0 : vector<1000xf32>
    %logistic3A_8 = arith.negf %neg3A_7 : vector<1000xf32>
    %logistic3A_9 = math.exp %logistic3A_8 : vector<1000xf32>
    %logistic3A_10 = arith.constant 1.000000e+00 : f32
    %logistic3A_11 = vector.broadcast %logistic3A_10 : f32 to vector<1000xf32>
    %logistic3A_12 = arith.addf %logistic3A_11, %logistic3A_9 : vector<1000xf32>
    %logistic3A_13 = arith.divf %logistic3A_11, %logistic3A_12 : vector<1000xf32>
    %add3A = arith.addf %logistic3A_5, %logistic3A_13 : vector<1000xf32>
    %mul3A = arith.constant 3.200000e+01 : f32
    %mul3A_14 = vector.broadcast %mul3A : f32 to vector<1000xf32>
    %mul3A_15 = arith.mulf %mul3A_14, %add3A : vector<1000xf32>
    %div3A = arith.divf %logistic3A_13, %mul3A_15 : vector<1000xf32>
    %log3A = math.log %div3A : vector<1000xf32>
    %div3A_16 = arith.constant 3.200000e+01 : f32
    %div3A_17 = vector.broadcast %div3A_16 : f32 to vector<1000xf32>
    %div3A_18 = arith.divf %logistic3A_13, %div3A_17 : vector<1000xf32>
    %add3A_19 = arith.addf %logistic3A_5, %div3A_18 : vector<1000xf32>
    %div3A_20 = arith.divf %add3A_19, %add3A : vector<1000xf32>
    %log3A_21 = math.log %div3A_20 : vector<1000xf32>
    %swap3A = arith.constant 0 : index
    %swap3A_22 = vector.load %arg1[%swap3A] : memref<1000xf32, #tpu.memory_space<vmem>>, vector<1000xf32>
    tpu.vector_store %arg1[%swap3A], %log3A {strides = array<i32>} : memref<1000xf32, #tpu.memory_space<vmem>>, vector<1000xf32>,
    %sub3A = arith.subf %log3A_21, %log3A : vector<1000xf32>
    %swap3A_23 = arith.constant 0 : index
    %swap3A_24 = vector.load %arg2[%swap3A_23] : memref<1000xf32, #tpu.memory_space<vmem>>, vector<1000xf32>
    tpu.vector_store %arg2[%swap3A_23], %sub3A {strides = array<i32>} : memref<1000xf32, #tpu.memory_space<vmem>>, vector<1000xf32>,
    return
  }
}

</mosaic_0001>

<sc_bundles>
// kernel: kernel.4.cloned.1.call-start
scs
__scs_entry_jumppad:
0x0: {  	(pc) =	sbr.rel $0x88, $3  }
0x1: {  	(tag) =	ssettag $0x0;
	lr =	simm.s32 $0x1  }
0x2: {  	[smem:$0x3F9D] =	sst lr;
	_ =	strace $0xD0000000  }
0x3: {  	_ = 	snop  }
0x4: {  	_ = 	snop  }
0x5: {  	_ = 	snop  }
0x6: {  	_ = 	snop  }
0x7: {  	_ = 	snop  }
__scs_overlays_trampoline_lowered:
0x8: {  	[smem:$0x3FAC] =	sst s0  }
0x9: {  	[smem:$0x3FAD] =	sst s1  }
0xa: {  	[smem:$0x3FAE] =	sst s2  }
0xb: {  	[smem:$0x3FAF] =	sst s3  }
0xc: {  	[smem:$0x3FB0] =	sst s4  }
0xd: {  	[smem:$0x3FB1] =	sst s5  }
0xe: {  	[smem:$0x3FB2] =	sst s6  }
0xf: {  	[smem:$0x3FB3] =	sst s7  }
0x10: {  	[smem:$0x3FB4] =	sst s8  }
0x11: {  	[smem:$0x3FB5] =	sst s9;
	s0 =	simm.s32 @!p0 $0x0  }
0x12: {  	s1 =	sld [smem:$0x3F9B];
	s0 =	simm.s32 @p0 $0x1  }
0x13: {  	[smem:$0x3FB6] =	sst s0;
	s0 =	simm.s32 @!p1 $0x0  }
0x14: {  	s2 =	sld [smem:$0x3F9A];
	s0 =	simm.s32 @p1 $0x1  }
0x15: {  	[smem:$0x3FB7] =	sst s0;
	s0 =	simm.s32 @!p2 $0x0  }
0x16: {  	s3 =	sld [smem:$0x3FDB];
	s0 =	simm.s32 @p2 $0x1  }
0x17: {  	s4 =	simm.s32 $0x1BF5;
	[smem:$0x3FB9] =	sst s0  }
0x18: {  	s0 =	sld [smem:$0x3F9C];
	_ =	swait.ge [sflag:s4], $0x0  }
0x19: {  	s7 =	sld [smem:$0x3F9D]  }
0x1a: {  	s8 =	sadd.s32 $0xFFFFE003, lr  }
0x1b: {  	s9 =	sadd.s32 $0xFFFFFEF7, lr;
	s5 =	simm.s32 $0xFFFFFFFF;
	p2 =	slt.u32 s8, $0xFFFFF086  }
0x1c: {  	p1 =	slt.u32 s9, $0xF7A;
	s5 =	simm.s32 @!p2 $0x0  }
0x1d: {  	s5 =	simm.s32 @p1 $0x1;
	p0 =	seq.s32 s7, s2  }
0x1e: {  	s7 =	smul.u32 @!p0 $0xF7A, s2;
	p2 =	seq.s32 @!p0 s5, $0x0  }
0x1f: {  	s9 =	smul.u32 $0xF7A, s1;
	s8 =	simm.s32 @!p0 $0x1BF5;
	p2 =	por !p2, p0  }
0x20: {  	[sflag:s8] =	ssyncset.s32 @!p0 $0xFFFFF086;
	s6 =	sadd.s32 @!p0 s3, s7;
	s7 =	simm.s32 @!p0 $0x108  }
0x21: {  	s3 =	sadd.s32 s3, s9;
	s6 =	sadd.s32 @!p0 $0x88, s6;
	s7 =	simm.s32 @p2 $0x1082  }
0x22: {  	[simem:s7], [sflag:s8] =	dma.local @!p0 [hbm:s6], $0xF7A  }
0x23: {  	s9 =	sor.u32 $0xD0000000, s2;
	s6 =	simm.s32 $0x108;
	_ =	swait.ge @!p0 [sflag:s8], $0x0  }
0x24: {  	s3 =	sadd.s32 $0x88, s3;
	s6 =	simm.s32 @!p1 $0x1082;
	[sflag:s4] =	ssyncset.s32 $0xFFFFF086  }
0x25: {  	[simem:s6], [sflag:s4] =	dma.local [hbm:s3], $0xF7A  }
0x26: {  	[smem:$0x3F9D] =	sst s1;
	(tag) =	ssettag s2;
	_ =	strace s9  }
0x27: {  	s1 =	sld [smem:$0x3FAD]  }
0x28: {  	s2 =	sld [smem:$0x3FAE]  }
0x29: {  	s4 =	sld [smem:$0x3FB0]  }
0x2a: {  	p0 =	seq.s32 s5, $0x0;
	s5 =	sld [smem:$0x3FB1]  }
0x2b: {  	s6 =	sld [smem:$0x3FB2]  }
0x2c: {  	s7 =	sld [smem:$0x3FB3]  }
0x2d: {  	s3 =	simm.s32 $0x108;
	s8 =	sld [smem:$0x3FB4]  }
0x2e: {  	s3 =	simm.s32 @!p0 $0x1082;
	s9 =	sld [smem:$0x3FB5]  }
0x2f: {  	lr =	sadd.s32 s0, s3;
	s0 =	sld [smem:$0x3FAC]  }
0x30: {  	s3 =	sld [smem:$0x3FAF]  }
0x31: {  	[smem:$0x3FB8] =	sst s10  }
0x32: {  	s10 =	sld [smem:$0x3FB6];
	_ =	sdelay $0x3  }
0x33: {  	p0 =	seq.s32 s10, $0x1;
	s10 =	sld [smem:$0x3FB8];
	_ =	sdelay $0x3  }
0x34: {  	[smem:$0x3FB8] =	sst s10  }
0x35: {  	s10 =	sld [smem:$0x3FB7];
	_ =	sdelay $0x3  }
0x36: {  	p1 =	seq.s32 s10, $0x1;
	s10 =	sld [smem:$0x3FB8];
	_ =	sdelay $0x3  }
0x37: {  	[smem:$0x3FB8] =	sst s10  }
0x38: {  	s10 =	sld [smem:$0x3FB9]  }
0x39: {  	_ = 	snop;
	(pc) =	sbr.ind lr, $3  }
0x3a: {  	_ = 	snop  }
0x3b: {  	_ = 	snop  }
0x3c: {  	p2 =	seq.s32 s10, $0x1;
	s10 =	sld [smem:$0x3FB8]  }
0x3d: {  	_ =	shalt  }
0x3e: {  	_ =	shalt  }
0x3f: {  	_ =	shalt  }
0x40: {  	_ =	shalt  }
0x41: {  	_ =	shalt  }
0x42: {  	_ =	shalt  }
0x43: {  	_ =	shalt  }
0x44: {  	_ =	shalt  }
0x45: {  	_ =	shalt  }
0x46: {  	_ =	shalt  }
0x47: {  	_ =	shalt  }
0x48: {  	_ =	shalt  }
0x49: {  	_ =	shalt  }
0x4a: {  	_ =	shalt  }
0x4b: {  	_ =	shalt  }
0x4c: {  	_ =	shalt  }
0x4d: {  	_ =	shalt  }
0x4e: {  	_ =	shalt  }
0x4f: {  	_ =	shalt  }
0x50: {  	_ =	shalt  }
0x51: {  	_ =	shalt  }
0x52: {  	_ =	shalt  }
0x53: {  	_ =	shalt  }
0x54: {  	_ =	shalt  }
0x55: {  	_ =	shalt  }
0x56: {  	_ =	shalt  }
0x57: {  	_ =	shalt  }
0x58: {  	_ =	shalt  }
0x59: {  	_ =	shalt  }
0x5a: {  	_ =	shalt  }
0x5b: {  	_ =	shalt  }
0x5c: {  	_ =	shalt  }
0x5d: {  	_ =	shalt  }
0x5e: {  	_ =	shalt  }
0x5f: {  	_ =	shalt  }
0x60: {  	_ =	shalt  }
0x61: {  	_ =	shalt  }
0x62: {  	_ =	shalt  }
0x63: {  	_ =	shalt  }
0x64: {  	_ =	shalt  }
0x65: {  	_ =	shalt  }
0x66: {  	_ =	shalt  }
0x67: {  	_ =	shalt  }
0x68: {  	_ =	shalt  }
0x69: {  	_ =	shalt  }
0x6a: {  	_ =	shalt  }
0x6b: {  	_ =	shalt  }
0x6c: {  	_ =	shalt  }
0x6d: {  	_ =	shalt  }
0x6e: {  	_ =	shalt  }
0x6f: {  	_ =	shalt  }
0x70: {  	_ =	shalt  }
0x71: {  	_ =	shalt  }
0x72: {  	_ =	shalt  }
0x73: {  	_ =	shalt  }
0x74: {  	_ =	shalt  }
0x75: {  	_ =	shalt  }
0x76: {  	_ =	shalt  }
0x77: {  	_ =	shalt  }
0x78: {  	_ =	shalt  }
0x79: {  	_ =	shalt  }
0x7a: {  	_ =	shalt  }
0x7b: {  	_ =	shalt  }
0x7c: {  	_ =	shalt  }
0x7d: {  	_ =	shalt  }
0x7e: {  	_ =	shalt  }
0x7f: {  	_ =	shalt  }
0x80: {  	_ =	shalt  }
0x81: {  	_ =	shalt  }
0x82: {  	_ =	shalt  }
0x83: {  	_ =	shalt  }
0x84: {  	_ =	shalt  }
0x85: {  	_ =	shalt  }
0x86: {  	_ =	shalt  }
0x87: {  	_ =	shalt  }
.Lfunc_end0:
.L_simem_size_0:
called_computation_lowered:
.L_overlay_start_0:
0x88: {  	s2 =	sld [smem:$0x3FD9]  }
0x89: {  	s3 =	sld [smem:$0x3FFE];
	_ =	sdelay $0x1  }
0x8a: {  	s1 =	srdreg.scid  }
0x8b: {  	s0 =	sand.u32 $0x1, s1  }
0x8c: {  	s14 =	sshll.u32 s0, $0xA;
	s2 =	sadd.s32 s3, s2  }
0x8d: {  	s2 =	sadd.s32 s2, s14  }
0x8e: {  	[smem:$0x3FC4] =	sst s2  }
0x8f: {  	_ = 	snop  }
0x90: {  	s2 =	sld [smem:$0x3FD0]  }
0x91: {  	s15 =	sld [smem:$0x3FC9]  }
0x92: {  	s4 =	sld [smem:$0x3FC8]  }
0x93: {  	s6 =	simm.s32 $0xA;
	s7 =	simm.s32 $0x10;
	s5 =	sld [smem:$0x3FC7]  }
0x94: {  	[smem:s7], [sflag:s6] =	dma.local [hbm:s2], $0x1  }
0x95: {  	_ =	swait.eq [sflag:s6], $0x1  }
0x96: {  	[sflag:s6] =	ssyncset.done $0x0  }
0x97: {  	s16 =	sld [smem:$0x10];
	[sflag:s6] =	ssyncadd.s32 $0xFFFFFFFF  }
0x98: {  	s17 =	sld [smem:$0x11];
	(tm) =	ssettm $0x1  }
0x99: {  	s18 =	sld [smem:$0x3FFB];
	_ =	sdelay $0x3  }
0x9a: {  	_ =	strace s18  }
0x9b: {  	s7 =	sld [smem:$0x3FFC];
	_ =	sdelay $0x3  }
0x9c: {  	_ =	strace s7  }
0x9d: {  	s7 =	sld [smem:$0x3FFD];
	_ =	sdelay $0x3  }
0x9e: {  	_ =	strace s7  }
0x9f: {  	_ =	strace $0x8FFFFFFF  }
0xa0: {  	s19 =	sld [smem:$0x3FDB];
	_ =	sdelay $0x1  }
0xa1: {  	s8 =	simm.s32 $_scs_section_size  }
0xa2: {  	s9 =	simm.s32 $_size__tile_overlayer_lowered;
	s10 =	simm.s32 $_tile_overlayer_lowered  }
0xa3: {  	s22 =	simm.s32 $0x1BFF;
	s21 =	sshll.u32 s10, $0x1;
	s7 =	sadd.s32 s8, s19  }
0xa4: {  	s11 =	simm.s32 $0x0;
	s20 =	sshll.u32 s9, $0x1;
	s9 =	sadd.s32 s21, s7  }
0xa5: {  	[timem:s11], [sflag:s22] =	dma.local [hbm:s9], s20  }
0xa6: {  	_ =	swait.ge [sflag:s22], s20  }
0xa7: {  	s8 =	ssub.s32 $0x0, s20;
	[sflag:s22] =	ssyncset.done $0x0  }
0xa8: {  	[sflag:s22] =	ssyncadd.s32 s8;
	_ =	sdelay $0x1  }
0xa9: {  	s23 =	simm.s32 $0x1B8B  }
0xaa: {  	_ =	swait.ge [sflag:s23], $0x1  }
0xab: {  	[sflag:s23] =	ssyncset.done $0x0  }
0xac: {  	s25 =	simm.s32 $0x1B8E;
	s24 =	sld [smem:$0x3FFE];
	[sflag:s23] =	ssyncadd.s32 $0xFFFFFFFF  }
0xad: {  	s26 =	simm.s32 $execute0_lowered;
	[smem:$0x3FD2] =	sst s25  }
0xae: {  	s9 =	sshll.u32 s26, $0x1;
	_ =	strace $0x80000046;
	[dreg:$0x1] =	wrdreg $0xFFFFFFFF  }
0xaf: {  	s28 =	simm.s32 $_size_execute0_lowered;
	s7 =	sadd.s32 s7, s9;
	[dreg:$0x0] =	wrdreg $0x0  }
0xb0: {  	s9 =	sshll.u32 s28, $0x1;
	[dreg:$0x2] =	wrdreg s7  }
0xb1: {  	[dreg:$0x3] =	wrdreg s9  }
0xb2: {  	[dreg:$0x4] =	wrdreg $0xC0  }
0xb3: {  	_ =	task [dreg:s11], $0x5FFFF  }
0xb4: {  	[dreg:$0x1] =	wrdreg $0xFFFFFFFF  }
0xb5: {  	[dreg:$0x0] =	wrdreg $0x60  }
0xb6: {  	[dreg:$0x2] =	wrdreg s15  }
0xb7: {  	[dreg:$0x3] =	wrdreg s4  }
0xb8: {  	[dreg:$0x4] =	wrdreg s5  }
0xb9: {  	[dreg:$0x5] =	wrdreg s24  }
0xba: {  	[dreg:$0x6] =	wrdreg s16  }
0xbb: {  	[dreg:$0x7] =	wrdreg s17  }
0xbc: {  	[dreg:$0x8] =	wrdreg $0xFA800  }
0xbd: {  	[dreg:$0x9] =	wrdreg $0x122800  }
0xbe: {  	[dreg:$0xa] =	wrdreg $0x9  }
0xbf: {  	_ =	task.clear_ibuf [dreg:s11], $0xBFFFF;
	_ =	strace $0x90000046  }
0xc0: {  	s29 =	simm.s32 $0x9;
	_ =	strace $0x80000048  }
0xc1: {  	_ =	swait.ge [sflag:s29], $0x1  }
0xc2: {  	[sflag:s29] =	ssyncadd.s32 $0xFFFFFFFF  }
0xc3: {  	_ =	strace $0x90000048  }
0xc4: {  	_ =	sfence  }
0xc5: {  	s30 =	sld [smem:$0x0];
	_ =	sdelay $0x2  }
0xc6: {  	s31 =	sshll.u32 s1, $0xD;
	s1 =	sshrl.u32 s1, $0x2  }
0xc7: {  	s3 =	sand.u32 $0x4000, s31;
	s1 =	sadd.s32 s1, s30  }
0xc8: {  	s0 =	sor.u32 s3, s0;
	s1 =	sshll.u32 s1, $0x11  }
0xc9: {  	s0 =	sor.u32 s1, s0  }
0xca: {  	s0 =	sadd.s32 $0x8F2B, s0  }
0xcb: {  	[sflag:s0] =	ssyncadd.remote.s32 $0x1  }
0xcc: {  	_ =	sfence.sel $0xFFFF  }
0xcd: {  	[dreg:$0x0] =	wrdreg $0xFFFFFFFF;
	(pc) =	sbr.abs _section_cstart, $3  }
0xce: {  	[dreg:$0x1] =	wrdreg $0xFFFFFFFF  }
0xcf: {  	_ =	task.clear_ibuf [dreg:s11], $0x2FFFF;
	_ =	strace $0x9FFFFFFF  }
0xd0: {  	(tm) =	ssettm $0x7FFFFFFF  }
0xd1: {  	_ =	shalt  }
tec
execute0_lowered:
.L_overlay_start_1:
0x0: {  	(tag) =	ssettag $0x1  }
0x1: {  	s0 =	rddreg [dreg:$0x0]  }
0x2: {  	s9 =	rddreg [dreg:$0x1]  }
0x3: {  	s11 =	rddreg [dreg:$0x2]  }
0x4: {  	s7 =	rddreg [dreg:$0x3]  }
0x5: {  	s2 =	rddreg [dreg:$0x5]  }
0x6: {  	s3 =	rddreg [dreg:$0x6]  }
0x7: {  	s4 =	rddreg [dreg:$0x7]  }
0x8: {  	s17 =	stileid.u32;
	s5 =	simm.s32 $0x0;
	s1 =	srdreg.scid  }
0x9: {  	s6 =	smul.u32 $0x139, s17;
	[smem:$0x7FF] =	sst s5;
	s8 =	sand.u32 $0x1, s1  }
0xa: {  	v0 =	vlaneseq.u32;
	v3 =	vimm.s32 $0x0;
	s21 =	sadd.s32 $0x1000, s7;
	s1 =	smul.u32 $0x271, s17;
	s10 =	sadd.s32 $0x1200, s7  }
0xb: {  	v5 =	vimm.s32 $0x0;
	v50 =	vimm.s32 $0x0;
	v26 =	vimm.s32 $0x0;
	s24 =	smul.u32 $0xA000, s17;
	s16 =	sand.u32 $0x7, s17;
	_ =	strace $0x80000047  }
0xc: {  	v38 =	vimm.s32 $0x0;
	v40 =	vimm.s32 $0x0;
	v51 =	vimm.s32 $0x0;
	s14 =	smul.u32 $0x1388, s8;
	[dreg:$0x9] =	wrdreg s21;
	s20 =	smin.u32 s6, $0x1248  }
0xd: {  	v41 =	vimm.s32 $0x0;
	v52 =	vimm.s32 $0x0;
	v42 =	vimm.s32 $0x0;
	s19 =	sshll.u32 s17, $0x6;
	[dreg:$0xa] =	wrdreg s10;
	s6 =	sand.u32 $0x1FF8, s20  }
0xe: {  	v53 =	vimm.s32 $0x0;
	v54 =	vimm.s32 $0x0;
	v55 =	vimm.s32 $0x0;
	s12 =	ssub.s32 $0x2, s8;
	s26 =	smul.u32 $0xA00, s16;
	s10 =	sadd.s32 s14, s6  }
0xf: {  	v56 =	vimm.s32 $0x0;
	v57 =	vimm.s32 $0x0;
	v58 =	vimm.s32 $0x0;
	s13 =	sshrl.u32 s12, $0x1;
	s15 =	sand.u32 $0x3FF8, s1;
	s22 =	sshll.u32 s10, $0x4  }
0x10: {  	v59 =	vimm.s32 $0x0;
	v60 =	vimm.s32 $0x0;
	v61 =	vimm.s32 $0x0;
	s8 =	sadd.s32 s22, s7;
	s7 =	ssub.s32 s12, s13;
	s12 =	smin.u32 s15, $0x2490  }
0x11: {  	v62 =	vimm.s32 $0x0;
	v63 =	vimm.s32 $0x0;
	v45 =	vimm.s32 $0x0;
	s18 =	sshrl.u32 s24, $0x2;
	s23 =	sshrl.u32 s12, $0x3;
	s20 =	sadd.s32 $0x10, s12  }
0x12: {  	v46 =	vimm.s32 $0x0;
	v47 =	vimm.s32 $0x0;
	v2 =	vadd.s32 s12, v0;
	s24 =	sadd.s32 $0x50, s12;
	s0 =	sadd.s32 s0, s23;
	s25 =	sadd.s32 s9, s23  }
0x13: {  	v48 =	vimm.s32 $0x0;
	v49 =	vimm.s32 $0x0;
	s16 =	sadd.s32 s11, s23;
	s9 =	sadd.s32 s18, s3;
	s11 =	sor.u32 $0x1C01, s19;
	vm0 =	vge.u32 v2, s1  }
0x14: {  	v4 =	vadd.s32 s20, v0;
	s23 =	sadd.s32 $0x40, s12;
	v6 =	vadd.s32 s24, v0;
	s18 =	sadd.s32 $0x80, s12;
	s19 =	sadd.s32 $0x90, s12;
	v3 =	vsel vm0, $0xFFFFFFFF, v3  }
0x15: {  	s20 =	sadd.s32 $0xA0, s12;
	s24 =	sadd.s32 $0xE0, s12;
	[dreg:$0xb] =	wrdreg s0;
	vm0 =	vge.u32 v4, s1;
	v27 =	vadd.s32 s23, v0;
	v8 =	vadd.s32 s18, v0  }
0x16: {  	s21 =	sadd.s32 $0x20, s12;
	[dreg:$0xc] =	wrdreg s25;
	s25 =	sadd.s32 $0x60, s12;
	v9 =	vadd.s32 s19, v0;
	v29 =	vadd.s32 s20, v0;
	v12 =	vadd.s32 s24, v0  }
0x17: {  	s0 =	sshrl.u32 s26, $0x2;
	s26 =	sadd.s32 $0x70, s12;
	s23 =	sadd.s32 $0xD0, s12;
	[tilespmem:$0x1FA50] =	vst v3;
	v3 =	vadd.s32 s21, v0;
	v5 =	vsel vm0, $0xFFFFFFFF, v5;
	v7 =	vadd.s32 s25, v0  }
0x18: {  	s18 =	sadd.s32 $0x110, s12;
	s19 =	sadd.s32 $0x120, s12;
	v28 =	vadd.s32 s26, v0;
	v30 =	vadd.s32 s23, v0;
	vm0 =	vge.u32 v3, s1  }
0x19: {  	s22 =	sadd.s32 $0x30, s12;
	s20 =	sadd.s32 $0x130, s12;
	s24 =	sadd.s32 $0x170, s12;
	v14 =	vadd.s32 s18, v0;
	v15 =	vadd.s32 s19, v0;
	[tilespmem:$0x1FA70] =	vst v5;
	v5 =	vsel vm0, $0xFFFFFFFF, v50  }
0x1a: {  	s21 =	sadd.s32 $0xB0, s12;
	s25 =	sadd.s32 $0xF0, s12;
	v32 =	vadd.s32 s20, v0;
	v18 =	vadd.s32 s24, v0;
	[tilespmem:$0x1FAA0] =	vst v5;
	v5 =	vadd.s32 s22, v0  }
0x1b: {  	s26 =	sadd.s32 $0x100, s12;
	v10 =	vadd.s32 s21, v0;
	v13 =	vadd.s32 s25, v0;
	vm0 =	vge.u32 v5, s1  }
0x1c: {  	s23 =	sadd.s32 $0x160, s12;
	v31 =	vadd.s32 s26, v0;
	v26 =	vsel vm0, $0xFFFFFFFF, v26;
	vm0 =	vge.u32 v27, s1  }
0x1d: {  	s18 =	sadd.s32 $0x1A0, s12;
	v33 =	vadd.s32 s23, v0;
	[tilespmem:$0x1FAD0] =	vst v26;
	v38 =	vsel vm0, $0xFFFFFFFF, v38;
	vm0 =	vge.u32 v6, s1  }
0x1e: {  	s19 =	sadd.s32 $0x1B0, s12;
	v20 =	vadd.s32 s18, v0;
	[tilespmem:$0x1FAF0] =	vst v38;
	v40 =	vsel vm0, $0xFFFFFFFF, v40;
	vm0 =	vge.u32 v7, s1  }
0x1f: {  	s20 =	sadd.s32 $0x1C0, s12;
	v21 =	vadd.s32 s19, v0;
	[tilespmem:$0x1FB20] =	vst v40;
	v40 =	vsel vm0, $0xFFFFFFFF, v51;
	vm0 =	vge.u32 v28, s1  }
0x20: {  	s24 =	sadd.s32 $0x200, s12;
	v35 =	vadd.s32 s20, v0;
	[tilespmem:$0x1FB40] =	vst v40;
	v41 =	vsel vm0, $0xFFFFFFFF, v41;
	vm0 =	vge.u32 v8, s1  }
0x21: {  	s13 =	sadd.s32 s0, s4;
	s0 =	sadd.s32 $0x271, s1;
	v24 =	vadd.s32 s24, v0;
	[tilespmem:$0x1FB60] =	vst v41;
	v41 =	vsel vm0, $0xFFFFFFFF, v52;
	vm0 =	vge.u32 v9, s1  }
0x22: {  	vm1 =	vlt.u32 v2, s0;
	s22 =	sadd.s32 $0xC0, s12;
	[tilespmem:$0x1FB90] =	vst v41;
	v42 =	vsel vm0, $0xFFFFFFFF, v42;
	vm0 =	vge.u32 v29, s1  }
0x23: {  	s21 =	sadd.s32 $0x140, s12;
	v11 =	vadd.s32 s22, v0;
	[tilespmem:$0x1FBB0] =	vst v42;
	v42 =	vsel vm0, $0xFFFFFFFF, v53;
	vm0 =	vge.u32 v10, s1  }
0x24: {  	s25 =	sadd.s32 $0x180, s12;
	v16 =	vadd.s32 s21, v0;
	[tilespmem:$0x1FBD0] =	vst v42;
	v42 =	vsel vm0, $0xFFFFFFFF, v54;
	vm0 =	vge.u32 v11, s1  }
0x25: {  	s26 =	sadd.s32 $0x190, s12;
	v19 =	vadd.s32 s25, v0;
	[tilespmem:$0x1FC00] =	vst v42;
	v42 =	vsel vm0, $0xFFFFFFFF, v55;
	vm0 =	vge.u32 v30, s1  }
0x26: {  	s23 =	sadd.s32 $0x1F0, s12;
	v34 =	vadd.s32 s26, v0;
	[tilespmem:$0x1FC20] =	vst v42;
	v42 =	vsel vm0, $0xFFFFFFFF, v56;
	vm0 =	vge.u32 v12, s1  }
0x27: {  	s18 =	sadd.s32 $0x250, s12;
	v36 =	vadd.s32 s23, v0;
	[tilespmem:$0x1FC40] =	vst v42;
	v42 =	vsel vm0, $0xFFFFFFFF, v57;
	vm0 =	vge.u32 v13, s1  }
0x28: {  	v39 =	vadd.s32 s18, v0;
	[tilespmem:$0x1FC70] =	vst v42;
	v42 =	vsel vm0, $0xFFFFFFFF, v58;
	vm0 =	vge.u32 v31, s1  }
0x29: {  	s21 =	sadd.s32 $0x1D0, s12;
	v50 =	vimm.s32 $0x0;
	[tilespmem:$0x1FC90] =	vst v42;
	v42 =	vsel vm0, $0xFFFFFFFF, v59;
	vm0 =	vge.u32 v14, s1  }
0x2a: {  	s25 =	sadd.s32 $0x210, s12;
	v22 =	vadd.s32 s21, v0;
	[tilespmem:$0x1FCB0] =	vst v42;
	v42 =	vsel vm0, $0xFFFFFFFF, v60;
	vm0 =	vge.u32 v15, s1  }
0x2b: {  	v25 =	vadd.s32 s25, v0;
	s22 =	sadd.s32 $0x150, s12;
	[tilespmem:$0x1FCE0] =	vst v42;
	v42 =	vsel vm0, $0xFFFFFFFF, v61;
	vm0 =	vge.u32 v32, s1  }
0x2c: {  	s26 =	sadd.s32 $0x220, s12;
	v17 =	vadd.s32 s22, v0;
	[tilespmem:$0x1FD00] =	vst v42;
	v42 =	vsel vm0, $0xFFFFFFFF, v62;
	vm0 =	vge.u32 v16, s1  }
0x2d: {  	v37 =	vadd.s32 s26, v0;
	s22 =	sadd.s32 $0x1E0, s12;
	[tilespmem:$0x1FD20] =	vst v42;
	v42 =	vsel vm0, $0xFFFFFFFF, v63;
	vm0 =	vge.u32 v17, s1  }
0x2e: {  	s15 =	sadd.s32 $0x230, s12;
	v23 =	vadd.s32 s22, v0;
	[tilespmem:$0x1FD50] =	vst v42;
	v42 =	vsel vm0, $0xFFFFFFFF, v45;
	vm0 =	vge.u32 v33, s1  }
0x2f: {  	s17 =	sadd.s32 $0x240, s12;
	v26 =	vadd.s32 s15, v0;
	[tilespmem:$0x1FD70] =	vst v42;
	v42 =	vsel vm0, $0xFFFFFFFF, v46;
	vm0 =	vge.u32 v18, s1  }
0x30: {  	v38 =	vadd.s32 s17, v0;
	[tilespmem:$0x1FD90] =	vst v42;
	v42 =	vsel vm0, $0xFFFFFFFF, v47;
	vm0 =	vge.u32 v19, s1  }
0x31: {  	s19 =	sadd.s32 $0x260, s12;
	v51 =	vimm.s32 $0x0;
	[tilespmem:$0x1FDC0] =	vst v42;
	v42 =	vsel vm0, $0xFFFFFFFF, v48;
	vm0 =	vge.u32 v34, s1  }
0x32: {  	v40 =	vadd.s32 s19, v0;
	[tilespmem:$0x1FDE0] =	vst v42;
	v42 =	vsel vm0, $0xFFFFFFFF, v49;
	vm0 =	vge.u32 v20, s1  }
0x33: {  	s20 =	sadd.s32 $0x270, s12;
	v52 =	vimm.s32 $0x0;
	[tilespmem:$0x1FE10] =	vst v42;
	v42 =	vsel vm0, $0xFFFFFFFF, v50;
	vm0 =	vge.u32 v21, s1  }
0x34: {  	v41 =	vadd.s32 s20, v0;
	[tilespmem:$0x1FE40] =	vst v42;
	v42 =	vsel vm0, $0xFFFFFFFF, v51;
	vm0 =	vge.u32 v35, s1  }
0x35: {  	v53 =	vimm.s32 $0x0;
	[tilespmem:$0x1FE60] =	vst v42;
	v42 =	vsel vm0, $0xFFFFFFFF, v52;
	vm0 =	vge.u32 v22, s1  }
0x36: {  	v54 =	vimm.s32 $0x0;
	[tilespmem:$0x1FE80] =	vst v42;
	v42 =	vsel vm0, $0xFFFFFFFF, v53;
	vm0 =	vge.u32 v23, s1  }
0x37: {  	v55 =	vimm.s32 $0x0;
	[tilespmem:$0x1FEA0] =	vst v42;
	v42 =	vsel vm0, $0xFFFFFFFF, v54;
	vm0 =	vge.u32 v36, s1  }
0x38: {  	v56 =	vimm.s32 $0x0;
	[tilespmem:$0x1FEC0] =	vst v42;
	v42 =	vsel vm0, $0xFFFFFFFF, v55;
	vm0 =	vge.u32 v24, s1  }
0x39: {  	v57 =	vimm.s32 $0x0;
	[tilespmem:$0x1FEE0] =	vst v42;
	v42 =	vsel vm0, $0xFFFFFFFF, v56;
	vm0 =	vge.u32 v25, s1  }
0x3a: {  	v58 =	vimm.s32 $0x0;
	[tilespmem:$0x1FF00] =	vst v42;
	v42 =	vsel vm0, $0xFFFFFFFF, v57;
	vm0 =	vge.u32 v37, s1  }
0x3b: {  	v59 =	vimm.s32 $0x0;
	[tilespmem:$0x1FF20] =	vst v42;
	v42 =	vsel vm0, $0xFFFFFFFF, v58;
	vm0 =	vge.u32 v26, s1  }
0x3c: {  	v60 =	vimm.s32 $0x0;
	[tilespmem:$0x1FF40] =	vst v42;
	v42 =	vsel vm0, $0xFFFFFFFF, v59;
	vm0 =	vge.u32 v38, s1  }
0x3d: {  	v61 =	vimm.s32 $0x0;
	[tilespmem:$0x1FF60] =	vst v42;
	v42 =	vsel vm0, $0xFFFFFFFF, v60;
	vm0 =	vge.u32 v39, s1  }
0x3e: {  	v62 =	vimm.s32 $0x0;
	[tilespmem:$0x1FF80] =	vst v42;
	v42 =	vsel vm0, $0xFFFFFFFF, v61;
	vm0 =	vge.u32 v40, s1  }
0x3f: {  	v63 =	vimm.s32 $0x0;
	[tilespmem:$0x1FFA0] =	vst v42;
	v42 =	vsel vm0, $0xFFFFFFFF, v62;
	vm0 =	vge.u32 v41, s1  }
0x40: {  	v2 =	vimm.s32 $0x0;
	[tilespmem:$0x1FFC0] =	vst v42;
	v42 =	vsel vm0, $0xFFFFFFFF, v63;
	vm0 =	vlt.u32 v4, s0  }
0x41: {  	v2 =	vsel vm0, $0xFFFFFFFF, v2  }
0x42: {  	vm0 =	vlt.u32 v3, s0;
	[tilespmem:$0x1FA80] =	vst v2;
	v2 =	vimm.s32 $0x0  }
0x43: {  	v2 =	vsel vm0, $0xFFFFFFFF, v2  }
0x44: {  	vm0 =	vlt.u32 v27, s0;
	[tilespmem:$0x1FAB0] =	vst v2;
	v2 =	vimm.s32 $0x0  }
0x45: {  	v2 =	vsel vm0, $0xFFFFFFFF, v2  }
0x46: {  	vm0 =	vlt.u32 v28, s0;
	[tilespmem:$0x1FB00] =	vst v2;
	v2 =	vimm.s32 $0x0  }
0x47: {  	v2 =	vsel vm0, $0xFFFFFFFF, v2  }
0x48: {  	vm0 =	vlt.u32 v29, s0;
	[tilespmem:$0x1FB70] =	vst v2;
	v2 =	vimm.s32 $0x0  }
0x49: {  	v2 =	vsel vm0, $0xFFFFFFFF, v2  }
0x4a: {  	vm0 =	vlt.u32 v30, s0;
	[tilespmem:$0x1FBE0] =	vst v2;
	v2 =	vimm.s32 $0x0  }
0x4b: {  	v2 =	vsel vm0, $0xFFFFFFFF, v2  }
0x4c: {  	vm0 =	vlt.u32 v31, s0;
	[tilespmem:$0x1FC50] =	vst v2;
	v2 =	vimm.s32 $0x0  }
0x4d: {  	v2 =	vsel vm0, $0xFFFFFFFF, v2  }
0x4e: {  	vm0 =	vlt.u32 v32, s0;
	[tilespmem:$0x1FCC0] =	vst v2;
	v2 =	vimm.s32 $0x0  }
0x4f: {  	v2 =	vsel vm0, $0xFFFFFFFF, v2  }
0x50: {  	vm0 =	vlt.u32 v33, s0;
	[tilespmem:$0x1FD30] =	vst v2;
	v2 =	vimm.s32 $0x0  }
0x51: {  	v2 =	vsel vm0, $0xFFFFFFFF, v2  }
0x52: {  	vm0 =	vlt.u32 v19, s0;
	[tilespmem:$0x1FDA0] =	vst v2;
	v2 =	vimm.s32 $0x0  }
0x53: {  	v2 =	vsel vm0, $0xFFFFFFFF, v2  }
0x54: {  	vm0 =	vlt.u32 v34, s0;
	[tilespmem:$0x1FDF0] =	vst v2;
	v2 =	vimm.s32 $0x0  }
0x55: {  	v2 =	vsel vm0, $0xFFFFFFFF, v2  }
0x56: {  	vm0 =	vlt.u32 v20, s0;
	[tilespmem:$0x1FE20] =	vst v2;
	v2 =	vimm.s32 $0x0  }
0x57: {  	v2 =	vsel vm0, $0xFFFFFFFF, v2  }
0x58: {  	vm0 =	vlt.u32 v21, s0;
	[tilespmem:$0x1FE50] =	vst v2;
	v2 =	vimm.s32 $0x0  }
0x59: {  	v2 =	vsel vm0, $0xFFFFFFFF, v2  }
0x5a: {  	vm0 =	vlt.u32 v35, s0;
	[tilespmem:$0x1FE70] =	vst v2;
	v2 =	vimm.s32 $0x0  }
0x5b: {  	v2 =	vsel vm0, $0xFFFFFFFF, v2  }
0x5c: {  	vm0 =	vlt.u32 v22, s0;
	[tilespmem:$0x1FE90] =	vst v2;
	v2 =	vimm.s32 $0x0  }
0x5d: {  	v2 =	vsel vm0, $0xFFFFFFFF, v2  }
0x5e: {  	vm0 =	vlt.u32 v23, s0;
	[tilespmem:$0x1FEB0] =	vst v2;
	v2 =	vimm.s32 $0x0  }
0x5f: {  	v2 =	vsel vm0, $0xFFFFFFFF, v2  }
0x60: {  	vm0 =	vlt.u32 v36, s0;
	[tilespmem:$0x1FED0] =	vst v2;
	v2 =	vimm.s32 $0x0  }
0x61: {  	v2 =	vsel vm0, $0xFFFFFFFF, v2  }
0x62: {  	vm0 =	vlt.u32 v24, s0;
	[tilespmem:$0x1FEF0] =	vst v2;
	v2 =	vimm.s32 $0x0  }
0x63: {  	v2 =	vsel vm0, $0xFFFFFFFF, v2  }
0x64: {  	vm0 =	vlt.u32 v25, s0;
	[tilespmem:$0x1FF10] =	vst v2;
	v2 =	vimm.s32 $0x0  }
0x65: {  	v2 =	vsel vm0, $0xFFFFFFFF, v2  }
0x66: {  	vm0 =	vlt.u32 v37, s0;
	[tilespmem:$0x1FF30] =	vst v2;
	v2 =	vimm.s32 $0x0  }
0x67: {  	v2 =	vsel vm0, $0xFFFFFFFF, v2  }
0x68: {  	vm0 =	vlt.u32 v26, s0;
	[tilespmem:$0x1FF50] =	vst v2;
	v2 =	vimm.s32 $0x0  }
0x69: {  	v2 =	vsel vm0, $0xFFFFFFFF, v2  }
0x6a: {  	vm0 =	vlt.u32 v38, s0;
	[tilespmem:$0x1FF70] =	vst v2;
	v2 =	vimm.s32 $0x0  }
0x6b: {  	v2 =	vsel vm0, $0xFFFFFFFF, v2  }
0x6c: {  	vm0 =	vlt.u32 v39, s0;
	[tilespmem:$0x1FF90] =	vst v2;
	v2 =	vimm.s32 $0x0  }
0x6d: {  	v2 =	vsel vm0, $0xFFFFFFFF, v2  }
0x6e: {  	vm0 =	vlt.u32 v40, s0;
	[tilespmem:$0x1FFB0] =	vst v2;
	v2 =	vimm.s32 $0x0  }
0x6f: {  	v2 =	vsel vm0, $0xFFFFFFFF, v2  }
0x70: {  	vm0 =	vlt.u32 v41, s0;
	[tilespmem:$0x1FFD0] =	vst v2;
	v2 =	vimm.s32 $0x0  }
0x71: {  	v2 =	vsel vm0, $0xFFFFFFFF, v2  }
0x72: {  	[tilespmem:$0x1FFF0] =	vst v2;
	v2 =	vld [tilespmem:$0x1FA50];
	_ =	sdelay $0x4  }
0x73: {  	vm0 =	vnez.u8 v2  }
0x74: {  	v2 =	vimm.s32 $0x0;
	vm0 =	vmand vm0, vm1  }
0x75: {  	v2 =	vsel vm0, $0xFFFFFFFF, v2  }
0x76: {  	[tilespmem:$0x1FA60] =	vst v2;
	v2 =	vld [tilespmem:$0x1FA70];
	_ =	sdelay $0x4  }
0x77: {  	vm0 =	vnez.u8 v2;
	v2 =	vld [tilespmem:$0x1FA80];
	_ =	sdelay $0x4  }
0x78: {  	vm1 =	vnez.u8 v2  }
0x79: {  	v2 =	vimm.s32 $0x0;
	vm0 =	vmand vm0, vm1  }
0x7a: {  	v2 =	vsel vm0, $0xFFFFFFFF, v2  }
0x7b: {  	[tilespmem:$0x1FA90] =	vst v2;
	v2 =	vld [tilespmem:$0x1FAA0];
	_ =	sdelay $0x4  }
0x7c: {  	vm0 =	vnez.u8 v2;
	v2 =	vld [tilespmem:$0x1FAB0];
	_ =	sdelay $0x4  }
0x7d: {  	vm1 =	vnez.u8 v2  }
0x7e: {  	v2 =	vimm.s32 $0x0;
	vm0 =	vmand vm0, vm1  }
0x7f: {  	v2 =	vsel vm0, $0xFFFFFFFF, v2  }
0x80: {  	[tilespmem:$0x1FAC0] =	vst v2;
	v2 =	vld [tilespmem:$0x1FAD0];
	_ =	sdelay $0x4  }
0x81: {  	vm2 =	vlt.u32 v5, s0;
	vm0 =	vnez.u8 v2  }
0x82: {  	v2 =	vimm.s32 $0x0;
	vm0 =	vmand vm0, vm2  }
0x83: {  	v2 =	vsel vm0, $0xFFFFFFFF, v2  }
0x84: {  	[tilespmem:$0x1FAE0] =	vst v2;
	v2 =	vld [tilespmem:$0x1FAF0];
	_ =	sdelay $0x4  }
0x85: {  	vm0 =	vnez.u8 v2;
	v2 =	vld [tilespmem:$0x1FB00];
	_ =	sdelay $0x4  }
0x86: {  	vm1 =	vnez.u8 v2  }
0x87: {  	v2 =	vimm.s32 $0x0;
	vm0 =	vmand vm0, vm1  }
0x88: {  	v2 =	vsel vm0, $0xFFFFFFFF, v2  }
0x89: {  	[tilespmem:$0x1FB10] =	vst v2;
	v2 =	vld [tilespmem:$0x1FB20];
	_ =	sdelay $0x4  }
0x8a: {  	vm3 =	vlt.u32 v6, s0;
	vm0 =	vnez.u8 v2  }
0x8b: {  	v2 =	vimm.s32 $0x0;
	vm0 =	vmand vm0, vm3  }
0x8c: {  	v2 =	vsel vm0, $0xFFFFFFFF, v2  }
0x8d: {  	[tilespmem:$0x1FB30] =	vst v2;
	v2 =	vld [tilespmem:$0x1FB40];
	_ =	sdelay $0x4  }
0x8e: {  	vm4 =	vlt.u32 v7, s0;
	vm0 =	vnez.u8 v2  }
0x8f: {  	v2 =	vimm.s32 $0x0;
	vm0 =	vmand vm0, vm4  }
0x90: {  	v2 =	vsel vm0, $0xFFFFFFFF, v2  }
0x91: {  	[tilespmem:$0x1FB50] =	vst v2;
	v2 =	vld [tilespmem:$0x1FB60];
	_ =	sdelay $0x4  }
0x92: {  	vm0 =	vnez.u8 v2;
	v2 =	vld [tilespmem:$0x1FB70];
	_ =	sdelay $0x4  }
0x93: {  	vm1 =	vnez.u8 v2  }
0x94: {  	v2 =	vimm.s32 $0x0;
	vm0 =	vmand vm0, vm1  }
0x95: {  	v2 =	vsel vm0, $0xFFFFFFFF, v2  }
0x96: {  	[tilespmem:$0x1FB80] =	vst v2;
	v2 =	vld [tilespmem:$0x1FB90];
	_ =	sdelay $0x4  }
0x97: {  	vm5 =	vlt.u32 v8, s0;
	vm0 =	vnez.u8 v2  }
0x98: {  	v2 =	vimm.s32 $0x0;
	vm0 =	vmand vm0, vm5  }
0x99: {  	v2 =	vsel vm0, $0xFFFFFFFF, v2  }
0x9a: {  	[tilespmem:$0x1FBA0] =	vst v2;
	v2 =	vld [tilespmem:$0x1FBB0];
	_ =	sdelay $0x4  }
0x9b: {  	vm6 =	vlt.u32 v9, s0;
	vm0 =	vnez.u8 v2  }
0x9c: {  	v2 =	vimm.s32 $0x0;
	vm0 =	vmand vm0, vm6  }
0x9d: {  	v2 =	vsel vm0, $0xFFFFFFFF, v2  }
0x9e: {  	[tilespmem:$0x1FBC0] =	vst v2;
	v2 =	vld [tilespmem:$0x1FBD0];
	_ =	sdelay $0x4  }
0x9f: {  	vm0 =	vnez.u8 v2;
	v2 =	vld [tilespmem:$0x1FBE0];
	_ =	sdelay $0x4  }
0xa0: {  	vm1 =	vnez.u8 v2  }
0xa1: {  	v2 =	vimm.s32 $0x0;
	vm0 =	vmand vm0, vm1  }
0xa2: {  	v2 =	vsel vm0, $0xFFFFFFFF, v2  }
0xa3: {  	[tilespmem:$0x1FBF0] =	vst v2;
	v2 =	vld [tilespmem:$0x1FC00];
	_ =	sdelay $0x4  }
0xa4: {  	vm7 =	vlt.u32 v10, s0;
	vm0 =	vnez.u8 v2  }
0xa5: {  	v2 =	vimm.s32 $0x0;
	vm0 =	vmand vm0, vm7  }
0xa6: {  	v2 =	vsel vm0, $0xFFFFFFFF, v2  }
0xa7: {  	[tilespmem:$0x1FC10] =	vst v2;
	v2 =	vld [tilespmem:$0x1FC20];
	_ =	sdelay $0x4  }
0xa8: {  	vm8 =	vlt.u32 v11, s0;
	vm0 =	vnez.u8 v2  }
0xa9: {  	v2 =	vimm.s32 $0x0;
	vm0 =	vmand vm0, vm8  }
0xaa: {  	v2 =	vsel vm0, $0xFFFFFFFF, v2  }
0xab: {  	[tilespmem:$0x1FC30] =	vst v2;
	v2 =	vld [tilespmem:$0x1FC40];
	_ =	sdelay $0x4  }
0xac: {  	vm0 =	vnez.u8 v2;
	v2 =	vld [tilespmem:$0x1FC50];
	_ =	sdelay $0x4  }
0xad: {  	vm1 =	vnez.u8 v2  }
0xae: {  	v2 =	vimm.s32 $0x0;
	vm0 =	vmand vm0, vm1  }
0xaf: {  	v2 =	vsel vm0, $0xFFFFFFFF, v2  }
0xb0: {  	[tilespmem:$0x1FC60] =	vst v2;
	v2 =	vld [tilespmem:$0x1FC70];
	_ =	sdelay $0x4  }
0xb1: {  	vm9 =	vlt.u32 v12, s0;
	vm0 =	vnez.u8 v2  }
0xb2: {  	v2 =	vimm.s32 $0x0;
	vm0 =	vmand vm0, vm9  }
0xb3: {  	v2 =	vsel vm0, $0xFFFFFFFF, v2  }
0xb4: {  	[tilespmem:$0x1FC80] =	vst v2;
	v2 =	vld [tilespmem:$0x1FC90];
	_ =	sdelay $0x4  }
0xb5: {  	vm10 =	vlt.u32 v13, s0;
	vm0 =	vnez.u8 v2  }
0xb6: {  	v2 =	vimm.s32 $0x0;
	vm0 =	vmand vm0, vm10  }
0xb7: {  	v2 =	vsel vm0, $0xFFFFFFFF, v2  }
0xb8: {  	[tilespmem:$0x1FCA0] =	vst v2;
	v2 =	vld [tilespmem:$0x1FCB0];
	_ =	sdelay $0x4  }
0xb9: {  	vm0 =	vnez.u8 v2;
	v2 =	vld [tilespmem:$0x1FCC0];
	_ =	sdelay $0x4  }
0xba: {  	vm1 =	vnez.u8 v2  }
0xbb: {  	v2 =	vimm.s32 $0x0;
	vm0 =	vmand vm0, vm1  }
0xbc: {  	v2 =	vsel vm0, $0xFFFFFFFF, v2  }
0xbd: {  	[tilespmem:$0x1FCD0] =	vst v2;
	v2 =	vld [tilespmem:$0x1FCE0];
	_ =	sdelay $0x4  }
0xbe: {  	vm11 =	vlt.u32 v14, s0;
	vm0 =	vnez.u8 v2  }
0xbf: {  	v2 =	vimm.s32 $0x0;
	vm0 =	vmand vm0, vm11  }
0xc0: {  	v2 =	vsel vm0, $0xFFFFFFFF, v2  }
0xc1: {  	[tilespmem:$0x1FCF0] =	vst v2;
	v2 =	vld [tilespmem:$0x1FD00];
	_ =	sdelay $0x4  }
0xc2: {  	vm12 =	vlt.u32 v15, s0;
	vm0 =	vnez.u8 v2  }
0xc3: {  	v2 =	vimm.s32 $0x0;
	vm0 =	vmand vm0, vm12  }
0xc4: {  	v2 =	vsel vm0, $0xFFFFFFFF, v2  }
0xc5: {  	[tilespmem:$0x1FD10] =	vst v2;
	v2 =	vld [tilespmem:$0x1FD20];
	_ =	sdelay $0x4  }
0xc6: {  	vm0 =	vnez.u8 v2;
	v2 =	vld [tilespmem:$0x1FD30];
	_ =	sdelay $0x4  }
0xc7: {  	vm1 =	vnez.u8 v2  }
0xc8: {  	v2 =	vimm.s32 $0x0;
	vm0 =	vmand vm0, vm1  }
0xc9: {  	v2 =	vsel vm0, $0xFFFFFFFF, v2  }
0xca: {  	[tilespmem:$0x1FD40] =	vst v2;
	v2 =	vld [tilespmem:$0x1FD50];
	_ =	sdelay $0x4  }
0xcb: {  	vm13 =	vlt.u32 v16, s0;
	vm0 =	vnez.u8 v2  }
0xcc: {  	v2 =	vimm.s32 $0x0;
	vm0 =	vmand vm0, vm13  }
0xcd: {  	v2 =	vsel vm0, $0xFFFFFFFF, v2  }
0xce: {  	[tilespmem:$0x1FD60] =	vst v2;
	v2 =	vld [tilespmem:$0x1FD70];
	_ =	sdelay $0x4  }
0xcf: {  	vm14 =	vlt.u32 v17, s0;
	vm0 =	vnez.u8 v2  }
0xd0: {  	v2 =	vimm.s32 $0x0;
	vm0 =	vmand vm0, vm14  }
0xd1: {  	v2 =	vsel vm0, $0xFFFFFFFF, v2  }
0xd2: {  	[tilespmem:$0x1FD80] =	vst v2;
	v2 =	vld [tilespmem:$0x1FD90];
	_ =	sdelay $0x4  }
0xd3: {  	vm0 =	vnez.u8 v2;
	v2 =	vld [tilespmem:$0x1FDA0];
	_ =	sdelay $0x4  }
0xd4: {  	vm1 =	vnez.u8 v2  }
0xd5: {  	v2 =	vimm.s32 $0x0;
	vm0 =	vmand vm0, vm1  }
0xd6: {  	v2 =	vsel vm0, $0xFFFFFFFF, v2  }
0xd7: {  	[tilespmem:$0x1FDB0] =	vst v2;
	v2 =	vld [tilespmem:$0x1FDC0];
	_ =	sdelay $0x4  }
0xd8: {  	vm15 =	vlt.u32 v18, s0;
	vm0 =	vnez.u8 v2  }
0xd9: {  	v2 =	vimm.s32 $0x0;
	vm0 =	vmand vm0, vm15  }
0xda: {  	v2 =	vsel vm0, $0xFFFFFFFF, v2  }
0xdb: {  	[tilespmem:$0x1FDD0] =	vst v2;
	v2 =	vld [tilespmem:$0x1FDE0];
	_ =	sdelay $0x4  }
0xdc: {  	vm0 =	vnez.u8 v2;
	v2 =	vld [tilespmem:$0x1FDF0];
	_ =	sdelay $0x4  }
0xdd: {  	vm1 =	vnez.u8 v2  }
0xde: {  	v2 =	vimm.s32 $0x0;
	vm0 =	vmand vm0, vm1  }
0xdf: {  	v2 =	vsel vm0, $0xFFFFFFFF, v2  }
0xe0: {  	[tilespmem:$0x1FE00] =	vst v2;
	v2 =	vld [tilespmem:$0x1FE10];
	_ =	sdelay $0x4  }
0xe1: {  	vm0 =	vnez.u8 v2;
	v2 =	vld [tilespmem:$0x1FE20];
	_ =	sdelay $0x4  }
0xe2: {  	vm1 =	vnez.u8 v2  }
0xe3: {  	v2 =	vimm.s32 $0x0;
	vm0 =	vmand vm0, vm1  }
0xe4: {  	v2 =	vsel vm0, $0xFFFFFFFF, v2  }
0xe5: {  	[tilespmem:$0x1FE30] =	vst v2;
	v2 =	vld [tilespmem:$0x1FE40];
	_ =	sdelay $0x4  }
0xe6: {  	vm0 =	vnez.u8 v2;
	v2 =	vld [tilespmem:$0x1FE50];
	_ =	sdelay $0x4  }
0xe7: {  	vm1 =	vnez.u8 v2;
	v2 =	vld [tilespmem:$0x1FE60];
	_ =	sdelay $0x4  }
0xe8: {  	vm10 =	vmand vm0, vm1;
	vm0 =	vnez.u8 v2;
	v2 =	vld [tilespmem:$0x1FE70];
	_ =	sdelay $0x4  }
0xe9: {  	vm1 =	vnez.u8 v2;
	v2 =	vld [tilespmem:$0x1FE80];
	_ =	sdelay $0x4  }
0xea: {  	vm11 =	vmand vm0, vm1;
	vm0 =	vnez.u8 v2;
	v2 =	vld [tilespmem:$0x1FE90];
	_ =	sdelay $0x4  }
0xeb: {  	vm1 =	vnez.u8 v2;
	v2 =	vld [tilespmem:$0x1FEA0];
	_ =	sdelay $0x4  }
0xec: {  	vm12 =	vmand vm0, vm1;
	vm0 =	vnez.u8 v2;
	v2 =	vld [tilespmem:$0x1FEB0];
	_ =	sdelay $0x4  }
0xed: {  	vm1 =	vnez.u8 v2;
	v2 =	vld [tilespmem:$0x1FEC0];
	_ =	sdelay $0x4  }
0xee: {  	vm13 =	vmand vm0, vm1;
	vm0 =	vnez.u8 v2;
	v2 =	vld [tilespmem:$0x1FED0];
	_ =	sdelay $0x4  }
0xef: {  	vm1 =	vnez.u8 v2;
	v2 =	vld [tilespmem:$0x1FEE0];
	_ =	sdelay $0x4  }
0xf0: {  	vm14 =	vmand vm0, vm1;
	vm0 =	vnez.u8 v2;
	v2 =	vld [tilespmem:$0x1FEF0];
	_ =	sdelay $0x4  }
0xf1: {  	vm1 =	vnez.u8 v2;
	v2 =	vld [tilespmem:$0x1FF00];
	_ =	sdelay $0x4  }
0xf2: {  	vm15 =	vmand vm0, vm1;
	vm0 =	vnez.u8 v2;
	v2 =	vld [tilespmem:$0x1FF10];
	_ =	sdelay $0x4  }
0xf3: {  	vm1 =	vnez.u8 v2;
	v2 =	vld [tilespmem:$0x1FF20];
	_ =	sdelay $0x4  }
0xf4: {  	vm0 =	vmand vm0, vm1;
	vm1 =	vnez.u8 v2;
	v2 =	vld [tilespmem:$0x1FF30];
	_ =	sdelay $0x4  }
0xf5: {  	vm2 =	vnez.u8 v2;
	v2 =	vld [tilespmem:$0x1FF40];
	_ =	sdelay $0x4  }
0xf6: {  	vm1 =	vmand vm1, vm2;
	vm2 =	vnez.u8 v2;
	v2 =	vld [tilespmem:$0x1FF50];
	_ =	sdelay $0x4  }
0xf7: {  	vm3 =	vnez.u8 v2;
	v2 =	vld [tilespmem:$0x1FF60];
	_ =	sdelay $0x4  }
0xf8: {  	vm2 =	vmand vm2, vm3;
	vm3 =	vnez.u8 v2;
	v2 =	vld [tilespmem:$0x1FF70];
	_ =	sdelay $0x4  }
0xf9: {  	vm4 =	vnez.u8 v2;
	v2 =	vld [tilespmem:$0x1FF80];
	_ =	sdelay $0x4  }
0xfa: {  	vm3 =	vmand vm3, vm4;
	vm4 =	vnez.u8 v2;
	v2 =	vld [tilespmem:$0x1FF90];
	_ =	sdelay $0x4  }
0xfb: {  	vm5 =	vnez.u8 v2;
	v2 =	vld [tilespmem:$0x1FFA0];
	_ =	sdelay $0x2  }
0xfc: {  	s10 =	sshrl.u32 s10, $0x3  }
0xfd: {  	s2 =	sadd.s32 s2, s10  }
0xfe: {  	[dreg:$0x11] =	wrdreg s2;
	vm4 =	vmand vm4, vm5;
	vm5 =	vnez.u8 v2;
	v2 =	vld [tilespmem:$0x1FFB0]  }
0xff: {  	[dreg:$0xd] =	wrdreg s16;
	s10 =	sshrl.u32 s9, $0x3  }
0x100: {  	[dreg:$0x17] =	wrdreg s10;
	s13 =	sshrl.u32 s13, $0x3  }
0x101: {  	[dreg:$0x18] =	wrdreg s13;
	s26 =	sadd.s32 s6, s4  }
0x102: {  	[dreg:$0x14] =	wrdreg s26;
	s12 =	sadd.s32 s6, s3;
	s6 =	sadd.s32 $0x1400, s8  }
0x103: {  	s8 =	smax.u32 s7, $0x1;
	[dreg:$0x15] =	wrdreg s6;
	vm6 =	vnez.u8 v2;
	v2 =	vld [tilespmem:$0x1FFC0]  }
0x104: {  	s21 =	sadd.s32 $0x1400, s12;
	[dreg:$0x16] =	wrdreg s8  }
0x105: {  	s22 =	sadd.s32 $0x2800, s12;
	[dreg:$0xe] =	wrdreg s21  }
0x106: {  	s23 =	sadd.s32 $0x3C00, s12;
	[dreg:$0xf] =	wrdreg s22  }
0x107: {  	s24 =	sadd.s32 $0x5000, s12;
	[dreg:$0x10] =	wrdreg s23  }
0x108: {  	s25 =	sadd.s32 $0x6400, s12;
	[dreg:$0x12] =	wrdreg s24;
	vm5 =	vmand vm5, vm6;
	vm6 =	vnez.u8 v2;
	v2 =	vld [tilespmem:$0x1FFD0]  }
0x109: {  	s28 =	simm.s32 $0x40;
	v1 =	vmov s14;
	s14 =	sadd.s32 $0x7800, s12;
	[dreg:$0x13] =	wrdreg s25  }
0x10a: {  	s29 =	simm.s32 $0x2;
	s15 =	sadd.s32 $0x8C00, s12;
	[dreg:$0x19] =	wrdreg s14  }
0x10b: {  	s30 =	simm.s32 $0x5780;
	s16 =	sadd.s32 $0xA000, s12;
	[dreg:$0x1a] =	wrdreg s15  }
0x10c: {  	s31 =	simm.s32 $0x3;
	s18 =	sadd.s32 $0xC800, s12;
	[dreg:$0x1b] =	wrdreg s16;
	[tilespmem:$0x1FFE0] =	vst v42  }
0x10d: {  	s26 =	sadd.s32 $0x16800, s12;
	s9 =	sadd.s32 $0x17C00, s12;
	[dreg:$0x1d] =	wrdreg s18;
	vm7 =	vnez.u8 v2;
	v2 =	vld [tilespmem:$0x1FFE0]  }
0x10e: {  	s10 =	sadd.s32 $0x19000, s12;
	s17 =	sadd.s32 $0xB400, s12;
	[smem:$0x7FD] =	sst s26  }
0x10f: {  	s13 =	sadd.s32 $0x1A400, s12;
	s21 =	sadd.s32 $0x10400, s12;
	[dreg:$0x1c] =	wrdreg s17  }
0x110: {  	s22 =	sadd.s32 $0x11800, s12;
	s23 =	sadd.s32 $0x12C00, s12;
	[smem:$0x7F8] =	sst s21  }
0x111: {  	s24 =	sadd.s32 $0x14000, s12;
	s25 =	sadd.s32 $0x15400, s12;
	[smem:$0x7F9] =	sst s22  }
0x112: {  	s14 =	sadd.s32 $0x1B800, s12;
	s15 =	sadd.s32 $0x1CC00, s12;
	[smem:$0x7FA] =	sst s23;
	vm6 =	vmand vm6, vm7;
	vm7 =	vnez.u8 v2;
	v2 =	vld [tilespmem:$0x1FFF0]  }
0x113: {  	s16 =	sadd.s32 $0x1E000, s12;
	s18 =	sadd.s32 $0x20800, s12;
	[smem:$0x7FB] =	sst s24  }
0x114: {  	s26 =	simm.s32 $0x1;
	[smem:$0x7FC] =	sst s25;
	s17 =	sadd.s32 $0x1F400, s12  }
0x115: {  	s21 =	sadd.s32 $0x24400, s12;
	s22 =	sadd.s32 $0x25800, s12;
	s23 =	sadd.s32 $0x26C00, s12  }
0x116: {  	s24 =	simm.s32 $0x780;
	s25 =	simm.s32 $0xB80;
	s19 =	sadd.s32 $0xDC00, s12  }
0x117: {  	[dreg:$0x1e] =	wrdreg s19;
	s19 =	sadd.s32 $0x21C00, s12;
	s20 =	sadd.s32 $0xF000, s12;
	vm8 =	vnez.u8 v2  }
0x118: {  	[dreg:$0x1f] =	wrdreg s20;
	s20 =	sadd.s32 $0x23000, s12;
	s0 =	simm.s32 $0x0;
	vm7 =	vmand vm7, vm8  }
.LBB2_1:
0x119: {  	s1 =	rddreg [dreg:$0xb]  }
0x11a: {  	s6 =	rddreg [dreg:$0xc]  }
0x11b: {  	[tilespmem:s5], [sflag:$0x1] =	stream.linear.gather [hbm4b:s1+s5], $0x280, $0x38;
	[tilespmem:$0x123C0] =	vst v63  }
0x11c: {  	s2 =	simm.s32 $0x280;
	s7 =	rddreg [dreg:$0xd]  }
0x11d: {  	[tilespmem:s2], [sflag:$0x1] =	stream.linear.gather [hbm4b:s6+s5], $0x280, $0x38;
	[tilespmem:$0x123C0] =	vst v63  }
0x11e: {  	s2 =	rddreg [dreg:$0x9]  }
0x11f: {  	s8 =	simm.s32 $0x500;
	s6 =	rddreg [dreg:$0xa]  }
0x120: {  	[tilespmem:s8], [sflag:$0x1] =	stream.linear.gather [hbm4b:s7+s5], $0x280, $0x38;
	[tilespmem:$0x123C0] =	vst v63  }
0x121: {  	s7 =	rddreg [dreg:$0x4]  }
0x122: {  	[tilespmem:s24], [sflag:$0x1] =	stream.linear.gather [hbm4b:s2+s5], $0x400, $0x38;
	[tilespmem:$0x123C0] =	vst v63  }
0x123: {  	s8 =	rddreg [dreg:$0x17]  }
0x124: {  	[tilespmem:s25], [sflag:$0x1] =	stream.linear.gather [hbm4b:s6+s5], $0x400, $0x38;
	[tilespmem:$0x123C0] =	vst v63  }
0x125: {  	[spmem:s8], [sflag:s11] =	dma.local [hbm:s7], $0x500  }
0x126: {  	s2 =	rddreg [dreg:$0x18]  }
0x127: {  	[spmem:s2], [sflag:s11] =	dma.local [hbm:s7], $0x50  }
0x128: {  	_ =	swait.ge [sflag:s26], $0x280  }
0x129: {  	[sflag:s26] =	ssyncset.done $0x0  }
0x12a: {  	[sflag:s26] =	ssyncadd.s32 $0xFFFFFD80  }
0x12b: {  	_ =	swait.ge [sflag:s26], $0x280  }
0x12c: {  	[sflag:s26] =	ssyncset.done $0x0  }
0x12d: {  	[sflag:s26] =	ssyncadd.s32 $0xFFFFFD80  }
0x12e: {  	_ =	swait.ge [sflag:s26], $0x280  }
0x12f: {  	[sflag:s26] =	ssyncset.done $0x0  }
0x130: {  	[sflag:s26] =	ssyncadd.s32 $0xFFFFFD80  }
0x131: {  	_ =	swait.ge [sflag:s26], $0x400  }
0x132: {  	[sflag:s26] =	ssyncset.done $0x0  }
0x133: {  	[sflag:s26] =	ssyncadd.s32 $0xFFFFFC00  }
0x134: {  	_ =	swait.ge [sflag:s26], $0x400  }
0x135: {  	[sflag:s26] =	ssyncset.done $0x0  }
0x136: {  	[sflag:s26] =	ssyncadd.s32 $0xFFFFFC00  }
0x137: {  	_ =	swait.ge [sflag:s26], $0x500  }
0x138: {  	[sflag:s26] =	ssyncset.done $0x0  }
0x139: {  	[sflag:s26] =	ssyncadd.s32 $0xFFFFFB00  }
0x13a: {  	_ =	swait.ge [sflag:s26], $0x50  }
0x13b: {  	[sflag:s26] =	ssyncset.done $0x0  }
0x13c: {  	[sflag:s26] =	ssyncadd.s32 $0xFFFFFFB0  }
0x13d: {  	[bflag:$0x0] =	sbarrier.arrive $0xFFFF  }
0x13e: {  	v2 =	vld [tilespmem:$0x280];
	_ =	sdelay $0x1  }
0x13f: {  	v3 =	vld [tilespmem:$0x0]  }
0x140: {  	v4 =	vld [tilespmem:$0x500]  }
0x141: {  	v7 =	vld [tilespmem:$0x1FA60];
	_ =	sdelay $0x2  }
0x142: {  	v6 =	vld [tilespmem:$0x290]  }
0x143: {  	v3 =	vsub.s32 v3, v1;
	v4 =	vmul.u32 $0x1400, v4;
	v5 =	vld.idx.msk [tilespmem:v2+s25+$0x0], $0xffff  }
0x144: {  	vm9 =	vnez.u8 v7;
	vm8 =	vlt.u32 v3, $0x1388;
	v2 =	vld.idx.msk [tilespmem:v2+s24+$0x0], $0xffff  }
0x145: {  	vm8 =	vmand vm9, vm8;
	v4 =	vadd.s32 v3, v4  }
0x146: {  	v4 =	vnsel vm8, $0xFFFFFFFF, v4  }
0x147: {  	v3 =	vnsel vm8, $0xFFFFFFFF, v3;
	[tilespmem:$0xF80] =	vst v4  }
0x148: {  	v10 =	vld [tilespmem:$0x10];
	[tilespmem:$0x1F80] =	vst v3;
	v11 =	vnsel vm8, $0x0, v5  }
0x149: {  	v15 =	vld [tilespmem:$0x1FA90];
	v2 =	vnsel vm8, $0x0, v2;
	[tilespmem:$0x1780] =	vst v11  }
0x14a: {  	v12 =	vld [tilespmem:$0x510];
	[tilespmem:$0x2780] =	vst v2  }
0x14b: {  	v2 =	vld.idx.msk [tilespmem:v6+s25+$0x0], $0xffff;
	_ =	sdelay $0x1  }
0x14c: {  	v3 =	vsub.s32 v10, v1  }
0x14d: {  	vm9 =	vnez.u8 v15;
	vm8 =	vlt.u32 v3, $0x1388;
	v14 =	vld.idx.msk [tilespmem:v6+s24+$0x0], $0xffff  }
0x14e: {  	v13 =	vmul.u32 $0x1400, v12;
	vm8 =	vmand vm9, vm8  }
0x14f: {  	v2 =	vnsel vm8, $0x0, v2  }
0x150: {  	v4 =	vadd.s32 v3, v13;
	[tilespmem:$0x1790] =	vst v2;
	v2 =	vnsel vm8, $0xFFFFFFFF, v3;
	v3 =	vld [tilespmem:$0x2A0];
	_ =	sdelay $0x1  }
0x151: {  	v16 =	vld [tilespmem:$0x520];
	[tilespmem:$0x1F90] =	vst v2;
	v2 =	vnsel vm8, $0x0, v14  }
0x152: {  	[tilespmem:$0x2790] =	vst v2;
	v2 =	vld [tilespmem:$0x20]  }
0x153: {  	v19 =	vld [tilespmem:$0x1FAC0];
	_ =	sdelay $0x1  }
0x154: {  	v4 =	vnsel vm8, $0xFFFFFFFF, v4  }
0x155: {  	v18 =	vld [tilespmem:$0x2B0];
	[tilespmem:$0xF90] =	vst v4  }
0x156: {  	v4 =	vmul.u32 $0x1400, v16;
	v2 =	vsub.s32 v2, v1;
	v17 =	vld.idx.msk [tilespmem:v3+s25+$0x0], $0xffff  }
0x157: {  	vm9 =	vnez.u8 v19;
	v3 =	vld.idx.msk [tilespmem:v3+s24+$0x0], $0xffff;
	vm8 =	vlt.u32 v2, $0x1388  }
0x158: {  	v4 =	vadd.s32 v2, v4;
	vm8 =	vmand vm9, vm8  }
0x159: {  	v20 =	vld [tilespmem:$0x30];
	v4 =	vnsel vm8, $0xFFFFFFFF, v4  }
0x15a: {  	v22 =	vld [tilespmem:$0x530];
	v2 =	vnsel vm8, $0xFFFFFFFF, v2;
	[tilespmem:$0xFA0] =	vst v4  }
0x15b: {  	v25 =	vld [tilespmem:$0x1FAE0];
	[tilespmem:$0x1FA0] =	vst v2;
	v21 =	vnsel vm8, $0x0, v17  }
0x15c: {  	v2 =	vnsel vm8, $0x0, v3;
	[tilespmem:$0x17A0] =	vst v21  }
0x15d: {  	[tilespmem:$0x27A0] =	vst v2  }
0x15e: {  	v2 =	vld.idx.msk [tilespmem:v18+s25+$0x0], $0xffff  }
0x15f: {  	v23 =	vmul.u32 $0x1400, v22;
	v3 =	vsub.s32 v20, v1  }
0x160: {  	vm9 =	vnez.u8 v25;
	vm8 =	vlt.u32 v3, $0x1388;
	v24 =	vld.idx.msk [tilespmem:v18+s24+$0x0], $0xffff  }
0x161: {  	v4 =	vadd.s32 v3, v23;
	vm8 =	vmand vm9, vm8  }
0x162: {  	v4 =	vnsel vm8, $0xFFFFFFFF, v4  }
0x163: {  	[tilespmem:$0xFB0] =	vst v4;
	v2 =	vnsel vm8, $0x0, v2  }
0x164: {  	[tilespmem:$0x17B0] =	vst v2;
	v2 =	vnsel vm8, $0xFFFFFFFF, v3  }
0x165: {  	[tilespmem:$0x1FB0] =	vst v2;
	v2 =	vnsel vm8, $0x0, v24  }
0x166: {  	s6 =	simm.s32 $0x1780;
	s2 =	simm.s32 $0xF80;
	[tilespmem:$0x27B0] =	vst v2;
	(ifvalue) =	ssetifvalue $0xFFFFFFFF  }
0x167: {  	[spmem:s3] =	stream.indirect.scatter.add.f32 [tilespmem:s6], [sflag:$0x2], $0x1, s2, s28, $0x40b8;
	[tilespmem:$0x123C0] =	vst v63  }
0x168: {  	s8 =	simm.s32 $0x2780;
	s7 =	simm.s32 $0x1F80;
	(ifvalue) =	ssetifvalue $0xFFFFFFFF  }
0x169: {  	[spmem:s4] =	stream.indirect.scatter.add.f32 [tilespmem:s8], [sflag:$0x2], $0x1, s7, s28, $0x40b8;
	[tilespmem:$0x123C0] =	vst v63  }
0x16a: {  	v2 =	vld [tilespmem:$0x2C0];
	_ =	sdelay $0x1  }
0x16b: {  	v3 =	vld [tilespmem:$0x40]  }
0x16c: {  	v26 =	vld [tilespmem:$0x540]  }
0x16d: {  	v29 =	vld [tilespmem:$0x1FB10];
	_ =	sdelay $0x2  }
0x16e: {  	v28 =	vld [tilespmem:$0x2D0]  }
0x16f: {  	v3 =	vsub.s32 v3, v1;
	v4 =	vmul.u32 $0x1400, v26;
	v27 =	vld.idx.msk [tilespmem:v2+s25+$0x0], $0xffff  }
0x170: {  	vm9 =	vnez.u8 v29;
	vm8 =	vlt.u32 v3, $0x1388;
	v2 =	vld.idx.msk [tilespmem:v2+s24+$0x0], $0xffff  }
0x171: {  	vm8 =	vmand vm9, vm8;
	v4 =	vadd.s32 v3, v4  }
0x172: {  	v30 =	vld [tilespmem:$0x50];
	v4 =	vnsel vm8, $0xFFFFFFFF, v4  }
0x173: {  	v32 =	vld [tilespmem:$0x550];
	v3 =	vnsel vm8, $0xFFFFFFFF, v3;
	[tilespmem:$0x1000] =	vst v4  }
0x174: {  	v35 =	vld [tilespmem:$0x1FB30];
	[tilespmem:$0x2000] =	vst v3;
	v31 =	vnsel vm8, $0x0, v27  }
0x175: {  	v2 =	vnsel vm8, $0x0, v2;
	[tilespmem:$0x1800] =	vst v31  }
0x176: {  	[tilespmem:$0x2800] =	vst v2  }
0x177: {  	v2 =	vld.idx.msk [tilespmem:v28+s25+$0x0], $0xffff  }
0x178: {  	v33 =	vmul.u32 $0x1400, v32;
	v3 =	vsub.s32 v30, v1  }
0x179: {  	vm9 =	vnez.u8 v35;
	vm8 =	vlt.u32 v3, $0x1388;
	v6 =	vld.idx.msk [tilespmem:v28+s24+$0x0], $0xffff  }
0x17a: {  	v4 =	vadd.s32 v3, v33;
	vm8 =	vmand vm9, vm8  }
0x17b: {  	v34 =	vld [tilespmem:$0x2E0];
	v4 =	vnsel vm8, $0xFFFFFFFF, v4  }
0x17c: {  	[tilespmem:$0x1010] =	vst v4;
	v2 =	vnsel vm8, $0x0, v2  }
0x17d: {  	[tilespmem:$0x1810] =	vst v2;
	v2 =	vnsel vm8, $0xFFFFFFFF, v3  }
0x17e: {  	v36 =	vld [tilespmem:$0x60];
	[tilespmem:$0x2010] =	vst v2;
	v2 =	vnsel vm8, $0x0, v6  }
0x17f: {  	v37 =	vld [tilespmem:$0x560];
	[tilespmem:$0x2810] =	vst v2  }
0x180: {  	v39 =	vld [tilespmem:$0x1FB50];
	_ =	sdelay $0x2  }
0x181: {  	v2 =	vld.idx.msk [tilespmem:v34+s25+$0x0], $0xffff  }
0x182: {  	v4 =	vmul.u32 $0x1400, v37;
	v3 =	vsub.s32 v36, v1;
	v38 =	vld [tilespmem:$0x2F0]  }
0x183: {  	vm8 =	vlt.u32 v3, $0x1388;
	v5 =	vld.idx.msk [tilespmem:v34+s24+$0x0], $0xffff;
	vm9 =	vnez.u8 v39  }
0x184: {  	v4 =	vadd.s32 v3, v4;
	vm8 =	vmand vm9, vm8  }
0x185: {  	v40 =	vld [tilespmem:$0x70];
	v4 =	vnsel vm8, $0xFFFFFFFF, v4  }
0x186: {  	v41 =	vld [tilespmem:$0x570];
	v2 =	vnsel vm8, $0x0, v2;
	[tilespmem:$0x1020] =	vst v4  }
0x187: {  	v43 =	vld [tilespmem:$0x1FB80];
	[tilespmem:$0x1820] =	vst v2;
	v2 =	vnsel vm8, $0xFFFFFFFF, v3  }
0x188: {  	[tilespmem:$0x2020] =	vst v2;
	v2 =	vnsel vm8, $0x0, v5  }
0x189: {  	[tilespmem:$0x2820] =	vst v2  }
0x18a: {  	v2 =	vld.idx.msk [tilespmem:v38+s25+$0x0], $0xffff  }
0x18b: {  	v3 =	vsub.s32 v40, v1;
	v4 =	vmul.u32 $0x1400, v41  }
0x18c: {  	vm9 =	vnez.u8 v43;
	vm8 =	vlt.u32 v3, $0x1388;
	v42 =	vld.idx.msk [tilespmem:v38+s24+$0x0], $0xffff  }
0x18d: {  	vm8 =	vmand vm9, vm8;
	v4 =	vadd.s32 v3, v4  }
0x18e: {  	v4 =	vnsel vm8, $0xFFFFFFFF, v4  }
0x18f: {  	[tilespmem:$0x1030] =	vst v4;
	v2 =	vnsel vm8, $0x0, v2  }
0x190: {  	[tilespmem:$0x1830] =	vst v2;
	v2 =	vnsel vm8, $0xFFFFFFFF, v3  }
0x191: {  	[tilespmem:$0x2030] =	vst v2;
	v2 =	vnsel vm8, $0x0, v42  }
0x192: {  	s2 =	simm.s32 $0x1000;
	s6 =	simm.s32 $0x1800;
	[tilespmem:$0x2830] =	vst v2;
	(ifvalue) =	ssetifvalue $0xFFFFFFFF  }
0x193: {  	[spmem:s3] =	stream.indirect.scatter.add.f32 [tilespmem:s6], [sflag:$0x2], $0x1, s2, s28, $0x40b8;
	[tilespmem:$0x123C0] =	vst v63  }
0x194: {  	s7 =	simm.s32 $0x2000;
	s8 =	simm.s32 $0x2800;
	(ifvalue) =	ssetifvalue $0xFFFFFFFF  }
0x195: {  	[spmem:s4] =	stream.indirect.scatter.add.f32 [tilespmem:s8], [sflag:$0x2], $0x1, s7, s28, $0x40b8;
	[tilespmem:$0x123C0] =	vst v63  }
0x196: {  	v2 =	vld [tilespmem:$0x300];
	_ =	sdelay $0x1  }
0x197: {  	v3 =	vld [tilespmem:$0x80]  }
0x198: {  	v44 =	vld [tilespmem:$0x580]  }
0x199: {  	v47 =	vld [tilespmem:$0x1FBA0];
	_ =	sdelay $0x2  }
0x19a: {  	v46 =	vld [tilespmem:$0x310]  }
0x19b: {  	v3 =	vsub.s32 v3, v1;
	v4 =	vmul.u32 $0x1400, v44;
	v45 =	vld.idx.msk [tilespmem:v2+s25+$0x0], $0xffff  }
0x19c: {  	vm9 =	vnez.u8 v47;
	vm8 =	vlt.u32 v3, $0x1388;
	v2 =	vld.idx.msk [tilespmem:v2+s24+$0x0], $0xffff  }
0x19d: {  	vm8 =	vmand vm9, vm8;
	v4 =	vadd.s32 v3, v4  }
0x19e: {  	v48 =	vld [tilespmem:$0x90];
	v4 =	vnsel vm8, $0xFFFFFFFF, v4  }
0x19f: {  	v50 =	vld [tilespmem:$0x590];
	v3 =	vnsel vm8, $0xFFFFFFFF, v3;
	[tilespmem:$0x1080] =	vst v4  }
0x1a0: {  	v53 =	vld [tilespmem:$0x1FBC0];
	[tilespmem:$0x2080] =	vst v3;
	v49 =	vnsel vm8, $0x0, v45  }
0x1a1: {  	v2 =	vnsel vm8, $0x0, v2;
	[tilespmem:$0x1880] =	vst v49  }
0x1a2: {  	[tilespmem:$0x2880] =	vst v2  }
0x1a3: {  	v2 =	vld.idx.msk [tilespmem:v46+s25+$0x0], $0xffff  }
0x1a4: {  	v52 =	vld [tilespmem:$0x320];
	v51 =	vmul.u32 $0x1400, v50;
	v3 =	vsub.s32 v48, v1  }
0x1a5: {  	vm9 =	vnez.u8 v53;
	vm8 =	vlt.u32 v3, $0x1388;
	v6 =	vld.idx.msk [tilespmem:v46+s24+$0x0], $0xffff  }
0x1a6: {  	v4 =	vadd.s32 v3, v51;
	vm8 =	vmand vm9, vm8  }
0x1a7: {  	v54 =	vld [tilespmem:$0xA0];
	v4 =	vnsel vm8, $0xFFFFFFFF, v4  }
0x1a8: {  	v55 =	vld [tilespmem:$0x5A0];
	[tilespmem:$0x1090] =	vst v4;
	v2 =	vnsel vm8, $0x0, v2  }
0x1a9: {  	v57 =	vld [tilespmem:$0x1FBF0];
	[tilespmem:$0x1890] =	vst v2;
	v2 =	vnsel vm8, $0xFFFFFFFF, v3  }
0x1aa: {  	[tilespmem:$0x2090] =	vst v2;
	v2 =	vnsel vm8, $0x0, v6  }
0x1ab: {  	[tilespmem:$0x2890] =	vst v2  }
0x1ac: {  	v2 =	vld.idx.msk [tilespmem:v52+s25+$0x0], $0xffff  }
0x1ad: {  	v56 =	vld [tilespmem:$0x330];
	v4 =	vmul.u32 $0x1400, v55;
	v3 =	vsub.s32 v54, v1  }
0x1ae: {  	vm9 =	vnez.u8 v57;
	vm8 =	vlt.u32 v3, $0x1388;
	v5 =	vld.idx.msk [tilespmem:v52+s24+$0x0], $0xffff  }
0x1af: {  	v4 =	vadd.s32 v3, v4;
	vm8 =	vmand vm9, vm8  }
0x1b0: {  	v58 =	vld [tilespmem:$0xB0];
	v4 =	vnsel vm8, $0xFFFFFFFF, v4  }
0x1b1: {  	v59 =	vld [tilespmem:$0x5B0];
	[tilespmem:$0x10A0] =	vst v4;
	v2 =	vnsel vm8, $0x0, v2  }
0x1b2: {  	v61 =	vld [tilespmem:$0x1FC10];
	[tilespmem:$0x18A0] =	vst v2;
	v2 =	vnsel vm8, $0xFFFFFFFF, v3  }
0x1b3: {  	[tilespmem:$0x20A0] =	vst v2;
	v2 =	vnsel vm8, $0x0, v5  }
0x1b4: {  	[tilespmem:$0x28A0] =	vst v2  }
0x1b5: {  	v2 =	vld.idx.msk [tilespmem:v56+s25+$0x0], $0xffff  }
0x1b6: {  	v4 =	vmul.u32 $0x1400, v59;
	v3 =	vsub.s32 v58, v1  }
0x1b7: {  	vm9 =	vnez.u8 v61;
	vm8 =	vlt.u32 v3, $0x1388;
	v60 =	vld.idx.msk [tilespmem:v56+s24+$0x0], $0xffff  }
0x1b8: {  	v4 =	vadd.s32 v3, v4;
	vm8 =	vmand vm9, vm8  }
0x1b9: {  	v4 =	vnsel vm8, $0xFFFFFFFF, v4  }
0x1ba: {  	[tilespmem:$0x10B0] =	vst v4;
	v2 =	vnsel vm8, $0x0, v2  }
0x1bb: {  	[tilespmem:$0x18B0] =	vst v2;
	v2 =	vnsel vm8, $0xFFFFFFFF, v3  }
0x1bc: {  	[tilespmem:$0x20B0] =	vst v2;
	v2 =	vnsel vm8, $0x0, v60  }
0x1bd: {  	s2 =	simm.s32 $0x1080;
	s6 =	simm.s32 $0x1880;
	[tilespmem:$0x28B0] =	vst v2;
	(ifvalue) =	ssetifvalue $0xFFFFFFFF  }
0x1be: {  	[spmem:s3] =	stream.indirect.scatter.add.f32 [tilespmem:s6], [sflag:$0x2], $0x1, s2, s28, $0x40b8;
	[tilespmem:$0x123C0] =	vst v63  }
0x1bf: {  	s7 =	simm.s32 $0x2080;
	s8 =	simm.s32 $0x2880;
	(ifvalue) =	ssetifvalue $0xFFFFFFFF  }
0x1c0: {  	[spmem:s4] =	stream.indirect.scatter.add.f32 [tilespmem:s8], [sflag:$0x2], $0x1, s7, s28, $0x40b8;
	[tilespmem:$0x123C0] =	vst v63  }
0x1c1: {  	v2 =	vld [tilespmem:$0x340];
	_ =	sdelay $0x1  }
0x1c2: {  	v3 =	vld [tilespmem:$0xC0]  }
0x1c3: {  	v62 =	vld [tilespmem:$0x5C0]  }
0x1c4: {  	v10 =	vld [tilespmem:$0x1FC30];
	_ =	sdelay $0x2  }
0x1c5: {  	v9 =	vld [tilespmem:$0x350]  }
0x1c6: {  	v3 =	vsub.s32 v3, v1;
	v4 =	vmul.u32 $0x1400, v62;
	v63 =	vld.idx.msk [tilespmem:v2+s25+$0x0], $0xffff  }
0x1c7: {  	vm9 =	vnez.u8 v10;
	vm8 =	vlt.u32 v3, $0x1388;
	v2 =	vld.idx.msk [tilespmem:v2+s24+$0x0], $0xffff  }
0x1c8: {  	vm8 =	vmand vm9, vm8;
	v4 =	vadd.s32 v3, v4  }
0x1c9: {  	v11 =	vld [tilespmem:$0xD0];
	v4 =	vnsel vm8, $0xFFFFFFFF, v4  }
0x1ca: {  	v13 =	vld [tilespmem:$0x5D0];
	v3 =	vnsel vm8, $0xFFFFFFFF, v3;
	[tilespmem:$0x1100] =	vst v4  }
0x1cb: {  	v16 =	vld [tilespmem:$0x1FC60];
	[tilespmem:$0x2100] =	vst v3;
	v12 =	vnsel vm8, $0x0, v63  }
0x1cc: {  	v2 =	vnsel vm8, $0x0, v2;
	[tilespmem:$0x1900] =	vst v12  }
0x1cd: {  	[tilespmem:$0x2900] =	vst v2  }
0x1ce: {  	v2 =	vld.idx.msk [tilespmem:v9+s25+$0x0], $0xffff  }
0x1cf: {  	v15 =	vld [tilespmem:$0x360];
	v14 =	vmul.u32 $0x1400, v13;
	v3 =	vsub.s32 v11, v1  }
0x1d0: {  	vm9 =	vnez.u8 v16;
	vm8 =	vlt.u32 v3, $0x1388;
	v6 =	vld.idx.msk [tilespmem:v9+s24+$0x0], $0xffff  }
0x1d1: {  	v4 =	vadd.s32 v3, v14;
	vm8 =	vmand vm9, vm8  }
0x1d2: {  	v17 =	vld [tilespmem:$0xE0];
	v4 =	vnsel vm8, $0xFFFFFFFF, v4  }
0x1d3: {  	v18 =	vld [tilespmem:$0x5E0];
	[tilespmem:$0x1110] =	vst v4;
	v2 =	vnsel vm8, $0x0, v2  }
0x1d4: {  	v20 =	vld [tilespmem:$0x1FC80];
	[tilespmem:$0x1910] =	vst v2;
	v2 =	vnsel vm8, $0xFFFFFFFF, v3  }
0x1d5: {  	[tilespmem:$0x2110] =	vst v2;
	v2 =	vnsel vm8, $0x0, v6  }
0x1d6: {  	[tilespmem:$0x2910] =	vst v2  }
0x1d7: {  	v2 =	vld.idx.msk [tilespmem:v15+s25+$0x0], $0xffff  }
0x1d8: {  	v19 =	vld [tilespmem:$0x370];
	v4 =	vmul.u32 $0x1400, v18;
	v3 =	vsub.s32 v17, v1  }
0x1d9: {  	vm9 =	vnez.u8 v20;
	vm8 =	vlt.u32 v3, $0x1388;
	v5 =	vld.idx.msk [tilespmem:v15+s24+$0x0], $0xffff  }
0x1da: {  	v4 =	vadd.s32 v3, v4;
	vm8 =	vmand vm9, vm8  }
0x1db: {  	v21 =	vld [tilespmem:$0xF0];
	v4 =	vnsel vm8, $0xFFFFFFFF, v4  }
0x1dc: {  	v22 =	vld [tilespmem:$0x5F0];
	[tilespmem:$0x1120] =	vst v4;
	v2 =	vnsel vm8, $0x0, v2  }
0x1dd: {  	v24 =	vld [tilespmem:$0x1FCA0];
	[tilespmem:$0x1920] =	vst v2;
	v2 =	vnsel vm8, $0xFFFFFFFF, v3  }
0x1de: {  	[tilespmem:$0x2120] =	vst v2;
	v2 =	vnsel vm8, $0x0, v5  }
0x1df: {  	[tilespmem:$0x2920] =	vst v2  }
0x1e0: {  	v2 =	vld.idx.msk [tilespmem:v19+s25+$0x0], $0xffff  }
0x1e1: {  	v4 =	vmul.u32 $0x1400, v22;
	v3 =	vsub.s32 v21, v1  }
0x1e2: {  	vm9 =	vnez.u8 v24;
	vm8 =	vlt.u32 v3, $0x1388;
	v23 =	vld.idx.msk [tilespmem:v19+s24+$0x0], $0xffff  }
0x1e3: {  	v4 =	vadd.s32 v3, v4;
	vm8 =	vmand vm9, vm8  }
0x1e4: {  	v4 =	vnsel vm8, $0xFFFFFFFF, v4  }
0x1e5: {  	[tilespmem:$0x1130] =	vst v4;
	v2 =	vnsel vm8, $0x0, v2  }
0x1e6: {  	[tilespmem:$0x1930] =	vst v2;
	v2 =	vnsel vm8, $0xFFFFFFFF, v3  }
0x1e7: {  	[tilespmem:$0x2130] =	vst v2;
	v2 =	vnsel vm8, $0x0, v23  }
0x1e8: {  	s2 =	simm.s32 $0x1100;
	s6 =	simm.s32 $0x1900;
	[tilespmem:$0x2930] =	vst v2;
	(ifvalue) =	ssetifvalue $0xFFFFFFFF  }
0x1e9: {  	[spmem:s3] =	stream.indirect.scatter.add.f32 [tilespmem:s6], [sflag:$0x2], $0x1, s2, s28, $0x40b8;
	[tilespmem:$0x123C0] =	vst v63  }
0x1ea: {  	s7 =	simm.s32 $0x2100;
	s8 =	simm.s32 $0x2900;
	(ifvalue) =	ssetifvalue $0xFFFFFFFF  }
0x1eb: {  	[spmem:s4] =	stream.indirect.scatter.add.f32 [tilespmem:s8], [sflag:$0x2], $0x1, s7, s28, $0x40b8;
	[tilespmem:$0x123C0] =	vst v63  }
0x1ec: {  	v2 =	vld [tilespmem:$0x380];
	_ =	sdelay $0x1  }
0x1ed: {  	v3 =	vld [tilespmem:$0x100]  }
0x1ee: {  	v25 =	vld [tilespmem:$0x600]  }
0x1ef: {  	v28 =	vld [tilespmem:$0x1FCD0];
	_ =	sdelay $0x2  }
0x1f0: {  	v27 =	vld [tilespmem:$0x390]  }
0x1f1: {  	v3 =	vsub.s32 v3, v1;
	v4 =	vmul.u32 $0x1400, v25;
	v26 =	vld.idx.msk [tilespmem:v2+s25+$0x0], $0xffff  }
0x1f2: {  	vm9 =	vnez.u8 v28;
	vm8 =	vlt.u32 v3, $0x1388;
	v2 =	vld.idx.msk [tilespmem:v2+s24+$0x0], $0xffff  }
0x1f3: {  	vm8 =	vmand vm9, vm8;
	v4 =	vadd.s32 v3, v4  }
0x1f4: {  	v29 =	vld [tilespmem:$0x110];
	v4 =	vnsel vm8, $0xFFFFFFFF, v4  }
0x1f5: {  	v31 =	vld [tilespmem:$0x610];
	v3 =	vnsel vm8, $0xFFFFFFFF, v3;
	[tilespmem:$0x1180] =	vst v4  }
0x1f6: {  	v34 =	vld [tilespmem:$0x1FCF0];
	[tilespmem:$0x2180] =	vst v3;
	v30 =	vnsel vm8, $0x0, v26  }
0x1f7: {  	v2 =	vnsel vm8, $0x0, v2;
	[tilespmem:$0x1980] =	vst v30  }
0x1f8: {  	[tilespmem:$0x2980] =	vst v2  }
0x1f9: {  	v2 =	vld.idx.msk [tilespmem:v27+s25+$0x0], $0xffff  }
0x1fa: {  	v33 =	vld [tilespmem:$0x3A0];
	v32 =	vmul.u32 $0x1400, v31;
	v3 =	vsub.s32 v29, v1  }
0x1fb: {  	vm9 =	vnez.u8 v34;
	vm8 =	vlt.u32 v3, $0x1388;
	v6 =	vld.idx.msk [tilespmem:v27+s24+$0x0], $0xffff  }
0x1fc: {  	v4 =	vadd.s32 v3, v32;
	vm8 =	vmand vm9, vm8  }
0x1fd: {  	v35 =	vld [tilespmem:$0x120];
	v4 =	vnsel vm8, $0xFFFFFFFF, v4  }
0x1fe: {  	v36 =	vld [tilespmem:$0x620];
	[tilespmem:$0x1190] =	vst v4;
	v2 =	vnsel vm8, $0x0, v2  }
0x1ff: {  	v38 =	vld [tilespmem:$0x1FD10];
	[tilespmem:$0x1990] =	vst v2;
	v2 =	vnsel vm8, $0xFFFFFFFF, v3  }
0x200: {  	[tilespmem:$0x2190] =	vst v2;
	v2 =	vnsel vm8, $0x0, v6  }
0x201: {  	[tilespmem:$0x2990] =	vst v2  }
0x202: {  	v2 =	vld.idx.msk [tilespmem:v33+s25+$0x0], $0xffff  }
0x203: {  	v37 =	vld [tilespmem:$0x3B0];
	v4 =	vmul.u32 $0x1400, v36;
	v3 =	vsub.s32 v35, v1  }
0x204: {  	vm9 =	vnez.u8 v38;
	vm8 =	vlt.u32 v3, $0x1388;
	v5 =	vld.idx.msk [tilespmem:v33+s24+$0x0], $0xffff  }
0x205: {  	v4 =	vadd.s32 v3, v4;
	vm8 =	vmand vm9, vm8  }
0x206: {  	v39 =	vld [tilespmem:$0x130];
	v4 =	vnsel vm8, $0xFFFFFFFF, v4  }
0x207: {  	v40 =	vld [tilespmem:$0x630];
	[tilespmem:$0x11A0] =	vst v4;
	v2 =	vnsel vm8, $0x0, v2  }
0x208: {  	v42 =	vld [tilespmem:$0x1FD40];
	[tilespmem:$0x19A0] =	vst v2;
	v2 =	vnsel vm8, $0xFFFFFFFF, v3  }
0x209: {  	[tilespmem:$0x21A0] =	vst v2;
	v2 =	vnsel vm8, $0x0, v5  }
0x20a: {  	[tilespmem:$0x29A0] =	vst v2  }
0x20b: {  	v2 =	vld.idx.msk [tilespmem:v37+s25+$0x0], $0xffff  }
0x20c: {  	v4 =	vmul.u32 $0x1400, v40;
	v3 =	vsub.s32 v39, v1  }
0x20d: {  	vm9 =	vnez.u8 v42;
	vm8 =	vlt.u32 v3, $0x1388;
	v41 =	vld.idx.msk [tilespmem:v37+s24+$0x0], $0xffff  }
0x20e: {  	v4 =	vadd.s32 v3, v4;
	vm8 =	vmand vm9, vm8  }
0x20f: {  	v4 =	vnsel vm8, $0xFFFFFFFF, v4  }
0x210: {  	[tilespmem:$0x11B0] =	vst v4;
	v2 =	vnsel vm8, $0x0, v2  }
0x211: {  	[tilespmem:$0x19B0] =	vst v2;
	v2 =	vnsel vm8, $0xFFFFFFFF, v3  }
0x212: {  	[tilespmem:$0x21B0] =	vst v2;
	v2 =	vnsel vm8, $0x0, v41  }
0x213: {  	s2 =	simm.s32 $0x1180;
	s6 =	simm.s32 $0x1980;
	[tilespmem:$0x29B0] =	vst v2;
	(ifvalue) =	ssetifvalue $0xFFFFFFFF  }
0x214: {  	[spmem:s3] =	stream.indirect.scatter.add.f32 [tilespmem:s6], [sflag:$0x2], $0x1, s2, s28, $0x40b8;
	[tilespmem:$0x123C0] =	vst v63  }
0x215: {  	s7 =	simm.s32 $0x2180;
	s8 =	simm.s32 $0x2980;
	(ifvalue) =	ssetifvalue $0xFFFFFFFF  }
0x216: {  	[spmem:s4] =	stream.indirect.scatter.add.f32 [tilespmem:s8], [sflag:$0x2], $0x1, s7, s28, $0x40b8;
	[tilespmem:$0x123C0] =	vst v63  }
0x217: {  	v2 =	vld [tilespmem:$0x3C0];
	_ =	sdelay $0x1  }
0x218: {  	v3 =	vld [tilespmem:$0x140]  }
0x219: {  	v43 =	vld [tilespmem:$0x640]  }
0x21a: {  	v46 =	vld [tilespmem:$0x1FD60];
	_ =	sdelay $0x2  }
0x21b: {  	v45 =	vld [tilespmem:$0x3D0]  }
0x21c: {  	v3 =	vsub.s32 v3, v1;
	v4 =	vmul.u32 $0x1400, v43;
	v44 =	vld.idx.msk [tilespmem:v2+s25+$0x0], $0xffff  }
0x21d: {  	vm9 =	vnez.u8 v46;
	vm8 =	vlt.u32 v3, $0x1388;
	v2 =	vld.idx.msk [tilespmem:v2+s24+$0x0], $0xffff  }
0x21e: {  	vm8 =	vmand vm9, vm8;
	v4 =	vadd.s32 v3, v4  }
0x21f: {  	v47 =	vld [tilespmem:$0x150];
	v4 =	vnsel vm8, $0xFFFFFFFF, v4  }
0x220: {  	v49 =	vld [tilespmem:$0x650];
	v3 =	vnsel vm8, $0xFFFFFFFF, v3;
	[tilespmem:$0x1200] =	vst v4  }
0x221: {  	v52 =	vld [tilespmem:$0x1FD80];
	[tilespmem:$0x2200] =	vst v3;
	v48 =	vnsel vm8, $0x0, v44  }
0x222: {  	v2 =	vnsel vm8, $0x0, v2;
	[tilespmem:$0x1A00] =	vst v48  }
0x223: {  	[tilespmem:$0x2A00] =	vst v2  }
0x224: {  	v2 =	vld.idx.msk [tilespmem:v45+s25+$0x0], $0xffff  }
0x225: {  	v51 =	vld [tilespmem:$0x3E0];
	v50 =	vmul.u32 $0x1400, v49;
	v3 =	vsub.s32 v47, v1  }
0x226: {  	vm9 =	vnez.u8 v52;
	vm8 =	vlt.u32 v3, $0x1388;
	v6 =	vld.idx.msk [tilespmem:v45+s24+$0x0], $0xffff  }
0x227: {  	v4 =	vadd.s32 v3, v50;
	vm8 =	vmand vm9, vm8  }
0x228: {  	v53 =	vld [tilespmem:$0x160];
	v4 =	vnsel vm8, $0xFFFFFFFF, v4  }
0x229: {  	v54 =	vld [tilespmem:$0x660];
	[tilespmem:$0x1210] =	vst v4;
	v2 =	vnsel vm8, $0x0, v2  }
0x22a: {  	v56 =	vld [tilespmem:$0x1FDB0];
	[tilespmem:$0x1A10] =	vst v2;
	v2 =	vnsel vm8, $0xFFFFFFFF, v3  }
0x22b: {  	[tilespmem:$0x2210] =	vst v2;
	v2 =	vnsel vm8, $0x0, v6  }
0x22c: {  	[tilespmem:$0x2A10] =	vst v2  }
0x22d: {  	v2 =	vld.idx.msk [tilespmem:v51+s25+$0x0], $0xffff  }
0x22e: {  	v55 =	vld [tilespmem:$0x3F0];
	v4 =	vmul.u32 $0x1400, v54;
	v3 =	vsub.s32 v53, v1  }
0x22f: {  	vm9 =	vnez.u8 v56;
	vm8 =	vlt.u32 v3, $0x1388;
	v5 =	vld.idx.msk [tilespmem:v51+s24+$0x0], $0xffff  }
0x230: {  	v4 =	vadd.s32 v3, v4;
	vm8 =	vmand vm9, vm8  }
0x231: {  	v57 =	vld [tilespmem:$0x170];
	v4 =	vnsel vm8, $0xFFFFFFFF, v4  }
0x232: {  	v58 =	vld [tilespmem:$0x670];
	[tilespmem:$0x1220] =	vst v4;
	v2 =	vnsel vm8, $0x0, v2  }
0x233: {  	v60 =	vld [tilespmem:$0x1FDD0];
	[tilespmem:$0x1A20] =	vst v2;
	v2 =	vnsel vm8, $0xFFFFFFFF, v3  }
0x234: {  	[tilespmem:$0x2220] =	vst v2;
	v2 =	vnsel vm8, $0x0, v5  }
0x235: {  	[tilespmem:$0x2A20] =	vst v2  }
0x236: {  	v2 =	vld.idx.msk [tilespmem:v55+s25+$0x0], $0xffff  }
0x237: {  	v4 =	vmul.u32 $0x1400, v58;
	v3 =	vsub.s32 v57, v1  }
0x238: {  	vm9 =	vnez.u8 v60;
	vm8 =	vlt.u32 v3, $0x1388;
	v59 =	vld.idx.msk [tilespmem:v55+s24+$0x0], $0xffff  }
0x239: {  	v4 =	vadd.s32 v3, v4;
	vm8 =	vmand vm9, vm8  }
0x23a: {  	v4 =	vnsel vm8, $0xFFFFFFFF, v4  }
0x23b: {  	[tilespmem:$0x1230] =	vst v4;
	v2 =	vnsel vm8, $0x0, v2  }
0x23c: {  	[tilespmem:$0x1A30] =	vst v2;
	v2 =	vnsel vm8, $0xFFFFFFFF, v3  }
0x23d: {  	[tilespmem:$0x2230] =	vst v2;
	v2 =	vnsel vm8, $0x0, v59  }
0x23e: {  	s2 =	simm.s32 $0x1200;
	s6 =	simm.s32 $0x1A00;
	[tilespmem:$0x2A30] =	vst v2;
	(ifvalue) =	ssetifvalue $0xFFFFFFFF  }
0x23f: {  	[spmem:s3] =	stream.indirect.scatter.add.f32 [tilespmem:s6], [sflag:$0x2], $0x1, s2, s28, $0x40b8;
	[tilespmem:$0x123C0] =	vst v63  }
0x240: {  	s7 =	simm.s32 $0x2200;
	s8 =	simm.s32 $0x2A00;
	(ifvalue) =	ssetifvalue $0xFFFFFFFF  }
0x241: {  	[spmem:s4] =	stream.indirect.scatter.add.f32 [tilespmem:s8], [sflag:$0x2], $0x1, s7, s28, $0x40b8;
	[tilespmem:$0x123C0] =	vst v63  }
0x242: {  	v2 =	vld [tilespmem:$0x400];
	_ =	sdelay $0x1  }
0x243: {  	v3 =	vld [tilespmem:$0x180]  }
0x244: {  	v61 =	vld [tilespmem:$0x680]  }
0x245: {  	v9 =	vld [tilespmem:$0x1FE00];
	_ =	sdelay $0x2  }
0x246: {  	v63 =	vld [tilespmem:$0x410]  }
0x247: {  	v3 =	vsub.s32 v3, v1;
	v4 =	vmul.u32 $0x1400, v61;
	v62 =	vld.idx.msk [tilespmem:v2+s25+$0x0], $0xffff  }
0x248: {  	vm9 =	vnez.u8 v9;
	vm8 =	vlt.u32 v3, $0x1388;
	v2 =	vld.idx.msk [tilespmem:v2+s24+$0x0], $0xffff  }
0x249: {  	vm8 =	vmand vm9, vm8;
	v4 =	vadd.s32 v3, v4  }
0x24a: {  	v10 =	vld [tilespmem:$0x190];
	v4 =	vnsel vm8, $0xFFFFFFFF, v4  }
0x24b: {  	v12 =	vld [tilespmem:$0x690];
	v3 =	vnsel vm8, $0xFFFFFFFF, v3;
	[tilespmem:$0x1280] =	vst v4  }
0x24c: {  	v15 =	vld [tilespmem:$0x1FE30];
	[tilespmem:$0x2280] =	vst v3;
	v11 =	vnsel vm8, $0x0, v62  }
0x24d: {  	v2 =	vnsel vm8, $0x0, v2;
	[tilespmem:$0x1A80] =	vst v11  }
0x24e: {  	[tilespmem:$0x2A80] =	vst v2  }
0x24f: {  	v2 =	vld.idx.msk [tilespmem:v63+s25+$0x0], $0xffff  }
0x250: {  	v14 =	vld [tilespmem:$0x420];
	v13 =	vmul.u32 $0x1400, v12;
	v3 =	vsub.s32 v10, v1  }
0x251: {  	vm9 =	vnez.u8 v15;
	vm8 =	vlt.u32 v3, $0x1388;
	v6 =	vld.idx.msk [tilespmem:v63+s24+$0x0], $0xffff  }
0x252: {  	v4 =	vadd.s32 v3, v13;
	vm8 =	vmand vm9, vm8  }
0x253: {  	v16 =	vld [tilespmem:$0x1A0];
	v4 =	vnsel vm8, $0xFFFFFFFF, v4  }
0x254: {  	v17 =	vld [tilespmem:$0x6A0];
	[tilespmem:$0x1290] =	vst v4;
	v2 =	vnsel vm8, $0x0, v2  }
0x255: {  	[tilespmem:$0x1A90] =	vst v2;
	v2 =	vnsel vm8, $0xFFFFFFFF, v3  }
0x256: {  	[tilespmem:$0x2290] =	vst v2;
	v2 =	vnsel vm8, $0x0, v6  }
0x257: {  	[tilespmem:$0x2A90] =	vst v2  }
0x258: {  	v2 =	vld.idx.msk [tilespmem:v14+s25+$0x0], $0xffff  }
0x259: {  	v18 =	vld [tilespmem:$0x430];
	v4 =	vmul.u32 $0x1400, v17;
	v3 =	vsub.s32 v16, v1  }
0x25a: {  	vm8 =	vlt.u32 v3, $0x1388;
	v5 =	vld.idx.msk [tilespmem:v14+s24+$0x0], $0xffff  }
0x25b: {  	v4 =	vadd.s32 v3, v4;
	vm8 =	vmand vm10, vm8  }
0x25c: {  	v19 =	vld [tilespmem:$0x1B0];
	v4 =	vnsel vm8, $0xFFFFFFFF, v4  }
0x25d: {  	v20 =	vld [tilespmem:$0x6B0];
	[tilespmem:$0x12A0] =	vst v4;
	v2 =	vnsel vm8, $0x0, v2  }
0x25e: {  	[tilespmem:$0x1AA0] =	vst v2;
	v2 =	vnsel vm8, $0xFFFFFFFF, v3  }
0x25f: {  	[tilespmem:$0x22A0] =	vst v2;
	v2 =	vnsel vm8, $0x0, v5  }
0x260: {  	[tilespmem:$0x2AA0] =	vst v2  }
0x261: {  	v2 =	vld.idx.msk [tilespmem:v18+s25+$0x0], $0xffff  }
0x262: {  	v4 =	vmul.u32 $0x1400, v20;
	v3 =	vsub.s32 v19, v1  }
0x263: {  	vm8 =	vlt.u32 v3, $0x1388;
	v21 =	vld.idx.msk [tilespmem:v18+s24+$0x0], $0xffff  }
0x264: {  	v4 =	vadd.s32 v3, v4;
	vm8 =	vmand vm11, vm8  }
0x265: {  	v4 =	vnsel vm8, $0xFFFFFFFF, v4  }
0x266: {  	[tilespmem:$0x12B0] =	vst v4;
	v2 =	vnsel vm8, $0x0, v2  }
0x267: {  	[tilespmem:$0x1AB0] =	vst v2;
	v2 =	vnsel vm8, $0xFFFFFFFF, v3  }
0x268: {  	[tilespmem:$0x22B0] =	vst v2;
	v2 =	vnsel vm8, $0x0, v21  }
0x269: {  	s2 =	simm.s32 $0x1280;
	s6 =	simm.s32 $0x1A80;
	[tilespmem:$0x2AB0] =	vst v2;
	(ifvalue) =	ssetifvalue $0xFFFFFFFF  }
0x26a: {  	[spmem:s3] =	stream.indirect.scatter.add.f32 [tilespmem:s6], [sflag:$0x2], $0x1, s2, s28, $0x40b8;
	[tilespmem:$0x123C0] =	vst v63  }
0x26b: {  	s7 =	simm.s32 $0x2280;
	s8 =	simm.s32 $0x2A80;
	(ifvalue) =	ssetifvalue $0xFFFFFFFF  }
0x26c: {  	[spmem:s4] =	stream.indirect.scatter.add.f32 [tilespmem:s8], [sflag:$0x2], $0x1, s7, s28, $0x40b8;
	[tilespmem:$0x123C0] =	vst v63  }
0x26d: {  	v2 =	vld [tilespmem:$0x440];
	_ =	sdelay $0x1  }
0x26e: {  	v3 =	vld [tilespmem:$0x1C0]  }
0x26f: {  	v22 =	vld [tilespmem:$0x6C0];
	_ =	sdelay $0x3  }
0x270: {  	v24 =	vld [tilespmem:$0x450]  }
0x271: {  	v3 =	vsub.s32 v3, v1;
	v4 =	vmul.u32 $0x1400, v22;
	v23 =	vld.idx.msk [tilespmem:v2+s25+$0x0], $0xffff  }
0x272: {  	vm8 =	vlt.u32 v3, $0x1388;
	v2 =	vld.idx.msk [tilespmem:v2+s24+$0x0], $0xffff  }
0x273: {  	vm8 =	vmand vm12, vm8;
	v4 =	vadd.s32 v3, v4  }
0x274: {  	v25 =	vld [tilespmem:$0x1D0];
	v4 =	vnsel vm8, $0xFFFFFFFF, v4  }
0x275: {  	v27 =	vld [tilespmem:$0x6D0];
	v3 =	vnsel vm8, $0xFFFFFFFF, v3;
	[tilespmem:$0x1300] =	vst v4  }
0x276: {  	[tilespmem:$0x2300] =	vst v3;
	v26 =	vnsel vm8, $0x0, v23  }
0x277: {  	v2 =	vnsel vm8, $0x0, v2;
	[tilespmem:$0x1B00] =	vst v26  }
0x278: {  	[tilespmem:$0x2B00] =	vst v2  }
0x279: {  	v2 =	vld.idx.msk [tilespmem:v24+s25+$0x0], $0xffff  }
0x27a: {  	v29 =	vld [tilespmem:$0x460];
	v28 =	vmul.u32 $0x1400, v27;
	v3 =	vsub.s32 v25, v1  }
0x27b: {  	vm8 =	vlt.u32 v3, $0x1388;
	v6 =	vld.idx.msk [tilespmem:v24+s24+$0x0], $0xffff  }
0x27c: {  	v4 =	vadd.s32 v3, v28;
	vm8 =	vmand vm13, vm8  }
0x27d: {  	v30 =	vld [tilespmem:$0x1E0];
	v4 =	vnsel vm8, $0xFFFFFFFF, v4  }
0x27e: {  	v31 =	vld [tilespmem:$0x6E0];
	[tilespmem:$0x1310] =	vst v4;
	v2 =	vnsel vm8, $0x0, v2  }
0x27f: {  	[tilespmem:$0x1B10] =	vst v2;
	v2 =	vnsel vm8, $0xFFFFFFFF, v3  }
0x280: {  	[tilespmem:$0x2310] =	vst v2;
	v2 =	vnsel vm8, $0x0, v6  }
0x281: {  	[tilespmem:$0x2B10] =	vst v2  }
0x282: {  	v2 =	vld.idx.msk [tilespmem:v29+s25+$0x0], $0xffff  }
0x283: {  	v32 =	vld [tilespmem:$0x470];
	v4 =	vmul.u32 $0x1400, v31;
	v3 =	vsub.s32 v30, v1  }
0x284: {  	vm8 =	vlt.u32 v3, $0x1388;
	v5 =	vld.idx.msk [tilespmem:v29+s24+$0x0], $0xffff  }
0x285: {  	v4 =	vadd.s32 v3, v4;
	vm8 =	vmand vm14, vm8  }
0x286: {  	v33 =	vld [tilespmem:$0x1F0];
	v4 =	vnsel vm8, $0xFFFFFFFF, v4  }
0x287: {  	v34 =	vld [tilespmem:$0x6F0];
	[tilespmem:$0x1320] =	vst v4;
	v2 =	vnsel vm8, $0x0, v2  }
0x288: {  	[tilespmem:$0x1B20] =	vst v2;
	v2 =	vnsel vm8, $0xFFFFFFFF, v3  }
0x289: {  	[tilespmem:$0x2320] =	vst v2;
	v2 =	vnsel vm8, $0x0, v5  }
0x28a: {  	[tilespmem:$0x2B20] =	vst v2  }
0x28b: {  	v2 =	vld.idx.msk [tilespmem:v32+s25+$0x0], $0xffff  }
0x28c: {  	v4 =	vmul.u32 $0x1400, v34;
	v3 =	vsub.s32 v33, v1  }
0x28d: {  	vm8 =	vlt.u32 v3, $0x1388;
	v35 =	vld.idx.msk [tilespmem:v32+s24+$0x0], $0xffff  }
0x28e: {  	v4 =	vadd.s32 v3, v4;
	vm8 =	vmand vm15, vm8  }
0x28f: {  	v4 =	vnsel vm8, $0xFFFFFFFF, v4  }
0x290: {  	[tilespmem:$0x1330] =	vst v4;
	v2 =	vnsel vm8, $0x0, v2  }
0x291: {  	[tilespmem:$0x1B30] =	vst v2;
	v2 =	vnsel vm8, $0xFFFFFFFF, v3  }
0x292: {  	[tilespmem:$0x2330] =	vst v2;
	v2 =	vnsel vm8, $0x0, v35  }
0x293: {  	s2 =	simm.s32 $0x1300;
	s6 =	simm.s32 $0x1B00;
	[tilespmem:$0x2B30] =	vst v2;
	(ifvalue) =	ssetifvalue $0xFFFFFFFF  }
0x294: {  	[spmem:s3] =	stream.indirect.scatter.add.f32 [tilespmem:s6], [sflag:$0x2], $0x1, s2, s28, $0x40b8;
	[tilespmem:$0x123C0] =	vst v63  }
0x295: {  	s7 =	simm.s32 $0x2300;
	s8 =	simm.s32 $0x2B00;
	(ifvalue) =	ssetifvalue $0xFFFFFFFF  }
0x296: {  	[spmem:s4] =	stream.indirect.scatter.add.f32 [tilespmem:s8], [sflag:$0x2], $0x1, s7, s28, $0x40b8;
	[tilespmem:$0x123C0] =	vst v63  }
0x297: {  	v2 =	vld [tilespmem:$0x480];
	_ =	sdelay $0x1  }
0x298: {  	v3 =	vld [tilespmem:$0x200]  }
0x299: {  	v36 =	vld [tilespmem:$0x700];
	_ =	sdelay $0x3  }
0x29a: {  	v38 =	vld [tilespmem:$0x490]  }
0x29b: {  	v3 =	vsub.s32 v3, v1;
	v4 =	vmul.u32 $0x1400, v36;
	v37 =	vld.idx.msk [tilespmem:v2+s25+$0x0], $0xffff  }
0x29c: {  	vm8 =	vlt.u32 v3, $0x1388;
	v2 =	vld.idx.msk [tilespmem:v2+s24+$0x0], $0xffff  }
0x29d: {  	vm8 =	vmand vm0, vm8;
	v4 =	vadd.s32 v3, v4  }
0x29e: {  	v39 =	vld [tilespmem:$0x210];
	v4 =	vnsel vm8, $0xFFFFFFFF, v4  }
0x29f: {  	v41 =	vld [tilespmem:$0x710];
	v3 =	vnsel vm8, $0xFFFFFFFF, v3;
	[tilespmem:$0x1380] =	vst v4  }
0x2a0: {  	[tilespmem:$0x2380] =	vst v3;
	v40 =	vnsel vm8, $0x0, v37  }
0x2a1: {  	v2 =	vnsel vm8, $0x0, v2;
	[tilespmem:$0x1B80] =	vst v40  }
0x2a2: {  	[tilespmem:$0x2B80] =	vst v2  }
0x2a3: {  	v2 =	vld.idx.msk [tilespmem:v38+s25+$0x0], $0xffff  }
0x2a4: {  	v43 =	vld [tilespmem:$0x4A0];
	v42 =	vmul.u32 $0x1400, v41;
	v3 =	vsub.s32 v39, v1  }
0x2a5: {  	vm8 =	vlt.u32 v3, $0x1388;
	v6 =	vld.idx.msk [tilespmem:v38+s24+$0x0], $0xffff  }
0x2a6: {  	v4 =	vadd.s32 v3, v42;
	vm8 =	vmand vm1, vm8  }
0x2a7: {  	v44 =	vld [tilespmem:$0x220];
	v4 =	vnsel vm8, $0xFFFFFFFF, v4  }
0x2a8: {  	v45 =	vld [tilespmem:$0x720];
	[tilespmem:$0x1390] =	vst v4;
	v2 =	vnsel vm8, $0x0, v2  }
0x2a9: {  	[tilespmem:$0x1B90] =	vst v2;
	v2 =	vnsel vm8, $0xFFFFFFFF, v3  }
0x2aa: {  	[tilespmem:$0x2390] =	vst v2;
	v2 =	vnsel vm8, $0x0, v6  }
0x2ab: {  	[tilespmem:$0x2B90] =	vst v2  }
0x2ac: {  	v2 =	vld.idx.msk [tilespmem:v43+s25+$0x0], $0xffff  }
0x2ad: {  	v46 =	vld [tilespmem:$0x4B0];
	v4 =	vmul.u32 $0x1400, v45;
	v3 =	vsub.s32 v44, v1  }
0x2ae: {  	vm8 =	vlt.u32 v3, $0x1388;
	v5 =	vld.idx.msk [tilespmem:v43+s24+$0x0], $0xffff  }
0x2af: {  	v4 =	vadd.s32 v3, v4;
	vm8 =	vmand vm2, vm8  }
0x2b0: {  	v47 =	vld [tilespmem:$0x230];
	v4 =	vnsel vm8, $0xFFFFFFFF, v4  }
0x2b1: {  	v48 =	vld [tilespmem:$0x730];
	[tilespmem:$0x13A0] =	vst v4;
	v2 =	vnsel vm8, $0x0, v2  }
0x2b2: {  	[tilespmem:$0x1BA0] =	vst v2;
	v2 =	vnsel vm8, $0xFFFFFFFF, v3  }
0x2b3: {  	[tilespmem:$0x23A0] =	vst v2;
	v2 =	vnsel vm8, $0x0, v5  }
0x2b4: {  	[tilespmem:$0x2BA0] =	vst v2  }
0x2b5: {  	v2 =	vld.idx.msk [tilespmem:v46+s25+$0x0], $0xffff  }
0x2b6: {  	v4 =	vmul.u32 $0x1400, v48;
	v3 =	vsub.s32 v47, v1  }
0x2b7: {  	vm8 =	vlt.u32 v3, $0x1388;
	v49 =	vld.idx.msk [tilespmem:v46+s24+$0x0], $0xffff  }
0x2b8: {  	v4 =	vadd.s32 v3, v4;
	vm8 =	vmand vm3, vm8  }
0x2b9: {  	v4 =	vnsel vm8, $0xFFFFFFFF, v4  }
0x2ba: {  	[tilespmem:$0x13B0] =	vst v4;
	v2 =	vnsel vm8, $0x0, v2  }
0x2bb: {  	[tilespmem:$0x1BB0] =	vst v2;
	v2 =	vnsel vm8, $0xFFFFFFFF, v3  }
0x2bc: {  	[tilespmem:$0x23B0] =	vst v2;
	v2 =	vnsel vm8, $0x0, v49  }
0x2bd: {  	s2 =	simm.s32 $0x1380;
	s6 =	simm.s32 $0x1B80;
	[tilespmem:$0x2BB0] =	vst v2;
	(ifvalue) =	ssetifvalue $0xFFFFFFFF  }
0x2be: {  	[spmem:s3] =	stream.indirect.scatter.add.f32 [tilespmem:s6], [sflag:$0x2], $0x1, s2, s28, $0x40b8;
	[tilespmem:$0x123C0] =	vst v63  }
0x2bf: {  	s7 =	simm.s32 $0x2380;
	s8 =	simm.s32 $0x2B80;
	(ifvalue) =	ssetifvalue $0xFFFFFFFF  }
0x2c0: {  	[spmem:s4] =	stream.indirect.scatter.add.f32 [tilespmem:s8], [sflag:$0x2], $0x1, s7, s28, $0x40b8;
	[tilespmem:$0x123C0] =	vst v63  }
0x2c1: {  	v2 =	vld [tilespmem:$0x4C0];
	_ =	sdelay $0x1  }
0x2c2: {  	v3 =	vld [tilespmem:$0x240]  }
0x2c3: {  	v50 =	vld [tilespmem:$0x740];
	_ =	sdelay $0x3  }
0x2c4: {  	v52 =	vld [tilespmem:$0x4D0]  }
0x2c5: {  	v3 =	vsub.s32 v3, v1;
	v4 =	vmul.u32 $0x1400, v50;
	v51 =	vld.idx.msk [tilespmem:v2+s25+$0x0], $0xffff  }
0x2c6: {  	vm8 =	vlt.u32 v3, $0x1388;
	v2 =	vld.idx.msk [tilespmem:v2+s24+$0x0], $0xffff  }
0x2c7: {  	vm8 =	vmand vm4, vm8;
	v4 =	vadd.s32 v3, v4  }
0x2c8: {  	v53 =	vld [tilespmem:$0x250];
	v4 =	vnsel vm8, $0xFFFFFFFF, v4  }
0x2c9: {  	v55 =	vld [tilespmem:$0x750];
	v3 =	vnsel vm8, $0xFFFFFFFF, v3;
	[tilespmem:$0x1400] =	vst v4  }
0x2ca: {  	[tilespmem:$0x2400] =	vst v3;
	v54 =	vnsel vm8, $0x0, v51  }
0x2cb: {  	v2 =	vnsel vm8, $0x0, v2;
	[tilespmem:$0x1C00] =	vst v54  }
0x2cc: {  	[tilespmem:$0x2C00] =	vst v2  }
0x2cd: {  	v2 =	vld.idx.msk [tilespmem:v52+s25+$0x0], $0xffff  }
0x2ce: {  	v57 =	vld [tilespmem:$0x4E0];
	v56 =	vmul.u32 $0x1400, v55;
	v3 =	vsub.s32 v53, v1  }
0x2cf: {  	vm8 =	vlt.u32 v3, $0x1388;
	v6 =	vld.idx.msk [tilespmem:v52+s24+$0x0], $0xffff  }
0x2d0: {  	v4 =	vadd.s32 v3, v56;
	vm8 =	vmand vm5, vm8  }
0x2d1: {  	v58 =	vld [tilespmem:$0x260];
	v4 =	vnsel vm8, $0xFFFFFFFF, v4  }
0x2d2: {  	v59 =	vld [tilespmem:$0x760];
	[tilespmem:$0x1410] =	vst v4;
	v2 =	vnsel vm8, $0x0, v2  }
0x2d3: {  	[tilespmem:$0x1C10] =	vst v2;
	v2 =	vnsel vm8, $0xFFFFFFFF, v3  }
0x2d4: {  	[tilespmem:$0x2410] =	vst v2;
	v2 =	vnsel vm8, $0x0, v6  }
0x2d5: {  	[tilespmem:$0x2C10] =	vst v2  }
0x2d6: {  	v2 =	vld.idx.msk [tilespmem:v57+s25+$0x0], $0xffff  }
0x2d7: {  	v60 =	vld [tilespmem:$0x4F0];
	v4 =	vmul.u32 $0x1400, v59;
	v3 =	vsub.s32 v58, v1  }
0x2d8: {  	vm8 =	vlt.u32 v3, $0x1388;
	v5 =	vld.idx.msk [tilespmem:v57+s24+$0x0], $0xffff  }
0x2d9: {  	v4 =	vadd.s32 v3, v4;
	vm8 =	vmand vm6, vm8  }
0x2da: {  	v61 =	vld [tilespmem:$0x270];
	v4 =	vnsel vm8, $0xFFFFFFFF, v4  }
0x2db: {  	v62 =	vld [tilespmem:$0x770];
	[tilespmem:$0x1420] =	vst v4;
	v2 =	vnsel vm8, $0x0, v2  }
0x2dc: {  	[tilespmem:$0x1C20] =	vst v2;
	v2 =	vnsel vm8, $0xFFFFFFFF, v3  }
0x2dd: {  	[tilespmem:$0x2420] =	vst v2;
	v2 =	vnsel vm8, $0x0, v5  }
0x2de: {  	[tilespmem:$0x2C20] =	vst v2  }
0x2df: {  	v2 =	vld.idx.msk [tilespmem:v60+s25+$0x0], $0xffff  }
0x2e0: {  	v4 =	vmul.u32 $0x1400, v62;
	v3 =	vsub.s32 v61, v1  }
0x2e1: {  	vm8 =	vlt.u32 v3, $0x1388;
	v63 =	vld.idx.msk [tilespmem:v60+s24+$0x0], $0xffff  }
0x2e2: {  	v4 =	vadd.s32 v3, v4;
	vm8 =	vmand vm7, vm8  }
0x2e3: {  	v4 =	vnsel vm8, $0xFFFFFFFF, v4  }
0x2e4: {  	[tilespmem:$0x1430] =	vst v4;
	v2 =	vnsel vm8, $0x0, v2  }
0x2e5: {  	[tilespmem:$0x1C30] =	vst v2;
	v2 =	vnsel vm8, $0xFFFFFFFF, v3  }
0x2e6: {  	v3 =	vnsel vm8, $0x0, v63;
	[tilespmem:$0x2430] =	vst v2  }
0x2e7: {  	s2 =	simm.s32 $0x1400;
	s6 =	simm.s32 $0x1C00;
	[tilespmem:$0x2C30] =	vst v3;
	(ifvalue) =	ssetifvalue $0xFFFFFFFF  }
0x2e8: {  	[spmem:s3] =	stream.indirect.scatter.add.f32 [tilespmem:s6], [sflag:$0x2], $0x1, s2, s28, $0x40b8;
	[tilespmem:$0x123C0] =	vst v63  }
0x2e9: {  	s7 =	simm.s32 $0x2400;
	s8 =	simm.s32 $0x2C00;
	(ifvalue) =	ssetifvalue $0xFFFFFFFF  }
0x2ea: {  	[spmem:s4] =	stream.indirect.scatter.add.f32 [tilespmem:s8], [sflag:$0x2], $0x1, s7, s28, $0x40b8;
	[tilespmem:$0x123C0] =	vst v63  }
0x2eb: {  	_ =	swait.ge [sflag:s29], $0x40  }
0x2ec: {  	[sflag:s29] =	ssyncset.done $0x0  }
0x2ed: {  	[sflag:s29] =	ssyncadd.s32 $0xFFFFFFC0  }
0x2ee: {  	_ =	swait.ge [sflag:s29], $0x40  }
0x2ef: {  	[sflag:s29] =	ssyncset.done $0x0  }
0x2f0: {  	[sflag:s29] =	ssyncadd.s32 $0xFFFFFFC0  }
0x2f1: {  	_ =	swait.ge [sflag:s29], $0x40  }
0x2f2: {  	[sflag:s29] =	ssyncset.done $0x0  }
0x2f3: {  	[sflag:s29] =	ssyncadd.s32 $0xFFFFFFC0  }
0x2f4: {  	_ =	swait.ge [sflag:s29], $0x40  }
0x2f5: {  	[sflag:s29] =	ssyncset.done $0x0  }
0x2f6: {  	[sflag:s29] =	ssyncadd.s32 $0xFFFFFFC0  }
0x2f7: {  	_ =	swait.ge [sflag:s29], $0x40  }
0x2f8: {  	[sflag:s29] =	ssyncset.done $0x0  }
0x2f9: {  	[sflag:s29] =	ssyncadd.s32 $0xFFFFFFC0  }
0x2fa: {  	_ =	swait.ge [sflag:s29], $0x40  }
0x2fb: {  	[sflag:s29] =	ssyncset.done $0x0  }
0x2fc: {  	[sflag:s29] =	ssyncadd.s32 $0xFFFFFFC0  }
0x2fd: {  	_ =	swait.ge [sflag:s29], $0x40  }
0x2fe: {  	[sflag:s29] =	ssyncset.done $0x0  }
0x2ff: {  	[sflag:s29] =	ssyncadd.s32 $0xFFFFFFC0  }
0x300: {  	_ =	swait.ge [sflag:s29], $0x40  }
0x301: {  	[sflag:s29] =	ssyncset.done $0x0  }
0x302: {  	[sflag:s29] =	ssyncadd.s32 $0xFFFFFFC0  }
0x303: {  	_ =	swait.ge [sflag:s29], $0x40  }
0x304: {  	[sflag:s29] =	ssyncset.done $0x0  }
0x305: {  	[sflag:s29] =	ssyncadd.s32 $0xFFFFFFC0  }
0x306: {  	_ =	swait.ge [sflag:s29], $0x40  }
0x307: {  	[sflag:s29] =	ssyncset.done $0x0  }
0x308: {  	[sflag:s29] =	ssyncadd.s32 $0xFFFFFFC0  }
0x309: {  	_ =	swait.ge [sflag:s29], $0x40  }
0x30a: {  	[sflag:s29] =	ssyncset.done $0x0  }
0x30b: {  	[sflag:s29] =	ssyncadd.s32 $0xFFFFFFC0  }
0x30c: {  	_ =	swait.ge [sflag:s29], $0x40  }
0x30d: {  	[sflag:s29] =	ssyncset.done $0x0  }
0x30e: {  	[sflag:s29] =	ssyncadd.s32 $0xFFFFFFC0  }
0x30f: {  	_ =	swait.ge [sflag:s29], $0x40  }
0x310: {  	[sflag:s29] =	ssyncset.done $0x0  }
0x311: {  	[sflag:s29] =	ssyncadd.s32 $0xFFFFFFC0  }
0x312: {  	_ =	swait.ge [sflag:s29], $0x40  }
0x313: {  	[sflag:s29] =	ssyncset.done $0x0  }
0x314: {  	[sflag:s29] =	ssyncadd.s32 $0xFFFFFFC0  }
0x315: {  	_ =	swait.ge [sflag:s29], $0x40  }
0x316: {  	[sflag:s29] =	ssyncset.done $0x0  }
0x317: {  	[sflag:s29] =	ssyncadd.s32 $0xFFFFFFC0  }
0x318: {  	_ =	swait.ge [sflag:s29], $0x40  }
0x319: {  	[sflag:s29] =	ssyncset.done $0x0  }
0x31a: {  	[sflag:s29] =	ssyncadd.s32 $0xFFFFFFC0  }
0x31b: {  	_ =	swait.ge [sflag:s29], $0x40  }
0x31c: {  	[sflag:s29] =	ssyncset.done $0x0  }
0x31d: {  	[sflag:s29] =	ssyncadd.s32 $0xFFFFFFC0  }
0x31e: {  	_ =	swait.ge [sflag:s29], $0x40  }
0x31f: {  	[sflag:s29] =	ssyncset.done $0x0  }
0x320: {  	[sflag:s29] =	ssyncadd.s32 $0xFFFFFFC0  }
0x321: {  	_ =	swait.ge [sflag:s29], $0x40  }
0x322: {  	[sflag:s29] =	ssyncset.done $0x0  }
0x323: {  	[sflag:s29] =	ssyncadd.s32 $0xFFFFFFC0  }
0x324: {  	_ =	swait.ge [sflag:s29], $0x40  }
0x325: {  	[sflag:s29] =	ssyncset.done $0x0  }
0x326: {  	[sflag:s29] =	ssyncadd.s32 $0xFFFFFFC0  }
0x327: {  	s6 =	simm.s32 $0x2F80;
	[bflag:$0x0] =	sbarrier.arrive $0xFFFF  }
0x328: {  	[tilespmem:s6], [sflag:$0x1] =	stream.linear.gather [spmem:s12], $0x140, $0x38;
	[tilespmem:$0x123C0] =	vst v63  }
0x329: {  	s7 =	rddreg [dreg:$0xe]  }
0x32a: {  	s8 =	simm.s32 $0x30C0;
	s2 =	rddreg [dreg:$0xf]  }
0x32b: {  	[tilespmem:s8], [sflag:$0x1] =	stream.linear.gather [spmem:s7], $0x140, $0x38;
	[tilespmem:$0x123C0] =	vst v63  }
0x32c: {  	s6 =	simm.s32 $0x3200;
	s7 =	rddreg [dreg:$0x10]  }
0x32d: {  	[tilespmem:s6], [sflag:$0x1] =	stream.linear.gather [spmem:s2], $0x140, $0x38;
	[tilespmem:$0x123C0] =	vst v63  }
0x32e: {  	s8 =	simm.s32 $0x3340;
	s2 =	rddreg [dreg:$0x12]  }
0x32f: {  	[tilespmem:s8], [sflag:$0x1] =	stream.linear.gather [spmem:s7], $0x140, $0x38;
	[tilespmem:$0x123C0] =	vst v63  }
0x330: {  	s6 =	simm.s32 $0x3480;
	s7 =	rddreg [dreg:$0x13]  }
0x331: {  	[tilespmem:s6], [sflag:$0x1] =	stream.linear.gather [spmem:s2], $0x140, $0x38;
	[tilespmem:$0x123C0] =	vst v63  }
0x332: {  	s8 =	simm.s32 $0x35C0;
	s2 =	rddreg [dreg:$0x19]  }
0x333: {  	[tilespmem:s8], [sflag:$0x1] =	stream.linear.gather [spmem:s7], $0x140, $0x38;
	[tilespmem:$0x123C0] =	vst v63  }
0x334: {  	s6 =	simm.s32 $0x3700;
	s7 =	rddreg [dreg:$0x1a]  }
0x335: {  	[tilespmem:s6], [sflag:$0x1] =	stream.linear.gather [spmem:s2], $0x140, $0x38;
	[tilespmem:$0x123C0] =	vst v63  }
0x336: {  	s8 =	simm.s32 $0x3840;
	s2 =	rddreg [dreg:$0x1b]  }
0x337: {  	[tilespmem:s8], [sflag:$0x1] =	stream.linear.gather [spmem:s7], $0x140, $0x38;
	[tilespmem:$0x123C0] =	vst v63  }
0x338: {  	s6 =	simm.s32 $0x3980;
	s7 =	rddreg [dreg:$0x1c]  }
0x339: {  	[tilespmem:s6], [sflag:$0x1] =	stream.linear.gather [spmem:s2], $0x140, $0x38;
	[tilespmem:$0x123C0] =	vst v63  }
0x33a: {  	s8 =	simm.s32 $0x3AC0;
	s2 =	rddreg [dreg:$0x1d]  }
0x33b: {  	[tilespmem:s8], [sflag:$0x1] =	stream.linear.gather [spmem:s7], $0x140, $0x38;
	[tilespmem:$0x123C0] =	vst v63  }
0x33c: {  	s6 =	simm.s32 $0x3C00;
	s7 =	rddreg [dreg:$0x1e]  }
0x33d: {  	[tilespmem:s6], [sflag:$0x1] =	stream.linear.gather [spmem:s2], $0x140, $0x38;
	[tilespmem:$0x123C0] =	vst v63  }
0x33e: {  	s8 =	simm.s32 $0x3D40;
	s2 =	rddreg [dreg:$0x1f]  }
0x33f: {  	[tilespmem:s8], [sflag:$0x1] =	stream.linear.gather [spmem:s7], $0x140, $0x38;
	[tilespmem:$0x123C0] =	vst v63  }
0x340: {  	s6 =	simm.s32 $0x3E80;
	s7 =	sld [smem:$0x7F8]  }
0x341: {  	[tilespmem:s6], [sflag:$0x1] =	stream.linear.gather [spmem:s2], $0x140, $0x38;
	[tilespmem:$0x123C0] =	vst v63  }
0x342: {  	s8 =	simm.s32 $0x3FC0;
	s2 =	sld [smem:$0x7F9]  }
0x343: {  	[tilespmem:s8], [sflag:$0x1] =	stream.linear.gather [spmem:s7], $0x140, $0x38;
	[tilespmem:$0x123C0] =	vst v63  }
0x344: {  	s6 =	simm.s32 $0x4100;
	s7 =	sld [smem:$0x7FA]  }
0x345: {  	[tilespmem:s6], [sflag:$0x1] =	stream.linear.gather [spmem:s2], $0x140, $0x38;
	[tilespmem:$0x123C0] =	vst v63  }
0x346: {  	s8 =	simm.s32 $0x4240;
	s2 =	sld [smem:$0x7FB]  }
0x347: {  	[tilespmem:s8], [sflag:$0x1] =	stream.linear.gather [spmem:s7], $0x140, $0x38;
	[tilespmem:$0x123C0] =	vst v63  }
0x348: {  	s6 =	simm.s32 $0x4380;
	s7 =	sld [smem:$0x7FC]  }
0x349: {  	[tilespmem:s6], [sflag:$0x1] =	stream.linear.gather [spmem:s2], $0x140, $0x38;
	[tilespmem:$0x123C0] =	vst v63  }
0x34a: {  	s8 =	sld [smem:$0x7FD];
	s2 =	simm.s32 $0x44C0  }
0x34b: {  	[tilespmem:s2], [sflag:$0x1] =	stream.linear.gather [spmem:s7], $0x140, $0x38;
	[tilespmem:$0x123C0] =	vst v63  }
0x34c: {  	s6 =	simm.s32 $0x4600  }
0x34d: {  	[tilespmem:s6], [sflag:$0x1] =	stream.linear.gather [spmem:s8], $0x140, $0x38;
	[tilespmem:$0x123C0] =	vst v63  }
0x34e: {  	s7 =	simm.s32 $0x4740  }
0x34f: {  	[tilespmem:s7], [sflag:$0x1] =	stream.linear.gather [spmem:s9], $0x140, $0x38;
	[tilespmem:$0x123C0] =	vst v63  }
0x350: {  	s8 =	simm.s32 $0x4880  }
0x351: {  	[tilespmem:s8], [sflag:$0x1] =	stream.linear.gather [spmem:s10], $0x140, $0x38;
	[tilespmem:$0x123C0] =	vst v63  }
0x352: {  	s6 =	simm.s32 $0x49C0  }
0x353: {  	[tilespmem:s6], [sflag:$0x1] =	stream.linear.gather [spmem:s13], $0x140, $0x38;
	[tilespmem:$0x123C0] =	vst v63  }
0x354: {  	s7 =	simm.s32 $0x4B00  }
0x355: {  	[tilespmem:s7], [sflag:$0x1] =	stream.linear.gather [spmem:s14], $0x140, $0x38;
	[tilespmem:$0x123C0] =	vst v63  }
0x356: {  	s8 =	simm.s32 $0x4C40  }
0x357: {  	[tilespmem:s8], [sflag:$0x1] =	stream.linear.gather [spmem:s15], $0x140, $0x38;
	[tilespmem:$0x123C0] =	vst v63  }
0x358: {  	s6 =	simm.s32 $0x4D80  }
0x359: {  	[tilespmem:s6], [sflag:$0x1] =	stream.linear.gather [spmem:s16], $0x140, $0x38;
	[tilespmem:$0x123C0] =	vst v63  }
0x35a: {  	s7 =	simm.s32 $0x4EC0  }
0x35b: {  	[tilespmem:s7], [sflag:$0x1] =	stream.linear.gather [spmem:s17], $0x140, $0x38;
	[tilespmem:$0x123C0] =	vst v63  }
0x35c: {  	s8 =	simm.s32 $0x5000  }
0x35d: {  	[tilespmem:s8], [sflag:$0x1] =	stream.linear.gather [spmem:s18], $0x140, $0x38;
	[tilespmem:$0x123C0] =	vst v63  }
0x35e: {  	s6 =	simm.s32 $0x5140  }
0x35f: {  	[tilespmem:s6], [sflag:$0x1] =	stream.linear.gather [spmem:s19], $0x140, $0x38;
	[tilespmem:$0x123C0] =	vst v63  }
0x360: {  	s7 =	simm.s32 $0x5280  }
0x361: {  	[tilespmem:s7], [sflag:$0x1] =	stream.linear.gather [spmem:s20], $0x140, $0x38;
	[tilespmem:$0x123C0] =	vst v63  }
0x362: {  	s8 =	simm.s32 $0x53C0  }
0x363: {  	[tilespmem:s8], [sflag:$0x1] =	stream.linear.gather [spmem:s21], $0x140, $0x38;
	[tilespmem:$0x123C0] =	vst v63  }
0x364: {  	s6 =	simm.s32 $0x5500  }
0x365: {  	[tilespmem:s6], [sflag:$0x1] =	stream.linear.gather [spmem:s22], $0x140, $0x38;
	[tilespmem:$0x123C0] =	vst v63  }
0x366: {  	s7 =	simm.s32 $0x5640  }
0x367: {  	[tilespmem:s7], [sflag:$0x1] =	stream.linear.gather [spmem:s23], $0x140, $0x38;
	[tilespmem:$0x123C0] =	vst v63  }
0x368: {  	s1 =	simm.s32 $0xF780;
	s8 =	rddreg [dreg:$0x14]  }
0x369: {  	[tilespmem:s1], [sflag:$0x1] =	stream.linear.gather [spmem:s8], $0x140, $0x38;
	[tilespmem:$0x123C0] =	vst v63  }
0x36a: {  	_ =	swait.ge [sflag:s26], $0x140  }
0x36b: {  	[sflag:s26] =	ssyncset.done $0x0  }
0x36c: {  	[sflag:s26] =	ssyncadd.s32 $0xFFFFFEC0  }
0x36d: {  	_ =	swait.ge [sflag:s26], $0x140  }
0x36e: {  	[sflag:s26] =	ssyncset.done $0x0  }
0x36f: {  	[sflag:s26] =	ssyncadd.s32 $0xFFFFFEC0  }
0x370: {  	_ =	swait.ge [sflag:s26], $0x140  }
0x371: {  	[sflag:s26] =	ssyncset.done $0x0  }
0x372: {  	[sflag:s26] =	ssyncadd.s32 $0xFFFFFEC0  }
0x373: {  	_ =	swait.ge [sflag:s26], $0x140  }
0x374: {  	[sflag:s26] =	ssyncset.done $0x0  }
0x375: {  	[sflag:s26] =	ssyncadd.s32 $0xFFFFFEC0  }
0x376: {  	_ =	swait.ge [sflag:s26], $0x140  }
0x377: {  	[sflag:s26] =	ssyncset.done $0x0  }
0x378: {  	[sflag:s26] =	ssyncadd.s32 $0xFFFFFEC0  }
0x379: {  	_ =	swait.ge [sflag:s26], $0x140  }
0x37a: {  	[sflag:s26] =	ssyncset.done $0x0  }
0x37b: {  	[sflag:s26] =	ssyncadd.s32 $0xFFFFFEC0  }
0x37c: {  	_ =	swait.ge [sflag:s26], $0x140  }
0x37d: {  	[sflag:s26] =	ssyncset.done $0x0  }
0x37e: {  	[sflag:s26] =	ssyncadd.s32 $0xFFFFFEC0  }
0x37f: {  	_ =	swait.ge [sflag:s26], $0x140  }
0x380: {  	[sflag:s26] =	ssyncset.done $0x0  }
0x381: {  	[sflag:s26] =	ssyncadd.s32 $0xFFFFFEC0  }
0x382: {  	_ =	swait.ge [sflag:s26], $0x140  }
0x383: {  	[sflag:s26] =	ssyncset.done $0x0  }
0x384: {  	[sflag:s26] =	ssyncadd.s32 $0xFFFFFEC0  }
0x385: {  	_ =	swait.ge [sflag:s26], $0x140  }
0x386: {  	[sflag:s26] =	ssyncset.done $0x0  }
0x387: {  	[sflag:s26] =	ssyncadd.s32 $0xFFFFFEC0  }
0x388: {  	_ =	swait.ge [sflag:s26], $0x140  }
0x389: {  	[sflag:s26] =	ssyncset.done $0x0  }
0x38a: {  	[sflag:s26] =	ssyncadd.s32 $0xFFFFFEC0  }
0x38b: {  	_ =	swait.ge [sflag:s26], $0x140  }
0x38c: {  	[sflag:s26] =	ssyncset.done $0x0  }
0x38d: {  	[sflag:s26] =	ssyncadd.s32 $0xFFFFFEC0  }
0x38e: {  	_ =	swait.ge [sflag:s26], $0x140  }
0x38f: {  	[sflag:s26] =	ssyncset.done $0x0  }
0x390: {  	[sflag:s26] =	ssyncadd.s32 $0xFFFFFEC0  }
0x391: {  	_ =	swait.ge [sflag:s26], $0x140  }
0x392: {  	[sflag:s26] =	ssyncset.done $0x0  }
0x393: {  	[sflag:s26] =	ssyncadd.s32 $0xFFFFFEC0  }
0x394: {  	_ =	swait.ge [sflag:s26], $0x140  }
0x395: {  	[sflag:s26] =	ssyncset.done $0x0  }
0x396: {  	[sflag:s26] =	ssyncadd.s32 $0xFFFFFEC0  }
0x397: {  	_ =	swait.ge [sflag:s26], $0x140  }
0x398: {  	[sflag:s26] =	ssyncset.done $0x0  }
0x399: {  	[sflag:s26] =	ssyncadd.s32 $0xFFFFFEC0  }
0x39a: {  	_ =	swait.ge [sflag:s26], $0x140  }
0x39b: {  	[sflag:s26] =	ssyncset.done $0x0  }
0x39c: {  	[sflag:s26] =	ssyncadd.s32 $0xFFFFFEC0  }
0x39d: {  	_ =	swait.ge [sflag:s26], $0x140  }
0x39e: {  	[sflag:s26] =	ssyncset.done $0x0  }
0x39f: {  	[sflag:s26] =	ssyncadd.s32 $0xFFFFFEC0  }
0x3a0: {  	_ =	swait.ge [sflag:s26], $0x140  }
0x3a1: {  	[sflag:s26] =	ssyncset.done $0x0  }
0x3a2: {  	[sflag:s26] =	ssyncadd.s32 $0xFFFFFEC0  }
0x3a3: {  	_ =	swait.ge [sflag:s26], $0x140  }
0x3a4: {  	[sflag:s26] =	ssyncset.done $0x0  }
0x3a5: {  	[sflag:s26] =	ssyncadd.s32 $0xFFFFFEC0  }
0x3a6: {  	_ =	swait.ge [sflag:s26], $0x140  }
0x3a7: {  	[sflag:s26] =	ssyncset.done $0x0  }
0x3a8: {  	[sflag:s26] =	ssyncadd.s32 $0xFFFFFEC0  }
0x3a9: {  	_ =	swait.ge [sflag:s26], $0x140  }
0x3aa: {  	[sflag:s26] =	ssyncset.done $0x0  }
0x3ab: {  	[sflag:s26] =	ssyncadd.s32 $0xFFFFFEC0  }
0x3ac: {  	_ =	swait.ge [sflag:s26], $0x140  }
0x3ad: {  	[sflag:s26] =	ssyncset.done $0x0  }
0x3ae: {  	[sflag:s26] =	ssyncadd.s32 $0xFFFFFEC0  }
0x3af: {  	_ =	swait.ge [sflag:s26], $0x140  }
0x3b0: {  	[sflag:s26] =	ssyncset.done $0x0  }
0x3b1: {  	[sflag:s26] =	ssyncadd.s32 $0xFFFFFEC0  }
0x3b2: {  	_ =	swait.ge [sflag:s26], $0x140  }
0x3b3: {  	[sflag:s26] =	ssyncset.done $0x0  }
0x3b4: {  	[sflag:s26] =	ssyncadd.s32 $0xFFFFFEC0  }
0x3b5: {  	_ =	swait.ge [sflag:s26], $0x140  }
0x3b6: {  	[sflag:s26] =	ssyncset.done $0x0  }
0x3b7: {  	[sflag:s26] =	ssyncadd.s32 $0xFFFFFEC0  }
0x3b8: {  	_ =	swait.ge [sflag:s26], $0x140  }
0x3b9: {  	[sflag:s26] =	ssyncset.done $0x0  }
0x3ba: {  	[sflag:s26] =	ssyncadd.s32 $0xFFFFFEC0  }
0x3bb: {  	_ =	swait.ge [sflag:s26], $0x140  }
0x3bc: {  	[sflag:s26] =	ssyncset.done $0x0  }
0x3bd: {  	[sflag:s26] =	ssyncadd.s32 $0xFFFFFEC0  }
0x3be: {  	_ =	swait.ge [sflag:s26], $0x140  }
0x3bf: {  	[sflag:s26] =	ssyncset.done $0x0  }
0x3c0: {  	[sflag:s26] =	ssyncadd.s32 $0xFFFFFEC0  }
0x3c1: {  	_ =	swait.ge [sflag:s26], $0x140  }
0x3c2: {  	[sflag:s26] =	ssyncset.done $0x0  }
0x3c3: {  	[sflag:s26] =	ssyncadd.s32 $0xFFFFFEC0  }
0x3c4: {  	_ =	swait.ge [sflag:s26], $0x140  }
0x3c5: {  	[sflag:s26] =	ssyncset.done $0x0  }
0x3c6: {  	[sflag:s26] =	ssyncadd.s32 $0xFFFFFEC0  }
0x3c7: {  	_ =	swait.ge [sflag:s26], $0x140  }
0x3c8: {  	[sflag:s26] =	ssyncset.done $0x0  }
0x3c9: {  	[sflag:s26] =	ssyncadd.s32 $0xFFFFFEC0  }
0x3ca: {  	_ =	swait.ge [sflag:s26], $0x140  }
0x3cb: {  	[sflag:s26] =	ssyncset.done $0x0  }
0x3cc: {  	s6 =	simm.s32 $0xF900;
	s7 =	simm.s32 $0x0;
	[sflag:s26] =	ssyncadd.s32 $0xFFFFFEC0  }
.LBB2_2:
0x3cd: {  	v6 =	vld [tilespmem:s2+$0xFFFFEAC0]  }
0x3ce: {  	v7 =	vld [tilespmem:s2+$0xFFFFEC00]  }
0x3cf: {  	v10 =	vld [tilespmem:s2+$0xFFFFEE80]  }
0x3d0: {  	v12 =	vld [tilespmem:s2+$0xFFFFF100]  }
0x3d1: {  	v14 =	vld [tilespmem:s2+$0xFFFFF380]  }
0x3d2: {  	v16 =	vld [tilespmem:s2+$0xFFFFF600]  }
0x3d3: {  	v18 =	vld [tilespmem:s2+$0xFFFFF880]  }
0x3d4: {  	v20 =	vld [tilespmem:s2+$0xFFFFFB00]  }
0x3d5: {  	v22 =	vld [tilespmem:s2+$0xFFFFFD80]  }
0x3d6: {  	v24 =	vld [tilespmem:s2+$0x0]  }
0x3d7: {  	v26 =	vld [tilespmem:s2+$0x280]  }
0x3d8: {  	v28 =	vld [tilespmem:s2+$0x500]  }
0x3d9: {  	v30 =	vld [tilespmem:s2+$0x780]  }
0x3da: {  	v32 =	vld [tilespmem:s2+$0xA00]  }
0x3db: {  	v34 =	vld [tilespmem:s2+$0xC80]  }
0x3dc: {  	v5 =	vld [tilespmem:s2+$0xF00]  }
0x3dd: {  	s8 =	sand.u32 $0x1F0, s7;
	v3 =	vld [tilespmem:s2+$0x1180]  }
0x3de: {  	v9 =	vld [tilespmem:s8+$0x3200]  }
0x3df: {  	v11 =	vld [tilespmem:s8+$0x3480]  }
0x3e0: {  	v13 =	vld [tilespmem:s8+$0x3700]  }
0x3e1: {  	v15 =	vld [tilespmem:s8+$0x3980]  }
0x3e2: {  	v17 =	vld [tilespmem:s8+$0x3C00]  }
0x3e3: {  	v19 =	vld [tilespmem:s8+$0x3E80]  }
0x3e4: {  	v21 =	vld [tilespmem:s8+$0x4100]  }
0x3e5: {  	v23 =	vld [tilespmem:s8+$0x4380]  }
0x3e6: {  	v25 =	vld [tilespmem:s8+$0x4600]  }
0x3e7: {  	v27 =	vld [tilespmem:s8+$0x4880]  }
0x3e8: {  	v29 =	vld [tilespmem:s8+$0x4B00]  }
0x3e9: {  	v31 =	vld [tilespmem:s8+$0x4D80]  }
0x3ea: {  	v33 =	vld [tilespmem:s8+$0x5000]  }
0x3eb: {  	v8 =	vld [tilespmem:s8+$0x5280]  }
0x3ec: {  	v4 =	vld [tilespmem:s8+$0x5500];
	v2 =	vmax.f32 v6, v7  }
0x3ed: {  	v35 =	vmax.f32 v9, v10;
	v36 =	vmax.f32 v11, v12;
	v37 =	vmax.f32 v13, v14  }
0x3ee: {  	v38 =	vmax.f32 v15, v16;
	v39 =	vmax.f32 v17, v18;
	v40 =	vmax.f32 v19, v20  }
0x3ef: {  	v41 =	vmax.f32 v21, v22;
	v42 =	vmax.f32 v23, v24;
	v43 =	vmax.f32 v25, v26  }
0x3f0: {  	v44 =	vmax.f32 v27, v28;
	v45 =	vmax.f32 v29, v30;
	v46 =	vmax.f32 v31, v32  }
0x3f1: {  	v47 =	vmax.f32 v33, v34;
	v48 =	vmax.f32 v8, v5;
	v49 =	vmax.f32 v4, v3  }
0x3f2: {  	v2 =	vmax.f32 v2, v35;
	v60 =	vmax.f32 v36, v37;
	v61 =	vmax.f32 v38, v39  }
0x3f3: {  	v62 =	vmax.f32 v40, v41;
	v63 =	vmax.f32 v42, v43;
	v45 =	vmax.f32 v44, v45  }
0x3f4: {  	v46 =	vmax.f32 v46, v47;
	v47 =	vmax.f32 v48, v49;
	v2 =	vmax.f32 v2, v60  }
0x3f5: {  	v48 =	vmax.f32 v61, v62;
	v49 =	vmax.f32 v63, v45;
	v50 =	vmax.f32 v46, v47  }
0x3f6: {  	v2 =	vmax.f32 v2, v48;
	v51 =	vmax.f32 v49, v50  }
0x3f7: {  	v2 =	vmax.f32 v2, v51  }
0x3f8: {  	v6 =	vsub.f32 v6, v2  }
0x3f9: {  	v7 =	vsub.f32 v7, v2;
	v9 =	vsub.f32 v9, v2  }
0x3fa: {  	v10 =	vsub.f32 v10, v2;
	v6 =	vmul.f32 $1.442695020e+00, v6  }
0x3fb: {  	v53 =	vsub.f32 v11, v2;
	v7 =	vmul.f32 $1.442695020e+00, v7;
	v52 =	vmul.f32 $1.442695020e+00, v9  }
0x3fc: {  	v55 =	vsub.f32 v12, v2;
	v54 =	vmul.f32 $1.442695020e+00, v10;
	(erf) = vpow2.f32 v6  }
0x3fd: {  	v57 =	vsub.f32 v13, v2;
	v56 =	vmul.f32 $1.442695020e+00, v53;
	(erf) = vpow2.f32 v7  }
0x3fe: {  	v59 =	vsub.f32 v14, v2;
	v58 =	vmul.f32 $1.442695020e+00, v55;
	(erf) = vpow2.f32 v52  }
0x3ff: {  	v61 =	vsub.f32 v15, v2;
	v60 =	vmul.f32 $1.442695020e+00, v57;
	(erf) = vpow2.f32 v54  }
0x400: {  	v63 =	vsub.f32 v16, v2;
	v62 =	vmul.f32 $1.442695020e+00, v59;
	(erf) = vpow2.f32 v56  }
0x401: {  	v13 =	vsub.f32 v17, v2;
	v12 =	vmul.f32 $1.442695020e+00, v61;
	(erf) = vpow2.f32 v58  }
0x402: {  	v14 =	vmul.f32 $1.442695020e+00, v63;
	(erf) = vpow2.f32 v60  }
0x403: {  	v15 =	vsub.f32 v18, v2;
	v9 =	vmul.f32 $1.442695020e+00, v13;
	(erf) = vpow2.f32 v62  }
0x404: {  	v16 =	vsub.f32 v19, v2;
	(erf) = vpow2.f32 v12  }
0x405: {  	v17 =	vsub.f32 v20, v2;
	v10 =	vmul.f32 $1.442695020e+00, v15;
	v6 =	vpop (erf);
	(erf) = vpow2.f32 v14  }
0x406: {  	v18 =	vsub.f32 v21, v2;
	v11 =	vmul.f32 $1.442695020e+00, v16;
	v7 =	vpop (erf);
	(erf) = vpow2.f32 v9  }
0x407: {  	v20 =	vsub.f32 v22, v2;
	v19 =	vmul.f32 $1.442695020e+00, v17;
	v9 =	vpop (erf);
	(erf) = vpow2.f32 v10  }
0x408: {  	v22 =	vsub.f32 v23, v2;
	v21 =	vmul.f32 $1.442695020e+00, v18;
	v12 =	vpop (erf);
	(erf) = vpow2.f32 v11  }
0x409: {  	v35 =	vsub.f32 v24, v2;
	v23 =	vmul.f32 $1.442695020e+00, v20;
	v13 =	vpop (erf);
	(erf) = vpow2.f32 v19  }
0x40a: {  	v37 =	vsub.f32 v25, v2;
	v36 =	vmul.f32 $1.442695020e+00, v22;
	v14 =	vpop (erf);
	(erf) = vpow2.f32 v21  }
0x40b: {  	v39 =	vsub.f32 v26, v2;
	v38 =	vmul.f32 $1.442695020e+00, v35;
	v15 =	vpop (erf);
	(erf) = vpow2.f32 v23  }
0x40c: {  	v41 =	vsub.f32 v27, v2;
	v40 =	vmul.f32 $1.442695020e+00, v37;
	v17 =	vpop (erf);
	(erf) = vpow2.f32 v36  }
0x40d: {  	v43 =	vsub.f32 v28, v2;
	v42 =	vmul.f32 $1.442695020e+00, v39;
	v18 =	vpop (erf);
	(erf) = vpow2.f32 v38  }
0x40e: {  	v45 =	vsub.f32 v29, v2;
	v44 =	vmul.f32 $1.442695020e+00, v41;
	v20 =	vpop (erf);
	(erf) = vpow2.f32 v40  }
0x40f: {  	v47 =	vsub.f32 v30, v2;
	v46 =	vmul.f32 $1.442695020e+00, v43;
	v21 =	vpop (erf);
	(erf) = vpow2.f32 v42  }
0x410: {  	v49 =	vsub.f32 v31, v2;
	v48 =	vmul.f32 $1.442695020e+00, v45;
	v22 =	vpop (erf);
	(erf) = vpow2.f32 v44  }
0x411: {  	v51 =	vsub.f32 v32, v2;
	v50 =	vmul.f32 $1.442695020e+00, v47;
	v23 =	vpop (erf);
	(erf) = vpow2.f32 v46  }
0x412: {  	v53 =	vsub.f32 v33, v2;
	v52 =	vmul.f32 $1.442695020e+00, v49;
	v24 =	vpop (erf);
	(erf) = vpow2.f32 v48  }
0x413: {  	v55 =	vsub.f32 v34, v2;
	v54 =	vmul.f32 $1.442695020e+00, v51;
	v25 =	vpop (erf);
	(erf) = vpow2.f32 v50  }
0x414: {  	v8 =	vsub.f32 v8, v2;
	v56 =	vmul.f32 $1.442695020e+00, v53;
	v26 =	vpop (erf);
	(erf) = vpow2.f32 v52  }
0x415: {  	v5 =	vsub.f32 v5, v2;
	v57 =	vmul.f32 $1.442695020e+00, v55;
	v19 =	vpop (erf);
	(erf) = vpow2.f32 v54  }
0x416: {  	v4 =	vsub.f32 v4, v2;
	v8 =	vmul.f32 $1.442695020e+00, v8;
	v27 =	vpop (erf);
	(erf) = vpow2.f32 v56  }
0x417: {  	v3 =	vsub.f32 v3, v2;
	v5 =	vmul.f32 $1.442695020e+00, v5;
	v28 =	vpop (erf);
	(erf) = vpow2.f32 v57  }
0x418: {  	v4 =	vmul.f32 $1.442695020e+00, v4;
	v29 =	vpop (erf);
	(erf) = vpow2.f32 v8  }
0x419: {  	v3 =	vmul.f32 $1.442695020e+00, v3;
	v30 =	vpop (erf);
	(erf) = vpow2.f32 v5  }
0x41a: {  	v31 =	vpop (erf);
	(erf) = vpow2.f32 v4  }
0x41b: {  	v32 =	vpop (erf);
	(erf) = vpow2.f32 v3  }
0x41c: {  	v35 =	vadd.f32 v7, v6;
	v36 =	vadd.f32 v12, v9;
	v33 =	vpop (erf)  }
0x41d: {  	v37 =	vadd.f32 v14, v13;
	v58 =	vadd.f32 v17, v15;
	v34 =	vpop (erf)  }
0x41e: {  	v35 =	vadd.f32 v36, v35;
	v59 =	vadd.f32 v20, v18;
	v16 =	vpop (erf)  }
0x41f: {  	v58 =	vadd.f32 v58, v37;
	v60 =	vadd.f32 v22, v21;
	v8 =	vpop (erf)  }
0x420: {  	v61 =	vadd.f32 v24, v23;
	v62 =	vadd.f32 v26, v25;
	v10 =	vpop (erf)  }
0x421: {  	v59 =	vadd.f32 v60, v59;
	v63 =	vadd.f32 v27, v19;
	v3 =	vpop (erf)  }
0x422: {  	v60 =	vadd.f32 v62, v61;
	v52 =	vadd.f32 v29, v28;
	v4 =	vpop (erf)  }
0x423: {  	v53 =	vadd.f32 v31, v30;
	v54 =	vadd.f32 v33, v32;
	v5 =	vpop (erf)  }
0x424: {  	v55 =	vadd.f32 v16, v34;
	v56 =	vadd.f32 v10, v8;
	v11 =	vpop (erf)  }
0x425: {  	v57 =	vadd.f32 v4, v3;
	v50 =	vadd.f32 v11, v5  }
0x426: {  	v61 =	vadd.f32 v52, v63;
	v62 =	vadd.f32 v54, v53  }
0x427: {  	v63 =	vadd.f32 v56, v55;
	v45 =	vadd.f32 v50, v57  }
0x428: {  	v35 =	vadd.f32 v58, v35;
	v46 =	vadd.f32 v60, v59  }
0x429: {  	v47 =	vadd.f32 v62, v61;
	v48 =	vadd.f32 v45, v63;
	_ =	sdelay $0x1  }
0x42a: {  	v35 =	vadd.f32 v46, v35;
	v49 =	vadd.f32 v48, v47;
	_ =	sdelay $0x1  }
0x42b: {  	v35 =	vadd.f32 v49, v35;
	_ =	sdelay $0x1  }
0x42c: {  	(erf) = vrcp.f32 v35;
	_ =	sdelay $0x4  }
0x42d: {  	v51 =	vmul.u32 $0x80, v0;
	v50 =	vmov s7  }
0x42e: {  	v36 =	vshll.u32 v50, $0x7  }
0x42f: {  	v36 =	vor.u32 v51, v36  }
0x430: {  	v37 =	vor.u32 $0x1, v36  }
0x431: {  	v52 =	vor.u32 $0x2, v36;
	v38 =	vpop (erf)  }
0x432: {  	v53 =	vor.u32 $0x3, v36;
	v6 =	vmul.f32 v38, v6  }
0x433: {  	v54 =	vor.u32 $0x4, v36;
	v7 =	vmul.f32 v38, v7  }
0x434: {  	v56 =	vor.u32 $0x5, v36;
	v55 =	vmul.f32 v38, v9;
	[tilespmem:v36+s30+$0x0] =	vst.idx.msk $0xffff, v6  }
0x435: {  	v58 =	vor.u32 $0x6, v36;
	v59 =	vand.u32 $0x7FFFFF, v35;
	v57 =	vmul.f32 v38, v12;
	[tilespmem:v37+s30+$0x0] =	vst.idx.msk $0xffff, v7  }
0x436: {  	v61 =	vor.u32 $0x7, v36;
	v60 =	vmul.f32 v38, v13;
	v37 =	vor.u32 $0x3F800000, v59;
	[tilespmem:v52+s30+$0x0] =	vst.idx.msk $0xffff, v55  }
0x437: {  	v63 =	vor.u32 $0x8, v36;
	v62 =	vmul.f32 v38, v14;
	v42 =	vadd.f32 $1.000000000e+00, v37;
	[tilespmem:v53+s30+$0x0] =	vst.idx.msk $0xffff, v57  }
0x438: {  	v44 =	vor.u32 $0x9, v36;
	v43 =	vmul.f32 v38, v15;
	[tilespmem:v54+s30+$0x0] =	vst.idx.msk $0xffff, v60  }
0x439: {  	v46 =	vor.u32 $0xA, v36;
	v45 =	vmul.f32 v38, v17;
	(erf) = vrcp.f32 v42;
	[tilespmem:v56+s30+$0x0] =	vst.idx.msk $0xffff, v62  }
0x43a: {  	v48 =	vor.u32 $0xB, v36;
	v47 =	vmul.f32 v38, v18;
	[tilespmem:v58+s30+$0x0] =	vst.idx.msk $0xffff, v43  }
0x43b: {  	v50 =	vor.u32 $0xC, v36;
	v49 =	vmul.f32 v38, v20;
	[tilespmem:v61+s30+$0x0] =	vst.idx.msk $0xffff, v45  }
0x43c: {  	v51 =	vmul.f32 v38, v21;
	v52 =	vor.u32 $0xD, v36;
	[tilespmem:v63+s30+$0x0] =	vst.idx.msk $0xffff, v47  }
0x43d: {  	v53 =	vmul.f32 v38, v22;
	v54 =	vor.u32 $0xE, v36;
	[tilespmem:v44+s30+$0x0] =	vst.idx.msk $0xffff, v49  }
0x43e: {  	v55 =	vmul.f32 v38, v23;
	v56 =	vor.u32 $0xF, v36;
	[tilespmem:v46+s30+$0x0] =	vst.idx.msk $0xffff, v51  }
0x43f: {  	v57 =	vmul.f32 v38, v24;
	v58 =	vor.u32 $0x10, v36;
	[tilespmem:v48+s30+$0x0] =	vst.idx.msk $0xffff, v53  }
0x440: {  	v59 =	vmul.f32 v38, v25;
	v60 =	vor.u32 $0x11, v36;
	[tilespmem:v50+s30+$0x0] =	vst.idx.msk $0xffff, v55  }
0x441: {  	v62 =	vor.u32 $0x12, v36;
	v61 =	vmul.f32 v38, v26;
	v63 =	vadd.f32 $-1.000000000e+00, v37;
	[tilespmem:v52+s30+$0x0] =	vst.idx.msk $0xffff, v57  }
0x442: {  	v21 =	vmul.f32 v38, v19;
	v22 =	vor.u32 $0x13, v36;
	v23 =	vpop (erf);
	[tilespmem:v54+s30+$0x0] =	vst.idx.msk $0xffff, v59  }
0x443: {  	v25 =	vor.u32 $0x14, v36;
	v24 =	vmul.f32 v38, v27;
	v17 =	vmul.f32 v23, v63;
	[tilespmem:v56+s30+$0x0] =	vst.idx.msk $0xffff, v61  }
0x444: {  	v27 =	vor.u32 $0x15, v36;
	v26 =	vmul.f32 v38, v28;
	[tilespmem:v58+s30+$0x0] =	vst.idx.msk $0xffff, v21  }
0x445: {  	v28 =	vmul.f32 v38, v29;
	v29 =	vor.u32 $0x16, v36;
	v18 =	vmul.f32 v17, v17;
	[tilespmem:v60+s30+$0x0] =	vst.idx.msk $0xffff, v24  }
0x446: {  	v39 =	vor.u32 $0x17, v36;
	v37 =	vmul.f32 v38, v30;
	[tilespmem:v62+s30+$0x0] =	vst.idx.msk $0xffff, v26  }
0x447: {  	v41 =	vor.u32 $0x18, v36;
	v40 =	vmul.f32 v38, v31;
	v42 =	vmul.f32 $1.111111120e-01, v18;
	[tilespmem:v22+s30+$0x0] =	vst.idx.msk $0xffff, v28  }
0x448: {  	v43 =	vmul.f32 v38, v32;
	v44 =	vor.u32 $0x19, v36;
	[tilespmem:v25+s30+$0x0] =	vst.idx.msk $0xffff, v37  }
0x449: {  	v45 =	vmul.f32 v38, v33;
	v46 =	vor.u32 $0x1A, v36;
	v19 =	vadd.f32 $1.428571340e-01, v42;
	[tilespmem:v27+s30+$0x0] =	vst.idx.msk $0xffff, v40  }
0x44a: {  	v47 =	vmul.f32 v38, v34;
	v48 =	vor.u32 $0x1B, v36;
	[tilespmem:v29+s30+$0x0] =	vst.idx.msk $0xffff, v43  }
0x44b: {  	v49 =	vmul.f32 v38, v16;
	v50 =	vor.u32 $0x1C, v36;
	v51 =	vmul.f32 v19, v18;
	[tilespmem:v39+s30+$0x0] =	vst.idx.msk $0xffff, v45  }
0x44c: {  	v53 =	vor.u32 $0x1D, v36;
	v52 =	vmul.f32 v38, v8;
	[tilespmem:v41+s30+$0x0] =	vst.idx.msk $0xffff, v47  }
0x44d: {  	v55 =	vor.u32 $0x1E, v36;
	v54 =	vmul.f32 v38, v10;
	v56 =	vadd.f32 $2.000000030e-01, v51;
	[tilespmem:v44+s30+$0x0] =	vst.idx.msk $0xffff, v49  }
0x44e: {  	v3 =	vmul.f32 v38, v3;
	v57 =	vor.u32 $0x1F, v36;
	[tilespmem:v46+s30+$0x0] =	vst.idx.msk $0xffff, v52  }
0x44f: {  	v4 =	vmul.f32 v38, v4;
	v58 =	vmul.f32 v56, v18;
	[tilespmem:v48+s30+$0x0] =	vst.idx.msk $0xffff, v54  }
0x450: {  	[tilespmem:v50+s30+$0x0] =	vst.idx.msk $0xffff, v3;
	v3 =	vmul.f32 v38, v5  }
0x451: {  	v59 =	vmul.f32 v38, v11;
	v60 =	vadd.f32 $3.333333430e-01, v58;
	[tilespmem:v53+s30+$0x0] =	vst.idx.msk $0xffff, v4  }
0x452: {  	[tilespmem:v55+s30+$0x0] =	vst.idx.msk $0xffff, v3  }
0x453: {  	v3 =	vshra.s32 v35, $0x17;
	v61 =	vmul.f32 v60, v18;
	[tilespmem:v57+s30+$0x0] =	vst.idx.msk $0xffff, v59  }
0x454: {  	v3 =	vadd.s32 $0xFFFFFF81, v3;
	v62 =	vld [tilespmem:s1+$0x0]  }
0x455: {  	v63 =	vadd.f32 v17, v17;
	v4 =	vadd.f32 $1.000000000e+00, v61;
	v3 =	vcvt.s32.f32 v3;
	_ =	sdelay $0x1  }
0x456: {  	v3 =	vmul.f32 $6.931471820e-01, v3;
	v4 =	vmul.f32 v4, v63  }
0x457: {  	p0 =	sne.s32 s7, $0x130  }
.Ltmp0:
0x458: {  	v3 =	vadd.f32 v4, v3;
	v2 =	vadd.f32 v62, v2;
	(pc) =	sbr.rel @p0 .LBB2_2-.Ltmp0, $4  }
0x459: {  	_ = 	snop  }
0x45a: {  	v2 =	vadd.f32 v2, v3  }
0x45b: {  	s2 =	sadd.s32 $0x10, s2  }
0x45c: {  	s7 =	sadd.s32 $0x10, s7;
	s1 =	sadd.s32 $0x10, s1;
	[tilespmem:s6+$0x0] =	vst v2;
	s6 =	sadd.s32 $0x10, s6  }
0x45d: {  	s1 =	rddreg [dreg:$0x15]  }
0x45e: {  	[hbm4b:s1+s5] =	stream.linear.scatter [tilespmem:s30], [sflag:$0x3], $0xA000, $0x38;
	[tilespmem:$0x123C0] =	vst v63  }
0x45f: {  	_ =	swait.ge [sflag:s31], $0xA000  }
0x460: {  	[sflag:s31] =	ssyncset.done $0x0  }
0x461: {  	s2 =	simm.s32 $0xF900;
	s7 =	rddreg [dreg:$0x11];
	[sflag:s31] =	ssyncadd.s32 $0xFFFF6000  }
0x462: {  	[hbm4b:s7+s5] =	stream.linear.scatter [tilespmem:s2], [sflag:$0x3], $0x140, $0x38;
	[tilespmem:$0x123C0] =	vst v63  }
0x463: {  	_ =	swait.ge [sflag:s31], $0x140  }
0x464: {  	s0 =	sadd.s32 $0x1, s0;
	s8 =	rddreg [dreg:$0x16]  }
0x465: {  	p0 =	sne.s32 s0, s8  }
.Ltmp1:
0x466: {  	_ = 	snop;
	(pc) =	sbr.rel @p0 .LBB2_1-.Ltmp1, $3  }
0x467: {  	_ =	sdelay $0x1  }
0x468: {  	[sflag:s31] =	ssyncset.done $0x0  }
0x469: {  	[sflag:s31] =	ssyncadd.s32 $0xFFFFFEC0  }
0x46a: {  	_ =	sfence.sel $0x180000  }
0x46b: {  	[bflag:$0x0] =	sbarrier.arrive $0xFFFF  }
0x46c: {  	_ =	strace $0x90000047  }
0x46d: {  	s0 =	stileid.u32;
	[bflag:$0x2] =	sbarrier.arrive $0xFFFF  }
0x46e: {  	p0 =	sne.s32 s0, $0x0;
	s0 =	rddreg [dreg:$0x8]  }
0x46f: {  	s0 =	sadd.s32 @!p0 $0x100000, s0  }
0x470: {  	[sflag:s0] =	ssyncadd.tile.s32 @!p0 $0x1;
	_ =	shalt  }
.Lfunc_end2:
_tile_overlayer_lowered:
.L_overlay_start_2:
0x471: {  	(tag) =	ssettag $0x2  }
0x472: {  	s0 =	rddreg [dreg:$0x0];
	s2 =	stileid.u32  }
0x473: {  	s1 =	rddreg [dreg:$0x1];
	p0 =	sne.s32 s2, $0x0  }
0x474: {  	s3 =	rddreg [dreg:$0x2];
	[bflag:$0x3] =	sbarrier.arrive $0xFFFF;
	s2 =	simm.s32 @!p0 $0x1C03  }
0x475: {  	[timem:s3], [sflag:s2] =	dma.local @!p0 [hbm:s0], s1  }
0x476: {  	s0 =	simm.s32 @!p0 $0x3  }
0x477: {  	_ =	swait.ge @!p0 [sflag:s0], s1  }
0x478: {  	s1 =	ssub.s32 @!p0 $0x0, s1;
	[sflag:s0] =	ssyncset.done @!p0 $0x0  }
0x479: {  	[sflag:s0] =	ssyncadd.s32 @!p0 s1  }
0x47a: {  	[bflag:$0x3] =	sbarrier.arrive $0xFFFF  }
0x47b: {  	_ =	shalt  }

</sc_bundles>
